<compile_context>
chip_gen: v7x
topology: tpu7x:2x2x1
jax: 0.10.2.dev20260603
libtpu: 0.0.44.dev20260713+nightly
codegen_flags: <defaults>
</compile_context>

<pallas_src>
import functools

import jax
import jax.numpy as jnp
from jax import lax
from jax.experimental import pallas as pl
from jax.experimental.pallas import tpu as pltpu
from jax.experimental.pallas import tpu_sc as plsc

N = 10000
E = 320000
D = 128
HH = 128
C = 10
G = 64

NC = 2
NS = 16
NW = NC * NS
L = 16

EPT = E // NW
B_E = 80
NCHUNK = EPT // B_E
NPAD = 10240
RPT = 640
RPT_LAST = N - (NS - 1) * RPT

NBUF = 2

BLK = 1000
NB = N // BLK


def _sc_degree(dst_flat):
    mesh = plsc.VectorSubcoreMesh(core_axis_name="c", subcore_axis_name="s")

    @functools.partial(
        pl.kernel,
        out_type=jax.ShapeDtypeStruct((NW, NPAD), jnp.float32),
        mesh=mesh,
        scratch_types=[
            pltpu.VMEM((EPT,), jnp.int32),
            pltpu.VMEM((NPAD,), jnp.float32),
        ],
        compiler_params=pltpu.CompilerParams(needs_layout_passes=False),
    )
    def k(dst_hbm, out_hbm, dst_v, deg_v):
        cid = lax.axis_index("c")
        sid = lax.axis_index("s")
        w = cid * NS + sid
        pltpu.sync_copy(dst_hbm.at[pl.ds(w * EPT, EPT)], dst_v)

        zeros16 = jnp.zeros((L,), jnp.float32)

        def zbody(i, carry):
            deg_v[pl.ds(i * L, L)] = zeros16
            return carry

        lax.fori_loop(0, NPAD // L, zbody, 0)

        ones16 = jnp.ones((L,), jnp.float32)

        def sbody(i, carry):
            idx = dst_v[pl.ds(i * L, L)]
            plsc.addupdate_scatter(deg_v, [idx], ones16)
            return carry

        lax.fori_loop(0, EPT // L, sbody, 0)
        pltpu.sync_copy(deg_v, out_hbm.at[w])

    return k(dst_flat)


def _sc_scatter(y, src_flat, dst3):
    mesh = plsc.VectorSubcoreMesh(core_axis_name="c", subcore_axis_name="s")

    @functools.partial(
        pl.kernel,
        out_type=jax.ShapeDtypeStruct((NC * N, D), jnp.float32),
        mesh=mesh,
        scratch_types=[
            pltpu.VMEM((EPT,), jnp.int32),
            pltpu.VMEM((NCHUNK, B_E), jnp.int32),
            [pltpu.VMEM((B_E, D), jnp.float32) for _ in range(NBUF)],
            pltpu.VMEM_SHARED((N, D), jnp.float32),
            [pltpu.SemaphoreType.DMA for _ in range(NBUF)],
        ],
    )
    def k(y_hbm, src_hbm, dst_hbm, out_hbm, src_v, dst_v, rows_v,
          agg_sh, sems):
        cid = lax.axis_index("c")
        sid = lax.axis_index("s")
        w = cid * NS + sid

        pltpu.sync_copy(src_hbm.at[pl.ds(w * EPT, EPT)], src_v)
        pltpu.sync_copy(dst_hbm.at[w], dst_v)

        zeros16 = jnp.zeros((L,), jnp.float32)

        def zb(i, carry):
            for j in range(D // L):
                rows_v[0][i, pl.ds(j * L, L)] = zeros16
            return carry

        lax.fori_loop(0, B_E, zb, 0)

        def zs(i, carry):
            pltpu.sync_copy(rows_v[0],
                            agg_sh.at[pl.ds(sid * RPT + i * B_E, B_E)])
            return carry

        @pl.when(sid < NS - 1)
        def _():
            lax.fori_loop(0, RPT // B_E, zs, 0)

        @pl.when(sid == NS - 1)
        def _():
            lax.fori_loop(0, RPT_LAST // B_E, zs, 0)

        def gather(c, b):
            pltpu.async_copy(y_hbm.at[src_v.at[pl.ds(c * B_E, B_E)]],
                             rows_v[b], sems[b])

        for b in range(NBUF):
            gather(b, b)
        plsc.subcore_barrier()

        def wait_scatter(c, b):
            pltpu.make_async_copy(y_hbm.at[src_v.at[pl.ds(c * B_E, B_E)]],
                                  rows_v[b], sems[b]).wait()
            pltpu.sync_copy(rows_v[b], agg_sh.at[dst_v.at[c]], add=True)

        def body(i, carry):
            for b in range(NBUF):
                c = i * NBUF + b
                wait_scatter(c, b)
                gather(c + NBUF, b)
            return carry

        steady = (NCHUNK - NBUF) // NBUF
        lax.fori_loop(0, steady, body, 0)
        for b in range(NBUF):
            wait_scatter(steady * NBUF + b, b)
        for c in range((steady + 1) * NBUF, NCHUNK):
            b = c % NBUF
            gather(c, b)
            wait_scatter(c, b)
        plsc.subcore_barrier()

        @pl.when(sid < NS - 1)
        def _():
            pltpu.sync_copy(agg_sh.at[pl.ds(sid * RPT, RPT)],
                            out_hbm.at[pl.ds(cid * N + sid * RPT, RPT)])

        @pl.when(sid == NS - 1)
        def _():
            pltpu.sync_copy(
                agg_sh.at[pl.ds(sid * RPT, RPT_LAST)],
                out_hbm.at[pl.ds(cid * N + sid * RPT, RPT_LAST)])

    return k(y, src_flat, dst3)


def _tc_y_body(x_ref, w_ref, degp_ref, y_ref, dinv_ref):
    deg = jnp.sum(degp_ref[0], axis=1, keepdims=True) + 1.0
    dinv = jax.lax.rsqrt(deg)
    xw = jnp.dot(x_ref[...], w_ref[...], preferred_element_type=jnp.float32)
    y_ref[...] = xw * dinv
    dinv_ref[...] = dinv


def _tc_y(x, W, degp):
    return pl.pallas_call(
        _tc_y_body,
        grid=(NB,),
        in_specs=[
            pl.BlockSpec((BLK, D), lambda i: (i, 0)),
            pl.BlockSpec((D, D), lambda i: (0, 0)),
            pl.BlockSpec((1, BLK, NW), lambda i: (i, 0, 0)),
        ],
        out_specs=[
            pl.BlockSpec((BLK, D), lambda i: (i, 0)),
            pl.BlockSpec((BLK, 1), lambda i: (i, 0)),
        ],
        out_shape=[
            jax.ShapeDtypeStruct((N, D), jnp.float32),
            jax.ShapeDtypeStruct((N, 1), jnp.float32),
        ],
    )(x, W, degp)


def _tc_tail_body(aggp_ref, y_ref, dinv_ref, bgcn_ref, batch_ref,
                  wih_ref, whh_ref, bih_ref, bhh_ref, wfc_ref, bfc_ref,
                  out_ref, psum_ref, cnt_ref, hs_ref):
    i = pl.program_id(0)

    @pl.when(i == 0)
    def _():
        psum_ref[...] = jnp.zeros_like(psum_ref)
        cnt_ref[...] = jnp.zeros_like(cnt_ref)

    agg = aggp_ref[0] + aggp_ref[1]
    h = (agg + y_ref[...]) * dinv_ref[...] + bgcn_ref[...]
    h = jnp.maximum(h, 0.0)
    ids = batch_ref[0]
    onehot = (jax.lax.broadcasted_iota(jnp.int32, (G, BLK), 0) == ids
              ).astype(jnp.float32)
    psum_ref[...] += jnp.dot(onehot, h, preferred_element_type=jnp.float32)
    cnt_ref[:, 0:1] += jnp.sum(onehot, axis=1, keepdims=True)

    @pl.when(i == NB - 1)
    def _():
        pooled = psum_ref[...] / jnp.maximum(cnt_ref[:, 0:1], 1.0)
        bias = bih_ref[...] + bhh_ref[...]
        xg = jnp.dot(pooled, wih_ref[...],
                     preferred_element_type=jnp.float32) + bias
        hh = jnp.zeros((1, HH), jnp.float32)
        cc = jnp.zeros((1, HH), jnp.float32)
        for t in range(G):
            g = xg[t:t + 1, :] + jnp.dot(hh, whh_ref[...],
                                         preferred_element_type=jnp.float32)
            ig = jax.nn.sigmoid(g[:, 0:HH])
            fg = jax.nn.sigmoid(g[:, HH:2 * HH])
            gg = jnp.tanh(g[:, 2 * HH:3 * HH])
            og = jax.nn.sigmoid(g[:, 3 * HH:4 * HH])
            cc = fg * cc + ig * gg
            hh = og * jnp.tanh(cc)
            hs_ref[t:t + 1, :] = hh
        out_ref[...] = jnp.dot(hs_ref[...], wfc_ref[...],
                               preferred_element_type=jnp.float32) + bfc_ref[...]


def _tc_tail(aggp, y, dinv, bgcn, batch3, wihT, whhT, bih, bhh, wfcT, bfc):
    return pl.pallas_call(
        _tc_tail_body,
        grid=(NB,),
        in_specs=[
            pl.BlockSpec((NC, BLK, D), lambda i: (0, i, 0)),
            pl.BlockSpec((BLK, D), lambda i: (i, 0)),
            pl.BlockSpec((BLK, 1), lambda i: (i, 0)),
            pl.BlockSpec((1, D), lambda i: (0, 0)),
            pl.BlockSpec((1, 1, BLK), lambda i: (i, 0, 0)),
            pl.BlockSpec((HH, 4 * HH), lambda i: (0, 0)),
            pl.BlockSpec((HH, 4 * HH), lambda i: (0, 0)),
            pl.BlockSpec((1, 4 * HH), lambda i: (0, 0)),
            pl.BlockSpec((1, 4 * HH), lambda i: (0, 0)),
            pl.BlockSpec((HH, C), lambda i: (0, 0)),
            pl.BlockSpec((1, C), lambda i: (0, 0)),
        ],
        out_specs=pl.BlockSpec((G, C), lambda i: (0, 0)),
        out_shape=jax.ShapeDtypeStruct((G, C), jnp.float32),
        scratch_shapes=[
            pltpu.VMEM((G, D), jnp.float32),
            pltpu.VMEM((G, D), jnp.float32),
            pltpu.VMEM((G, HH), jnp.float32),
        ],
    )(aggp, y, dinv, bgcn, batch3, wihT, whhT, bih, bhh, wfcT, bfc)


def kernel(x, edge_index, batch, W_gcn, b_gcn, W_ih, W_hh, b_ih, b_hh,
           W_fc, b_fc):
    src = edge_index[0].astype(jnp.int32)
    dst = edge_index[1].astype(jnp.int32)

    deg_parts = _sc_degree(dst)
    degp = deg_parts[:, :N].T.reshape(NB, BLK, NW)
    y, dinv = _tc_y(x, W_gcn, degp)

    agg = _sc_scatter(y, src, dst.reshape(NW, NCHUNK, B_E))
    aggp = agg.reshape(NC, N, D)

    batch3 = batch.astype(jnp.int32).reshape(NB, 1, BLK)
    out = _tc_tail(aggp, y, dinv, b_gcn.reshape(1, D), batch3,
                   W_ih.T, W_hh.T, b_ih.reshape(1, 4 * HH),
                   b_hh.reshape(1, 4 * HH), W_fc.T, b_fc.reshape(1, C))
    return out

# --- scband reference (transcript-rebuilt; emitter-appended) ---
"""Pipeline reference for scband-gnnlstm-20186346291942 (READ-ONLY COPY).

The authoritative reference and input builder live on the scoring server;
editing this copy changes nothing except your own understanding.
"""

import jax, jax.numpy as jnp
import numpy as np

N = 10000
E = 320000
D = 128
H = 128
C = 10
G = 64


def setup_inputs(seed: int = 0) -> dict:
    key = jax.random.key(seed)
    ks = jax.random.split(key, 12)
    x = jax.random.normal(ks[0], (N, D), dtype=jnp.float32)
    edge_index = jax.random.randint(ks[1], (2, E), 0, N)
    batch = jnp.sort(jax.random.randint(ks[2], (N,), 0, G))
    # GCNConv params
    W_gcn = jax.random.normal(ks[3], (D, H), dtype=jnp.float32) * (1.0 / np.sqrt(D))
    b_gcn = jnp.zeros((H,), dtype=jnp.float32)
    # LSTM params (PyTorch layout: gates ordered i, f, g, o)
    s = 1.0 / np.sqrt(H)
    W_ih = jax.random.uniform(ks[4], (4 * H, H), minval=-s, maxval=s, dtype=jnp.float32)
    W_hh = jax.random.uniform(ks[5], (4 * H, H), minval=-s, maxval=s, dtype=jnp.float32)
    b_ih = jax.random.uniform(ks[6], (4 * H,), minval=-s, maxval=s, dtype=jnp.float32)
    b_hh = jax.random.uniform(ks[7], (4 * H,), minval=-s, maxval=s, dtype=jnp.float32)
    # Final linear
    W_fc = jax.random.normal(ks[8], (C, H), dtype=jnp.float32) * (1.0 / np.sqrt(H))
    b_fc = jnp.zeros((C,), dtype=jnp.float32)
    return {"x": x, "edge_index": edge_index, "batch": batch,
            "W_gcn": W_gcn, "b_gcn": b_gcn,
            "W_ih": W_ih, "W_hh": W_hh, "b_ih": b_ih, "b_hh": b_hh,
            "W_fc": W_fc, "b_fc": b_fc}


def _gcn_conv(x, edge_index, W, b):
    n = x.shape[0]
    loop = jnp.arange(n)
    src = jnp.concatenate([edge_index[0], loop])
    dst = jnp.concatenate([edge_index[1], loop])
    deg = jnp.zeros((n,), dtype=x.dtype).at[dst].add(1.0)
    dinv = jax.lax.rsqrt(deg)
    norm = dinv[src] * dinv[dst]
    xw = x @ W
    msg = xw[src] * norm[:, None]
    out = jnp.zeros((n, W.shape[1]), dtype=x.dtype).at[dst].add(msg)
    return out + b


def _lstm_seq(xseq, W_ih, W_hh, b_ih, b_hh):
    h0 = jnp.zeros((H,), dtype=xseq.dtype)
    c0 = jnp.zeros((H,), dtype=xseq.dtype)

    def step(carry, xt):
        h, c = carry
        gates = xt @ W_ih.T + h @ W_hh.T + b_ih + b_hh
        i, f, g, o = jnp.split(gates, 4)
        i = jax.nn.sigmoid(i)
        f = jax.nn.sigmoid(f)
        g = jnp.tanh(g)
        o = jax.nn.sigmoid(o)
        c = f * c + i * g
        h = o * jnp.tanh(c)
        return (h, c), h

    _, hs = jax.lax.scan(step, (h0, c0), xseq)
    return hs


def reference(x, edge_index, batch, W_gcn, b_gcn, W_ih, W_hh, b_ih, b_hh, W_fc, b_fc):
    h = _gcn_conv(x, edge_index, W_gcn, b_gcn)
    h = jax.nn.relu(h)
    # dropout is identity in eval mode
    summ = jax.ops.segment_sum(h, batch, num_segments=G)
    cnt = jax.ops.segment_sum(jnp.ones((h.shape[0],), dtype=h.dtype), batch, num_segments=G)
    pooled = summ / jnp.maximum(cnt, 1.0)[:, None]
    # x.unsqueeze(0): [1, G, H] batch_first LSTM -> sequence of length G, batch 1
    hs = _lstm_seq(pooled, W_ih, W_hh, b_ih, b_hh)
    out = hs @ W_fc.T + b_fc
    return out

if __name__ == "__main__":
    import jax
    _d = setup_inputs()
    print(jax.jit(kernel)(*tuple(_d.values())))

</pallas_src>

<mosaic_0001>
#map = affine_map<(d0, d1) -> (0)>
#map1 = affine_map<(d0, d1) -> (0, 0)>
module attributes {stable_mosaic.version = 14 : i64} {
  func.func @k(%arg0: i32, %arg1: i32, %arg2: memref<320000xi32, #tpu.memory_space<hbm>>, %arg3: memref<32x10240xf32, #tpu.memory_space<hbm>>, %arg4: memref<10000xi32, #tpu.memory_space<vmem>>, %arg5: memref<10240xf32, #tpu.memory_space<vmem>>) attributes {dimension_semantics = [#tpu.dimension_semantics<core_parallel>, #tpu.dimension_semantics<subcore_parallel>], iteration_bounds = array<i64: 2, 16>, scalar_prefetch = 0 : i64, scratch_operands = 2 : i64, tpu.core_type = #tpu.core_type<sc_vector_subcore>, window_params = [{transform_indices = #map}, {transform_indices = #map1}]} {
    %mul3A = arith.constant 16 : i32
    %mul3A_0 = arith.muli %arg0, %mul3A : i32
    %add3A = arith.addi %mul3A_0, %arg1 : i32
    %mul3A_1 = arith.constant 10000 : i32
    %mul3A_2 = arith.muli %add3A, %mul3A_1 : i32
    "tpu.region"() ({
      %run_scoped3A = tpu.sem_alloc : memref<!tpu.dma_semaphore, #tpu.memory_space<semaphore_mem>>
      %dma_start3A = tpu.memref_slice %arg2[%mul3A_2] : memref<320000xi32, #tpu.memory_space<hbm>> -> memref<10000xi32, #tpu.memory_space<hbm>>
      %dma_start3A_17 = tpu.memref_slice %arg2[%mul3A_2] : memref<320000xi32, #tpu.memory_space<hbm>> -> memref<10000xi32, #tpu.memory_space<hbm>>
      tpu.enqueue_dma source(%dma_start3A_17 : memref<10000xi32, #tpu.memory_space<hbm>>) target(%arg4 : memref<10000xi32, #tpu.memory_space<vmem>>) target_semaphore(%run_scoped3A : memref<!tpu.dma_semaphore, #tpu.memory_space<semaphore_mem>>)
      %dma_wait3A = tpu.memref_slice %arg2[%mul3A_2] : memref<320000xi32, #tpu.memory_space<hbm>> -> memref<10000xi32, #tpu.memory_space<hbm>>
      %dma_wait3A_18 = tpu.memref_slice %arg2[%mul3A_2] : memref<320000xi32, #tpu.memory_space<hbm>> -> memref<10000xi32, #tpu.memory_space<hbm>>
      tpu.wait_dma2 semaphore(%run_scoped3A : memref<!tpu.dma_semaphore, #tpu.memory_space<semaphore_mem>>) src(%dma_wait3A_18 : memref<10000xi32, #tpu.memory_space<hbm>>) dst(%arg4 : memref<10000xi32, #tpu.memory_space<vmem>>)
      tpu.yield
    }) : () -> ()
    %broadcast_in_dim3A = arith.constant 0.000000e+00 : f32
    %broadcast_in_dim3A_3 = vector.broadcast %broadcast_in_dim3A : f32 to vector<16xf32>
    %scan3A = arith.constant 0 : i32
    %scan3A_4 = arith.constant 0 : i32
    %scan3A_5 = arith.constant 640 : i32
    %scan3A_6 = arith.addi %scan3A_4, %scan3A_5 : i32
    %scan3A_7 = arith.constant 1 : i32
    scf.for %scan3A_17 = %scan3A_4 to %scan3A_6 step %scan3A_7  : i32 {
      %mul3A_18 = arith.constant 16 : i32
      %mul3A_19 = arith.muli %scan3A_17, %mul3A_18 : i32
      %swap3A = arith.index_cast %mul3A_19 : i32 to index
      %swap3A_20 = tpu.vector_load %arg5[%swap3A] {strides = array<i32>} : memref<10240xf32, #tpu.memory_space<vmem>>, vector<16xf32>,
      tpu.vector_store %arg5[%swap3A], %broadcast_in_dim3A_3 {strides = array<i32>} : memref<10240xf32, #tpu.memory_space<vmem>>, vector<16xf32>,
    }
    %scan3A_8 = arith.constant 640 : i32
    %broadcast_in_dim3A_9 = arith.constant 1.000000e+00 : f32
    %broadcast_in_dim3A_10 = vector.broadcast %broadcast_in_dim3A_9 : f32 to vector<16xf32>
    %scan3A_11 = arith.constant 0 : i32
    %scan3A_12 = arith.constant 0 : i32
    %scan3A_13 = arith.constant 625 : i32
    %scan3A_14 = arith.addi %scan3A_12, %scan3A_13 : i32
    %scan3A_15 = arith.constant 1 : i32
    scf.for %scan3A_17 = %scan3A_12 to %scan3A_14 step %scan3A_15  : i32 {
      %mul3A_18 = arith.constant 16 : i32
      %mul3A_19 = arith.muli %scan3A_17, %mul3A_18 : i32
      %get3A = arith.index_cast %mul3A_19 : i32 to index
      %get3A_20 = tpu.vector_load %arg4[%get3A] {strides = array<i32>} : memref<10000xi32, #tpu.memory_space<vmem>>, vector<16xi32>,
      tpu.vector_store_idx %arg5[%get3A_20], %broadcast_in_dim3A_10 {add = true} : memref<10240xf32, #tpu.memory_space<vmem>>[vector<16xi32>], vector<16xf32>,
    }
    %scan3A_16 = arith.constant 625 : i32
    "tpu.region"() ({
      %run_scoped3A = tpu.sem_alloc : memref<!tpu.dma_semaphore, #tpu.memory_space<semaphore_mem>>
      %dma_start3A = arith.constant 0 : i32
      %dma_start3A_17 = tpu.memref_slice %arg3[%add3A, %dma_start3A] : memref<32x10240xf32, #tpu.memory_space<hbm>> -> memref<1x10240xf32, #tpu.memory_space<hbm>>
      %dma_start3A_18 = tpu.memref_squeeze %dma_start3A_17 : memref<1x10240xf32, #tpu.memory_space<hbm>> -> memref<10240xf32, #tpu.memory_space<hbm>>
      %dma_start3A_19 = arith.constant 0 : i32
      %dma_start3A_20 = tpu.memref_slice %arg3[%add3A, %dma_start3A_19] : memref<32x10240xf32, #tpu.memory_space<hbm>> -> memref<1x10240xf32, #tpu.memory_space<hbm>>
      %dma_start3A_21 = tpu.memref_squeeze %dma_start3A_20 : memref<1x10240xf32, #tpu.memory_space<hbm>> -> memref<10240xf32, #tpu.memory_space<hbm>>
      tpu.enqueue_dma source(%arg5 : memref<10240xf32, #tpu.memory_space<vmem>>) target(%dma_start3A_21 : memref<10240xf32, #tpu.memory_space<hbm>>) target_semaphore(%run_scoped3A : memref<!tpu.dma_semaphore, #tpu.memory_space<semaphore_mem>>)
      %dma_wait3A = arith.constant 0 : i32
      %dma_wait3A_22 = tpu.memref_slice %arg3[%add3A, %dma_wait3A] : memref<32x10240xf32, #tpu.memory_space<hbm>> -> memref<1x10240xf32, #tpu.memory_space<hbm>>
      %dma_wait3A_23 = tpu.memref_squeeze %dma_wait3A_22 : memref<1x10240xf32, #tpu.memory_space<hbm>> -> memref<10240xf32, #tpu.memory_space<hbm>>
      %dma_wait3A_24 = arith.constant 0 : i32
      %dma_wait3A_25 = tpu.memref_slice %arg3[%add3A, %dma_wait3A_24] : memref<32x10240xf32, #tpu.memory_space<hbm>> -> memref<1x10240xf32, #tpu.memory_space<hbm>>
      %dma_wait3A_26 = tpu.memref_squeeze %dma_wait3A_25 : memref<1x10240xf32, #tpu.memory_space<hbm>> -> memref<10240xf32, #tpu.memory_space<hbm>>
      tpu.wait_dma2 semaphore(%run_scoped3A : memref<!tpu.dma_semaphore, #tpu.memory_space<semaphore_mem>>) src(%arg5 : memref<10240xf32, #tpu.memory_space<vmem>>) dst(%dma_wait3A_26 : memref<10240xf32, #tpu.memory_space<hbm>>)
      tpu.yield
    }) : () -> ()
    return
  }
}

#map = affine_map<(d0, d1) -> (0, 0)>
#map1 = affine_map<(d0, d1) -> (0)>
#map2 = affine_map<(d0, d1) -> (0, 0, 0)>
module attributes {stable_mosaic.version = 14 : i64} {
  func.func @k(%arg0: i32, %arg1: i32, %arg2: memref<10000x128xf32, #tpu.memory_space<hbm>>, %arg3: memref<320000xi32, #tpu.memory_space<hbm>>, %arg4: memref<32x125x80xi32, #tpu.memory_space<hbm>>, %arg5: memref<20000x128xf32, #tpu.memory_space<hbm>>, %arg6: memref<10000xi32, #tpu.memory_space<vmem>>, %arg7: memref<125x80xi32, #tpu.memory_space<vmem>>, %arg8: memref<80x128xf32, #tpu.memory_space<vmem>>, %arg9: memref<80x128xf32, #tpu.memory_space<vmem>>, %arg10: memref<10000x128xf32, #tpu.memory_space<vmem_shared>>, %arg11: memref<!tpu.dma_semaphore, #tpu.memory_space<semaphore_mem>>, %arg12: memref<!tpu.dma_semaphore, #tpu.memory_space<semaphore_mem>>) attributes {dimension_semantics = [#tpu.dimension_semantics<core_parallel>, #tpu.dimension_semantics<subcore_parallel>], iteration_bounds = array<i64: 2, 16>, scalar_prefetch = 0 : i64, scratch_operands = 7 : i64, tpu.core_type = #tpu.core_type<sc_vector_subcore>, window_params = [{transform_indices = #map}, {transform_indices = #map1}, {transform_indices = #map2}, {transform_indices = #map}]} {
    %mul3A = arith.constant 16 : i32
    %mul3A_0 = arith.muli %arg0, %mul3A : i32
    %add3A = arith.addi %mul3A_0, %arg1 : i32
    %mul3A_1 = arith.constant 10000 : i32
    %mul3A_2 = arith.muli %add3A, %mul3A_1 : i32
    "tpu.region"() ({
      %run_scoped3A_62 = tpu.sem_alloc : memref<!tpu.dma_semaphore, #tpu.memory_space<semaphore_mem>>
      %dma_start3A_63 = tpu.memref_slice %arg3[%mul3A_2] : memref<320000xi32, #tpu.memory_space<hbm>> -> memref<10000xi32, #tpu.memory_space<hbm>>
      %dma_start3A_64 = tpu.memref_slice %arg3[%mul3A_2] : memref<320000xi32, #tpu.memory_space<hbm>> -> memref<10000xi32, #tpu.memory_space<hbm>>
      tpu.enqueue_dma source(%dma_start3A_64 : memref<10000xi32, #tpu.memory_space<hbm>>) target(%arg6 : memref<10000xi32, #tpu.memory_space<vmem>>) target_semaphore(%run_scoped3A_62 : memref<!tpu.dma_semaphore, #tpu.memory_space<semaphore_mem>>)
      %dma_wait3A_65 = tpu.memref_slice %arg3[%mul3A_2] : memref<320000xi32, #tpu.memory_space<hbm>> -> memref<10000xi32, #tpu.memory_space<hbm>>
      %dma_wait3A_66 = tpu.memref_slice %arg3[%mul3A_2] : memref<320000xi32, #tpu.memory_space<hbm>> -> memref<10000xi32, #tpu.memory_space<hbm>>
      tpu.wait_dma2 semaphore(%run_scoped3A_62 : memref<!tpu.dma_semaphore, #tpu.memory_space<semaphore_mem>>) src(%dma_wait3A_66 : memref<10000xi32, #tpu.memory_space<hbm>>) dst(%arg6 : memref<10000xi32, #tpu.memory_space<vmem>>)
      tpu.yield
    }) : () -> ()
    "tpu.region"() ({
      %run_scoped3A_62 = tpu.sem_alloc : memref<!tpu.dma_semaphore, #tpu.memory_space<semaphore_mem>>
      %dma_start3A_63 = arith.constant 0 : i32
      %dma_start3A_64 = arith.constant 0 : i32
      %dma_start3A_65 = tpu.memref_slice %arg4[%add3A, %dma_start3A_63, %dma_start3A_64] : memref<32x125x80xi32, #tpu.memory_space<hbm>> -> memref<1x125x80xi32, #tpu.memory_space<hbm>>
      %dma_start3A_66 = tpu.memref_squeeze %dma_start3A_65 : memref<1x125x80xi32, #tpu.memory_space<hbm>> -> memref<125x80xi32, #tpu.memory_space<hbm>>
      %dma_start3A_67 = arith.constant 0 : i32
      %dma_start3A_68 = arith.constant 0 : i32
      %dma_start3A_69 = tpu.memref_slice %arg4[%add3A, %dma_start3A_67, %dma_start3A_68] : memref<32x125x80xi32, #tpu.memory_space<hbm>> -> memref<1x125x80xi32, #tpu.memory_space<hbm>>
      %dma_start3A_70 = tpu.memref_squeeze %dma_start3A_69 : memref<1x125x80xi32, #tpu.memory_space<hbm>> -> memref<125x80xi32, #tpu.memory_space<hbm>>
      tpu.enqueue_dma source(%dma_start3A_70 : memref<125x80xi32, #tpu.memory_space<hbm>>) target(%arg7 : memref<125x80xi32, #tpu.memory_space<vmem>>) target_semaphore(%run_scoped3A_62 : memref<!tpu.dma_semaphore, #tpu.memory_space<semaphore_mem>>)
      %dma_wait3A_71 = arith.constant 0 : i32
      %dma_wait3A_72 = arith.constant 0 : i32
      %dma_wait3A_73 = tpu.memref_slice %arg4[%add3A, %dma_wait3A_71, %dma_wait3A_72] : memref<32x125x80xi32, #tpu.memory_space<hbm>> -> memref<1x125x80xi32, #tpu.memory_space<hbm>>
      %dma_wait3A_74 = tpu.memref_squeeze %dma_wait3A_73 : memref<1x125x80xi32, #tpu.memory_space<hbm>> -> memref<125x80xi32, #tpu.memory_space<hbm>>
      %dma_wait3A_75 = arith.constant 0 : i32
      %dma_wait3A_76 = arith.constant 0 : i32
      %dma_wait3A_77 = tpu.memref_slice %arg4[%add3A, %dma_wait3A_75, %dma_wait3A_76] : memref<32x125x80xi32, #tpu.memory_space<hbm>> -> memref<1x125x80xi32, #tpu.memory_space<hbm>>
      %dma_wait3A_78 = tpu.memref_squeeze %dma_wait3A_77 : memref<1x125x80xi32, #tpu.memory_space<hbm>> -> memref<125x80xi32, #tpu.memory_space<hbm>>
      tpu.wait_dma2 semaphore(%run_scoped3A_62 : memref<!tpu.dma_semaphore, #tpu.memory_space<semaphore_mem>>) src(%dma_wait3A_78 : memref<125x80xi32, #tpu.memory_space<hbm>>) dst(%arg7 : memref<125x80xi32, #tpu.memory_space<vmem>>)
      tpu.yield
    }) : () -> ()
    %broadcast_in_dim3A = arith.constant 0.000000e+00 : f32
    %broadcast_in_dim3A_3 = vector.broadcast %broadcast_in_dim3A : f32 to vector<16xf32>
    %scan3A = arith.constant 0 : i32
    %scan3A_4 = arith.constant 0 : i32
    %scan3A_5 = arith.constant 80 : i32
    %scan3A_6 = arith.addi %scan3A_4, %scan3A_5 : i32
    %scan3A_7 = arith.constant 1 : i32
    scf.for %scan3A_62 = %scan3A_4 to %scan3A_6 step %scan3A_7  : i32 {
      %swap3A = arith.index_cast %scan3A_62 : i32 to index
      %swap3A_63 = arith.constant 0 : index
      %swap3A_64 = tpu.vector_load %arg8[%swap3A, %swap3A_63] {strides = array<i32>} : memref<80x128xf32, #tpu.memory_space<vmem>>, vector<1x16xf32>,
      %swap3A_65 = vector.shape_cast %swap3A_64 : vector<1x16xf32> to vector<16xf32>
      %swap3A_66 = vector.shape_cast %broadcast_in_dim3A_3 : vector<16xf32> to vector<1x16xf32>
      tpu.vector_store %arg8[%swap3A, %swap3A_63], %swap3A_66 {strides = array<i32>} : memref<80x128xf32, #tpu.memory_space<vmem>>, vector<1x16xf32>,
      %swap3A_67 = arith.index_cast %scan3A_62 : i32 to index
      %swap3A_68 = arith.constant 16 : index
      %swap3A_69 = tpu.vector_load %arg8[%swap3A_67, %swap3A_68] {strides = array<i32>} : memref<80x128xf32, #tpu.memory_space<vmem>>, vector<1x16xf32>,
      %swap3A_70 = vector.shape_cast %swap3A_69 : vector<1x16xf32> to vector<16xf32>
      %swap3A_71 = vector.shape_cast %broadcast_in_dim3A_3 : vector<16xf32> to vector<1x16xf32>
      tpu.vector_store %arg8[%swap3A_67, %swap3A_68], %swap3A_71 {strides = array<i32>} : memref<80x128xf32, #tpu.memory_space<vmem>>, vector<1x16xf32>,
      %swap3A_72 = arith.index_cast %scan3A_62 : i32 to index
      %swap3A_73 = arith.constant 32 : index
      %swap3A_74 = tpu.vector_load %arg8[%swap3A_72, %swap3A_73] {strides = array<i32>} : memref<80x128xf32, #tpu.memory_space<vmem>>, vector<1x16xf32>,
      %swap3A_75 = vector.shape_cast %swap3A_74 : vector<1x16xf32> to vector<16xf32>
      %swap3A_76 = vector.shape_cast %broadcast_in_dim3A_3 : vector<16xf32> to vector<1x16xf32>
      tpu.vector_store %arg8[%swap3A_72, %swap3A_73], %swap3A_76 {strides = array<i32>} : memref<80x128xf32, #tpu.memory_space<vmem>>, vector<1x16xf32>,
      %swap3A_77 = arith.index_cast %scan3A_62 : i32 to index
      %swap3A_78 = arith.constant 48 : index
      %swap3A_79 = tpu.vector_load %arg8[%swap3A_77, %swap3A_78] {strides = array<i32>} : memref<80x128xf32, #tpu.memory_space<vmem>>, vector<1x16xf32>,
      %swap3A_80 = vector.shape_cast %swap3A_79 : vector<1x16xf32> to vector<16xf32>
      %swap3A_81 = vector.shape_cast %broadcast_in_dim3A_3 : vector<16xf32> to vector<1x16xf32>
      tpu.vector_store %arg8[%swap3A_77, %swap3A_78], %swap3A_81 {strides = array<i32>} : memref<80x128xf32, #tpu.memory_space<vmem>>, vector<1x16xf32>,
      %swap3A_82 = arith.index_cast %scan3A_62 : i32 to index
      %swap3A_83 = arith.constant 64 : index
      %swap3A_84 = tpu.vector_load %arg8[%swap3A_82, %swap3A_83] {strides = array<i32>} : memref<80x128xf32, #tpu.memory_space<vmem>>, vector<1x16xf32>,
      %swap3A_85 = vector.shape_cast %swap3A_84 : vector<1x16xf32> to vector<16xf32>
      %swap3A_86 = vector.shape_cast %broadcast_in_dim3A_3 : vector<16xf32> to vector<1x16xf32>
      tpu.vector_store %arg8[%swap3A_82, %swap3A_83], %swap3A_86 {strides = array<i32>} : memref<80x128xf32, #tpu.memory_space<vmem>>, vector<1x16xf32>,
      %swap3A_87 = arith.index_cast %scan3A_62 : i32 to index
      %swap3A_88 = arith.constant 80 : index
      %swap3A_89 = tpu.vector_load %arg8[%swap3A_87, %swap3A_88] {strides = array<i32>} : memref<80x128xf32, #tpu.memory_space<vmem>>, vector<1x16xf32>,
      %swap3A_90 = vector.shape_cast %swap3A_89 : vector<1x16xf32> to vector<16xf32>
      %swap3A_91 = vector.shape_cast %broadcast_in_dim3A_3 : vector<16xf32> to vector<1x16xf32>
      tpu.vector_store %arg8[%swap3A_87, %swap3A_88], %swap3A_91 {strides = array<i32>} : memref<80x128xf32, #tpu.memory_space<vmem>>, vector<1x16xf32>,
      %swap3A_92 = arith.index_cast %scan3A_62 : i32 to index
      %swap3A_93 = arith.constant 96 : index
      %swap3A_94 = tpu.vector_load %arg8[%swap3A_92, %swap3A_93] {strides = array<i32>} : memref<80x128xf32, #tpu.memory_space<vmem>>, vector<1x16xf32>,
      %swap3A_95 = vector.shape_cast %swap3A_94 : vector<1x16xf32> to vector<16xf32>
      %swap3A_96 = vector.shape_cast %broadcast_in_dim3A_3 : vector<16xf32> to vector<1x16xf32>
      tpu.vector_store %arg8[%swap3A_92, %swap3A_93], %swap3A_96 {strides = array<i32>} : memref<80x128xf32, #tpu.memory_space<vmem>>, vector<1x16xf32>,
      %swap3A_97 = arith.index_cast %scan3A_62 : i32 to index
      %swap3A_98 = arith.constant 112 : index
      %swap3A_99 = tpu.vector_load %arg8[%swap3A_97, %swap3A_98] {strides = array<i32>} : memref<80x128xf32, #tpu.memory_space<vmem>>, vector<1x16xf32>,
      %swap3A_100 = vector.shape_cast %swap3A_99 : vector<1x16xf32> to vector<16xf32>
      %swap3A_101 = vector.shape_cast %broadcast_in_dim3A_3 : vector<16xf32> to vector<1x16xf32>
      tpu.vector_store %arg8[%swap3A_97, %swap3A_98], %swap3A_101 {strides = array<i32>} : memref<80x128xf32, #tpu.memory_space<vmem>>, vector<1x16xf32>,
    }
    %scan3A_8 = arith.constant 80 : i32
    %lt3A = arith.constant 15 : i32
    %lt3A_9 = arith.cmpi slt, %arg1, %lt3A : i32
    %convert_element_type3A = arith.extui %lt3A_9 : i1 to i32
    %cond3A = arith.constant 0 : i32
    %cond3A_10 = arith.cmpi ne, %convert_element_type3A, %cond3A : i32
    scf.if %cond3A_10 {
      %scan3A_62 = arith.constant 0 : i32
      %scan3A_63 = arith.constant 0 : i32
      %scan3A_64 = arith.constant 8 : i32
      %scan3A_65 = arith.addi %scan3A_63, %scan3A_64 : i32
      %scan3A_66 = arith.constant 1 : i32
      scf.for %scan3A_68 = %scan3A_63 to %scan3A_65 step %scan3A_66  : i32 {
        %mul3A_69 = arith.constant 640 : i32
        %mul3A_70 = arith.muli %arg1, %mul3A_69 : i32
        %mul3A_71 = arith.constant 80 : i32
        %mul3A_72 = arith.muli %scan3A_68, %mul3A_71 : i32
        %add3A_73 = arith.addi %mul3A_70, %mul3A_72 : i32
        "tpu.region"() ({
          %run_scoped3A_74 = tpu.sem_alloc : memref<!tpu.dma_semaphore, #tpu.memory_space<semaphore_mem>>
          %dma_start3A_75 = arith.constant 0 : i32
          %dma_start3A_76 = tpu.memref_slice %arg10[%add3A_73, %dma_start3A_75] : memref<10000x128xf32, #tpu.memory_space<vmem_shared>> -> memref<80x128xf32, #tpu.memory_space<vmem_shared>>
          %dma_start3A_77 = arith.constant 0 : i32
          %dma_start3A_78 = tpu.memref_slice %arg10[%add3A_73, %dma_start3A_77] : memref<10000x128xf32, #tpu.memory_space<vmem_shared>> -> memref<80x128xf32, #tpu.memory_space<vmem_shared>>
          tpu.enqueue_dma source(%arg8 : memref<80x128xf32, #tpu.memory_space<vmem>>) target(%dma_start3A_78 : memref<80x128xf32, #tpu.memory_space<vmem_shared>>) target_semaphore(%run_scoped3A_74 : memref<!tpu.dma_semaphore, #tpu.memory_space<semaphore_mem>>)
          %dma_wait3A_79 = arith.constant 0 : i32
          %dma_wait3A_80 = tpu.memref_slice %arg10[%add3A_73, %dma_wait3A_79] : memref<10000x128xf32, #tpu.memory_space<vmem_shared>> -> memref<80x128xf32, #tpu.memory_space<vmem_shared>>
          %dma_wait3A_81 = arith.constant 0 : i32
          %dma_wait3A_82 = tpu.memref_slice %arg10[%add3A_73, %dma_wait3A_81] : memref<10000x128xf32, #tpu.memory_space<vmem_shared>> -> memref<80x128xf32, #tpu.memory_space<vmem_shared>>
          tpu.wait_dma2 semaphore(%run_scoped3A_74 : memref<!tpu.dma_semaphore, #tpu.memory_space<semaphore_mem>>) src(%arg8 : memref<80x128xf32, #tpu.memory_space<vmem>>) dst(%dma_wait3A_82 : memref<80x128xf32, #tpu.memory_space<vmem_shared>>)
          tpu.yield
        }) : () -> ()
      }
      %scan3A_67 = arith.constant 8 : i32
    } else {
    }
    %eq3A = arith.constant 15 : i32
    %eq3A_11 = arith.cmpi eq, %arg1, %eq3A : i32
    %convert_element_type3A_12 = arith.extui %eq3A_11 : i1 to i32
    %cond3A_13 = arith.constant 0 : i32
    %cond3A_14 = arith.cmpi ne, %convert_element_type3A_12, %cond3A_13 : i32
    scf.if %cond3A_14 {
      %scan3A_62 = arith.constant 0 : i32
      %scan3A_63 = arith.constant 0 : i32
      %scan3A_64 = arith.constant 5 : i32
      %scan3A_65 = arith.addi %scan3A_63, %scan3A_64 : i32
      %scan3A_66 = arith.constant 1 : i32
      scf.for %scan3A_68 = %scan3A_63 to %scan3A_65 step %scan3A_66  : i32 {
        %mul3A_69 = arith.constant 640 : i32
        %mul3A_70 = arith.muli %arg1, %mul3A_69 : i32
        %mul3A_71 = arith.constant 80 : i32
        %mul3A_72 = arith.muli %scan3A_68, %mul3A_71 : i32
        %add3A_73 = arith.addi %mul3A_70, %mul3A_72 : i32
        "tpu.region"() ({
          %run_scoped3A_74 = tpu.sem_alloc : memref<!tpu.dma_semaphore, #tpu.memory_space<semaphore_mem>>
          %dma_start3A_75 = arith.constant 0 : i32
          %dma_start3A_76 = tpu.memref_slice %arg10[%add3A_73, %dma_start3A_75] : memref<10000x128xf32, #tpu.memory_space<vmem_shared>> -> memref<80x128xf32, #tpu.memory_space<vmem_shared>>
          %dma_start3A_77 = arith.constant 0 : i32
          %dma_start3A_78 = tpu.memref_slice %arg10[%add3A_73, %dma_start3A_77] : memref<10000x128xf32, #tpu.memory_space<vmem_shared>> -> memref<80x128xf32, #tpu.memory_space<vmem_shared>>
          tpu.enqueue_dma source(%arg8 : memref<80x128xf32, #tpu.memory_space<vmem>>) target(%dma_start3A_78 : memref<80x128xf32, #tpu.memory_space<vmem_shared>>) target_semaphore(%run_scoped3A_74 : memref<!tpu.dma_semaphore, #tpu.memory_space<semaphore_mem>>)
          %dma_wait3A_79 = arith.constant 0 : i32
          %dma_wait3A_80 = tpu.memref_slice %arg10[%add3A_73, %dma_wait3A_79] : memref<10000x128xf32, #tpu.memory_space<vmem_shared>> -> memref<80x128xf32, #tpu.memory_space<vmem_shared>>
          %dma_wait3A_81 = arith.constant 0 : i32
          %dma_wait3A_82 = tpu.memref_slice %arg10[%add3A_73, %dma_wait3A_81] : memref<10000x128xf32, #tpu.memory_space<vmem_shared>> -> memref<80x128xf32, #tpu.memory_space<vmem_shared>>
          tpu.wait_dma2 semaphore(%run_scoped3A_74 : memref<!tpu.dma_semaphore, #tpu.memory_space<semaphore_mem>>) src(%arg8 : memref<80x128xf32, #tpu.memory_space<vmem>>) dst(%dma_wait3A_82 : memref<80x128xf32, #tpu.memory_space<vmem_shared>>)
          tpu.yield
        }) : () -> ()
      }
      %scan3A_67 = arith.constant 5 : i32
    } else {
    }
    %dma_start3A = arith.constant 0 : i32
    %dma_start3A_15 = tpu.memref_slice %arg6[%dma_start3A] : memref<10000xi32, #tpu.memory_space<vmem>> -> memref<80xi32, #tpu.memory_space<vmem>>
    %dma_start3A_16 = arith.constant 0 : i32
    %dma_start3A_17 = arith.constant 0 : i32
    %dma_start3A_18 = tpu.memref_slice %arg2[%dma_start3A_16, %dma_start3A_17] : memref<10000x128xf32, #tpu.memory_space<hbm>> -> memref<10000x128xf32, #tpu.memory_space<hbm>>
    tpu.enqueue_indirect_dma source(%dma_start3A_18 : memref<10000x128xf32, #tpu.memory_space<hbm>>) target(%arg8 : memref<80x128xf32, #tpu.memory_space<vmem>>) offsets(%dma_start3A_15 : memref<80xi32, #tpu.memory_space<vmem>>) semaphore(%arg11 : memref<!tpu.dma_semaphore, #tpu.memory_space<semaphore_mem>>)
    %dma_start3A_19 = arith.constant 80 : i32
    %dma_start3A_20 = tpu.memref_slice %arg6[%dma_start3A_19] : memref<10000xi32, #tpu.memory_space<vmem>> -> memref<80xi32, #tpu.memory_space<vmem>>
    %dma_start3A_21 = arith.constant 0 : i32
    %dma_start3A_22 = arith.constant 0 : i32
    %dma_start3A_23 = tpu.memref_slice %arg2[%dma_start3A_21, %dma_start3A_22] : memref<10000x128xf32, #tpu.memory_space<hbm>> -> memref<10000x128xf32, #tpu.memory_space<hbm>>
    tpu.enqueue_indirect_dma source(%dma_start3A_23 : memref<10000x128xf32, #tpu.memory_space<hbm>>) target(%arg9 : memref<80x128xf32, #tpu.memory_space<vmem>>) offsets(%dma_start3A_20 : memref<80xi32, #tpu.memory_space<vmem>>) semaphore(%arg12 : memref<!tpu.dma_semaphore, #tpu.memory_space<semaphore_mem>>)
    %barrier3A = arith.constant 0 : index
    tpu.barrier barrier_id(%barrier3A)
    %scan3A_24 = arith.constant 0 : i32
    %scan3A_25 = arith.constant 0 : i32
    %scan3A_26 = arith.constant 61 : i32
    %scan3A_27 = arith.addi %scan3A_25, %scan3A_26 : i32
    %scan3A_28 = arith.constant 1 : i32
    scf.for %scan3A_62 = %scan3A_25 to %scan3A_27 step %scan3A_28  : i32 {
      %mul3A_63 = arith.constant 2 : i32
      %mul3A_64 = arith.muli %scan3A_62, %mul3A_63 : i32
      %add3A_65 = arith.constant 0 : i32
      %add3A_66 = arith.addi %mul3A_64, %add3A_65 : i32
      %mul3A_67 = arith.constant 80 : i32
      %mul3A_68 = arith.muli %add3A_66, %mul3A_67 : i32
      %dma_wait3A_69 = tpu.memref_slice %arg6[%mul3A_68] : memref<10000xi32, #tpu.memory_space<vmem>> -> memref<80xi32, #tpu.memory_space<vmem>>
      %dma_wait3A_70 = arith.constant 0 : i32
      %dma_wait3A_71 = arith.constant 0 : i32
      %dma_wait3A_72 = tpu.memref_slice %arg2[%dma_wait3A_70, %dma_wait3A_71] : memref<10000x128xf32, #tpu.memory_space<hbm>> -> memref<10000x128xf32, #tpu.memory_space<hbm>>
      tpu.wait_indirect_dma semaphore(%arg11 : memref<!tpu.dma_semaphore, #tpu.memory_space<semaphore_mem>>) src(%dma_wait3A_72 : memref<10000x128xf32, #tpu.memory_space<hbm>>) dst(%arg8 : memref<80x128xf32, #tpu.memory_space<vmem>>)
      "tpu.region"() ({
        %run_scoped3A_99 = tpu.sem_alloc : memref<!tpu.dma_semaphore, #tpu.memory_space<semaphore_mem>>
        %dma_start3A_100 = arith.constant 0 : i32
        %dma_start3A_101 = tpu.memref_slice %arg7[%add3A_66, %dma_start3A_100] : memref<125x80xi32, #tpu.memory_space<vmem>> -> memref<1x80xi32, #tpu.memory_space<vmem>>
        %dma_start3A_102 = tpu.memref_squeeze %dma_start3A_101 : memref<1x80xi32, #tpu.memory_space<vmem>> -> memref<80xi32, #tpu.memory_space<vmem>>
        %dma_start3A_103 = arith.constant 0 : i32
        %dma_start3A_104 = arith.constant 0 : i32
        %dma_start3A_105 = tpu.memref_slice %arg10[%dma_start3A_103, %dma_start3A_104] : memref<10000x128xf32, #tpu.memory_space<vmem_shared>> -> memref<10000x128xf32, #tpu.memory_space<vmem_shared>>
        tpu.enqueue_indirect_dma source(%arg8 : memref<80x128xf32, #tpu.memory_space<vmem>>) target(%dma_start3A_105 : memref<10000x128xf32, #tpu.memory_space<vmem_shared>>) offsets(%dma_start3A_102 : memref<80xi32, #tpu.memory_space<vmem>>) semaphore(%run_scoped3A_99 : memref<!tpu.dma_semaphore, #tpu.memory_space<semaphore_mem>>) {add = true}
        %dma_wait3A_106 = arith.constant 0 : i32
        %dma_wait3A_107 = tpu.memref_slice %arg7[%add3A_66, %dma_wait3A_106] : memref<125x80xi32, #tpu.memory_space<vmem>> -> memref<1x80xi32, #tpu.memory_space<vmem>>
        %dma_wait3A_108 = tpu.memref_squeeze %dma_wait3A_107 : memref<1x80xi32, #tpu.memory_space<vmem>> -> memref<80xi32, #tpu.memory_space<vmem>>
        %dma_wait3A_109 = arith.constant 0 : i32
        %dma_wait3A_110 = arith.constant 0 : i32
        %dma_wait3A_111 = tpu.memref_slice %arg10[%dma_wait3A_109, %dma_wait3A_110] : memref<10000x128xf32, #tpu.memory_space<vmem_shared>> -> memref<10000x128xf32, #tpu.memory_space<vmem_shared>>
        tpu.wait_indirect_dma semaphore(%run_scoped3A_99 : memref<!tpu.dma_semaphore, #tpu.memory_space<semaphore_mem>>) src(%arg8 : memref<80x128xf32, #tpu.memory_space<vmem>>) dst(%dma_wait3A_111 : memref<10000x128xf32, #tpu.memory_space<vmem_shared>>)
        tpu.yield
      }) : () -> ()
      %add3A_73 = arith.constant 2 : i32
      %add3A_74 = arith.addi %add3A_66, %add3A_73 : i32
      %mul3A_75 = arith.constant 80 : i32
      %mul3A_76 = arith.muli %add3A_74, %mul3A_75 : i32
      %dma_start3A_77 = tpu.memref_slice %arg6[%mul3A_76] : memref<10000xi32, #tpu.memory_space<vmem>> -> memref<80xi32, #tpu.memory_space<vmem>>
      %dma_start3A_78 = arith.constant 0 : i32
      %dma_start3A_79 = arith.constant 0 : i32
      %dma_start3A_80 = tpu.memref_slice %arg2[%dma_start3A_78, %dma_start3A_79] : memref<10000x128xf32, #tpu.memory_space<hbm>> -> memref<10000x128xf32, #tpu.memory_space<hbm>>
      tpu.enqueue_indirect_dma source(%dma_start3A_80 : memref<10000x128xf32, #tpu.memory_space<hbm>>) target(%arg8 : memref<80x128xf32, #tpu.memory_space<vmem>>) offsets(%dma_start3A_77 : memref<80xi32, #tpu.memory_space<vmem>>) semaphore(%arg11 : memref<!tpu.dma_semaphore, #tpu.memory_space<semaphore_mem>>)
      %mul3A_81 = arith.constant 2 : i32
      %mul3A_82 = arith.muli %scan3A_62, %mul3A_81 : i32
      %add3A_83 = arith.constant 1 : i32
      %add3A_84 = arith.addi %mul3A_82, %add3A_83 : i32
      %mul3A_85 = arith.constant 80 : i32
      %mul3A_86 = arith.muli %add3A_84, %mul3A_85 : i32
      %dma_wait3A_87 = tpu.memref_slice %arg6[%mul3A_86] : memref<10000xi32, #tpu.memory_space<vmem>> -> memref<80xi32, #tpu.memory_space<vmem>>
      %dma_wait3A_88 = arith.constant 0 : i32
      %dma_wait3A_89 = arith.constant 0 : i32
      %dma_wait3A_90 = tpu.memref_slice %arg2[%dma_wait3A_88, %dma_wait3A_89] : memref<10000x128xf32, #tpu.memory_space<hbm>> -> memref<10000x128xf32, #tpu.memory_space<hbm>>
      tpu.wait_indirect_dma semaphore(%arg12 : memref<!tpu.dma_semaphore, #tpu.memory_space<semaphore_mem>>) src(%dma_wait3A_90 : memref<10000x128xf32, #tpu.memory_space<hbm>>) dst(%arg9 : memref<80x128xf32, #tpu.memory_space<vmem>>)
      "tpu.region"() ({
        %run_scoped3A_99 = tpu.sem_alloc : memref<!tpu.dma_semaphore, #tpu.memory_space<semaphore_mem>>
        %dma_start3A_100 = arith.constant 0 : i32
        %dma_start3A_101 = tpu.memref_slice %arg7[%add3A_84, %dma_start3A_100] : memref<125x80xi32, #tpu.memory_space<vmem>> -> memref<1x80xi32, #tpu.memory_space<vmem>>
        %dma_start3A_102 = tpu.memref_squeeze %dma_start3A_101 : memref<1x80xi32, #tpu.memory_space<vmem>> -> memref<80xi32, #tpu.memory_space<vmem>>
        %dma_start3A_103 = arith.constant 0 : i32
        %dma_start3A_104 = arith.constant 0 : i32
        %dma_start3A_105 = tpu.memref_slice %arg10[%dma_start3A_103, %dma_start3A_104] : memref<10000x128xf32, #tpu.memory_space<vmem_shared>> -> memref<10000x128xf32, #tpu.memory_space<vmem_shared>>
        tpu.enqueue_indirect_dma source(%arg9 : memref<80x128xf32, #tpu.memory_space<vmem>>) target(%dma_start3A_105 : memref<10000x128xf32, #tpu.memory_space<vmem_shared>>) offsets(%dma_start3A_102 : memref<80xi32, #tpu.memory_space<vmem>>) semaphore(%run_scoped3A_99 : memref<!tpu.dma_semaphore, #tpu.memory_space<semaphore_mem>>) {add = true}
        %dma_wait3A_106 = arith.constant 0 : i32
        %dma_wait3A_107 = tpu.memref_slice %arg7[%add3A_84, %dma_wait3A_106] : memref<125x80xi32, #tpu.memory_space<vmem>> -> memref<1x80xi32, #tpu.memory_space<vmem>>
        %dma_wait3A_108 = tpu.memref_squeeze %dma_wait3A_107 : memref<1x80xi32, #tpu.memory_space<vmem>> -> memref<80xi32, #tpu.memory_space<vmem>>
        %dma_wait3A_109 = arith.constant 0 : i32
        %dma_wait3A_110 = arith.constant 0 : i32
        %dma_wait3A_111 = tpu.memref_slice %arg10[%dma_wait3A_109, %dma_wait3A_110] : memref<10000x128xf32, #tpu.memory_space<vmem_shared>> -> memref<10000x128xf32, #tpu.memory_space<vmem_shared>>
        tpu.wait_indirect_dma semaphore(%run_scoped3A_99 : memref<!tpu.dma_semaphore, #tpu.memory_space<semaphore_mem>>) src(%arg9 : memref<80x128xf32, #tpu.memory_space<vmem>>) dst(%dma_wait3A_111 : memref<10000x128xf32, #tpu.memory_space<vmem_shared>>)
        tpu.yield
      }) : () -> ()
      %add3A_91 = arith.constant 2 : i32
      %add3A_92 = arith.addi %add3A_84, %add3A_91 : i32
      %mul3A_93 = arith.constant 80 : i32
      %mul3A_94 = arith.muli %add3A_92, %mul3A_93 : i32
      %dma_start3A_95 = tpu.memref_slice %arg6[%mul3A_94] : memref<10000xi32, #tpu.memory_space<vmem>> -> memref<80xi32, #tpu.memory_space<vmem>>
      %dma_start3A_96 = arith.constant 0 : i32
      %dma_start3A_97 = arith.constant 0 : i32
      %dma_start3A_98 = tpu.memref_slice %arg2[%dma_start3A_96, %dma_start3A_97] : memref<10000x128xf32, #tpu.memory_space<hbm>> -> memref<10000x128xf32, #tpu.memory_space<hbm>>
      tpu.enqueue_indirect_dma source(%dma_start3A_98 : memref<10000x128xf32, #tpu.memory_space<hbm>>) target(%arg9 : memref<80x128xf32, #tpu.memory_space<vmem>>) offsets(%dma_start3A_95 : memref<80xi32, #tpu.memory_space<vmem>>) semaphore(%arg12 : memref<!tpu.dma_semaphore, #tpu.memory_space<semaphore_mem>>)
    }
    %scan3A_29 = arith.constant 61 : i32
    %dma_wait3A = arith.constant 9760 : i32
    %dma_wait3A_30 = tpu.memref_slice %arg6[%dma_wait3A] : memref<10000xi32, #tpu.memory_space<vmem>> -> memref<80xi32, #tpu.memory_space<vmem>>
    %dma_wait3A_31 = arith.constant 0 : i32
    %dma_wait3A_32 = arith.constant 0 : i32
    %dma_wait3A_33 = tpu.memref_slice %arg2[%dma_wait3A_31, %dma_wait3A_32] : memref<10000x128xf32, #tpu.memory_space<hbm>> -> memref<10000x128xf32, #tpu.memory_space<hbm>>
    tpu.wait_indirect_dma semaphore(%arg11 : memref<!tpu.dma_semaphore, #tpu.memory_space<semaphore_mem>>) src(%dma_wait3A_33 : memref<10000x128xf32, #tpu.memory_space<hbm>>) dst(%arg8 : memref<80x128xf32, #tpu.memory_space<vmem>>)
    %run_scoped3A = arith.constant 122 : i32
    "tpu.region"() ({
      %run_scoped3A_62 = tpu.sem_alloc : memref<!tpu.dma_semaphore, #tpu.memory_space<semaphore_mem>>
      %dma_start3A_63 = arith.constant 0 : i32
      %dma_start3A_64 = tpu.memref_slice %arg7[%run_scoped3A, %dma_start3A_63] : memref<125x80xi32, #tpu.memory_space<vmem>> -> memref<1x80xi32, #tpu.memory_space<vmem>>
      %dma_start3A_65 = tpu.memref_squeeze %dma_start3A_64 : memref<1x80xi32, #tpu.memory_space<vmem>> -> memref<80xi32, #tpu.memory_space<vmem>>
      %dma_start3A_66 = arith.constant 0 : i32
      %dma_start3A_67 = arith.constant 0 : i32
      %dma_start3A_68 = tpu.memref_slice %arg10[%dma_start3A_66, %dma_start3A_67] : memref<10000x128xf32, #tpu.memory_space<vmem_shared>> -> memref<10000x128xf32, #tpu.memory_space<vmem_shared>>
      tpu.enqueue_indirect_dma source(%arg8 : memref<80x128xf32, #tpu.memory_space<vmem>>) target(%dma_start3A_68 : memref<10000x128xf32, #tpu.memory_space<vmem_shared>>) offsets(%dma_start3A_65 : memref<80xi32, #tpu.memory_space<vmem>>) semaphore(%run_scoped3A_62 : memref<!tpu.dma_semaphore, #tpu.memory_space<semaphore_mem>>) {add = true}
      %dma_wait3A_69 = arith.constant 0 : i32
      %dma_wait3A_70 = tpu.memref_slice %arg7[%run_scoped3A, %dma_wait3A_69] : memref<125x80xi32, #tpu.memory_space<vmem>> -> memref<1x80xi32, #tpu.memory_space<vmem>>
      %dma_wait3A_71 = tpu.memref_squeeze %dma_wait3A_70 : memref<1x80xi32, #tpu.memory_space<vmem>> -> memref<80xi32, #tpu.memory_space<vmem>>
      %dma_wait3A_72 = arith.constant 0 : i32
      %dma_wait3A_73 = arith.constant 0 : i32
      %dma_wait3A_74 = tpu.memref_slice %arg10[%dma_wait3A_72, %dma_wait3A_73] : memref<10000x128xf32, #tpu.memory_space<vmem_shared>> -> memref<10000x128xf32, #tpu.memory_space<vmem_shared>>
      tpu.wait_indirect_dma semaphore(%run_scoped3A_62 : memref<!tpu.dma_semaphore, #tpu.memory_space<semaphore_mem>>) src(%arg8 : memref<80x128xf32, #tpu.memory_space<vmem>>) dst(%dma_wait3A_74 : memref<10000x128xf32, #tpu.memory_space<vmem_shared>>)
      tpu.yield
    }) : () -> ()
    %dma_wait3A_34 = arith.constant 9840 : i32
    %dma_wait3A_35 = tpu.memref_slice %arg6[%dma_wait3A_34] : memref<10000xi32, #tpu.memory_space<vmem>> -> memref<80xi32, #tpu.memory_space<vmem>>
    %dma_wait3A_36 = arith.constant 0 : i32
    %dma_wait3A_37 = arith.constant 0 : i32
    %dma_wait3A_38 = tpu.memref_slice %arg2[%dma_wait3A_36, %dma_wait3A_37] : memref<10000x128xf32, #tpu.memory_space<hbm>> -> memref<10000x128xf32, #tpu.memory_space<hbm>>
    tpu.wait_indirect_dma semaphore(%arg12 : memref<!tpu.dma_semaphore, #tpu.memory_space<semaphore_mem>>) src(%dma_wait3A_38 : memref<10000x128xf32, #tpu.memory_space<hbm>>) dst(%arg9 : memref<80x128xf32, #tpu.memory_space<vmem>>)
    %run_scoped3A_39 = arith.constant 123 : i32
    "tpu.region"() ({
      %run_scoped3A_62 = tpu.sem_alloc : memref<!tpu.dma_semaphore, #tpu.memory_space<semaphore_mem>>
      %dma_start3A_63 = arith.constant 0 : i32
      %dma_start3A_64 = tpu.memref_slice %arg7[%run_scoped3A_39, %dma_start3A_63] : memref<125x80xi32, #tpu.memory_space<vmem>> -> memref<1x80xi32, #tpu.memory_space<vmem>>
      %dma_start3A_65 = tpu.memref_squeeze %dma_start3A_64 : memref<1x80xi32, #tpu.memory_space<vmem>> -> memref<80xi32, #tpu.memory_space<vmem>>
      %dma_start3A_66 = arith.constant 0 : i32
      %dma_start3A_67 = arith.constant 0 : i32
      %dma_start3A_68 = tpu.memref_slice %arg10[%dma_start3A_66, %dma_start3A_67] : memref<10000x128xf32, #tpu.memory_space<vmem_shared>> -> memref<10000x128xf32, #tpu.memory_space<vmem_shared>>
      tpu.enqueue_indirect_dma source(%arg9 : memref<80x128xf32, #tpu.memory_space<vmem>>) target(%dma_start3A_68 : memref<10000x128xf32, #tpu.memory_space<vmem_shared>>) offsets(%dma_start3A_65 : memref<80xi32, #tpu.memory_space<vmem>>) semaphore(%run_scoped3A_62 : memref<!tpu.dma_semaphore, #tpu.memory_space<semaphore_mem>>) {add = true}
      %dma_wait3A_69 = arith.constant 0 : i32
      %dma_wait3A_70 = tpu.memref_slice %arg7[%run_scoped3A_39, %dma_wait3A_69] : memref<125x80xi32, #tpu.memory_space<vmem>> -> memref<1x80xi32, #tpu.memory_space<vmem>>
      %dma_wait3A_71 = tpu.memref_squeeze %dma_wait3A_70 : memref<1x80xi32, #tpu.memory_space<vmem>> -> memref<80xi32, #tpu.memory_space<vmem>>
      %dma_wait3A_72 = arith.constant 0 : i32
      %dma_wait3A_73 = arith.constant 0 : i32
      %dma_wait3A_74 = tpu.memref_slice %arg10[%dma_wait3A_72, %dma_wait3A_73] : memref<10000x128xf32, #tpu.memory_space<vmem_shared>> -> memref<10000x128xf32, #tpu.memory_space<vmem_shared>>
      tpu.wait_indirect_dma semaphore(%run_scoped3A_62 : memref<!tpu.dma_semaphore, #tpu.memory_space<semaphore_mem>>) src(%arg9 : memref<80x128xf32, #tpu.memory_space<vmem>>) dst(%dma_wait3A_74 : memref<10000x128xf32, #tpu.memory_space<vmem_shared>>)
      tpu.yield
    }) : () -> ()
    %dma_start3A_40 = arith.constant 9920 : i32
    %dma_start3A_41 = tpu.memref_slice %arg6[%dma_start3A_40] : memref<10000xi32, #tpu.memory_space<vmem>> -> memref<80xi32, #tpu.memory_space<vmem>>
    %dma_start3A_42 = arith.constant 0 : i32
    %dma_start3A_43 = arith.constant 0 : i32
    %dma_start3A_44 = tpu.memref_slice %arg2[%dma_start3A_42, %dma_start3A_43] : memref<10000x128xf32, #tpu.memory_space<hbm>> -> memref<10000x128xf32, #tpu.memory_space<hbm>>
    tpu.enqueue_indirect_dma source(%dma_start3A_44 : memref<10000x128xf32, #tpu.memory_space<hbm>>) target(%arg8 : memref<80x128xf32, #tpu.memory_space<vmem>>) offsets(%dma_start3A_41 : memref<80xi32, #tpu.memory_space<vmem>>) semaphore(%arg11 : memref<!tpu.dma_semaphore, #tpu.memory_space<semaphore_mem>>)
    %dma_wait3A_45 = arith.constant 9920 : i32
    %dma_wait3A_46 = tpu.memref_slice %arg6[%dma_wait3A_45] : memref<10000xi32, #tpu.memory_space<vmem>> -> memref<80xi32, #tpu.memory_space<vmem>>
    %dma_wait3A_47 = arith.constant 0 : i32
    %dma_wait3A_48 = arith.constant 0 : i32
    %dma_wait3A_49 = tpu.memref_slice %arg2[%dma_wait3A_47, %dma_wait3A_48] : memref<10000x128xf32, #tpu.memory_space<hbm>> -> memref<10000x128xf32, #tpu.memory_space<hbm>>
    tpu.wait_indirect_dma semaphore(%arg11 : memref<!tpu.dma_semaphore, #tpu.memory_space<semaphore_mem>>) src(%dma_wait3A_49 : memref<10000x128xf32, #tpu.memory_space<hbm>>) dst(%arg8 : memref<80x128xf32, #tpu.memory_space<vmem>>)
    %run_scoped3A_50 = arith.constant 124 : i32
    "tpu.region"() ({
      %run_scoped3A_62 = tpu.sem_alloc : memref<!tpu.dma_semaphore, #tpu.memory_space<semaphore_mem>>
      %dma_start3A_63 = arith.constant 0 : i32
      %dma_start3A_64 = tpu.memref_slice %arg7[%run_scoped3A_50, %dma_start3A_63] : memref<125x80xi32, #tpu.memory_space<vmem>> -> memref<1x80xi32, #tpu.memory_space<vmem>>
      %dma_start3A_65 = tpu.memref_squeeze %dma_start3A_64 : memref<1x80xi32, #tpu.memory_space<vmem>> -> memref<80xi32, #tpu.memory_space<vmem>>
      %dma_start3A_66 = arith.constant 0 : i32
      %dma_start3A_67 = arith.constant 0 : i32
      %dma_start3A_68 = tpu.memref_slice %arg10[%dma_start3A_66, %dma_start3A_67] : memref<10000x128xf32, #tpu.memory_space<vmem_shared>> -> memref<10000x128xf32, #tpu.memory_space<vmem_shared>>
      tpu.enqueue_indirect_dma source(%arg8 : memref<80x128xf32, #tpu.memory_space<vmem>>) target(%dma_start3A_68 : memref<10000x128xf32, #tpu.memory_space<vmem_shared>>) offsets(%dma_start3A_65 : memref<80xi32, #tpu.memory_space<vmem>>) semaphore(%run_scoped3A_62 : memref<!tpu.dma_semaphore, #tpu.memory_space<semaphore_mem>>) {add = true}
      %dma_wait3A_69 = arith.constant 0 : i32
      %dma_wait3A_70 = tpu.memref_slice %arg7[%run_scoped3A_50, %dma_wait3A_69] : memref<125x80xi32, #tpu.memory_space<vmem>> -> memref<1x80xi32, #tpu.memory_space<vmem>>
      %dma_wait3A_71 = tpu.memref_squeeze %dma_wait3A_70 : memref<1x80xi32, #tpu.memory_space<vmem>> -> memref<80xi32, #tpu.memory_space<vmem>>
      %dma_wait3A_72 = arith.constant 0 : i32
      %dma_wait3A_73 = arith.constant 0 : i32
      %dma_wait3A_74 = tpu.memref_slice %arg10[%dma_wait3A_72, %dma_wait3A_73] : memref<10000x128xf32, #tpu.memory_space<vmem_shared>> -> memref<10000x128xf32, #tpu.memory_space<vmem_shared>>
      tpu.wait_indirect_dma semaphore(%run_scoped3A_62 : memref<!tpu.dma_semaphore, #tpu.memory_space<semaphore_mem>>) src(%arg8 : memref<80x128xf32, #tpu.memory_space<vmem>>) dst(%dma_wait3A_74 : memref<10000x128xf32, #tpu.memory_space<vmem_shared>>)
      tpu.yield
    }) : () -> ()
    %barrier3A_51 = arith.constant 0 : index
    tpu.barrier barrier_id(%barrier3A_51)
    %lt3A_52 = arith.constant 15 : i32
    %lt3A_53 = arith.cmpi slt, %arg1, %lt3A_52 : i32
    %convert_element_type3A_54 = arith.extui %lt3A_53 : i1 to i32
    %cond3A_55 = arith.constant 0 : i32
    %cond3A_56 = arith.cmpi ne, %convert_element_type3A_54, %cond3A_55 : i32
    scf.if %cond3A_56 {
      %mul3A_62 = arith.constant 640 : i32
      %mul3A_63 = arith.muli %arg1, %mul3A_62 : i32
      %mul3A_64 = arith.constant 10000 : i32
      %mul3A_65 = arith.muli %arg0, %mul3A_64 : i32
      %mul3A_66 = arith.constant 640 : i32
      %mul3A_67 = arith.muli %arg1, %mul3A_66 : i32
      %add3A_68 = arith.addi %mul3A_65, %mul3A_67 : i32
      "tpu.region"() ({
        %run_scoped3A_69 = tpu.sem_alloc : memref<!tpu.dma_semaphore, #tpu.memory_space<semaphore_mem>>
        %dma_start3A_70 = arith.constant 0 : i32
        %dma_start3A_71 = tpu.memref_slice %arg5[%add3A_68, %dma_start3A_70] : memref<20000x128xf32, #tpu.memory_space<hbm>> -> memref<640x128xf32, #tpu.memory_space<hbm>>
        %dma_start3A_72 = arith.constant 0 : i32
        %dma_start3A_73 = tpu.memref_slice %arg10[%mul3A_63, %dma_start3A_72] : memref<10000x128xf32, #tpu.memory_space<vmem_shared>> -> memref<640x128xf32, #tpu.memory_space<vmem_shared>>
        tpu.enqueue_dma source(%dma_start3A_73 : memref<640x128xf32, #tpu.memory_space<vmem_shared>>) target(%dma_start3A_71 : memref<640x128xf32, #tpu.memory_space<hbm>>) target_semaphore(%run_scoped3A_69 : memref<!tpu.dma_semaphore, #tpu.memory_space<semaphore_mem>>)
        %dma_wait3A_74 = arith.constant 0 : i32
        %dma_wait3A_75 = tpu.memref_slice %arg5[%add3A_68, %dma_wait3A_74] : memref<20000x128xf32, #tpu.memory_space<hbm>> -> memref<640x128xf32, #tpu.memory_space<hbm>>
        %dma_wait3A_76 = arith.constant 0 : i32
        %dma_wait3A_77 = tpu.memref_slice %arg10[%mul3A_63, %dma_wait3A_76] : memref<10000x128xf32, #tpu.memory_space<vmem_shared>> -> memref<640x128xf32, #tpu.memory_space<vmem_shared>>
        tpu.wait_dma2 semaphore(%run_scoped3A_69 : memref<!tpu.dma_semaphore, #tpu.memory_space<semaphore_mem>>) src(%dma_wait3A_77 : memref<640x128xf32, #tpu.memory_space<vmem_shared>>) dst(%dma_wait3A_75 : memref<640x128xf32, #tpu.memory_space<hbm>>)
        tpu.yield
      }) : () -> ()
    } else {
    }
    %eq3A_57 = arith.constant 15 : i32
    %eq3A_58 = arith.cmpi eq, %arg1, %eq3A_57 : i32
    %convert_element_type3A_59 = arith.extui %eq3A_58 : i1 to i32
    %cond3A_60 = arith.constant 0 : i32
    %cond3A_61 = arith.cmpi ne, %convert_element_type3A_59, %cond3A_60 : i32
    scf.if %cond3A_61 {
      %mul3A_62 = arith.constant 640 : i32
      %mul3A_63 = arith.muli %arg1, %mul3A_62 : i32
      %mul3A_64 = arith.constant 10000 : i32
      %mul3A_65 = arith.muli %arg0, %mul3A_64 : i32
      %mul3A_66 = arith.constant 640 : i32
      %mul3A_67 = arith.muli %arg1, %mul3A_66 : i32
      %add3A_68 = arith.addi %mul3A_65, %mul3A_67 : i32
      "tpu.region"() ({
        %run_scoped3A_69 = tpu.sem_alloc : memref<!tpu.dma_semaphore, #tpu.memory_space<semaphore_mem>>
        %dma_start3A_70 = arith.constant 0 : i32
        %dma_start3A_71 = tpu.memref_slice %arg5[%add3A_68, %dma_start3A_70] : memref<20000x128xf32, #tpu.memory_space<hbm>> -> memref<400x128xf32, #tpu.memory_space<hbm>>
        %dma_start3A_72 = arith.constant 0 : i32
        %dma_start3A_73 = tpu.memref_slice %arg10[%mul3A_63, %dma_start3A_72] : memref<10000x128xf32, #tpu.memory_space<vmem_shared>> -> memref<400x128xf32, #tpu.memory_space<vmem_shared>>
        tpu.enqueue_dma source(%dma_start3A_73 : memref<400x128xf32, #tpu.memory_space<vmem_shared>>) target(%dma_start3A_71 : memref<400x128xf32, #tpu.memory_space<hbm>>) target_semaphore(%run_scoped3A_69 : memref<!tpu.dma_semaphore, #tpu.memory_space<semaphore_mem>>)
        %dma_wait3A_74 = arith.constant 0 : i32
        %dma_wait3A_75 = tpu.memref_slice %arg5[%add3A_68, %dma_wait3A_74] : memref<20000x128xf32, #tpu.memory_space<hbm>> -> memref<400x128xf32, #tpu.memory_space<hbm>>
        %dma_wait3A_76 = arith.constant 0 : i32
        %dma_wait3A_77 = tpu.memref_slice %arg10[%mul3A_63, %dma_wait3A_76] : memref<10000x128xf32, #tpu.memory_space<vmem_shared>> -> memref<400x128xf32, #tpu.memory_space<vmem_shared>>
        tpu.wait_dma2 semaphore(%run_scoped3A_69 : memref<!tpu.dma_semaphore, #tpu.memory_space<semaphore_mem>>) src(%dma_wait3A_77 : memref<400x128xf32, #tpu.memory_space<vmem_shared>>) dst(%dma_wait3A_75 : memref<400x128xf32, #tpu.memory_space<hbm>>)
        tpu.yield
      }) : () -> ()
    } else {
    }
    return
  }
}

module attributes {stable_mosaic.version = 14 : i64} {
  func.func @_tc_y_body(%arg0: i32, %arg1: memref<1000x128xf32, #tpu.memory_space<vmem>>, %arg2: memref<128x128xf32, #tpu.memory_space<vmem>>, %arg3: memref<1x1000x32xf32, #tpu.memory_space<vmem>>, %arg4: memref<1000x128xf32, #tpu.memory_space<vmem>>, %arg5: memref<1000x1xf32, #tpu.memory_space<vmem>>) attributes {dimension_semantics = [#tpu.dimension_semantics<arbitrary>], iteration_bounds = array<i64: 10>, scalar_prefetch = 0 : i64, scratch_operands = 0 : i64, tpu.core_type = #tpu.core_type<tc>, window_params = [{transform_indices = @transform_0, window_bounds = array<i64: 1000, 128>}, {pipeline_mode = #tpu.pipeline_mode<synchronous>, transform_indices = @transform_1, window_bounds = array<i64: 128, 128>}, {transform_indices = @transform_2, window_bounds = array<i64: 1, 1000, 32>}, {transform_indices = @transform_3, window_bounds = array<i64: 1000, 128>}, {transform_indices = @transform_4, window_bounds = array<i64: 1000, 1>}]} {
    %get3A = arith.constant 0 : index
    %get3A_0 = arith.constant 0 : index
    %get3A_1 = arith.constant 0 : index
    %get3A_2 = vector.load %arg3[%get3A, %get3A_0, %get3A_1] : memref<1x1000x32xf32, #tpu.memory_space<vmem>>, vector<1x1000x32xf32>
    %get3A_3 = vector.shape_cast %get3A_2 : vector<1x1000x32xf32> to vector<1000x32xf32>
    %reduce_sum3A = arith.constant dense<0.000000e+00> : vector<1000xf32>
    %reduce_sum3A_4 = vector.multi_reduction <add>, %get3A_3, %reduce_sum3A [1] : vector<1000x32xf32> to vector<1000xf32>
    %broadcast_in_dim3A = vector.shape_cast %reduce_sum3A_4 : vector<1000xf32> to vector<1000x1xf32>
    %add3A = arith.constant 1.000000e+00 : f32
    %add3A_5 = vector.broadcast %add3A : f32 to vector<1000x1xf32>
    %add3A_6 = arith.addf %broadcast_in_dim3A, %add3A_5 : vector<1000x1xf32>
    %rsqrt3A = math.rsqrt %add3A_6 : vector<1000x1xf32>
    %get3A_7 = arith.constant 0 : index
    %get3A_8 = arith.constant 0 : index
    %get3A_9 = vector.load %arg1[%get3A_7, %get3A_8] : memref<1000x128xf32, #tpu.memory_space<vmem>>, vector<1000x128xf32>
    %get3A_10 = arith.constant 0 : index
    %get3A_11 = arith.constant 0 : index
    %get3A_12 = vector.load %arg2[%get3A_10, %get3A_11] : memref<128x128xf32, #tpu.memory_space<vmem>>, vector<128x128xf32>
    %dot_general3A = arith.constant dense<0.000000e+00> : vector<1000x128xf32>
    %dot_general3A_13 = tpu.matmul %get3A_9, %get3A_12, %dot_general3A {dimension_numbers = #tpu.dot_dimension_numbers<[1], [0], [0], [1], [0, 0, 1, 1], [], []>, transpose_lhs_hint = false} : vector<1000x128xf32>, vector<128x128xf32>, vector<1000x128xf32> -> vector<1000x128xf32>
    %mul3A = vector.broadcast %rsqrt3A : vector<1000x1xf32> to vector<1000x128xf32>
    %mul3A_14 = arith.mulf %dot_general3A_13, %mul3A : vector<1000x128xf32>
    %swap3A = arith.constant 0 : index
    %swap3A_15 = arith.constant 0 : index
    %swap3A_16 = vector.load %arg4[%swap3A, %swap3A_15] : memref<1000x128xf32, #tpu.memory_space<vmem>>, vector<1000x128xf32>
    tpu.vector_store %arg4[%swap3A, %swap3A_15], %mul3A_14 {strides = array<i32>} : memref<1000x128xf32, #tpu.memory_space<vmem>>, vector<1000x128xf32>,
    %swap3A_17 = arith.constant 0 : index
    %swap3A_18 = arith.constant 0 : index
    %swap3A_19 = vector.load %arg5[%swap3A_17, %swap3A_18] : memref<1000x1xf32, #tpu.memory_space<vmem>>, vector<1000x1xf32>
    tpu.vector_store %arg5[%swap3A_17, %swap3A_18], %rsqrt3A {strides = array<i32>} : memref<1000x1xf32, #tpu.memory_space<vmem>>, vector<1000x1xf32>,
    return
  }
  func.func @transform_0(%arg0: i32) -> (i32, i32) {
    %c0_i32 = arith.constant 0 : i32
    %c0_i32_0 = arith.constant 0 : i32
    return %arg0, %c0_i32 : i32, i32
  }
  func.func @transform_1(%arg0: i32) -> (i32, i32) {
    %c0_i32 = arith.constant 0 : i32
    %c0_i32_0 = arith.constant 0 : i32
    %c0_i32_1 = arith.constant 0 : i32
    return %c0_i32, %c0_i32_0 : i32, i32
  }
  func.func @transform_2(%arg0: i32) -> (i32, i32, i32) {
    %c0_i32 = arith.constant 0 : i32
    %c0_i32_0 = arith.constant 0 : i32
    %c0_i32_1 = arith.constant 0 : i32
    return %arg0, %c0_i32, %c0_i32_0 : i32, i32, i32
  }
  func.func @transform_3(%arg0: i32) -> (i32, i32) {
    %c0_i32 = arith.constant 0 : i32
    %c0_i32_0 = arith.constant 0 : i32
    return %arg0, %c0_i32 : i32, i32
  }
  func.func @transform_4(%arg0: i32) -> (i32, i32) {
    %c0_i32 = arith.constant 0 : i32
    %c0_i32_0 = arith.constant 0 : i32
    return %arg0, %c0_i32 : i32, i32
  }
}

module attributes {stable_mosaic.version = 14 : i64} {
  func.func @_tc_tail_body(%arg0: i32, %arg1: memref<2x1000x128xf32, #tpu.memory_space<vmem>>, %arg2: memref<1000x128xf32, #tpu.memory_space<vmem>>, %arg3: memref<1000x1xf32, #tpu.memory_space<vmem>>, %arg4: memref<1x128xf32, #tpu.memory_space<vmem>>, %arg5: memref<1x1x1000xi32, #tpu.memory_space<vmem>>, %arg6: memref<128x512xf32, #tpu.memory_space<vmem>>, %arg7: memref<128x512xf32, #tpu.memory_space<vmem>>, %arg8: memref<1x512xf32, #tpu.memory_space<vmem>>, %arg9: memref<1x512xf32, #tpu.memory_space<vmem>>, %arg10: memref<128x10xf32, #tpu.memory_space<vmem>>, %arg11: memref<1x10xf32, #tpu.memory_space<vmem>>, %arg12: memref<64x10xf32, #tpu.memory_space<vmem>>, %arg13: memref<64x128xf32, #tpu.memory_space<vmem>>, %arg14: memref<64x128xf32, #tpu.memory_space<vmem>>, %arg15: memref<64x128xf32, #tpu.memory_space<vmem>>) attributes {dimension_semantics = [#tpu.dimension_semantics<arbitrary>], iteration_bounds = array<i64: 10>, scalar_prefetch = 0 : i64, scratch_operands = 3 : i64, tpu.core_type = #tpu.core_type<tc>, window_params = [{transform_indices = @transform_0, window_bounds = array<i64: 2, 1000, 128>}, {transform_indices = @transform_1, window_bounds = array<i64: 1000, 128>}, {transform_indices = @transform_2, window_bounds = array<i64: 1000, 1>}, {pipeline_mode = #tpu.pipeline_mode<synchronous>, transform_indices = @transform_3, window_bounds = array<i64: 1, 128>}, {transform_indices = @transform_4, window_bounds = array<i64: 1, 1, 1000>}, {pipeline_mode = #tpu.pipeline_mode<synchronous>, transform_indices = @transform_5, window_bounds = array<i64: 128, 512>}, {pipeline_mode = #tpu.pipeline_mode<synchronous>, transform_indices = @transform_6, window_bounds = array<i64: 128, 512>}, {pipeline_mode = #tpu.pipeline_mode<synchronous>, transform_indices = @transform_7, window_bounds = array<i64: 1, 512>}, {pipeline_mode = #tpu.pipeline_mode<synchronous>, transform_indices = @transform_8, window_bounds = array<i64: 1, 512>}, {pipeline_mode = #tpu.pipeline_mode<synchronous>, transform_indices = @transform_9, window_bounds = array<i64: 128, 10>}, {pipeline_mode = #tpu.pipeline_mode<synchronous>, transform_indices = @transform_10, window_bounds = array<i64: 1, 10>}, {pipeline_mode = #tpu.pipeline_mode<synchronous>, transform_indices = @transform_11, window_bounds = array<i64: 64, 10>}]} {
    %eq3A = arith.constant 0 : i32
    %eq3A_0 = arith.cmpi eq, %arg0, %eq3A : i32
    %convert_element_type3A = arith.extui %eq3A_0 : i1 to i32
    %cond3A = arith.constant 0 : i32
    %cond3A_1 = arith.cmpi ne, %convert_element_type3A, %cond3A : i32
    scf.if %cond3A_1 {
      %broadcast_in_dim3A_55 = arith.constant 0.000000e+00 : f32
      %broadcast_in_dim3A_56 = vector.broadcast %broadcast_in_dim3A_55 : f32 to vector<64x128xf32>
      %swap3A_57 = arith.constant 0 : index
      %swap3A_58 = arith.constant 0 : index
      %swap3A_59 = vector.load %arg13[%swap3A_57, %swap3A_58] : memref<64x128xf32, #tpu.memory_space<vmem>>, vector<64x128xf32>
      tpu.vector_store %arg13[%swap3A_57, %swap3A_58], %broadcast_in_dim3A_56 {strides = array<i32>} : memref<64x128xf32, #tpu.memory_space<vmem>>, vector<64x128xf32>,
      %broadcast_in_dim3A_60 = arith.constant 0.000000e+00 : f32
      %broadcast_in_dim3A_61 = vector.broadcast %broadcast_in_dim3A_60 : f32 to vector<64x128xf32>
      %swap3A_62 = arith.constant 0 : index
      %swap3A_63 = arith.constant 0 : index
      %swap3A_64 = vector.load %arg14[%swap3A_62, %swap3A_63] : memref<64x128xf32, #tpu.memory_space<vmem>>, vector<64x128xf32>
      tpu.vector_store %arg14[%swap3A_62, %swap3A_63], %broadcast_in_dim3A_61 {strides = array<i32>} : memref<64x128xf32, #tpu.memory_space<vmem>>, vector<64x128xf32>,
    } else {
    }
    %get3A = arith.constant 0 : index
    %get3A_2 = arith.constant 0 : index
    %get3A_3 = arith.constant 0 : index
    %get3A_4 = vector.load %arg1[%get3A, %get3A_2, %get3A_3] : memref<2x1000x128xf32, #tpu.memory_space<vmem>>, vector<1x1000x128xf32>
    %get3A_5 = vector.shape_cast %get3A_4 : vector<1x1000x128xf32> to vector<1000x128xf32>
    %get3A_6 = arith.constant 1 : index
    %get3A_7 = arith.constant 0 : index
    %get3A_8 = arith.constant 0 : index
    %get3A_9 = vector.load %arg1[%get3A_6, %get3A_7, %get3A_8] : memref<2x1000x128xf32, #tpu.memory_space<vmem>>, vector<1x1000x128xf32>
    %get3A_10 = vector.shape_cast %get3A_9 : vector<1x1000x128xf32> to vector<1000x128xf32>
    %add3A = arith.addf %get3A_5, %get3A_10 : vector<1000x128xf32>
    %get3A_11 = arith.constant 0 : index
    %get3A_12 = arith.constant 0 : index
    %get3A_13 = vector.load %arg2[%get3A_11, %get3A_12] : memref<1000x128xf32, #tpu.memory_space<vmem>>, vector<1000x128xf32>
    %add3A_14 = arith.addf %add3A, %get3A_13 : vector<1000x128xf32>
    %get3A_15 = arith.constant 0 : index
    %get3A_16 = arith.constant 0 : index
    %get3A_17 = vector.load %arg3[%get3A_15, %get3A_16] : memref<1000x1xf32, #tpu.memory_space<vmem>>, vector<1000x1xf32>
    %mul3A = vector.broadcast %get3A_17 : vector<1000x1xf32> to vector<1000x128xf32>
    %mul3A_18 = arith.mulf %add3A_14, %mul3A : vector<1000x128xf32>
    %get3A_19 = arith.constant 0 : index
    %get3A_20 = arith.constant 0 : index
    %get3A_21 = vector.load %arg4[%get3A_19, %get3A_20] : memref<1x128xf32, #tpu.memory_space<vmem>>, vector<1x128xf32>
    %add3A_22 = vector.broadcast %get3A_21 : vector<1x128xf32> to vector<1000x128xf32>
    %add3A_23 = arith.addf %mul3A_18, %add3A_22 : vector<1000x128xf32>
    %max3A = arith.constant 0.000000e+00 : f32
    %max3A_24 = vector.broadcast %max3A : f32 to vector<1000x128xf32>
    %max3A_25 = arith.maximumf %add3A_23, %max3A_24 : vector<1000x128xf32>
    %get3A_26 = arith.constant 0 : index
    %get3A_27 = arith.constant 0 : index
    %get3A_28 = arith.constant 0 : index
    %get3A_29 = vector.load %arg5[%get3A_26, %get3A_27, %get3A_28] : memref<1x1x1000xi32, #tpu.memory_space<vmem>>, vector<1x1x1000xi32>
    %get3A_30 = vector.shape_cast %get3A_29 : vector<1x1x1000xi32> to vector<1x1000xi32>
    %iota3A = tpu.iota {dimensions = array<i32: 0>} : vector<64x1000xi32>
    %eq3A_31 = vector.broadcast %get3A_30 : vector<1x1000xi32> to vector<64x1000xi32>
    %eq3A_32 = arith.cmpi eq, %iota3A, %eq3A_31 : vector<64x1000xi32>
    %convert_element_type3A_33 = arith.extui %eq3A_32 : vector<64x1000xi1> to vector<64x1000xi32>
    %convert_element_type3A_34 = arith.sitofp %convert_element_type3A_33 : vector<64x1000xi32> to vector<64x1000xf32>
    %get3A_35 = arith.constant 0 : index
    %get3A_36 = arith.constant 0 : index
    %get3A_37 = vector.load %arg13[%get3A_35, %get3A_36] : memref<64x128xf32, #tpu.memory_space<vmem>>, vector<64x128xf32>
    %dot_general3A = arith.constant dense<0.000000e+00> : vector<64x128xf32>
    %dot_general3A_38 = tpu.matmul %convert_element_type3A_34, %max3A_25, %dot_general3A {dimension_numbers = #tpu.dot_dimension_numbers<[1], [0], [0], [1], [0, 0, 1, 1], [], []>, transpose_lhs_hint = false} : vector<64x1000xf32>, vector<1000x128xf32>, vector<64x128xf32> -> vector<64x128xf32>
    %add3A_39 = arith.addf %get3A_37, %dot_general3A_38 : vector<64x128xf32>
    %swap3A = arith.constant 0 : index
    %swap3A_40 = arith.constant 0 : index
    %swap3A_41 = vector.load %arg13[%swap3A, %swap3A_40] : memref<64x128xf32, #tpu.memory_space<vmem>>, vector<64x128xf32>
    tpu.vector_store %arg13[%swap3A, %swap3A_40], %add3A_39 {strides = array<i32>} : memref<64x128xf32, #tpu.memory_space<vmem>>, vector<64x128xf32>,
    %get3A_42 = arith.constant 0 : index
    %get3A_43 = arith.constant 0 : index
    %get3A_44 = vector.load %arg14[%get3A_42, %get3A_43] : memref<64x128xf32, #tpu.memory_space<vmem>>, vector<64x1xf32>
    %reduce_sum3A = arith.constant dense<0.000000e+00> : vector<64xf32>
    %reduce_sum3A_45 = vector.multi_reduction <add>, %convert_element_type3A_34, %reduce_sum3A [1] : vector<64x1000xf32> to vector<64xf32>
    %broadcast_in_dim3A = vector.shape_cast %reduce_sum3A_45 : vector<64xf32> to vector<64x1xf32>
    %add3A_46 = arith.addf %get3A_44, %broadcast_in_dim3A : vector<64x1xf32>
    %swap3A_47 = arith.constant 0 : index
    %swap3A_48 = arith.constant 0 : index
    %swap3A_49 = vector.load %arg14[%swap3A_47, %swap3A_48] : memref<64x128xf32, #tpu.memory_space<vmem>>, vector<64x1xf32>
    tpu.vector_store %arg14[%swap3A_47, %swap3A_48], %add3A_46 {strides = array<i32>} : memref<64x128xf32, #tpu.memory_space<vmem>>, vector<64x1xf32>,
    %eq3A_50 = arith.constant 9 : i32
    %eq3A_51 = arith.cmpi eq, %arg0, %eq3A_50 : i32
    %convert_element_type3A_52 = arith.extui %eq3A_51 : i1 to i32
    %cond3A_53 = arith.constant 0 : i32
    %cond3A_54 = arith.cmpi ne, %convert_element_type3A_52, %cond3A_53 : i32
    scf.if %cond3A_54 {
      %get3A_55 = arith.constant 0 : index
      %get3A_56 = arith.constant 0 : index
      %get3A_57 = vector.load %arg13[%get3A_55, %get3A_56] : memref<64x128xf32, #tpu.memory_space<vmem>>, vector<64x128xf32>
      %get3A_58 = arith.constant 0 : index
      %get3A_59 = arith.constant 0 : index
      %get3A_60 = vector.load %arg14[%get3A_58, %get3A_59] : memref<64x128xf32, #tpu.memory_space<vmem>>, vector<64x1xf32>
      %max3A_61 = arith.constant 1.000000e+00 : f32
      %max3A_62 = vector.broadcast %max3A_61 : f32 to vector<64x1xf32>
      %max3A_63 = arith.maximumf %get3A_60, %max3A_62 : vector<64x1xf32>
      %div3A = vector.broadcast %max3A_63 : vector<64x1xf32> to vector<64x128xf32>
      %div3A_64 = arith.divf %get3A_57, %div3A : vector<64x128xf32>
      %get3A_65 = arith.constant 0 : index
      %get3A_66 = arith.constant 0 : index
      %get3A_67 = vector.load %arg8[%get3A_65, %get3A_66] : memref<1x512xf32, #tpu.memory_space<vmem>>, vector<1x512xf32>
      %get3A_68 = arith.constant 0 : index
      %get3A_69 = arith.constant 0 : index
      %get3A_70 = vector.load %arg9[%get3A_68, %get3A_69] : memref<1x512xf32, #tpu.memory_space<vmem>>, vector<1x512xf32>
      %add3A_71 = arith.addf %get3A_67, %get3A_70 : vector<1x512xf32>
      %get3A_72 = arith.constant 0 : index
      %get3A_73 = arith.constant 0 : index
      %get3A_74 = vector.load %arg6[%get3A_72, %get3A_73] : memref<128x512xf32, #tpu.memory_space<vmem>>, vector<128x512xf32>
      %dot_general3A_75 = arith.constant dense<0.000000e+00> : vector<64x512xf32>
      %dot_general3A_76 = tpu.matmul %div3A_64, %get3A_74, %dot_general3A_75 {dimension_numbers = #tpu.dot_dimension_numbers<[1], [0], [0], [1], [0, 0, 1, 1], [], []>, transpose_lhs_hint = false} : vector<64x128xf32>, vector<128x512xf32>, vector<64x512xf32> -> vector<64x512xf32>
      %add3A_77 = vector.broadcast %add3A_71 : vector<1x512xf32> to vector<64x512xf32>
      %add3A_78 = arith.addf %dot_general3A_76, %add3A_77 : vector<64x512xf32>
      %broadcast_in_dim3A_79 = arith.constant 0.000000e+00 : f32
      %broadcast_in_dim3A_80 = vector.broadcast %broadcast_in_dim3A_79 : f32 to vector<1x128xf32>
      %broadcast_in_dim3A_81 = arith.constant 0.000000e+00 : f32
      %broadcast_in_dim3A_82 = vector.broadcast %broadcast_in_dim3A_81 : f32 to vector<1x128xf32>
      %slice3A = vector.extract_strided_slice %add3A_78 {offsets = [0, 0], sizes = [1, 512], strides = [1, 1]} : vector<64x512xf32> to vector<1x512xf32>
      %get3A_83 = arith.constant 0 : index
      %get3A_84 = arith.constant 0 : index
      %get3A_85 = vector.load %arg7[%get3A_83, %get3A_84] : memref<128x512xf32, #tpu.memory_space<vmem>>, vector<128x512xf32>
      %dot_general3A_86 = arith.constant dense<0.000000e+00> : vector<1x512xf32>
      %dot_general3A_87 = tpu.matmul %broadcast_in_dim3A_80, %get3A_85, %dot_general3A_86 {dimension_numbers = #tpu.dot_dimension_numbers<[1], [0], [0], [1], [0, 0, 1, 1], [], []>, transpose_lhs_hint = false} : vector<1x128xf32>, vector<128x512xf32>, vector<1x512xf32> -> vector<1x512xf32>
      %add3A_88 = arith.addf %slice3A, %dot_general3A_87 : vector<1x512xf32>
      %slice3A_89 = vector.extract_strided_slice %add3A_88 {offsets = [0, 0], sizes = [1, 128], strides = [1, 1]} : vector<1x512xf32> to vector<1x128xf32>
      %logistic3A = arith.negf %slice3A_89 : vector<1x128xf32>
      %logistic3A_90 = math.exp %logistic3A : vector<1x128xf32>
      %logistic3A_91 = arith.constant 1.000000e+00 : f32
      %logistic3A_92 = vector.broadcast %logistic3A_91 : f32 to vector<1x128xf32>
      %logistic3A_93 = arith.addf %logistic3A_92, %logistic3A_90 : vector<1x128xf32>
      %logistic3A_94 = arith.divf %logistic3A_92, %logistic3A_93 : vector<1x128xf32>
      %slice3A_95 = vector.extract_strided_slice %add3A_88 {offsets = [0, 128], sizes = [1, 128], strides = [1, 1]} : vector<1x512xf32> to vector<1x128xf32>
      %logistic3A_96 = arith.negf %slice3A_95 : vector<1x128xf32>
      %logistic3A_97 = math.exp %logistic3A_96 : vector<1x128xf32>
      %logistic3A_98 = arith.constant 1.000000e+00 : f32
      %logistic3A_99 = vector.broadcast %logistic3A_98 : f32 to vector<1x128xf32>
      %logistic3A_100 = arith.addf %logistic3A_99, %logistic3A_97 : vector<1x128xf32>
      %logistic3A_101 = arith.divf %logistic3A_99, %logistic3A_100 : vector<1x128xf32>
      %slice3A_102 = vector.extract_strided_slice %add3A_88 {offsets = [0, 256], sizes = [1, 128], strides = [1, 1]} : vector<1x512xf32> to vector<1x128xf32>
      %tanh3A = math.tanh %slice3A_102 : vector<1x128xf32>
      %slice3A_103 = vector.extract_strided_slice %add3A_88 {offsets = [0, 384], sizes = [1, 128], strides = [1, 1]} : vector<1x512xf32> to vector<1x128xf32>
      %logistic3A_104 = arith.negf %slice3A_103 : vector<1x128xf32>
      %logistic3A_105 = math.exp %logistic3A_104 : vector<1x128xf32>
      %logistic3A_106 = arith.constant 1.000000e+00 : f32
      %logistic3A_107 = vector.broadcast %logistic3A_106 : f32 to vector<1x128xf32>
      %logistic3A_108 = arith.addf %logistic3A_107, %logistic3A_105 : vector<1x128xf32>
      %logistic3A_109 = arith.divf %logistic3A_107, %logistic3A_108 : vector<1x128xf32>
      %mul3A_110 = arith.mulf %logistic3A_101, %broadcast_in_dim3A_82 : vector<1x128xf32>
      %mul3A_111 = arith.mulf %logistic3A_94, %tanh3A : vector<1x128xf32>
      %add3A_112 = arith.addf %mul3A_110, %mul3A_111 : vector<1x128xf32>
      %tanh3A_113 = math.tanh %add3A_112 : vector<1x128xf32>
      %mul3A_114 = arith.mulf %logistic3A_109, %tanh3A_113 : vector<1x128xf32>
      %swap3A_115 = arith.constant 0 : index
      %swap3A_116 = arith.constant 0 : index
      %swap3A_117 = vector.load %arg15[%swap3A_115, %swap3A_116] : memref<64x128xf32, #tpu.memory_space<vmem>>, vector<1x128xf32>
      tpu.vector_store %arg15[%swap3A_115, %swap3A_116], %mul3A_114 {strides = array<i32>} : memref<64x128xf32, #tpu.memory_space<vmem>>, vector<1x128xf32>,
      %slice3A_118 = vector.extract_strided_slice %add3A_78 {offsets = [1, 0], sizes = [1, 512], strides = [1, 1]} : vector<64x512xf32> to vector<1x512xf32>
      %get3A_119 = arith.constant 0 : index
      %get3A_120 = arith.constant 0 : index
      %get3A_121 = vector.load %arg7[%get3A_119, %get3A_120] : memref<128x512xf32, #tpu.memory_space<vmem>>, vector<128x512xf32>
      %dot_general3A_122 = arith.constant dense<0.000000e+00> : vector<1x512xf32>
      %dot_general3A_123 = tpu.matmul %mul3A_114, %get3A_121, %dot_general3A_122 {dimension_numbers = #tpu.dot_dimension_numbers<[1], [0], [0], [1], [0, 0, 1, 1], [], []>, transpose_lhs_hint = false} : vector<1x128xf32>, vector<128x512xf32>, vector<1x512xf32> -> vector<1x512xf32>
      %add3A_124 = arith.addf %slice3A_118, %dot_general3A_123 : vector<1x512xf32>
      %slice3A_125 = vector.extract_strided_slice %add3A_124 {offsets = [0, 0], sizes = [1, 128], strides = [1, 1]} : vector<1x512xf32> to vector<1x128xf32>
      %logistic3A_126 = arith.negf %slice3A_125 : vector<1x128xf32>
      %logistic3A_127 = math.exp %logistic3A_126 : vector<1x128xf32>
      %logistic3A_128 = arith.constant 1.000000e+00 : f32
      %logistic3A_129 = vector.broadcast %logistic3A_128 : f32 to vector<1x128xf32>
      %logistic3A_130 = arith.addf %logistic3A_129, %logistic3A_127 : vector<1x128xf32>
      %logistic3A_131 = arith.divf %logistic3A_129, %logistic3A_130 : vector<1x128xf32>
      %slice3A_132 = vector.extract_strided_slice %add3A_124 {offsets = [0, 128], sizes = [1, 128], strides = [1, 1]} : vector<1x512xf32> to vector<1x128xf32>
      %logistic3A_133 = arith.negf %slice3A_132 : vector<1x128xf32>
      %logistic3A_134 = math.exp %logistic3A_133 : vector<1x128xf32>
      %logistic3A_135 = arith.constant 1.000000e+00 : f32
      %logistic3A_136 = vector.broadcast %logistic3A_135 : f32 to vector<1x128xf32>
      %logistic3A_137 = arith.addf %logistic3A_136, %logistic3A_134 : vector<1x128xf32>
      %logistic3A_138 = arith.divf %logistic3A_136, %logistic3A_137 : vector<1x128xf32>
      %slice3A_139 = vector.extract_strided_slice %add3A_124 {offsets = [0, 256], sizes = [1, 128], strides = [1, 1]} : vector<1x512xf32> to vector<1x128xf32>
      %tanh3A_140 = math.tanh %slice3A_139 : vector<1x128xf32>
      %slice3A_141 = vector.extract_strided_slice %add3A_124 {offsets = [0, 384], sizes = [1, 128], strides = [1, 1]} : vector<1x512xf32> to vector<1x128xf32>
      %logistic3A_142 = arith.negf %slice3A_141 : vector<1x128xf32>
      %logistic3A_143 = math.exp %logistic3A_142 : vector<1x128xf32>
      %logistic3A_144 = arith.constant 1.000000e+00 : f32
      %logistic3A_145 = vector.broadcast %logistic3A_144 : f32 to vector<1x128xf32>
      %logistic3A_146 = arith.addf %logistic3A_145, %logistic3A_143 : vector<1x128xf32>
      %logistic3A_147 = arith.divf %logistic3A_145, %logistic3A_146 : vector<1x128xf32>
      %mul3A_148 = arith.mulf %logistic3A_138, %add3A_112 : vector<1x128xf32>
      %mul3A_149 = arith.mulf %logistic3A_131, %tanh3A_140 : vector<1x128xf32>
      %add3A_150 = arith.addf %mul3A_148, %mul3A_149 : vector<1x128xf32>
      %tanh3A_151 = math.tanh %add3A_150 : vector<1x128xf32>
      %mul3A_152 = arith.mulf %logistic3A_147, %tanh3A_151 : vector<1x128xf32>
      %swap3A_153 = arith.constant 1 : index
      %swap3A_154 = arith.constant 0 : index
      %swap3A_155 = vector.load %arg15[%swap3A_153, %swap3A_154] : memref<64x128xf32, #tpu.memory_space<vmem>>, vector<1x128xf32>
      tpu.vector_store %arg15[%swap3A_153, %swap3A_154], %mul3A_152 {strides = array<i32>} : memref<64x128xf32, #tpu.memory_space<vmem>>, vector<1x128xf32>,
      %slice3A_156 = vector.extract_strided_slice %add3A_78 {offsets = [2, 0], sizes = [1, 512], strides = [1, 1]} : vector<64x512xf32> to vector<1x512xf32>
      %get3A_157 = arith.constant 0 : index
      %get3A_158 = arith.constant 0 : index
      %get3A_159 = vector.load %arg7[%get3A_157, %get3A_158] : memref<128x512xf32, #tpu.memory_space<vmem>>, vector<128x512xf32>
      %dot_general3A_160 = arith.constant dense<0.000000e+00> : vector<1x512xf32>
      %dot_general3A_161 = tpu.matmul %mul3A_152, %get3A_159, %dot_general3A_160 {dimension_numbers = #tpu.dot_dimension_numbers<[1], [0], [0], [1], [0, 0, 1, 1], [], []>, transpose_lhs_hint = false} : vector<1x128xf32>, vector<128x512xf32>, vector<1x512xf32> -> vector<1x512xf32>
      %add3A_162 = arith.addf %slice3A_156, %dot_general3A_161 : vector<1x512xf32>
      %slice3A_163 = vector.extract_strided_slice %add3A_162 {offsets = [0, 0], sizes = [1, 128], strides = [1, 1]} : vector<1x512xf32> to vector<1x128xf32>
      %logistic3A_164 = arith.negf %slice3A_163 : vector<1x128xf32>
      %logistic3A_165 = math.exp %logistic3A_164 : vector<1x128xf32>
      %logistic3A_166 = arith.constant 1.000000e+00 : f32
      %logistic3A_167 = vector.broadcast %logistic3A_166 : f32 to vector<1x128xf32>
      %logistic3A_168 = arith.addf %logistic3A_167, %logistic3A_165 : vector<1x128xf32>
      %logistic3A_169 = arith.divf %logistic3A_167, %logistic3A_168 : vector<1x128xf32>
      %slice3A_170 = vector.extract_strided_slice %add3A_162 {offsets = [0, 128], sizes = [1, 128], strides = [1, 1]} : vector<1x512xf32> to vector<1x128xf32>
      %logistic3A_171 = arith.negf %slice3A_170 : vector<1x128xf32>
      %logistic3A_172 = math.exp %logistic3A_171 : vector<1x128xf32>
      %logistic3A_173 = arith.constant 1.000000e+00 : f32
      %logistic3A_174 = vector.broadcast %logistic3A_173 : f32 to vector<1x128xf32>
      %logistic3A_175 = arith.addf %logistic3A_174, %logistic3A_172 : vector<1x128xf32>
      %logistic3A_176 = arith.divf %logistic3A_174, %logistic3A_175 : vector<1x128xf32>
      %slice3A_177 = vector.extract_strided_slice %add3A_162 {offsets = [0, 256], sizes = [1, 128], strides = [1, 1]} : vector<1x512xf32> to vector<1x128xf32>
      %tanh3A_178 = math.tanh %slice3A_177 : vector<1x128xf32>
      %slice3A_179 = vector.extract_strided_slice %add3A_162 {offsets = [0, 384], sizes = [1, 128], strides = [1, 1]} : vector<1x512xf32> to vector<1x128xf32>
      %logistic3A_180 = arith.negf %slice3A_179 : vector<1x128xf32>
      %logistic3A_181 = math.exp %logistic3A_180 : vector<1x128xf32>
      %logistic3A_182 = arith.constant 1.000000e+00 : f32
      %logistic3A_183 = vector.broadcast %logistic3A_182 : f32 to vector<1x128xf32>
      %logistic3A_184 = arith.addf %logistic3A_183, %logistic3A_181 : vector<1x128xf32>
      %logistic3A_185 = arith.divf %logistic3A_183, %logistic3A_184 : vector<1x128xf32>
      %mul3A_186 = arith.mulf %logistic3A_176, %add3A_150 : vector<1x128xf32>
      %mul3A_187 = arith.mulf %logistic3A_169, %tanh3A_178 : vector<1x128xf32>
      %add3A_188 = arith.addf %mul3A_186, %mul3A_187 : vector<1x128xf32>
      %tanh3A_189 = math.tanh %add3A_188 : vector<1x128xf32>
      %mul3A_190 = arith.mulf %logistic3A_185, %tanh3A_189 : vector<1x128xf32>
      %swap3A_191 = arith.constant 2 : index
      %swap3A_192 = arith.constant 0 : index
      %swap3A_193 = vector.load %arg15[%swap3A_191, %swap3A_192] : memref<64x128xf32, #tpu.memory_space<vmem>>, vector<1x128xf32>
      tpu.vector_store %arg15[%swap3A_191, %swap3A_192], %mul3A_190 {strides = array<i32>} : memref<64x128xf32, #tpu.memory_space<vmem>>, vector<1x128xf32>,
      %slice3A_194 = vector.extract_strided_slice %add3A_78 {offsets = [3, 0], sizes = [1, 512], strides = [1, 1]} : vector<64x512xf32> to vector<1x512xf32>
      %get3A_195 = arith.constant 0 : index
      %get3A_196 = arith.constant 0 : index
      %get3A_197 = vector.load %arg7[%get3A_195, %get3A_196] : memref<128x512xf32, #tpu.memory_space<vmem>>, vector<128x512xf32>
      %dot_general3A_198 = arith.constant dense<0.000000e+00> : vector<1x512xf32>
      %dot_general3A_199 = tpu.matmul %mul3A_190, %get3A_197, %dot_general3A_198 {dimension_numbers = #tpu.dot_dimension_numbers<[1], [0], [0], [1], [0, 0, 1, 1], [], []>, transpose_lhs_hint = false} : vector<1x128xf32>, vector<128x512xf32>, vector<1x512xf32> -> vector<1x512xf32>
      %add3A_200 = arith.addf %slice3A_194, %dot_general3A_199 : vector<1x512xf32>
      %slice3A_201 = vector.extract_strided_slice %add3A_200 {offsets = [0, 0], sizes = [1, 128], strides = [1, 1]} : vector<1x512xf32> to vector<1x128xf32>
      %logistic3A_202 = arith.negf %slice3A_201 : vector<1x128xf32>
      %logistic3A_203 = math.exp %logistic3A_202 : vector<1x128xf32>
      %logistic3A_204 = arith.constant 1.000000e+00 : f32
      %logistic3A_205 = vector.broadcast %logistic3A_204 : f32 to vector<1x128xf32>
      %logistic3A_206 = arith.addf %logistic3A_205, %logistic3A_203 : vector<1x128xf32>
      %logistic3A_207 = arith.divf %logistic3A_205, %logistic3A_206 : vector<1x128xf32>
      %slice3A_208 = vector.extract_strided_slice %add3A_200 {offsets = [0, 128], sizes = [1, 128], strides = [1, 1]} : vector<1x512xf32> to vector<1x128xf32>
      %logistic3A_209 = arith.negf %slice3A_208 : vector<1x128xf32>
      %logistic3A_210 = math.exp %logistic3A_209 : vector<1x128xf32>
      %logistic3A_211 = arith.constant 1.000000e+00 : f32
      %logistic3A_212 = vector.broadcast %logistic3A_211 : f32 to vector<1x128xf32>
      %logistic3A_213 = arith.addf %logistic3A_212, %logistic3A_210 : vector<1x128xf32>
      %logistic3A_214 = arith.divf %logistic3A_212, %logistic3A_213 : vector<1x128xf32>
      %slice3A_215 = vector.extract_strided_slice %add3A_200 {offsets = [0, 256], sizes = [1, 128], strides = [1, 1]} : vector<1x512xf32> to vector<1x128xf32>
      %tanh3A_216 = math.tanh %slice3A_215 : vector<1x128xf32>
      %slice3A_217 = vector.extract_strided_slice %add3A_200 {offsets = [0, 384], sizes = [1, 128], strides = [1, 1]} : vector<1x512xf32> to vector<1x128xf32>
      %logistic3A_218 = arith.negf %slice3A_217 : vector<1x128xf32>
      %logistic3A_219 = math.exp %logistic3A_218 : vector<1x128xf32>
      %logistic3A_220 = arith.constant 1.000000e+00 : f32
      %logistic3A_221 = vector.broadcast %logistic3A_220 : f32 to vector<1x128xf32>
      %logistic3A_222 = arith.addf %logistic3A_221, %logistic3A_219 : vector<1x128xf32>
      %logistic3A_223 = arith.divf %logistic3A_221, %logistic3A_222 : vector<1x128xf32>
      %mul3A_224 = arith.mulf %logistic3A_214, %add3A_188 : vector<1x128xf32>
      %mul3A_225 = arith.mulf %logistic3A_207, %tanh3A_216 : vector<1x128xf32>
      %add3A_226 = arith.addf %mul3A_224, %mul3A_225 : vector<1x128xf32>
      %tanh3A_227 = math.tanh %add3A_226 : vector<1x128xf32>
      %mul3A_228 = arith.mulf %logistic3A_223, %tanh3A_227 : vector<1x128xf32>
      %swap3A_229 = arith.constant 3 : index
      %swap3A_230 = arith.constant 0 : index
      %swap3A_231 = vector.load %arg15[%swap3A_229, %swap3A_230] : memref<64x128xf32, #tpu.memory_space<vmem>>, vector<1x128xf32>
      tpu.vector_store %arg15[%swap3A_229, %swap3A_230], %mul3A_228 {strides = array<i32>} : memref<64x128xf32, #tpu.memory_space<vmem>>, vector<1x128xf32>,
      %slice3A_232 = vector.extract_strided_slice %add3A_78 {offsets = [4, 0], sizes = [1, 512], strides = [1, 1]} : vector<64x512xf32> to vector<1x512xf32>
      %get3A_233 = arith.constant 0 : index
      %get3A_234 = arith.constant 0 : index
      %get3A_235 = vector.load %arg7[%get3A_233, %get3A_234] : memref<128x512xf32, #tpu.memory_space<vmem>>, vector<128x512xf32>
      %dot_general3A_236 = arith.constant dense<0.000000e+00> : vector<1x512xf32>
      %dot_general3A_237 = tpu.matmul %mul3A_228, %get3A_235, %dot_general3A_236 {dimension_numbers = #tpu.dot_dimension_numbers<[1], [0], [0], [1], [0, 0, 1, 1], [], []>, transpose_lhs_hint = false} : vector<1x128xf32>, vector<128x512xf32>, vector<1x512xf32> -> vector<1x512xf32>
      %add3A_238 = arith.addf %slice3A_232, %dot_general3A_237 : vector<1x512xf32>
      %slice3A_239 = vector.extract_strided_slice %add3A_238 {offsets = [0, 0], sizes = [1, 128], strides = [1, 1]} : vector<1x512xf32> to vector<1x128xf32>
      %logistic3A_240 = arith.negf %slice3A_239 : vector<1x128xf32>
      %logistic3A_241 = math.exp %logistic3A_240 : vector<1x128xf32>
      %logistic3A_242 = arith.constant 1.000000e+00 : f32
      %logistic3A_243 = vector.broadcast %logistic3A_242 : f32 to vector<1x128xf32>
      %logistic3A_244 = arith.addf %logistic3A_243, %logistic3A_241 : vector<1x128xf32>
      %logistic3A_245 = arith.divf %logistic3A_243, %logistic3A_244 : vector<1x128xf32>
      %slice3A_246 = vector.extract_strided_slice %add3A_238 {offsets = [0, 128], sizes = [1, 128], strides = [1, 1]} : vector<1x512xf32> to vector<1x128xf32>
      %logistic3A_247 = arith.negf %slice3A_246 : vector<1x128xf32>
      %logistic3A_248 = math.exp %logistic3A_247 : vector<1x128xf32>
      %logistic3A_249 = arith.constant 1.000000e+00 : f32
      %logistic3A_250 = vector.broadcast %logistic3A_249 : f32 to vector<1x128xf32>
      %logistic3A_251 = arith.addf %logistic3A_250, %logistic3A_248 : vector<1x128xf32>
      %logistic3A_252 = arith.divf %logistic3A_250, %logistic3A_251 : vector<1x128xf32>
      %slice3A_253 = vector.extract_strided_slice %add3A_238 {offsets = [0, 256], sizes = [1, 128], strides = [1, 1]} : vector<1x512xf32> to vector<1x128xf32>
      %tanh3A_254 = math.tanh %slice3A_253 : vector<1x128xf32>
      %slice3A_255 = vector.extract_strided_slice %add3A_238 {offsets = [0, 384], sizes = [1, 128], strides = [1, 1]} : vector<1x512xf32> to vector<1x128xf32>
      %logistic3A_256 = arith.negf %slice3A_255 : vector<1x128xf32>
      %logistic3A_257 = math.exp %logistic3A_256 : vector<1x128xf32>
      %logistic3A_258 = arith.constant 1.000000e+00 : f32
      %logistic3A_259 = vector.broadcast %logistic3A_258 : f32 to vector<1x128xf32>
      %logistic3A_260 = arith.addf %logistic3A_259, %logistic3A_257 : vector<1x128xf32>
      %logistic3A_261 = arith.divf %logistic3A_259, %logistic3A_260 : vector<1x128xf32>
      %mul3A_262 = arith.mulf %logistic3A_252, %add3A_226 : vector<1x128xf32>
      %mul3A_263 = arith.mulf %logistic3A_245, %tanh3A_254 : vector<1x128xf32>
      %add3A_264 = arith.addf %mul3A_262, %mul3A_263 : vector<1x128xf32>
      %tanh3A_265 = math.tanh %add3A_264 : vector<1x128xf32>
      %mul3A_266 = arith.mulf %logistic3A_261, %tanh3A_265 : vector<1x128xf32>
      %swap3A_267 = arith.constant 4 : index
      %swap3A_268 = arith.constant 0 : index
      %swap3A_269 = vector.load %arg15[%swap3A_267, %swap3A_268] : memref<64x128xf32, #tpu.memory_space<vmem>>, vector<1x128xf32>
      tpu.vector_store %arg15[%swap3A_267, %swap3A_268], %mul3A_266 {strides = array<i32>} : memref<64x128xf32, #tpu.memory_space<vmem>>, vector<1x128xf32>,
      %slice3A_270 = vector.extract_strided_slice %add3A_78 {offsets = [5, 0], sizes = [1, 512], strides = [1, 1]} : vector<64x512xf32> to vector<1x512xf32>
      %get3A_271 = arith.constant 0 : index
      %get3A_272 = arith.constant 0 : index
      %get3A_273 = vector.load %arg7[%get3A_271, %get3A_272] : memref<128x512xf32, #tpu.memory_space<vmem>>, vector<128x512xf32>
      %dot_general3A_274 = arith.constant dense<0.000000e+00> : vector<1x512xf32>
      %dot_general3A_275 = tpu.matmul %mul3A_266, %get3A_273, %dot_general3A_274 {dimension_numbers = #tpu.dot_dimension_numbers<[1], [0], [0], [1], [0, 0, 1, 1], [], []>, transpose_lhs_hint = false} : vector<1x128xf32>, vector<128x512xf32>, vector<1x512xf32> -> vector<1x512xf32>
      %add3A_276 = arith.addf %slice3A_270, %dot_general3A_275 : vector<1x512xf32>
      %slice3A_277 = vector.extract_strided_slice %add3A_276 {offsets = [0, 0], sizes = [1, 128], strides = [1, 1]} : vector<1x512xf32> to vector<1x128xf32>
      %logistic3A_278 = arith.negf %slice3A_277 : vector<1x128xf32>
      %logistic3A_279 = math.exp %logistic3A_278 : vector<1x128xf32>
      %logistic3A_280 = arith.constant 1.000000e+00 : f32
      %logistic3A_281 = vector.broadcast %logistic3A_280 : f32 to vector<1x128xf32>
      %logistic3A_282 = arith.addf %logistic3A_281, %logistic3A_279 : vector<1x128xf32>
      %logistic3A_283 = arith.divf %logistic3A_281, %logistic3A_282 : vector<1x128xf32>
      %slice3A_284 = vector.extract_strided_slice %add3A_276 {offsets = [0, 128], sizes = [1, 128], strides = [1, 1]} : vector<1x512xf32> to vector<1x128xf32>
      %logistic3A_285 = arith.negf %slice3A_284 : vector<1x128xf32>
      %logistic3A_286 = math.exp %logistic3A_285 : vector<1x128xf32>
      %logistic3A_287 = arith.constant 1.000000e+00 : f32
      %logistic3A_288 = vector.broadcast %logistic3A_287 : f32 to vector<1x128xf32>
      %logistic3A_289 = arith.addf %logistic3A_288, %logistic3A_286 : vector<1x128xf32>
      %logistic3A_290 = arith.divf %logistic3A_288, %logistic3A_289 : vector<1x128xf32>
      %slice3A_291 = vector.extract_strided_slice %add3A_276 {offsets = [0, 256], sizes = [1, 128], strides = [1, 1]} : vector<1x512xf32> to vector<1x128xf32>
      %tanh3A_292 = math.tanh %slice3A_291 : vector<1x128xf32>
      %slice3A_293 = vector.extract_strided_slice %add3A_276 {offsets = [0, 384], sizes = [1, 128], strides = [1, 1]} : vector<1x512xf32> to vector<1x128xf32>
      %logistic3A_294 = arith.negf %slice3A_293 : vector<1x128xf32>
      %logistic3A_295 = math.exp %logistic3A_294 : vector<1x128xf32>
      %logistic3A_296 = arith.constant 1.000000e+00 : f32
      %logistic3A_297 = vector.broadcast %logistic3A_296 : f32 to vector<1x128xf32>
      %logistic3A_298 = arith.addf %logistic3A_297, %logistic3A_295 : vector<1x128xf32>
      %logistic3A_299 = arith.divf %logistic3A_297, %logistic3A_298 : vector<1x128xf32>
      %mul3A_300 = arith.mulf %logistic3A_290, %add3A_264 : vector<1x128xf32>
      %mul3A_301 = arith.mulf %logistic3A_283, %tanh3A_292 : vector<1x128xf32>
      %add3A_302 = arith.addf %mul3A_300, %mul3A_301 : vector<1x128xf32>
      %tanh3A_303 = math.tanh %add3A_302 : vector<1x128xf32>
      %mul3A_304 = arith.mulf %logistic3A_299, %tanh3A_303 : vector<1x128xf32>
      %swap3A_305 = arith.constant 5 : index
      %swap3A_306 = arith.constant 0 : index
      %swap3A_307 = vector.load %arg15[%swap3A_305, %swap3A_306] : memref<64x128xf32, #tpu.memory_space<vmem>>, vector<1x128xf32>
      tpu.vector_store %arg15[%swap3A_305, %swap3A_306], %mul3A_304 {strides = array<i32>} : memref<64x128xf32, #tpu.memory_space<vmem>>, vector<1x128xf32>,
      %slice3A_308 = vector.extract_strided_slice %add3A_78 {offsets = [6, 0], sizes = [1, 512], strides = [1, 1]} : vector<64x512xf32> to vector<1x512xf32>
      %get3A_309 = arith.constant 0 : index
      %get3A_310 = arith.constant 0 : index
      %get3A_311 = vector.load %arg7[%get3A_309, %get3A_310] : memref<128x512xf32, #tpu.memory_space<vmem>>, vector<128x512xf32>
      %dot_general3A_312 = arith.constant dense<0.000000e+00> : vector<1x512xf32>
      %dot_general3A_313 = tpu.matmul %mul3A_304, %get3A_311, %dot_general3A_312 {dimension_numbers = #tpu.dot_dimension_numbers<[1], [0], [0], [1], [0, 0, 1, 1], [], []>, transpose_lhs_hint = false} : vector<1x128xf32>, vector<128x512xf32>, vector<1x512xf32> -> vector<1x512xf32>
      %add3A_314 = arith.addf %slice3A_308, %dot_general3A_313 : vector<1x512xf32>
      %slice3A_315 = vector.extract_strided_slice %add3A_314 {offsets = [0, 0], sizes = [1, 128], strides = [1, 1]} : vector<1x512xf32> to vector<1x128xf32>
      %logistic3A_316 = arith.negf %slice3A_315 : vector<1x128xf32>
      %logistic3A_317 = math.exp %logistic3A_316 : vector<1x128xf32>
      %logistic3A_318 = arith.constant 1.000000e+00 : f32
      %logistic3A_319 = vector.broadcast %logistic3A_318 : f32 to vector<1x128xf32>
      %logistic3A_320 = arith.addf %logistic3A_319, %logistic3A_317 : vector<1x128xf32>
      %logistic3A_321 = arith.divf %logistic3A_319, %logistic3A_320 : vector<1x128xf32>
      %slice3A_322 = vector.extract_strided_slice %add3A_314 {offsets = [0, 128], sizes = [1, 128], strides = [1, 1]} : vector<1x512xf32> to vector<1x128xf32>
      %logistic3A_323 = arith.negf %slice3A_322 : vector<1x128xf32>
      %logistic3A_324 = math.exp %logistic3A_323 : vector<1x128xf32>
      %logistic3A_325 = arith.constant 1.000000e+00 : f32
      %logistic3A_326 = vector.broadcast %logistic3A_325 : f32 to vector<1x128xf32>
      %logistic3A_327 = arith.addf %logistic3A_326, %logistic3A_324 : vector<1x128xf32>
      %logistic3A_328 = arith.divf %logistic3A_326, %logistic3A_327 : vector<1x128xf32>
      %slice3A_329 = vector.extract_strided_slice %add3A_314 {offsets = [0, 256], sizes = [1, 128], strides = [1, 1]} : vector<1x512xf32> to vector<1x128xf32>
      %tanh3A_330 = math.tanh %slice3A_329 : vector<1x128xf32>
      %slice3A_331 = vector.extract_strided_slice %add3A_314 {offsets = [0, 384], sizes = [1, 128], strides = [1, 1]} : vector<1x512xf32> to vector<1x128xf32>
      %logistic3A_332 = arith.negf %slice3A_331 : vector<1x128xf32>
      %logistic3A_333 = math.exp %logistic3A_332 : vector<1x128xf32>
      %logistic3A_334 = arith.constant 1.000000e+00 : f32
      %logistic3A_335 = vector.broadcast %logistic3A_334 : f32 to vector<1x128xf32>
      %logistic3A_336 = arith.addf %logistic3A_335, %logistic3A_333 : vector<1x128xf32>
      %logistic3A_337 = arith.divf %logistic3A_335, %logistic3A_336 : vector<1x128xf32>
      %mul3A_338 = arith.mulf %logistic3A_328, %add3A_302 : vector<1x128xf32>
      %mul3A_339 = arith.mulf %logistic3A_321, %tanh3A_330 : vector<1x128xf32>
      %add3A_340 = arith.addf %mul3A_338, %mul3A_339 : vector<1x128xf32>
      %tanh3A_341 = math.tanh %add3A_340 : vector<1x128xf32>
      %mul3A_342 = arith.mulf %logistic3A_337, %tanh3A_341 : vector<1x128xf32>
      %swap3A_343 = arith.constant 6 : index
      %swap3A_344 = arith.constant 0 : index
      %swap3A_345 = vector.load %arg15[%swap3A_343, %swap3A_344] : memref<64x128xf32, #tpu.memory_space<vmem>>, vector<1x128xf32>
      tpu.vector_store %arg15[%swap3A_343, %swap3A_344], %mul3A_342 {strides = array<i32>} : memref<64x128xf32, #tpu.memory_space<vmem>>, vector<1x128xf32>,
      %slice3A_346 = vector.extract_strided_slice %add3A_78 {offsets = [7, 0], sizes = [1, 512], strides = [1, 1]} : vector<64x512xf32> to vector<1x512xf32>
      %get3A_347 = arith.constant 0 : index
      %get3A_348 = arith.constant 0 : index
      %get3A_349 = vector.load %arg7[%get3A_347, %get3A_348] : memref<128x512xf32, #tpu.memory_space<vmem>>, vector<128x512xf32>
      %dot_general3A_350 = arith.constant dense<0.000000e+00> : vector<1x512xf32>
      %dot_general3A_351 = tpu.matmul %mul3A_342, %get3A_349, %dot_general3A_350 {dimension_numbers = #tpu.dot_dimension_numbers<[1], [0], [0], [1], [0, 0, 1, 1], [], []>, transpose_lhs_hint = false} : vector<1x128xf32>, vector<128x512xf32>, vector<1x512xf32> -> vector<1x512xf32>
      %add3A_352 = arith.addf %slice3A_346, %dot_general3A_351 : vector<1x512xf32>
      %slice3A_353 = vector.extract_strided_slice %add3A_352 {offsets = [0, 0], sizes = [1, 128], strides = [1, 1]} : vector<1x512xf32> to vector<1x128xf32>
      %logistic3A_354 = arith.negf %slice3A_353 : vector<1x128xf32>
      %logistic3A_355 = math.exp %logistic3A_354 : vector<1x128xf32>
      %logistic3A_356 = arith.constant 1.000000e+00 : f32
      %logistic3A_357 = vector.broadcast %logistic3A_356 : f32 to vector<1x128xf32>
      %logistic3A_358 = arith.addf %logistic3A_357, %logistic3A_355 : vector<1x128xf32>
      %logistic3A_359 = arith.divf %logistic3A_357, %logistic3A_358 : vector<1x128xf32>
      %slice3A_360 = vector.extract_strided_slice %add3A_352 {offsets = [0, 128], sizes = [1, 128], strides = [1, 1]} : vector<1x512xf32> to vector<1x128xf32>
      %logistic3A_361 = arith.negf %slice3A_360 : vector<1x128xf32>
      %logistic3A_362 = math.exp %logistic3A_361 : vector<1x128xf32>
      %logistic3A_363 = arith.constant 1.000000e+00 : f32
      %logistic3A_364 = vector.broadcast %logistic3A_363 : f32 to vector<1x128xf32>
      %logistic3A_365 = arith.addf %logistic3A_364, %logistic3A_362 : vector<1x128xf32>
      %logistic3A_366 = arith.divf %logistic3A_364, %logistic3A_365 : vector<1x128xf32>
      %slice3A_367 = vector.extract_strided_slice %add3A_352 {offsets = [0, 256], sizes = [1, 128], strides = [1, 1]} : vector<1x512xf32> to vector<1x128xf32>
      %tanh3A_368 = math.tanh %slice3A_367 : vector<1x128xf32>
      %slice3A_369 = vector.extract_strided_slice %add3A_352 {offsets = [0, 384], sizes = [1, 128], strides = [1, 1]} : vector<1x512xf32> to vector<1x128xf32>
      %logistic3A_370 = arith.negf %slice3A_369 : vector<1x128xf32>
      %logistic3A_371 = math.exp %logistic3A_370 : vector<1x128xf32>
      %logistic3A_372 = arith.constant 1.000000e+00 : f32
      %logistic3A_373 = vector.broadcast %logistic3A_372 : f32 to vector<1x128xf32>
      %logistic3A_374 = arith.addf %logistic3A_373, %logistic3A_371 : vector<1x128xf32>
      %logistic3A_375 = arith.divf %logistic3A_373, %logistic3A_374 : vector<1x128xf32>
      %mul3A_376 = arith.mulf %logistic3A_366, %add3A_340 : vector<1x128xf32>
      %mul3A_377 = arith.mulf %logistic3A_359, %tanh3A_368 : vector<1x128xf32>
      %add3A_378 = arith.addf %mul3A_376, %mul3A_377 : vector<1x128xf32>
      %tanh3A_379 = math.tanh %add3A_378 : vector<1x128xf32>
      %mul3A_380 = arith.mulf %logistic3A_375, %tanh3A_379 : vector<1x128xf32>
      %swap3A_381 = arith.constant 7 : index
      %swap3A_382 = arith.constant 0 : index
      %swap3A_383 = vector.load %arg15[%swap3A_381, %swap3A_382] : memref<64x128xf32, #tpu.memory_space<vmem>>, vector<1x128xf32>
      tpu.vector_store %arg15[%swap3A_381, %swap3A_382], %mul3A_380 {strides = array<i32>} : memref<64x128xf32, #tpu.memory_space<vmem>>, vector<1x128xf32>,
      %slice3A_384 = vector.extract_strided_slice %add3A_78 {offsets = [8, 0], sizes = [1, 512], strides = [1, 1]} : vector<64x512xf32> to vector<1x512xf32>
      %get3A_385 = arith.constant 0 : index
      %get3A_386 = arith.constant 0 : index
      %get3A_387 = vector.load %arg7[%get3A_385, %get3A_386] : memref<128x512xf32, #tpu.memory_space<vmem>>, vector<128x512xf32>
      %dot_general3A_388 = arith.constant dense<0.000000e+00> : vector<1x512xf32>
      %dot_general3A_389 = tpu.matmul %mul3A_380, %get3A_387, %dot_general3A_388 {dimension_numbers = #tpu.dot_dimension_numbers<[1], [0], [0], [1], [0, 0, 1, 1], [], []>, transpose_lhs_hint = false} : vector<1x128xf32>, vector<128x512xf32>, vector<1x512xf32> -> vector<1x512xf32>
      %add3A_390 = arith.addf %slice3A_384, %dot_general3A_389 : vector<1x512xf32>
      %slice3A_391 = vector.extract_strided_slice %add3A_390 {offsets = [0, 0], sizes = [1, 128], strides = [1, 1]} : vector<1x512xf32> to vector<1x128xf32>
      %logistic3A_392 = arith.negf %slice3A_391 : vector<1x128xf32>
      %logistic3A_393 = math.exp %logistic3A_392 : vector<1x128xf32>
      %logistic3A_394 = arith.constant 1.000000e+00 : f32
      %logistic3A_395 = vector.broadcast %logistic3A_394 : f32 to vector<1x128xf32>
      %logistic3A_396 = arith.addf %logistic3A_395, %logistic3A_393 : vector<1x128xf32>
      %logistic3A_397 = arith.divf %logistic3A_395, %logistic3A_396 : vector<1x128xf32>
      %slice3A_398 = vector.extract_strided_slice %add3A_390 {offsets = [0, 128], sizes = [1, 128], strides = [1, 1]} : vector<1x512xf32> to vector<1x128xf32>
      %logistic3A_399 = arith.negf %slice3A_398 : vector<1x128xf32>
      %logistic3A_400 = math.exp %logistic3A_399 : vector<1x128xf32>
      %logistic3A_401 = arith.constant 1.000000e+00 : f32
      %logistic3A_402 = vector.broadcast %logistic3A_401 : f32 to vector<1x128xf32>
      %logistic3A_403 = arith.addf %logistic3A_402, %logistic3A_400 : vector<1x128xf32>
      %logistic3A_404 = arith.divf %logistic3A_402, %logistic3A_403 : vector<1x128xf32>
      %slice3A_405 = vector.extract_strided_slice %add3A_390 {offsets = [0, 256], sizes = [1, 128], strides = [1, 1]} : vector<1x512xf32> to vector<1x128xf32>
      %tanh3A_406 = math.tanh %slice3A_405 : vector<1x128xf32>
      %slice3A_407 = vector.extract_strided_slice %add3A_390 {offsets = [0, 384], sizes = [1, 128], strides = [1, 1]} : vector<1x512xf32> to vector<1x128xf32>
      %logistic3A_408 = arith.negf %slice3A_407 : vector<1x128xf32>
      %logistic3A_409 = math.exp %logistic3A_408 : vector<1x128xf32>
      %logistic3A_410 = arith.constant 1.000000e+00 : f32
      %logistic3A_411 = vector.broadcast %logistic3A_410 : f32 to vector<1x128xf32>
      %logistic3A_412 = arith.addf %logistic3A_411, %logistic3A_409 : vector<1x128xf32>
      %logistic3A_413 = arith.divf %logistic3A_411, %logistic3A_412 : vector<1x128xf32>
      %mul3A_414 = arith.mulf %logistic3A_404, %add3A_378 : vector<1x128xf32>
      %mul3A_415 = arith.mulf %logistic3A_397, %tanh3A_406 : vector<1x128xf32>
      %add3A_416 = arith.addf %mul3A_414, %mul3A_415 : vector<1x128xf32>
      %tanh3A_417 = math.tanh %add3A_416 : vector<1x128xf32>
      %mul3A_418 = arith.mulf %logistic3A_413, %tanh3A_417 : vector<1x128xf32>
      %swap3A_419 = arith.constant 8 : index
      %swap3A_420 = arith.constant 0 : index
      %swap3A_421 = vector.load %arg15[%swap3A_419, %swap3A_420] : memref<64x128xf32, #tpu.memory_space<vmem>>, vector<1x128xf32>
      tpu.vector_store %arg15[%swap3A_419, %swap3A_420], %mul3A_418 {strides = array<i32>} : memref<64x128xf32, #tpu.memory_space<vmem>>, vector<1x128xf32>,
      %slice3A_422 = vector.extract_strided_slice %add3A_78 {offsets = [9, 0], sizes = [1, 512], strides = [1, 1]} : vector<64x512xf32> to vector<1x512xf32>
      %get3A_423 = arith.constant 0 : index
      %get3A_424 = arith.constant 0 : index
      %get3A_425 = vector.load %arg7[%get3A_423, %get3A_424] : memref<128x512xf32, #tpu.memory_space<vmem>>, vector<128x512xf32>
      %dot_general3A_426 = arith.constant dense<0.000000e+00> : vector<1x512xf32>
      %dot_general3A_427 = tpu.matmul %mul3A_418, %get3A_425, %dot_general3A_426 {dimension_numbers = #tpu.dot_dimension_numbers<[1], [0], [0], [1], [0, 0, 1, 1], [], []>, transpose_lhs_hint = false} : vector<1x128xf32>, vector<128x512xf32>, vector<1x512xf32> -> vector<1x512xf32>
      %add3A_428 = arith.addf %slice3A_422, %dot_general3A_427 : vector<1x512xf32>
      %slice3A_429 = vector.extract_strided_slice %add3A_428 {offsets = [0, 0], sizes = [1, 128], strides = [1, 1]} : vector<1x512xf32> to vector<1x128xf32>
      %logistic3A_430 = arith.negf %slice3A_429 : vector<1x128xf32>
      %logistic3A_431 = math.exp %logistic3A_430 : vector<1x128xf32>
      %logistic3A_432 = arith.constant 1.000000e+00 : f32
      %logistic3A_433 = vector.broadcast %logistic3A_432 : f32 to vector<1x128xf32>
      %logistic3A_434 = arith.addf %logistic3A_433, %logistic3A_431 : vector<1x128xf32>
      %logistic3A_435 = arith.divf %logistic3A_433, %logistic3A_434 : vector<1x128xf32>
      %slice3A_436 = vector.extract_strided_slice %add3A_428 {offsets = [0, 128], sizes = [1, 128], strides = [1, 1]} : vector<1x512xf32> to vector<1x128xf32>
      %logistic3A_437 = arith.negf %slice3A_436 : vector<1x128xf32>
      %logistic3A_438 = math.exp %logistic3A_437 : vector<1x128xf32>
      %logistic3A_439 = arith.constant 1.000000e+00 : f32
      %logistic3A_440 = vector.broadcast %logistic3A_439 : f32 to vector<1x128xf32>
      %logistic3A_441 = arith.addf %logistic3A_440, %logistic3A_438 : vector<1x128xf32>
      %logistic3A_442 = arith.divf %logistic3A_440, %logistic3A_441 : vector<1x128xf32>
      %slice3A_443 = vector.extract_strided_slice %add3A_428 {offsets = [0, 256], sizes = [1, 128], strides = [1, 1]} : vector<1x512xf32> to vector<1x128xf32>
      %tanh3A_444 = math.tanh %slice3A_443 : vector<1x128xf32>
      %slice3A_445 = vector.extract_strided_slice %add3A_428 {offsets = [0, 384], sizes = [1, 128], strides = [1, 1]} : vector<1x512xf32> to vector<1x128xf32>
      %logistic3A_446 = arith.negf %slice3A_445 : vector<1x128xf32>
      %logistic3A_447 = math.exp %logistic3A_446 : vector<1x128xf32>
      %logistic3A_448 = arith.constant 1.000000e+00 : f32
      %logistic3A_449 = vector.broadcast %logistic3A_448 : f32 to vector<1x128xf32>
      %logistic3A_450 = arith.addf %logistic3A_449, %logistic3A_447 : vector<1x128xf32>
      %logistic3A_451 = arith.divf %logistic3A_449, %logistic3A_450 : vector<1x128xf32>
      %mul3A_452 = arith.mulf %logistic3A_442, %add3A_416 : vector<1x128xf32>
      %mul3A_453 = arith.mulf %logistic3A_435, %tanh3A_444 : vector<1x128xf32>
      %add3A_454 = arith.addf %mul3A_452, %mul3A_453 : vector<1x128xf32>
      %tanh3A_455 = math.tanh %add3A_454 : vector<1x128xf32>
      %mul3A_456 = arith.mulf %logistic3A_451, %tanh3A_455 : vector<1x128xf32>
      %swap3A_457 = arith.constant 9 : index
      %swap3A_458 = arith.constant 0 : index
      %swap3A_459 = vector.load %arg15[%swap3A_457, %swap3A_458] : memref<64x128xf32, #tpu.memory_space<vmem>>, vector<1x128xf32>
      tpu.vector_store %arg15[%swap3A_457, %swap3A_458], %mul3A_456 {strides = array<i32>} : memref<64x128xf32, #tpu.memory_space<vmem>>, vector<1x128xf32>,
      %slice3A_460 = vector.extract_strided_slice %add3A_78 {offsets = [10, 0], sizes = [1, 512], strides = [1, 1]} : vector<64x512xf32> to vector<1x512xf32>
      %get3A_461 = arith.constant 0 : index
      %get3A_462 = arith.constant 0 : index
      %get3A_463 = vector.load %arg7[%get3A_461, %get3A_462] : memref<128x512xf32, #tpu.memory_space<vmem>>, vector<128x512xf32>
      %dot_general3A_464 = arith.constant dense<0.000000e+00> : vector<1x512xf32>
      %dot_general3A_465 = tpu.matmul %mul3A_456, %get3A_463, %dot_general3A_464 {dimension_numbers = #tpu.dot_dimension_numbers<[1], [0], [0], [1], [0, 0, 1, 1], [], []>, transpose_lhs_hint = false} : vector<1x128xf32>, vector<128x512xf32>, vector<1x512xf32> -> vector<1x512xf32>
      %add3A_466 = arith.addf %slice3A_460, %dot_general3A_465 : vector<1x512xf32>
      %slice3A_467 = vector.extract_strided_slice %add3A_466 {offsets = [0, 0], sizes = [1, 128], strides = [1, 1]} : vector<1x512xf32> to vector<1x128xf32>
      %logistic3A_468 = arith.negf %slice3A_467 : vector<1x128xf32>
      %logistic3A_469 = math.exp %logistic3A_468 : vector<1x128xf32>
      %logistic3A_470 = arith.constant 1.000000e+00 : f32
      %logistic3A_471 = vector.broadcast %logistic3A_470 : f32 to vector<1x128xf32>
      %logistic3A_472 = arith.addf %logistic3A_471, %logistic3A_469 : vector<1x128xf32>
      %logistic3A_473 = arith.divf %logistic3A_471, %logistic3A_472 : vector<1x128xf32>
      %slice3A_474 = vector.extract_strided_slice %add3A_466 {offsets = [0, 128], sizes = [1, 128], strides = [1, 1]} : vector<1x512xf32> to vector<1x128xf32>
      %logistic3A_475 = arith.negf %slice3A_474 : vector<1x128xf32>
      %logistic3A_476 = math.exp %logistic3A_475 : vector<1x128xf32>
      %logistic3A_477 = arith.constant 1.000000e+00 : f32
      %logistic3A_478 = vector.broadcast %logistic3A_477 : f32 to vector<1x128xf32>
      %logistic3A_479 = arith.addf %logistic3A_478, %logistic3A_476 : vector<1x128xf32>
      %logistic3A_480 = arith.divf %logistic3A_478, %logistic3A_479 : vector<1x128xf32>
      %slice3A_481 = vector.extract_strided_slice %add3A_466 {offsets = [0, 256], sizes = [1, 128], strides = [1, 1]} : vector<1x512xf32> to vector<1x128xf32>
      %tanh3A_482 = math.tanh %slice3A_481 : vector<1x128xf32>
      %slice3A_483 = vector.extract_strided_slice %add3A_466 {offsets = [0, 384], sizes = [1, 128], strides = [1, 1]} : vector<1x512xf32> to vector<1x128xf32>
      %logistic3A_484 = arith.negf %slice3A_483 : vector<1x128xf32>
      %logistic3A_485 = math.exp %logistic3A_484 : vector<1x128xf32>
      %logistic3A_486 = arith.constant 1.000000e+00 : f32
      %logistic3A_487 = vector.broadcast %logistic3A_486 : f32 to vector<1x128xf32>
      %logistic3A_488 = arith.addf %logistic3A_487, %logistic3A_485 : vector<1x128xf32>
      %logistic3A_489 = arith.divf %logistic3A_487, %logistic3A_488 : vector<1x128xf32>
      %mul3A_490 = arith.mulf %logistic3A_480, %add3A_454 : vector<1x128xf32>
      %mul3A_491 = arith.mulf %logistic3A_473, %tanh3A_482 : vector<1x128xf32>
      %add3A_492 = arith.addf %mul3A_490, %mul3A_491 : vector<1x128xf32>
      %tanh3A_493 = math.tanh %add3A_492 : vector<1x128xf32>
      %mul3A_494 = arith.mulf %logistic3A_489, %tanh3A_493 : vector<1x128xf32>
      %swap3A_495 = arith.constant 10 : index
      %swap3A_496 = arith.constant 0 : index
      %swap3A_497 = vector.load %arg15[%swap3A_495, %swap3A_496] : memref<64x128xf32, #tpu.memory_space<vmem>>, vector<1x128xf32>
      tpu.vector_store %arg15[%swap3A_495, %swap3A_496], %mul3A_494 {strides = array<i32>} : memref<64x128xf32, #tpu.memory_space<vmem>>, vector<1x128xf32>,
      %slice3A_498 = vector.extract_strided_slice %add3A_78 {offsets = [11, 0], sizes = [1, 512], strides = [1, 1]} : vector<64x512xf32> to vector<1x512xf32>
      %get3A_499 = arith.constant 0 : index
      %get3A_500 = arith.constant 0 : index
      %get3A_501 = vector.load %arg7[%get3A_499, %get3A_500] : memref<128x512xf32, #tpu.memory_space<vmem>>, vector<128x512xf32>
      %dot_general3A_502 = arith.constant dense<0.000000e+00> : vector<1x512xf32>
      %dot_general3A_503 = tpu.matmul %mul3A_494, %get3A_501, %dot_general3A_502 {dimension_numbers = #tpu.dot_dimension_numbers<[1], [0], [0], [1], [0, 0, 1, 1], [], []>, transpose_lhs_hint = false} : vector<1x128xf32>, vector<128x512xf32>, vector<1x512xf32> -> vector<1x512xf32>
      %add3A_504 = arith.addf %slice3A_498, %dot_general3A_503 : vector<1x512xf32>
      %slice3A_505 = vector.extract_strided_slice %add3A_504 {offsets = [0, 0], sizes = [1, 128], strides = [1, 1]} : vector<1x512xf32> to vector<1x128xf32>
      %logistic3A_506 = arith.negf %slice3A_505 : vector<1x128xf32>
      %logistic3A_507 = math.exp %logistic3A_506 : vector<1x128xf32>
      %logistic3A_508 = arith.constant 1.000000e+00 : f32
      %logistic3A_509 = vector.broadcast %logistic3A_508 : f32 to vector<1x128xf32>
      %logistic3A_510 = arith.addf %logistic3A_509, %logistic3A_507 : vector<1x128xf32>
      %logistic3A_511 = arith.divf %logistic3A_509, %logistic3A_510 : vector<1x128xf32>
      %slice3A_512 = vector.extract_strided_slice %add3A_504 {offsets = [0, 128], sizes = [1, 128], strides = [1, 1]} : vector<1x512xf32> to vector<1x128xf32>
      %logistic3A_513 = arith.negf %slice3A_512 : vector<1x128xf32>
      %logistic3A_514 = math.exp %logistic3A_513 : vector<1x128xf32>
      %logistic3A_515 = arith.constant 1.000000e+00 : f32
      %logistic3A_516 = vector.broadcast %logistic3A_515 : f32 to vector<1x128xf32>
      %logistic3A_517 = arith.addf %logistic3A_516, %logistic3A_514 : vector<1x128xf32>
      %logistic3A_518 = arith.divf %logistic3A_516, %logistic3A_517 : vector<1x128xf32>
      %slice3A_519 = vector.extract_strided_slice %add3A_504 {offsets = [0, 256], sizes = [1, 128], strides = [1, 1]} : vector<1x512xf32> to vector<1x128xf32>
      %tanh3A_520 = math.tanh %slice3A_519 : vector<1x128xf32>
      %slice3A_521 = vector.extract_strided_slice %add3A_504 {offsets = [0, 384], sizes = [1, 128], strides = [1, 1]} : vector<1x512xf32> to vector<1x128xf32>
      %logistic3A_522 = arith.negf %slice3A_521 : vector<1x128xf32>
      %logistic3A_523 = math.exp %logistic3A_522 : vector<1x128xf32>
      %logistic3A_524 = arith.constant 1.000000e+00 : f32
      %logistic3A_525 = vector.broadcast %logistic3A_524 : f32 to vector<1x128xf32>
      %logistic3A_526 = arith.addf %logistic3A_525, %logistic3A_523 : vector<1x128xf32>
      %logistic3A_527 = arith.divf %logistic3A_525, %logistic3A_526 : vector<1x128xf32>
      %mul3A_528 = arith.mulf %logistic3A_518, %add3A_492 : vector<1x128xf32>
      %mul3A_529 = arith.mulf %logistic3A_511, %tanh3A_520 : vector<1x128xf32>
      %add3A_530 = arith.addf %mul3A_528, %mul3A_529 : vector<1x128xf32>
      %tanh3A_531 = math.tanh %add3A_530 : vector<1x128xf32>
      %mul3A_532 = arith.mulf %logistic3A_527, %tanh3A_531 : vector<1x128xf32>
      %swap3A_533 = arith.constant 11 : index
      %swap3A_534 = arith.constant 0 : index
      %swap3A_535 = vector.load %arg15[%swap3A_533, %swap3A_534] : memref<64x128xf32, #tpu.memory_space<vmem>>, vector<1x128xf32>
      tpu.vector_store %arg15[%swap3A_533, %swap3A_534], %mul3A_532 {strides = array<i32>} : memref<64x128xf32, #tpu.memory_space<vmem>>, vector<1x128xf32>,
      %slice3A_536 = vector.extract_strided_slice %add3A_78 {offsets = [12, 0], sizes = [1, 512], strides = [1, 1]} : vector<64x512xf32> to vector<1x512xf32>
      %get3A_537 = arith.constant 0 : index
      %get3A_538 = arith.constant 0 : index
      %get3A_539 = vector.load %arg7[%get3A_537, %get3A_538] : memref<128x512xf32, #tpu.memory_space<vmem>>, vector<128x512xf32>
      %dot_general3A_540 = arith.constant dense<0.000000e+00> : vector<1x512xf32>
      %dot_general3A_541 = tpu.matmul %mul3A_532, %get3A_539, %dot_general3A_540 {dimension_numbers = #tpu.dot_dimension_numbers<[1], [0], [0], [1], [0, 0, 1, 1], [], []>, transpose_lhs_hint = false} : vector<1x128xf32>, vector<128x512xf32>, vector<1x512xf32> -> vector<1x512xf32>
      %add3A_542 = arith.addf %slice3A_536, %dot_general3A_541 : vector<1x512xf32>
      %slice3A_543 = vector.extract_strided_slice %add3A_542 {offsets = [0, 0], sizes = [1, 128], strides = [1, 1]} : vector<1x512xf32> to vector<1x128xf32>
      %logistic3A_544 = arith.negf %slice3A_543 : vector<1x128xf32>
      %logistic3A_545 = math.exp %logistic3A_544 : vector<1x128xf32>
      %logistic3A_546 = arith.constant 1.000000e+00 : f32
      %logistic3A_547 = vector.broadcast %logistic3A_546 : f32 to vector<1x128xf32>
      %logistic3A_548 = arith.addf %logistic3A_547, %logistic3A_545 : vector<1x128xf32>
      %logistic3A_549 = arith.divf %logistic3A_547, %logistic3A_548 : vector<1x128xf32>
      %slice3A_550 = vector.extract_strided_slice %add3A_542 {offsets = [0, 128], sizes = [1, 128], strides = [1, 1]} : vector<1x512xf32> to vector<1x128xf32>
      %logistic3A_551 = arith.negf %slice3A_550 : vector<1x128xf32>
      %logistic3A_552 = math.exp %logistic3A_551 : vector<1x128xf32>
      %logistic3A_553 = arith.constant 1.000000e+00 : f32
      %logistic3A_554 = vector.broadcast %logistic3A_553 : f32 to vector<1x128xf32>
      %logistic3A_555 = arith.addf %logistic3A_554, %logistic3A_552 : vector<1x128xf32>
      %logistic3A_556 = arith.divf %logistic3A_554, %logistic3A_555 : vector<1x128xf32>
      %slice3A_557 = vector.extract_strided_slice %add3A_542 {offsets = [0, 256], sizes = [1, 128], strides = [1, 1]} : vector<1x512xf32> to vector<1x128xf32>
      %tanh3A_558 = math.tanh %slice3A_557 : vector<1x128xf32>
      %slice3A_559 = vector.extract_strided_slice %add3A_542 {offsets = [0, 384], sizes = [1, 128], strides = [1, 1]} : vector<1x512xf32> to vector<1x128xf32>
      %logistic3A_560 = arith.negf %slice3A_559 : vector<1x128xf32>
      %logistic3A_561 = math.exp %logistic3A_560 : vector<1x128xf32>
      %logistic3A_562 = arith.constant 1.000000e+00 : f32
      %logistic3A_563 = vector.broadcast %logistic3A_562 : f32 to vector<1x128xf32>
      %logistic3A_564 = arith.addf %logistic3A_563, %logistic3A_561 : vector<1x128xf32>
      %logistic3A_565 = arith.divf %logistic3A_563, %logistic3A_564 : vector<1x128xf32>
      %mul3A_566 = arith.mulf %logistic3A_556, %add3A_530 : vector<1x128xf32>
      %mul3A_567 = arith.mulf %logistic3A_549, %tanh3A_558 : vector<1x128xf32>
      %add3A_568 = arith.addf %mul3A_566, %mul3A_567 : vector<1x128xf32>
      %tanh3A_569 = math.tanh %add3A_568 : vector<1x128xf32>
      %mul3A_570 = arith.mulf %logistic3A_565, %tanh3A_569 : vector<1x128xf32>
      %swap3A_571 = arith.constant 12 : index
      %swap3A_572 = arith.constant 0 : index
      %swap3A_573 = vector.load %arg15[%swap3A_571, %swap3A_572] : memref<64x128xf32, #tpu.memory_space<vmem>>, vector<1x128xf32>
      tpu.vector_store %arg15[%swap3A_571, %swap3A_572], %mul3A_570 {strides = array<i32>} : memref<64x128xf32, #tpu.memory_space<vmem>>, vector<1x128xf32>,
      %slice3A_574 = vector.extract_strided_slice %add3A_78 {offsets = [13, 0], sizes = [1, 512], strides = [1, 1]} : vector<64x512xf32> to vector<1x512xf32>
      %get3A_575 = arith.constant 0 : index
      %get3A_576 = arith.constant 0 : index
      %get3A_577 = vector.load %arg7[%get3A_575, %get3A_576] : memref<128x512xf32, #tpu.memory_space<vmem>>, vector<128x512xf32>
      %dot_general3A_578 = arith.constant dense<0.000000e+00> : vector<1x512xf32>
      %dot_general3A_579 = tpu.matmul %mul3A_570, %get3A_577, %dot_general3A_578 {dimension_numbers = #tpu.dot_dimension_numbers<[1], [0], [0], [1], [0, 0, 1, 1], [], []>, transpose_lhs_hint = false} : vector<1x128xf32>, vector<128x512xf32>, vector<1x512xf32> -> vector<1x512xf32>
      %add3A_580 = arith.addf %slice3A_574, %dot_general3A_579 : vector<1x512xf32>
      %slice3A_581 = vector.extract_strided_slice %add3A_580 {offsets = [0, 0], sizes = [1, 128], strides = [1, 1]} : vector<1x512xf32> to vector<1x128xf32>
      %logistic3A_582 = arith.negf %slice3A_581 : vector<1x128xf32>
      %logistic3A_583 = math.exp %logistic3A_582 : vector<1x128xf32>
      %logistic3A_584 = arith.constant 1.000000e+00 : f32
      %logistic3A_585 = vector.broadcast %logistic3A_584 : f32 to vector<1x128xf32>
      %logistic3A_586 = arith.addf %logistic3A_585, %logistic3A_583 : vector<1x128xf32>
      %logistic3A_587 = arith.divf %logistic3A_585, %logistic3A_586 : vector<1x128xf32>
      %slice3A_588 = vector.extract_strided_slice %add3A_580 {offsets = [0, 128], sizes = [1, 128], strides = [1, 1]} : vector<1x512xf32> to vector<1x128xf32>
      %logistic3A_589 = arith.negf %slice3A_588 : vector<1x128xf32>
      %logistic3A_590 = math.exp %logistic3A_589 : vector<1x128xf32>
      %logistic3A_591 = arith.constant 1.000000e+00 : f32
      %logistic3A_592 = vector.broadcast %logistic3A_591 : f32 to vector<1x128xf32>
      %logistic3A_593 = arith.addf %logistic3A_592, %logistic3A_590 : vector<1x128xf32>
      %logistic3A_594 = arith.divf %logistic3A_592, %logistic3A_593 : vector<1x128xf32>
      %slice3A_595 = vector.extract_strided_slice %add3A_580 {offsets = [0, 256], sizes = [1, 128], strides = [1, 1]} : vector<1x512xf32> to vector<1x128xf32>
      %tanh3A_596 = math.tanh %slice3A_595 : vector<1x128xf32>
      %slice3A_597 = vector.extract_strided_slice %add3A_580 {offsets = [0, 384], sizes = [1, 128], strides = [1, 1]} : vector<1x512xf32> to vector<1x128xf32>
      %logistic3A_598 = arith.negf %slice3A_597 : vector<1x128xf32>
      %logistic3A_599 = math.exp %logistic3A_598 : vector<1x128xf32>
      %logistic3A_600 = arith.constant 1.000000e+00 : f32
      %logistic3A_601 = vector.broadcast %logistic3A_600 : f32 to vector<1x128xf32>
      %logistic3A_602 = arith.addf %logistic3A_601, %logistic3A_599 : vector<1x128xf32>
      %logistic3A_603 = arith.divf %logistic3A_601, %logistic3A_602 : vector<1x128xf32>
      %mul3A_604 = arith.mulf %logistic3A_594, %add3A_568 : vector<1x128xf32>
      %mul3A_605 = arith.mulf %logistic3A_587, %tanh3A_596 : vector<1x128xf32>
      %add3A_606 = arith.addf %mul3A_604, %mul3A_605 : vector<1x128xf32>
      %tanh3A_607 = math.tanh %add3A_606 : vector<1x128xf32>
      %mul3A_608 = arith.mulf %logistic3A_603, %tanh3A_607 : vector<1x128xf32>
      %swap3A_609 = arith.constant 13 : index
      %swap3A_610 = arith.constant 0 : index
      %swap3A_611 = vector.load %arg15[%swap3A_609, %swap3A_610] : memref<64x128xf32, #tpu.memory_space<vmem>>, vector<1x128xf32>
      tpu.vector_store %arg15[%swap3A_609, %swap3A_610], %mul3A_608 {strides = array<i32>} : memref<64x128xf32, #tpu.memory_space<vmem>>, vector<1x128xf32>,
      %slice3A_612 = vector.extract_strided_slice %add3A_78 {offsets = [14, 0], sizes = [1, 512], strides = [1, 1]} : vector<64x512xf32> to vector<1x512xf32>
      %get3A_613 = arith.constant 0 : index
      %get3A_614 = arith.constant 0 : index
      %get3A_615 = vector.load %arg7[%get3A_613, %get3A_614] : memref<128x512xf32, #tpu.memory_space<vmem>>, vector<128x512xf32>
      %dot_general3A_616 = arith.constant dense<0.000000e+00> : vector<1x512xf32>
      %dot_general3A_617 = tpu.matmul %mul3A_608, %get3A_615, %dot_general3A_616 {dimension_numbers = #tpu.dot_dimension_numbers<[1], [0], [0], [1], [0, 0, 1, 1], [], []>, transpose_lhs_hint = false} : vector<1x128xf32>, vector<128x512xf32>, vector<1x512xf32> -> vector<1x512xf32>
      %add3A_618 = arith.addf %slice3A_612, %dot_general3A_617 : vector<1x512xf32>
      %slice3A_619 = vector.extract_strided_slice %add3A_618 {offsets = [0, 0], sizes = [1, 128], strides = [1, 1]} : vector<1x512xf32> to vector<1x128xf32>
      %logistic3A_620 = arith.negf %slice3A_619 : vector<1x128xf32>
      %logistic3A_621 = math.exp %logistic3A_620 : vector<1x128xf32>
      %logistic3A_622 = arith.constant 1.000000e+00 : f32
      %logistic3A_623 = vector.broadcast %logistic3A_622 : f32 to vector<1x128xf32>
      %logistic3A_624 = arith.addf %logistic3A_623, %logistic3A_621 : vector<1x128xf32>
      %logistic3A_625 = arith.divf %logistic3A_623, %logistic3A_624 : vector<1x128xf32>
      %slice3A_626 = vector.extract_strided_slice %add3A_618 {offsets = [0, 128], sizes = [1, 128], strides = [1, 1]} : vector<1x512xf32> to vector<1x128xf32>
      %logistic3A_627 = arith.negf %slice3A_626 : vector<1x128xf32>
      %logistic3A_628 = math.exp %logistic3A_627 : vector<1x128xf32>
      %logistic3A_629 = arith.constant 1.000000e+00 : f32
      %logistic3A_630 = vector.broadcast %logistic3A_629 : f32 to vector<1x128xf32>
      %logistic3A_631 = arith.addf %logistic3A_630, %logistic3A_628 : vector<1x128xf32>
      %logistic3A_632 = arith.divf %logistic3A_630, %logistic3A_631 : vector<1x128xf32>
      %slice3A_633 = vector.extract_strided_slice %add3A_618 {offsets = [0, 256], sizes = [1, 128], strides = [1, 1]} : vector<1x512xf32> to vector<1x128xf32>
      %tanh3A_634 = math.tanh %slice3A_633 : vector<1x128xf32>
      %slice3A_635 = vector.extract_strided_slice %add3A_618 {offsets = [0, 384], sizes = [1, 128], strides = [1, 1]} : vector<1x512xf32> to vector<1x128xf32>
      %logistic3A_636 = arith.negf %slice3A_635 : vector<1x128xf32>
      %logistic3A_637 = math.exp %logistic3A_636 : vector<1x128xf32>
      %logistic3A_638 = arith.constant 1.000000e+00 : f32
      %logistic3A_639 = vector.broadcast %logistic3A_638 : f32 to vector<1x128xf32>
      %logistic3A_640 = arith.addf %logistic3A_639, %logistic3A_637 : vector<1x128xf32>
      %logistic3A_641 = arith.divf %logistic3A_639, %logistic3A_640 : vector<1x128xf32>
      %mul3A_642 = arith.mulf %logistic3A_632, %add3A_606 : vector<1x128xf32>
      %mul3A_643 = arith.mulf %logistic3A_625, %tanh3A_634 : vector<1x128xf32>
      %add3A_644 = arith.addf %mul3A_642, %mul3A_643 : vector<1x128xf32>
      %tanh3A_645 = math.tanh %add3A_644 : vector<1x128xf32>
      %mul3A_646 = arith.mulf %logistic3A_641, %tanh3A_645 : vector<1x128xf32>
      %swap3A_647 = arith.constant 14 : index
      %swap3A_648 = arith.constant 0 : index
      %swap3A_649 = vector.load %arg15[%swap3A_647, %swap3A_648] : memref<64x128xf32, #tpu.memory_space<vmem>>, vector<1x128xf32>
      tpu.vector_store %arg15[%swap3A_647, %swap3A_648], %mul3A_646 {strides = array<i32>} : memref<64x128xf32, #tpu.memory_space<vmem>>, vector<1x128xf32>,
      %slice3A_650 = vector.extract_strided_slice %add3A_78 {offsets = [15, 0], sizes = [1, 512], strides = [1, 1]} : vector<64x512xf32> to vector<1x512xf32>
      %get3A_651 = arith.constant 0 : index
      %get3A_652 = arith.constant 0 : index
      %get3A_653 = vector.load %arg7[%get3A_651, %get3A_652] : memref<128x512xf32, #tpu.memory_space<vmem>>, vector<128x512xf32>
      %dot_general3A_654 = arith.constant dense<0.000000e+00> : vector<1x512xf32>
      %dot_general3A_655 = tpu.matmul %mul3A_646, %get3A_653, %dot_general3A_654 {dimension_numbers = #tpu.dot_dimension_numbers<[1], [0], [0], [1], [0, 0, 1, 1], [], []>, transpose_lhs_hint = false} : vector<1x128xf32>, vector<128x512xf32>, vector<1x512xf32> -> vector<1x512xf32>
      %add3A_656 = arith.addf %slice3A_650, %dot_general3A_655 : vector<1x512xf32>
      %slice3A_657 = vector.extract_strided_slice %add3A_656 {offsets = [0, 0], sizes = [1, 128], strides = [1, 1]} : vector<1x512xf32> to vector<1x128xf32>
      %logistic3A_658 = arith.negf %slice3A_657 : vector<1x128xf32>
      %logistic3A_659 = math.exp %logistic3A_658 : vector<1x128xf32>
      %logistic3A_660 = arith.constant 1.000000e+00 : f32
      %logistic3A_661 = vector.broadcast %logistic3A_660 : f32 to vector<1x128xf32>
      %logistic3A_662 = arith.addf %logistic3A_661, %logistic3A_659 : vector<1x128xf32>
      %logistic3A_663 = arith.divf %logistic3A_661, %logistic3A_662 : vector<1x128xf32>
      %slice3A_664 = vector.extract_strided_slice %add3A_656 {offsets = [0, 128], sizes = [1, 128], strides = [1, 1]} : vector<1x512xf32> to vector<1x128xf32>
      %logistic3A_665 = arith.negf %slice3A_664 : vector<1x128xf32>
      %logistic3A_666 = math.exp %logistic3A_665 : vector<1x128xf32>
      %logistic3A_667 = arith.constant 1.000000e+00 : f32
      %logistic3A_668 = vector.broadcast %logistic3A_667 : f32 to vector<1x128xf32>
      %logistic3A_669 = arith.addf %logistic3A_668, %logistic3A_666 : vector<1x128xf32>
      %logistic3A_670 = arith.divf %logistic3A_668, %logistic3A_669 : vector<1x128xf32>
      %slice3A_671 = vector.extract_strided_slice %add3A_656 {offsets = [0, 256], sizes = [1, 128], strides = [1, 1]} : vector<1x512xf32> to vector<1x128xf32>
      %tanh3A_672 = math.tanh %slice3A_671 : vector<1x128xf32>
      %slice3A_673 = vector.extract_strided_slice %add3A_656 {offsets = [0, 384], sizes = [1, 128], strides = [1, 1]} : vector<1x512xf32> to vector<1x128xf32>
      %logistic3A_674 = arith.negf %slice3A_673 : vector<1x128xf32>
      %logistic3A_675 = math.exp %logistic3A_674 : vector<1x128xf32>
      %logistic3A_676 = arith.constant 1.000000e+00 : f32
      %logistic3A_677 = vector.broadcast %logistic3A_676 : f32 to vector<1x128xf32>
      %logistic3A_678 = arith.addf %logistic3A_677, %logistic3A_675 : vector<1x128xf32>
      %logistic3A_679 = arith.divf %logistic3A_677, %logistic3A_678 : vector<1x128xf32>
      %mul3A_680 = arith.mulf %logistic3A_670, %add3A_644 : vector<1x128xf32>
      %mul3A_681 = arith.mulf %logistic3A_663, %tanh3A_672 : vector<1x128xf32>
      %add3A_682 = arith.addf %mul3A_680, %mul3A_681 : vector<1x128xf32>
      %tanh3A_683 = math.tanh %add3A_682 : vector<1x128xf32>
      %mul3A_684 = arith.mulf %logistic3A_679, %tanh3A_683 : vector<1x128xf32>
      %swap3A_685 = arith.constant 15 : index
      %swap3A_686 = arith.constant 0 : index
      %swap3A_687 = vector.load %arg15[%swap3A_685, %swap3A_686] : memref<64x128xf32, #tpu.memory_space<vmem>>, vector<1x128xf32>
      tpu.vector_store %arg15[%swap3A_685, %swap3A_686], %mul3A_684 {strides = array<i32>} : memref<64x128xf32, #tpu.memory_space<vmem>>, vector<1x128xf32>,
      %slice3A_688 = vector.extract_strided_slice %add3A_78 {offsets = [16, 0], sizes = [1, 512], strides = [1, 1]} : vector<64x512xf32> to vector<1x512xf32>
      %get3A_689 = arith.constant 0 : index
      %get3A_690 = arith.constant 0 : index
      %get3A_691 = vector.load %arg7[%get3A_689, %get3A_690] : memref<128x512xf32, #tpu.memory_space<vmem>>, vector<128x512xf32>
      %dot_general3A_692 = arith.constant dense<0.000000e+00> : vector<1x512xf32>
      %dot_general3A_693 = tpu.matmul %mul3A_684, %get3A_691, %dot_general3A_692 {dimension_numbers = #tpu.dot_dimension_numbers<[1], [0], [0], [1], [0, 0, 1, 1], [], []>, transpose_lhs_hint = false} : vector<1x128xf32>, vector<128x512xf32>, vector<1x512xf32> -> vector<1x512xf32>
      %add3A_694 = arith.addf %slice3A_688, %dot_general3A_693 : vector<1x512xf32>
      %slice3A_695 = vector.extract_strided_slice %add3A_694 {offsets = [0, 0], sizes = [1, 128], strides = [1, 1]} : vector<1x512xf32> to vector<1x128xf32>
      %logistic3A_696 = arith.negf %slice3A_695 : vector<1x128xf32>
      %logistic3A_697 = math.exp %logistic3A_696 : vector<1x128xf32>
      %logistic3A_698 = arith.constant 1.000000e+00 : f32
      %logistic3A_699 = vector.broadcast %logistic3A_698 : f32 to vector<1x128xf32>
      %logistic3A_700 = arith.addf %logistic3A_699, %logistic3A_697 : vector<1x128xf32>
      %logistic3A_701 = arith.divf %logistic3A_699, %logistic3A_700 : vector<1x128xf32>
      %slice3A_702 = vector.extract_strided_slice %add3A_694 {offsets = [0, 128], sizes = [1, 128], strides = [1, 1]} : vector<1x512xf32> to vector<1x128xf32>
      %logistic3A_703 = arith.negf %slice3A_702 : vector<1x128xf32>
      %logistic3A_704 = math.exp %logistic3A_703 : vector<1x128xf32>
      %logistic3A_705 = arith.constant 1.000000e+00 : f32
      %logistic3A_706 = vector.broadcast %logistic3A_705 : f32 to vector<1x128xf32>
      %logistic3A_707 = arith.addf %logistic3A_706, %logistic3A_704 : vector<1x128xf32>
      %logistic3A_708 = arith.divf %logistic3A_706, %logistic3A_707 : vector<1x128xf32>
      %slice3A_709 = vector.extract_strided_slice %add3A_694 {offsets = [0, 256], sizes = [1, 128], strides = [1, 1]} : vector<1x512xf32> to vector<1x128xf32>
      %tanh3A_710 = math.tanh %slice3A_709 : vector<1x128xf32>
      %slice3A_711 = vector.extract_strided_slice %add3A_694 {offsets = [0, 384], sizes = [1, 128], strides = [1, 1]} : vector<1x512xf32> to vector<1x128xf32>
      %logistic3A_712 = arith.negf %slice3A_711 : vector<1x128xf32>
      %logistic3A_713 = math.exp %logistic3A_712 : vector<1x128xf32>
      %logistic3A_714 = arith.constant 1.000000e+00 : f32
      %logistic3A_715 = vector.broadcast %logistic3A_714 : f32 to vector<1x128xf32>
      %logistic3A_716 = arith.addf %logistic3A_715, %logistic3A_713 : vector<1x128xf32>
      %logistic3A_717 = arith.divf %logistic3A_715, %logistic3A_716 : vector<1x128xf32>
      %mul3A_718 = arith.mulf %logistic3A_708, %add3A_682 : vector<1x128xf32>
      %mul3A_719 = arith.mulf %logistic3A_701, %tanh3A_710 : vector<1x128xf32>
      %add3A_720 = arith.addf %mul3A_718, %mul3A_719 : vector<1x128xf32>
      %tanh3A_721 = math.tanh %add3A_720 : vector<1x128xf32>
      %mul3A_722 = arith.mulf %logistic3A_717, %tanh3A_721 : vector<1x128xf32>
      %swap3A_723 = arith.constant 16 : index
      %swap3A_724 = arith.constant 0 : index
      %swap3A_725 = vector.load %arg15[%swap3A_723, %swap3A_724] : memref<64x128xf32, #tpu.memory_space<vmem>>, vector<1x128xf32>
      tpu.vector_store %arg15[%swap3A_723, %swap3A_724], %mul3A_722 {strides = array<i32>} : memref<64x128xf32, #tpu.memory_space<vmem>>, vector<1x128xf32>,
      %slice3A_726 = vector.extract_strided_slice %add3A_78 {offsets = [17, 0], sizes = [1, 512], strides = [1, 1]} : vector<64x512xf32> to vector<1x512xf32>
      %get3A_727 = arith.constant 0 : index
      %get3A_728 = arith.constant 0 : index
      %get3A_729 = vector.load %arg7[%get3A_727, %get3A_728] : memref<128x512xf32, #tpu.memory_space<vmem>>, vector<128x512xf32>
      %dot_general3A_730 = arith.constant dense<0.000000e+00> : vector<1x512xf32>
      %dot_general3A_731 = tpu.matmul %mul3A_722, %get3A_729, %dot_general3A_730 {dimension_numbers = #tpu.dot_dimension_numbers<[1], [0], [0], [1], [0, 0, 1, 1], [], []>, transpose_lhs_hint = false} : vector<1x128xf32>, vector<128x512xf32>, vector<1x512xf32> -> vector<1x512xf32>
      %add3A_732 = arith.addf %slice3A_726, %dot_general3A_731 : vector<1x512xf32>
      %slice3A_733 = vector.extract_strided_slice %add3A_732 {offsets = [0, 0], sizes = [1, 128], strides = [1, 1]} : vector<1x512xf32> to vector<1x128xf32>
      %logistic3A_734 = arith.negf %slice3A_733 : vector<1x128xf32>
      %logistic3A_735 = math.exp %logistic3A_734 : vector<1x128xf32>
      %logistic3A_736 = arith.constant 1.000000e+00 : f32
      %logistic3A_737 = vector.broadcast %logistic3A_736 : f32 to vector<1x128xf32>
      %logistic3A_738 = arith.addf %logistic3A_737, %logistic3A_735 : vector<1x128xf32>
      %logistic3A_739 = arith.divf %logistic3A_737, %logistic3A_738 : vector<1x128xf32>
      %slice3A_740 = vector.extract_strided_slice %add3A_732 {offsets = [0, 128], sizes = [1, 128], strides = [1, 1]} : vector<1x512xf32> to vector<1x128xf32>
      %logistic3A_741 = arith.negf %slice3A_740 : vector<1x128xf32>
      %logistic3A_742 = math.exp %logistic3A_741 : vector<1x128xf32>
      %logistic3A_743 = arith.constant 1.000000e+00 : f32
      %logistic3A_744 = vector.broadcast %logistic3A_743 : f32 to vector<1x128xf32>
      %logistic3A_745 = arith.addf %logistic3A_744, %logistic3A_742 : vector<1x128xf32>
      %logistic3A_746 = arith.divf %logistic3A_744, %logistic3A_745 : vector<1x128xf32>
      %slice3A_747 = vector.extract_strided_slice %add3A_732 {offsets = [0, 256], sizes = [1, 128], strides = [1, 1]} : vector<1x512xf32> to vector<1x128xf32>
      %tanh3A_748 = math.tanh %slice3A_747 : vector<1x128xf32>
      %slice3A_749 = vector.extract_strided_slice %add3A_732 {offsets = [0, 384], sizes = [1, 128], strides = [1, 1]} : vector<1x512xf32> to vector<1x128xf32>
      %logistic3A_750 = arith.negf %slice3A_749 : vector<1x128xf32>
      %logistic3A_751 = math.exp %logistic3A_750 : vector<1x128xf32>
      %logistic3A_752 = arith.constant 1.000000e+00 : f32
      %logistic3A_753 = vector.broadcast %logistic3A_752 : f32 to vector<1x128xf32>
      %logistic3A_754 = arith.addf %logistic3A_753, %logistic3A_751 : vector<1x128xf32>
      %logistic3A_755 = arith.divf %logistic3A_753, %logistic3A_754 : vector<1x128xf32>
      %mul3A_756 = arith.mulf %logistic3A_746, %add3A_720 : vector<1x128xf32>
      %mul3A_757 = arith.mulf %logistic3A_739, %tanh3A_748 : vector<1x128xf32>
      %add3A_758 = arith.addf %mul3A_756, %mul3A_757 : vector<1x128xf32>
      %tanh3A_759 = math.tanh %add3A_758 : vector<1x128xf32>
      %mul3A_760 = arith.mulf %logistic3A_755, %tanh3A_759 : vector<1x128xf32>
      %swap3A_761 = arith.constant 17 : index
      %swap3A_762 = arith.constant 0 : index
      %swap3A_763 = vector.load %arg15[%swap3A_761, %swap3A_762] : memref<64x128xf32, #tpu.memory_space<vmem>>, vector<1x128xf32>
      tpu.vector_store %arg15[%swap3A_761, %swap3A_762], %mul3A_760 {strides = array<i32>} : memref<64x128xf32, #tpu.memory_space<vmem>>, vector<1x128xf32>,
      %slice3A_764 = vector.extract_strided_slice %add3A_78 {offsets = [18, 0], sizes = [1, 512], strides = [1, 1]} : vector<64x512xf32> to vector<1x512xf32>
      %get3A_765 = arith.constant 0 : index
      %get3A_766 = arith.constant 0 : index
      %get3A_767 = vector.load %arg7[%get3A_765, %get3A_766] : memref<128x512xf32, #tpu.memory_space<vmem>>, vector<128x512xf32>
      %dot_general3A_768 = arith.constant dense<0.000000e+00> : vector<1x512xf32>
      %dot_general3A_769 = tpu.matmul %mul3A_760, %get3A_767, %dot_general3A_768 {dimension_numbers = #tpu.dot_dimension_numbers<[1], [0], [0], [1], [0, 0, 1, 1], [], []>, transpose_lhs_hint = false} : vector<1x128xf32>, vector<128x512xf32>, vector<1x512xf32> -> vector<1x512xf32>
      %add3A_770 = arith.addf %slice3A_764, %dot_general3A_769 : vector<1x512xf32>
      %slice3A_771 = vector.extract_strided_slice %add3A_770 {offsets = [0, 0], sizes = [1, 128], strides = [1, 1]} : vector<1x512xf32> to vector<1x128xf32>
      %logistic3A_772 = arith.negf %slice3A_771 : vector<1x128xf32>
      %logistic3A_773 = math.exp %logistic3A_772 : vector<1x128xf32>
      %logistic3A_774 = arith.constant 1.000000e+00 : f32
      %logistic3A_775 = vector.broadcast %logistic3A_774 : f32 to vector<1x128xf32>
      %logistic3A_776 = arith.addf %logistic3A_775, %logistic3A_773 : vector<1x128xf32>
      %logistic3A_777 = arith.divf %logistic3A_775, %logistic3A_776 : vector<1x128xf32>
      %slice3A_778 = vector.extract_strided_slice %add3A_770 {offsets = [0, 128], sizes = [1, 128], strides = [1, 1]} : vector<1x512xf32> to vector<1x128xf32>
      %logistic3A_779 = arith.negf %slice3A_778 : vector<1x128xf32>
      %logistic3A_780 = math.exp %logistic3A_779 : vector<1x128xf32>
      %logistic3A_781 = arith.constant 1.000000e+00 : f32
      %logistic3A_782 = vector.broadcast %logistic3A_781 : f32 to vector<1x128xf32>
      %logistic3A_783 = arith.addf %logistic3A_782, %logistic3A_780 : vector<1x128xf32>
      %logistic3A_784 = arith.divf %logistic3A_782, %logistic3A_783 : vector<1x128xf32>
      %slice3A_785 = vector.extract_strided_slice %add3A_770 {offsets = [0, 256], sizes = [1, 128], strides = [1, 1]} : vector<1x512xf32> to vector<1x128xf32>
      %tanh3A_786 = math.tanh %slice3A_785 : vector<1x128xf32>
      %slice3A_787 = vector.extract_strided_slice %add3A_770 {offsets = [0, 384], sizes = [1, 128], strides = [1, 1]} : vector<1x512xf32> to vector<1x128xf32>
      %logistic3A_788 = arith.negf %slice3A_787 : vector<1x128xf32>
      %logistic3A_789 = math.exp %logistic3A_788 : vector<1x128xf32>
      %logistic3A_790 = arith.constant 1.000000e+00 : f32
      %logistic3A_791 = vector.broadcast %logistic3A_790 : f32 to vector<1x128xf32>
      %logistic3A_792 = arith.addf %logistic3A_791, %logistic3A_789 : vector<1x128xf32>
      %logistic3A_793 = arith.divf %logistic3A_791, %logistic3A_792 : vector<1x128xf32>
      %mul3A_794 = arith.mulf %logistic3A_784, %add3A_758 : vector<1x128xf32>
      %mul3A_795 = arith.mulf %logistic3A_777, %tanh3A_786 : vector<1x128xf32>
      %add3A_796 = arith.addf %mul3A_794, %mul3A_795 : vector<1x128xf32>
      %tanh3A_797 = math.tanh %add3A_796 : vector<1x128xf32>
      %mul3A_798 = arith.mulf %logistic3A_793, %tanh3A_797 : vector<1x128xf32>
      %swap3A_799 = arith.constant 18 : index
      %swap3A_800 = arith.constant 0 : index
      %swap3A_801 = vector.load %arg15[%swap3A_799, %swap3A_800] : memref<64x128xf32, #tpu.memory_space<vmem>>, vector<1x128xf32>
      tpu.vector_store %arg15[%swap3A_799, %swap3A_800], %mul3A_798 {strides = array<i32>} : memref<64x128xf32, #tpu.memory_space<vmem>>, vector<1x128xf32>,
      %slice3A_802 = vector.extract_strided_slice %add3A_78 {offsets = [19, 0], sizes = [1, 512], strides = [1, 1]} : vector<64x512xf32> to vector<1x512xf32>
      %get3A_803 = arith.constant 0 : index
      %get3A_804 = arith.constant 0 : index
      %get3A_805 = vector.load %arg7[%get3A_803, %get3A_804] : memref<128x512xf32, #tpu.memory_space<vmem>>, vector<128x512xf32>
      %dot_general3A_806 = arith.constant dense<0.000000e+00> : vector<1x512xf32>
      %dot_general3A_807 = tpu.matmul %mul3A_798, %get3A_805, %dot_general3A_806 {dimension_numbers = #tpu.dot_dimension_numbers<[1], [0], [0], [1], [0, 0, 1, 1], [], []>, transpose_lhs_hint = false} : vector<1x128xf32>, vector<128x512xf32>, vector<1x512xf32> -> vector<1x512xf32>
      %add3A_808 = arith.addf %slice3A_802, %dot_general3A_807 : vector<1x512xf32>
      %slice3A_809 = vector.extract_strided_slice %add3A_808 {offsets = [0, 0], sizes = [1, 128], strides = [1, 1]} : vector<1x512xf32> to vector<1x128xf32>
      %logistic3A_810 = arith.negf %slice3A_809 : vector<1x128xf32>
      %logistic3A_811 = math.exp %logistic3A_810 : vector<1x128xf32>
      %logistic3A_812 = arith.constant 1.000000e+00 : f32
      %logistic3A_813 = vector.broadcast %logistic3A_812 : f32 to vector<1x128xf32>
      %logistic3A_814 = arith.addf %logistic3A_813, %logistic3A_811 : vector<1x128xf32>
      %logistic3A_815 = arith.divf %logistic3A_813, %logistic3A_814 : vector<1x128xf32>
      %slice3A_816 = vector.extract_strided_slice %add3A_808 {offsets = [0, 128], sizes = [1, 128], strides = [1, 1]} : vector<1x512xf32> to vector<1x128xf32>
      %logistic3A_817 = arith.negf %slice3A_816 : vector<1x128xf32>
      %logistic3A_818 = math.exp %logistic3A_817 : vector<1x128xf32>
      %logistic3A_819 = arith.constant 1.000000e+00 : f32
      %logistic3A_820 = vector.broadcast %logistic3A_819 : f32 to vector<1x128xf32>
      %logistic3A_821 = arith.addf %logistic3A_820, %logistic3A_818 : vector<1x128xf32>
      %logistic3A_822 = arith.divf %logistic3A_820, %logistic3A_821 : vector<1x128xf32>
      %slice3A_823 = vector.extract_strided_slice %add3A_808 {offsets = [0, 256], sizes = [1, 128], strides = [1, 1]} : vector<1x512xf32> to vector<1x128xf32>
      %tanh3A_824 = math.tanh %slice3A_823 : vector<1x128xf32>
      %slice3A_825 = vector.extract_strided_slice %add3A_808 {offsets = [0, 384], sizes = [1, 128], strides = [1, 1]} : vector<1x512xf32> to vector<1x128xf32>
      %logistic3A_826 = arith.negf %slice3A_825 : vector<1x128xf32>
      %logistic3A_827 = math.exp %logistic3A_826 : vector<1x128xf32>
      %logistic3A_828 = arith.constant 1.000000e+00 : f32
      %logistic3A_829 = vector.broadcast %logistic3A_828 : f32 to vector<1x128xf32>
      %logistic3A_830 = arith.addf %logistic3A_829, %logistic3A_827 : vector<1x128xf32>
      %logistic3A_831 = arith.divf %logistic3A_829, %logistic3A_830 : vector<1x128xf32>
      %mul3A_832 = arith.mulf %logistic3A_822, %add3A_796 : vector<1x128xf32>
      %mul3A_833 = arith.mulf %logistic3A_815, %tanh3A_824 : vector<1x128xf32>
      %add3A_834 = arith.addf %mul3A_832, %mul3A_833 : vector<1x128xf32>
      %tanh3A_835 = math.tanh %add3A_834 : vector<1x128xf32>
      %mul3A_836 = arith.mulf %logistic3A_831, %tanh3A_835 : vector<1x128xf32>
      %swap3A_837 = arith.constant 19 : index
      %swap3A_838 = arith.constant 0 : index
      %swap3A_839 = vector.load %arg15[%swap3A_837, %swap3A_838] : memref<64x128xf32, #tpu.memory_space<vmem>>, vector<1x128xf32>
      tpu.vector_store %arg15[%swap3A_837, %swap3A_838], %mul3A_836 {strides = array<i32>} : memref<64x128xf32, #tpu.memory_space<vmem>>, vector<1x128xf32>,
      %slice3A_840 = vector.extract_strided_slice %add3A_78 {offsets = [20, 0], sizes = [1, 512], strides = [1, 1]} : vector<64x512xf32> to vector<1x512xf32>
      %get3A_841 = arith.constant 0 : index
      %get3A_842 = arith.constant 0 : index
      %get3A_843 = vector.load %arg7[%get3A_841, %get3A_842] : memref<128x512xf32, #tpu.memory_space<vmem>>, vector<128x512xf32>
      %dot_general3A_844 = arith.constant dense<0.000000e+00> : vector<1x512xf32>
      %dot_general3A_845 = tpu.matmul %mul3A_836, %get3A_843, %dot_general3A_844 {dimension_numbers = #tpu.dot_dimension_numbers<[1], [0], [0], [1], [0, 0, 1, 1], [], []>, transpose_lhs_hint = false} : vector<1x128xf32>, vector<128x512xf32>, vector<1x512xf32> -> vector<1x512xf32>
      %add3A_846 = arith.addf %slice3A_840, %dot_general3A_845 : vector<1x512xf32>
      %slice3A_847 = vector.extract_strided_slice %add3A_846 {offsets = [0, 0], sizes = [1, 128], strides = [1, 1]} : vector<1x512xf32> to vector<1x128xf32>
      %logistic3A_848 = arith.negf %slice3A_847 : vector<1x128xf32>
      %logistic3A_849 = math.exp %logistic3A_848 : vector<1x128xf32>
      %logistic3A_850 = arith.constant 1.000000e+00 : f32
      %logistic3A_851 = vector.broadcast %logistic3A_850 : f32 to vector<1x128xf32>
      %logistic3A_852 = arith.addf %logistic3A_851, %logistic3A_849 : vector<1x128xf32>
      %logistic3A_853 = arith.divf %logistic3A_851, %logistic3A_852 : vector<1x128xf32>
      %slice3A_854 = vector.extract_strided_slice %add3A_846 {offsets = [0, 128], sizes = [1, 128], strides = [1, 1]} : vector<1x512xf32> to vector<1x128xf32>
      %logistic3A_855 = arith.negf %slice3A_854 : vector<1x128xf32>
      %logistic3A_856 = math.exp %logistic3A_855 : vector<1x128xf32>
      %logistic3A_857 = arith.constant 1.000000e+00 : f32
      %logistic3A_858 = vector.broadcast %logistic3A_857 : f32 to vector<1x128xf32>
      %logistic3A_859 = arith.addf %logistic3A_858, %logistic3A_856 : vector<1x128xf32>
      %logistic3A_860 = arith.divf %logistic3A_858, %logistic3A_859 : vector<1x128xf32>
      %slice3A_861 = vector.extract_strided_slice %add3A_846 {offsets = [0, 256], sizes = [1, 128], strides = [1, 1]} : vector<1x512xf32> to vector<1x128xf32>
      %tanh3A_862 = math.tanh %slice3A_861 : vector<1x128xf32>
      %slice3A_863 = vector.extract_strided_slice %add3A_846 {offsets = [0, 384], sizes = [1, 128], strides = [1, 1]} : vector<1x512xf32> to vector<1x128xf32>
      %logistic3A_864 = arith.negf %slice3A_863 : vector<1x128xf32>
      %logistic3A_865 = math.exp %logistic3A_864 : vector<1x128xf32>
      %logistic3A_866 = arith.constant 1.000000e+00 : f32
      %logistic3A_867 = vector.broadcast %logistic3A_866 : f32 to vector<1x128xf32>
      %logistic3A_868 = arith.addf %logistic3A_867, %logistic3A_865 : vector<1x128xf32>
      %logistic3A_869 = arith.divf %logistic3A_867, %logistic3A_868 : vector<1x128xf32>
      %mul3A_870 = arith.mulf %logistic3A_860, %add3A_834 : vector<1x128xf32>
      %mul3A_871 = arith.mulf %logistic3A_853, %tanh3A_862 : vector<1x128xf32>
      %add3A_872 = arith.addf %mul3A_870, %mul3A_871 : vector<1x128xf32>
      %tanh3A_873 = math.tanh %add3A_872 : vector<1x128xf32>
      %mul3A_874 = arith.mulf %logistic3A_869, %tanh3A_873 : vector<1x128xf32>
      %swap3A_875 = arith.constant 20 : index
      %swap3A_876 = arith.constant 0 : index
      %swap3A_877 = vector.load %arg15[%swap3A_875, %swap3A_876] : memref<64x128xf32, #tpu.memory_space<vmem>>, vector<1x128xf32>
      tpu.vector_store %arg15[%swap3A_875, %swap3A_876], %mul3A_874 {strides = array<i32>} : memref<64x128xf32, #tpu.memory_space<vmem>>, vector<1x128xf32>,
      %slice3A_878 = vector.extract_strided_slice %add3A_78 {offsets = [21, 0], sizes = [1, 512], strides = [1, 1]} : vector<64x512xf32> to vector<1x512xf32>
      %get3A_879 = arith.constant 0 : index
      %get3A_880 = arith.constant 0 : index
      %get3A_881 = vector.load %arg7[%get3A_879, %get3A_880] : memref<128x512xf32, #tpu.memory_space<vmem>>, vector<128x512xf32>
      %dot_general3A_882 = arith.constant dense<0.000000e+00> : vector<1x512xf32>
      %dot_general3A_883 = tpu.matmul %mul3A_874, %get3A_881, %dot_general3A_882 {dimension_numbers = #tpu.dot_dimension_numbers<[1], [0], [0], [1], [0, 0, 1, 1], [], []>, transpose_lhs_hint = false} : vector<1x128xf32>, vector<128x512xf32>, vector<1x512xf32> -> vector<1x512xf32>
      %add3A_884 = arith.addf %slice3A_878, %dot_general3A_883 : vector<1x512xf32>
      %slice3A_885 = vector.extract_strided_slice %add3A_884 {offsets = [0, 0], sizes = [1, 128], strides = [1, 1]} : vector<1x512xf32> to vector<1x128xf32>
      %logistic3A_886 = arith.negf %slice3A_885 : vector<1x128xf32>
      %logistic3A_887 = math.exp %logistic3A_886 : vector<1x128xf32>
      %logistic3A_888 = arith.constant 1.000000e+00 : f32
      %logistic3A_889 = vector.broadcast %logistic3A_888 : f32 to vector<1x128xf32>
      %logistic3A_890 = arith.addf %logistic3A_889, %logistic3A_887 : vector<1x128xf32>
      %logistic3A_891 = arith.divf %logistic3A_889, %logistic3A_890 : vector<1x128xf32>
      %slice3A_892 = vector.extract_strided_slice %add3A_884 {offsets = [0, 128], sizes = [1, 128], strides = [1, 1]} : vector<1x512xf32> to vector<1x128xf32>
      %logistic3A_893 = arith.negf %slice3A_892 : vector<1x128xf32>
      %logistic3A_894 = math.exp %logistic3A_893 : vector<1x128xf32>
      %logistic3A_895 = arith.constant 1.000000e+00 : f32
      %logistic3A_896 = vector.broadcast %logistic3A_895 : f32 to vector<1x128xf32>
      %logistic3A_897 = arith.addf %logistic3A_896, %logistic3A_894 : vector<1x128xf32>
      %logistic3A_898 = arith.divf %logistic3A_896, %logistic3A_897 : vector<1x128xf32>
      %slice3A_899 = vector.extract_strided_slice %add3A_884 {offsets = [0, 256], sizes = [1, 128], strides = [1, 1]} : vector<1x512xf32> to vector<1x128xf32>
      %tanh3A_900 = math.tanh %slice3A_899 : vector<1x128xf32>
      %slice3A_901 = vector.extract_strided_slice %add3A_884 {offsets = [0, 384], sizes = [1, 128], strides = [1, 1]} : vector<1x512xf32> to vector<1x128xf32>
      %logistic3A_902 = arith.negf %slice3A_901 : vector<1x128xf32>
      %logistic3A_903 = math.exp %logistic3A_902 : vector<1x128xf32>
      %logistic3A_904 = arith.constant 1.000000e+00 : f32
      %logistic3A_905 = vector.broadcast %logistic3A_904 : f32 to vector<1x128xf32>
      %logistic3A_906 = arith.addf %logistic3A_905, %logistic3A_903 : vector<1x128xf32>
      %logistic3A_907 = arith.divf %logistic3A_905, %logistic3A_906 : vector<1x128xf32>
      %mul3A_908 = arith.mulf %logistic3A_898, %add3A_872 : vector<1x128xf32>
      %mul3A_909 = arith.mulf %logistic3A_891, %tanh3A_900 : vector<1x128xf32>
      %add3A_910 = arith.addf %mul3A_908, %mul3A_909 : vector<1x128xf32>
      %tanh3A_911 = math.tanh %add3A_910 : vector<1x128xf32>
      %mul3A_912 = arith.mulf %logistic3A_907, %tanh3A_911 : vector<1x128xf32>
      %swap3A_913 = arith.constant 21 : index
      %swap3A_914 = arith.constant 0 : index
      %swap3A_915 = vector.load %arg15[%swap3A_913, %swap3A_914] : memref<64x128xf32, #tpu.memory_space<vmem>>, vector<1x128xf32>
      tpu.vector_store %arg15[%swap3A_913, %swap3A_914], %mul3A_912 {strides = array<i32>} : memref<64x128xf32, #tpu.memory_space<vmem>>, vector<1x128xf32>,
      %slice3A_916 = vector.extract_strided_slice %add3A_78 {offsets = [22, 0], sizes = [1, 512], strides = [1, 1]} : vector<64x512xf32> to vector<1x512xf32>
      %get3A_917 = arith.constant 0 : index
      %get3A_918 = arith.constant 0 : index
      %get3A_919 = vector.load %arg7[%get3A_917, %get3A_918] : memref<128x512xf32, #tpu.memory_space<vmem>>, vector<128x512xf32>
      %dot_general3A_920 = arith.constant dense<0.000000e+00> : vector<1x512xf32>
      %dot_general3A_921 = tpu.matmul %mul3A_912, %get3A_919, %dot_general3A_920 {dimension_numbers = #tpu.dot_dimension_numbers<[1], [0], [0], [1], [0, 0, 1, 1], [], []>, transpose_lhs_hint = false} : vector<1x128xf32>, vector<128x512xf32>, vector<1x512xf32> -> vector<1x512xf32>
      %add3A_922 = arith.addf %slice3A_916, %dot_general3A_921 : vector<1x512xf32>
      %slice3A_923 = vector.extract_strided_slice %add3A_922 {offsets = [0, 0], sizes = [1, 128], strides = [1, 1]} : vector<1x512xf32> to vector<1x128xf32>
      %logistic3A_924 = arith.negf %slice3A_923 : vector<1x128xf32>
      %logistic3A_925 = math.exp %logistic3A_924 : vector<1x128xf32>
      %logistic3A_926 = arith.constant 1.000000e+00 : f32
      %logistic3A_927 = vector.broadcast %logistic3A_926 : f32 to vector<1x128xf32>
      %logistic3A_928 = arith.addf %logistic3A_927, %logistic3A_925 : vector<1x128xf32>
      %logistic3A_929 = arith.divf %logistic3A_927, %logistic3A_928 : vector<1x128xf32>
      %slice3A_930 = vector.extract_strided_slice %add3A_922 {offsets = [0, 128], sizes = [1, 128], strides = [1, 1]} : vector<1x512xf32> to vector<1x128xf32>
      %logistic3A_931 = arith.negf %slice3A_930 : vector<1x128xf32>
      %logistic3A_932 = math.exp %logistic3A_931 : vector<1x128xf32>
      %logistic3A_933 = arith.constant 1.000000e+00 : f32
      %logistic3A_934 = vector.broadcast %logistic3A_933 : f32 to vector<1x128xf32>
      %logistic3A_935 = arith.addf %logistic3A_934, %logistic3A_932 : vector<1x128xf32>
      %logistic3A_936 = arith.divf %logistic3A_934, %logistic3A_935 : vector<1x128xf32>
      %slice3A_937 = vector.extract_strided_slice %add3A_922 {offsets = [0, 256], sizes = [1, 128], strides = [1, 1]} : vector<1x512xf32> to vector<1x128xf32>
      %tanh3A_938 = math.tanh %slice3A_937 : vector<1x128xf32>
      %slice3A_939 = vector.extract_strided_slice %add3A_922 {offsets = [0, 384], sizes = [1, 128], strides = [1, 1]} : vector<1x512xf32> to vector<1x128xf32>
      %logistic3A_940 = arith.negf %slice3A_939 : vector<1x128xf32>
      %logistic3A_941 = math.exp %logistic3A_940 : vector<1x128xf32>
      %logistic3A_942 = arith.constant 1.000000e+00 : f32
      %logistic3A_943 = vector.broadcast %logistic3A_942 : f32 to vector<1x128xf32>
      %logistic3A_944 = arith.addf %logistic3A_943, %logistic3A_941 : vector<1x128xf32>
      %logistic3A_945 = arith.divf %logistic3A_943, %logistic3A_944 : vector<1x128xf32>
      %mul3A_946 = arith.mulf %logistic3A_936, %add3A_910 : vector<1x128xf32>
      %mul3A_947 = arith.mulf %logistic3A_929, %tanh3A_938 : vector<1x128xf32>
      %add3A_948 = arith.addf %mul3A_946, %mul3A_947 : vector<1x128xf32>
      %tanh3A_949 = math.tanh %add3A_948 : vector<1x128xf32>
      %mul3A_950 = arith.mulf %logistic3A_945, %tanh3A_949 : vector<1x128xf32>
      %swap3A_951 = arith.constant 22 : index
      %swap3A_952 = arith.constant 0 : index
      %swap3A_953 = vector.load %arg15[%swap3A_951, %swap3A_952] : memref<64x128xf32, #tpu.memory_space<vmem>>, vector<1x128xf32>
      tpu.vector_store %arg15[%swap3A_951, %swap3A_952], %mul3A_950 {strides = array<i32>} : memref<64x128xf32, #tpu.memory_space<vmem>>, vector<1x128xf32>,
      %slice3A_954 = vector.extract_strided_slice %add3A_78 {offsets = [23, 0], sizes = [1, 512], strides = [1, 1]} : vector<64x512xf32> to vector<1x512xf32>
      %get3A_955 = arith.constant 0 : index
      %get3A_956 = arith.constant 0 : index
      %get3A_957 = vector.load %arg7[%get3A_955, %get3A_956] : memref<128x512xf32, #tpu.memory_space<vmem>>, vector<128x512xf32>
      %dot_general3A_958 = arith.constant dense<0.000000e+00> : vector<1x512xf32>
      %dot_general3A_959 = tpu.matmul %mul3A_950, %get3A_957, %dot_general3A_958 {dimension_numbers = #tpu.dot_dimension_numbers<[1], [0], [0], [1], [0, 0, 1, 1], [], []>, transpose_lhs_hint = false} : vector<1x128xf32>, vector<128x512xf32>, vector<1x512xf32> -> vector<1x512xf32>
      %add3A_960 = arith.addf %slice3A_954, %dot_general3A_959 : vector<1x512xf32>
      %slice3A_961 = vector.extract_strided_slice %add3A_960 {offsets = [0, 0], sizes = [1, 128], strides = [1, 1]} : vector<1x512xf32> to vector<1x128xf32>
      %logistic3A_962 = arith.negf %slice3A_961 : vector<1x128xf32>
      %logistic3A_963 = math.exp %logistic3A_962 : vector<1x128xf32>
      %logistic3A_964 = arith.constant 1.000000e+00 : f32
      %logistic3A_965 = vector.broadcast %logistic3A_964 : f32 to vector<1x128xf32>
      %logistic3A_966 = arith.addf %logistic3A_965, %logistic3A_963 : vector<1x128xf32>
      %logistic3A_967 = arith.divf %logistic3A_965, %logistic3A_966 : vector<1x128xf32>
      %slice3A_968 = vector.extract_strided_slice %add3A_960 {offsets = [0, 128], sizes = [1, 128], strides = [1, 1]} : vector<1x512xf32> to vector<1x128xf32>
      %logistic3A_969 = arith.negf %slice3A_968 : vector<1x128xf32>
      %logistic3A_970 = math.exp %logistic3A_969 : vector<1x128xf32>
      %logistic3A_971 = arith.constant 1.000000e+00 : f32
      %logistic3A_972 = vector.broadcast %logistic3A_971 : f32 to vector<1x128xf32>
      %logistic3A_973 = arith.addf %logistic3A_972, %logistic3A_970 : vector<1x128xf32>
      %logistic3A_974 = arith.divf %logistic3A_972, %logistic3A_973 : vector<1x128xf32>
      %slice3A_975 = vector.extract_strided_slice %add3A_960 {offsets = [0, 256], sizes = [1, 128], strides = [1, 1]} : vector<1x512xf32> to vector<1x128xf32>
      %tanh3A_976 = math.tanh %slice3A_975 : vector<1x128xf32>
      %slice3A_977 = vector.extract_strided_slice %add3A_960 {offsets = [0, 384], sizes = [1, 128], strides = [1, 1]} : vector<1x512xf32> to vector<1x128xf32>
      %logistic3A_978 = arith.negf %slice3A_977 : vector<1x128xf32>
      %logistic3A_979 = math.exp %logistic3A_978 : vector<1x128xf32>
      %logistic3A_980 = arith.constant 1.000000e+00 : f32
      %logistic3A_981 = vector.broadcast %logistic3A_980 : f32 to vector<1x128xf32>
      %logistic3A_982 = arith.addf %logistic3A_981, %logistic3A_979 : vector<1x128xf32>
      %logistic3A_983 = arith.divf %logistic3A_981, %logistic3A_982 : vector<1x128xf32>
      %mul3A_984 = arith.mulf %logistic3A_974, %add3A_948 : vector<1x128xf32>
      %mul3A_985 = arith.mulf %logistic3A_967, %tanh3A_976 : vector<1x128xf32>
      %add3A_986 = arith.addf %mul3A_984, %mul3A_985 : vector<1x128xf32>
      %tanh3A_987 = math.tanh %add3A_986 : vector<1x128xf32>
      %mul3A_988 = arith.mulf %logistic3A_983, %tanh3A_987 : vector<1x128xf32>
      %swap3A_989 = arith.constant 23 : index
      %swap3A_990 = arith.constant 0 : index
      %swap3A_991 = vector.load %arg15[%swap3A_989, %swap3A_990] : memref<64x128xf32, #tpu.memory_space<vmem>>, vector<1x128xf32>
      tpu.vector_store %arg15[%swap3A_989, %swap3A_990], %mul3A_988 {strides = array<i32>} : memref<64x128xf32, #tpu.memory_space<vmem>>, vector<1x128xf32>,
      %slice3A_992 = vector.extract_strided_slice %add3A_78 {offsets = [24, 0], sizes = [1, 512], strides = [1, 1]} : vector<64x512xf32> to vector<1x512xf32>
      %get3A_993 = arith.constant 0 : index
      %get3A_994 = arith.constant 0 : index
      %get3A_995 = vector.load %arg7[%get3A_993, %get3A_994] : memref<128x512xf32, #tpu.memory_space<vmem>>, vector<128x512xf32>
      %dot_general3A_996 = arith.constant dense<0.000000e+00> : vector<1x512xf32>
      %dot_general3A_997 = tpu.matmul %mul3A_988, %get3A_995, %dot_general3A_996 {dimension_numbers = #tpu.dot_dimension_numbers<[1], [0], [0], [1], [0, 0, 1, 1], [], []>, transpose_lhs_hint = false} : vector<1x128xf32>, vector<128x512xf32>, vector<1x512xf32> -> vector<1x512xf32>
      %add3A_998 = arith.addf %slice3A_992, %dot_general3A_997 : vector<1x512xf32>
      %slice3A_999 = vector.extract_strided_slice %add3A_998 {offsets = [0, 0], sizes = [1, 128], strides = [1, 1]} : vector<1x512xf32> to vector<1x128xf32>
      %logistic3A_1000 = arith.negf %slice3A_999 : vector<1x128xf32>
      %logistic3A_1001 = math.exp %logistic3A_1000 : vector<1x128xf32>
      %logistic3A_1002 = arith.constant 1.000000e+00 : f32
      %logistic3A_1003 = vector.broadcast %logistic3A_1002 : f32 to vector<1x128xf32>
      %logistic3A_1004 = arith.addf %logistic3A_1003, %logistic3A_1001 : vector<1x128xf32>
      %logistic3A_1005 = arith.divf %logistic3A_1003, %logistic3A_1004 : vector<1x128xf32>
      %slice3A_1006 = vector.extract_strided_slice %add3A_998 {offsets = [0, 128], sizes = [1, 128], strides = [1, 1]} : vector<1x512xf32> to vector<1x128xf32>
      %logistic3A_1007 = arith.negf %slice3A_1006 : vector<1x128xf32>
      %logistic3A_1008 = math.exp %logistic3A_1007 : vector<1x128xf32>
      %logistic3A_1009 = arith.constant 1.000000e+00 : f32
      %logistic3A_1010 = vector.broadcast %logistic3A_1009 : f32 to vector<1x128xf32>
      %logistic3A_1011 = arith.addf %logistic3A_1010, %logistic3A_1008 : vector<1x128xf32>
      %logistic3A_1012 = arith.divf %logistic3A_1010, %logistic3A_1011 : vector<1x128xf32>
      %slice3A_1013 = vector.extract_strided_slice %add3A_998 {offsets = [0, 256], sizes = [1, 128], strides = [1, 1]} : vector<1x512xf32> to vector<1x128xf32>
      %tanh3A_1014 = math.tanh %slice3A_1013 : vector<1x128xf32>
      %slice3A_1015 = vector.extract_strided_slice %add3A_998 {offsets = [0, 384], sizes = [1, 128], strides = [1, 1]} : vector<1x512xf32> to vector<1x128xf32>
      %logistic3A_1016 = arith.negf %slice3A_1015 : vector<1x128xf32>
      %logistic3A_1017 = math.exp %logistic3A_1016 : vector<1x128xf32>
      %logistic3A_1018 = arith.constant 1.000000e+00 : f32
      %logistic3A_1019 = vector.broadcast %logistic3A_1018 : f32 to vector<1x128xf32>
      %logistic3A_1020 = arith.addf %logistic3A_1019, %logistic3A_1017 : vector<1x128xf32>
      %logistic3A_1021 = arith.divf %logistic3A_1019, %logistic3A_1020 : vector<1x128xf32>
      %mul3A_1022 = arith.mulf %logistic3A_1012, %add3A_986 : vector<1x128xf32>
      %mul3A_1023 = arith.mulf %logistic3A_1005, %tanh3A_1014 : vector<1x128xf32>
      %add3A_1024 = arith.addf %mul3A_1022, %mul3A_1023 : vector<1x128xf32>
      %tanh3A_1025 = math.tanh %add3A_1024 : vector<1x128xf32>
      %mul3A_1026 = arith.mulf %logistic3A_1021, %tanh3A_1025 : vector<1x128xf32>
      %swap3A_1027 = arith.constant 24 : index
      %swap3A_1028 = arith.constant 0 : index
      %swap3A_1029 = vector.load %arg15[%swap3A_1027, %swap3A_1028] : memref<64x128xf32, #tpu.memory_space<vmem>>, vector<1x128xf32>
      tpu.vector_store %arg15[%swap3A_1027, %swap3A_1028], %mul3A_1026 {strides = array<i32>} : memref<64x128xf32, #tpu.memory_space<vmem>>, vector<1x128xf32>,
      %slice3A_1030 = vector.extract_strided_slice %add3A_78 {offsets = [25, 0], sizes = [1, 512], strides = [1, 1]} : vector<64x512xf32> to vector<1x512xf32>
      %get3A_1031 = arith.constant 0 : index
      %get3A_1032 = arith.constant 0 : index
      %get3A_1033 = vector.load %arg7[%get3A_1031, %get3A_1032] : memref<128x512xf32, #tpu.memory_space<vmem>>, vector<128x512xf32>
      %dot_general3A_1034 = arith.constant dense<0.000000e+00> : vector<1x512xf32>
      %dot_general3A_1035 = tpu.matmul %mul3A_1026, %get3A_1033, %dot_general3A_1034 {dimension_numbers = #tpu.dot_dimension_numbers<[1], [0], [0], [1], [0, 0, 1, 1], [], []>, transpose_lhs_hint = false} : vector<1x128xf32>, vector<128x512xf32>, vector<1x512xf32> -> vector<1x512xf32>
      %add3A_1036 = arith.addf %slice3A_1030, %dot_general3A_1035 : vector<1x512xf32>
      %slice3A_1037 = vector.extract_strided_slice %add3A_1036 {offsets = [0, 0], sizes = [1, 128], strides = [1, 1]} : vector<1x512xf32> to vector<1x128xf32>
      %logistic3A_1038 = arith.negf %slice3A_1037 : vector<1x128xf32>
      %logistic3A_1039 = math.exp %logistic3A_1038 : vector<1x128xf32>
      %logistic3A_1040 = arith.constant 1.000000e+00 : f32
      %logistic3A_1041 = vector.broadcast %logistic3A_1040 : f32 to vector<1x128xf32>
      %logistic3A_1042 = arith.addf %logistic3A_1041, %logistic3A_1039 : vector<1x128xf32>
      %logistic3A_1043 = arith.divf %logistic3A_1041, %logistic3A_1042 : vector<1x128xf32>
      %slice3A_1044 = vector.extract_strided_slice %add3A_1036 {offsets = [0, 128], sizes = [1, 128], strides = [1, 1]} : vector<1x512xf32> to vector<1x128xf32>
      %logistic3A_1045 = arith.negf %slice3A_1044 : vector<1x128xf32>
      %logistic3A_1046 = math.exp %logistic3A_1045 : vector<1x128xf32>
      %logistic3A_1047 = arith.constant 1.000000e+00 : f32
      %logistic3A_1048 = vector.broadcast %logistic3A_1047 : f32 to vector<1x128xf32>
      %logistic3A_1049 = arith.addf %logistic3A_1048, %logistic3A_1046 : vector<1x128xf32>
      %logistic3A_1050 = arith.divf %logistic3A_1048, %logistic3A_1049 : vector<1x128xf32>
      %slice3A_1051 = vector.extract_strided_slice %add3A_1036 {offsets = [0, 256], sizes = [1, 128], strides = [1, 1]} : vector<1x512xf32> to vector<1x128xf32>
      %tanh3A_1052 = math.tanh %slice3A_1051 : vector<1x128xf32>
      %slice3A_1053 = vector.extract_strided_slice %add3A_1036 {offsets = [0, 384], sizes = [1, 128], strides = [1, 1]} : vector<1x512xf32> to vector<1x128xf32>
      %logistic3A_1054 = arith.negf %slice3A_1053 : vector<1x128xf32>
      %logistic3A_1055 = math.exp %logistic3A_1054 : vector<1x128xf32>
      %logistic3A_1056 = arith.constant 1.000000e+00 : f32
      %logistic3A_1057 = vector.broadcast %logistic3A_1056 : f32 to vector<1x128xf32>
      %logistic3A_1058 = arith.addf %logistic3A_1057, %logistic3A_1055 : vector<1x128xf32>
      %logistic3A_1059 = arith.divf %logistic3A_1057, %logistic3A_1058 : vector<1x128xf32>
      %mul3A_1060 = arith.mulf %logistic3A_1050, %add3A_1024 : vector<1x128xf32>
      %mul3A_1061 = arith.mulf %logistic3A_1043, %tanh3A_1052 : vector<1x128xf32>
      %add3A_1062 = arith.addf %mul3A_1060, %mul3A_1061 : vector<1x128xf32>
      %tanh3A_1063 = math.tanh %add3A_1062 : vector<1x128xf32>
      %mul3A_1064 = arith.mulf %logistic3A_1059, %tanh3A_1063 : vector<1x128xf32>
      %swap3A_1065 = arith.constant 25 : index
      %swap3A_1066 = arith.constant 0 : index
      %swap3A_1067 = vector.load %arg15[%swap3A_1065, %swap3A_1066] : memref<64x128xf32, #tpu.memory_space<vmem>>, vector<1x128xf32>
      tpu.vector_store %arg15[%swap3A_1065, %swap3A_1066], %mul3A_1064 {strides = array<i32>} : memref<64x128xf32, #tpu.memory_space<vmem>>, vector<1x128xf32>,
      %slice3A_1068 = vector.extract_strided_slice %add3A_78 {offsets = [26, 0], sizes = [1, 512], strides = [1, 1]} : vector<64x512xf32> to vector<1x512xf32>
      %get3A_1069 = arith.constant 0 : index
      %get3A_1070 = arith.constant 0 : index
      %get3A_1071 = vector.load %arg7[%get3A_1069, %get3A_1070] : memref<128x512xf32, #tpu.memory_space<vmem>>, vector<128x512xf32>
      %dot_general3A_1072 = arith.constant dense<0.000000e+00> : vector<1x512xf32>
      %dot_general3A_1073 = tpu.matmul %mul3A_1064, %get3A_1071, %dot_general3A_1072 {dimension_numbers = #tpu.dot_dimension_numbers<[1], [0], [0], [1], [0, 0, 1, 1], [], []>, transpose_lhs_hint = false} : vector<1x128xf32>, vector<128x512xf32>, vector<1x512xf32> -> vector<1x512xf32>
      %add3A_1074 = arith.addf %slice3A_1068, %dot_general3A_1073 : vector<1x512xf32>
      %slice3A_1075 = vector.extract_strided_slice %add3A_1074 {offsets = [0, 0], sizes = [1, 128], strides = [1, 1]} : vector<1x512xf32> to vector<1x128xf32>
      %logistic3A_1076 = arith.negf %slice3A_1075 : vector<1x128xf32>
      %logistic3A_1077 = math.exp %logistic3A_1076 : vector<1x128xf32>
      %logistic3A_1078 = arith.constant 1.000000e+00 : f32
      %logistic3A_1079 = vector.broadcast %logistic3A_1078 : f32 to vector<1x128xf32>
      %logistic3A_1080 = arith.addf %logistic3A_1079, %logistic3A_1077 : vector<1x128xf32>
      %logistic3A_1081 = arith.divf %logistic3A_1079, %logistic3A_1080 : vector<1x128xf32>
      %slice3A_1082 = vector.extract_strided_slice %add3A_1074 {offsets = [0, 128], sizes = [1, 128], strides = [1, 1]} : vector<1x512xf32> to vector<1x128xf32>
      %logistic3A_1083 = arith.negf %slice3A_1082 : vector<1x128xf32>
      %logistic3A_1084 = math.exp %logistic3A_1083 : vector<1x128xf32>
      %logistic3A_1085 = arith.constant 1.000000e+00 : f32
      %logistic3A_1086 = vector.broadcast %logistic3A_1085 : f32 to vector<1x128xf32>
      %logistic3A_1087 = arith.addf %logistic3A_1086, %logistic3A_1084 : vector<1x128xf32>
      %logistic3A_1088 = arith.divf %logistic3A_1086, %logistic3A_1087 : vector<1x128xf32>
      %slice3A_1089 = vector.extract_strided_slice %add3A_1074 {offsets = [0, 256], sizes = [1, 128], strides = [1, 1]} : vector<1x512xf32> to vector<1x128xf32>
      %tanh3A_1090 = math.tanh %slice3A_1089 : vector<1x128xf32>
      %slice3A_1091 = vector.extract_strided_slice %add3A_1074 {offsets = [0, 384], sizes = [1, 128], strides = [1, 1]} : vector<1x512xf32> to vector<1x128xf32>
      %logistic3A_1092 = arith.negf %slice3A_1091 : vector<1x128xf32>
      %logistic3A_1093 = math.exp %logistic3A_1092 : vector<1x128xf32>
      %logistic3A_1094 = arith.constant 1.000000e+00 : f32
      %logistic3A_1095 = vector.broadcast %logistic3A_1094 : f32 to vector<1x128xf32>
      %logistic3A_1096 = arith.addf %logistic3A_1095, %logistic3A_1093 : vector<1x128xf32>
      %logistic3A_1097 = arith.divf %logistic3A_1095, %logistic3A_1096 : vector<1x128xf32>
      %mul3A_1098 = arith.mulf %logistic3A_1088, %add3A_1062 : vector<1x128xf32>
      %mul3A_1099 = arith.mulf %logistic3A_1081, %tanh3A_1090 : vector<1x128xf32>
      %add3A_1100 = arith.addf %mul3A_1098, %mul3A_1099 : vector<1x128xf32>
      %tanh3A_1101 = math.tanh %add3A_1100 : vector<1x128xf32>
      %mul3A_1102 = arith.mulf %logistic3A_1097, %tanh3A_1101 : vector<1x128xf32>
      %swap3A_1103 = arith.constant 26 : index
      %swap3A_1104 = arith.constant 0 : index
      %swap3A_1105 = vector.load %arg15[%swap3A_1103, %swap3A_1104] : memref<64x128xf32, #tpu.memory_space<vmem>>, vector<1x128xf32>
      tpu.vector_store %arg15[%swap3A_1103, %swap3A_1104], %mul3A_1102 {strides = array<i32>} : memref<64x128xf32, #tpu.memory_space<vmem>>, vector<1x128xf32>,
      %slice3A_1106 = vector.extract_strided_slice %add3A_78 {offsets = [27, 0], sizes = [1, 512], strides = [1, 1]} : vector<64x512xf32> to vector<1x512xf32>
      %get3A_1107 = arith.constant 0 : index
      %get3A_1108 = arith.constant 0 : index
      %get3A_1109 = vector.load %arg7[%get3A_1107, %get3A_1108] : memref<128x512xf32, #tpu.memory_space<vmem>>, vector<128x512xf32>
      %dot_general3A_1110 = arith.constant dense<0.000000e+00> : vector<1x512xf32>
      %dot_general3A_1111 = tpu.matmul %mul3A_1102, %get3A_1109, %dot_general3A_1110 {dimension_numbers = #tpu.dot_dimension_numbers<[1], [0], [0], [1], [0, 0, 1, 1], [], []>, transpose_lhs_hint = false} : vector<1x128xf32>, vector<128x512xf32>, vector<1x512xf32> -> vector<1x512xf32>
      %add3A_1112 = arith.addf %slice3A_1106, %dot_general3A_1111 : vector<1x512xf32>
      %slice3A_1113 = vector.extract_strided_slice %add3A_1112 {offsets = [0, 0], sizes = [1, 128], strides = [1, 1]} : vector<1x512xf32> to vector<1x128xf32>
      %logistic3A_1114 = arith.negf %slice3A_1113 : vector<1x128xf32>
      %logistic3A_1115 = math.exp %logistic3A_1114 : vector<1x128xf32>
      %logistic3A_1116 = arith.constant 1.000000e+00 : f32
      %logistic3A_1117 = vector.broadcast %logistic3A_1116 : f32 to vector<1x128xf32>
      %logistic3A_1118 = arith.addf %logistic3A_1117, %logistic3A_1115 : vector<1x128xf32>
      %logistic3A_1119 = arith.divf %logistic3A_1117, %logistic3A_1118 : vector<1x128xf32>
      %slice3A_1120 = vector.extract_strided_slice %add3A_1112 {offsets = [0, 128], sizes = [1, 128], strides = [1, 1]} : vector<1x512xf32> to vector<1x128xf32>
      %logistic3A_1121 = arith.negf %slice3A_1120 : vector<1x128xf32>
      %logistic3A_1122 = math.exp %logistic3A_1121 : vector<1x128xf32>
      %logistic3A_1123 = arith.constant 1.000000e+00 : f32
      %logistic3A_1124 = vector.broadcast %logistic3A_1123 : f32 to vector<1x128xf32>
      %logistic3A_1125 = arith.addf %logistic3A_1124, %logistic3A_1122 : vector<1x128xf32>
      %logistic3A_1126 = arith.divf %logistic3A_1124, %logistic3A_1125 : vector<1x128xf32>
      %slice3A_1127 = vector.extract_strided_slice %add3A_1112 {offsets = [0, 256], sizes = [1, 128], strides = [1, 1]} : vector<1x512xf32> to vector<1x128xf32>
      %tanh3A_1128 = math.tanh %slice3A_1127 : vector<1x128xf32>
      %slice3A_1129 = vector.extract_strided_slice %add3A_1112 {offsets = [0, 384], sizes = [1, 128], strides = [1, 1]} : vector<1x512xf32> to vector<1x128xf32>
      %logistic3A_1130 = arith.negf %slice3A_1129 : vector<1x128xf32>
      %logistic3A_1131 = math.exp %logistic3A_1130 : vector<1x128xf32>
      %logistic3A_1132 = arith.constant 1.000000e+00 : f32
      %logistic3A_1133 = vector.broadcast %logistic3A_1132 : f32 to vector<1x128xf32>
      %logistic3A_1134 = arith.addf %logistic3A_1133, %logistic3A_1131 : vector<1x128xf32>
      %logistic3A_1135 = arith.divf %logistic3A_1133, %logistic3A_1134 : vector<1x128xf32>
      %mul3A_1136 = arith.mulf %logistic3A_1126, %add3A_1100 : vector<1x128xf32>
      %mul3A_1137 = arith.mulf %logistic3A_1119, %tanh3A_1128 : vector<1x128xf32>
      %add3A_1138 = arith.addf %mul3A_1136, %mul3A_1137 : vector<1x128xf32>
      %tanh3A_1139 = math.tanh %add3A_1138 : vector<1x128xf32>
      %mul3A_1140 = arith.mulf %logistic3A_1135, %tanh3A_1139 : vector<1x128xf32>
      %swap3A_1141 = arith.constant 27 : index
      %swap3A_1142 = arith.constant 0 : index
      %swap3A_1143 = vector.load %arg15[%swap3A_1141, %swap3A_1142] : memref<64x128xf32, #tpu.memory_space<vmem>>, vector<1x128xf32>
      tpu.vector_store %arg15[%swap3A_1141, %swap3A_1142], %mul3A_1140 {strides = array<i32>} : memref<64x128xf32, #tpu.memory_space<vmem>>, vector<1x128xf32>,
      %slice3A_1144 = vector.extract_strided_slice %add3A_78 {offsets = [28, 0], sizes = [1, 512], strides = [1, 1]} : vector<64x512xf32> to vector<1x512xf32>
      %get3A_1145 = arith.constant 0 : index
      %get3A_1146 = arith.constant 0 : index
      %get3A_1147 = vector.load %arg7[%get3A_1145, %get3A_1146] : memref<128x512xf32, #tpu.memory_space<vmem>>, vector<128x512xf32>
      %dot_general3A_1148 = arith.constant dense<0.000000e+00> : vector<1x512xf32>
      %dot_general3A_1149 = tpu.matmul %mul3A_1140, %get3A_1147, %dot_general3A_1148 {dimension_numbers = #tpu.dot_dimension_numbers<[1], [0], [0], [1], [0, 0, 1, 1], [], []>, transpose_lhs_hint = false} : vector<1x128xf32>, vector<128x512xf32>, vector<1x512xf32> -> vector<1x512xf32>
      %add3A_1150 = arith.addf %slice3A_1144, %dot_general3A_1149 : vector<1x512xf32>
      %slice3A_1151 = vector.extract_strided_slice %add3A_1150 {offsets = [0, 0], sizes = [1, 128], strides = [1, 1]} : vector<1x512xf32> to vector<1x128xf32>
      %logistic3A_1152 = arith.negf %slice3A_1151 : vector<1x128xf32>
      %logistic3A_1153 = math.exp %logistic3A_1152 : vector<1x128xf32>
      %logistic3A_1154 = arith.constant 1.000000e+00 : f32
      %logistic3A_1155 = vector.broadcast %logistic3A_1154 : f32 to vector<1x128xf32>
      %logistic3A_1156 = arith.addf %logistic3A_1155, %logistic3A_1153 : vector<1x128xf32>
      %logistic3A_1157 = arith.divf %logistic3A_1155, %logistic3A_1156 : vector<1x128xf32>
      %slice3A_1158 = vector.extract_strided_slice %add3A_1150 {offsets = [0, 128], sizes = [1, 128], strides = [1, 1]} : vector<1x512xf32> to vector<1x128xf32>
      %logistic3A_1159 = arith.negf %slice3A_1158 : vector<1x128xf32>
      %logistic3A_1160 = math.exp %logistic3A_1159 : vector<1x128xf32>
      %logistic3A_1161 = arith.constant 1.000000e+00 : f32
      %logistic3A_1162 = vector.broadcast %logistic3A_1161 : f32 to vector<1x128xf32>
      %logistic3A_1163 = arith.addf %logistic3A_1162, %logistic3A_1160 : vector<1x128xf32>
      %logistic3A_1164 = arith.divf %logistic3A_1162, %logistic3A_1163 : vector<1x128xf32>
      %slice3A_1165 = vector.extract_strided_slice %add3A_1150 {offsets = [0, 256], sizes = [1, 128], strides = [1, 1]} : vector<1x512xf32> to vector<1x128xf32>
      %tanh3A_1166 = math.tanh %slice3A_1165 : vector<1x128xf32>
      %slice3A_1167 = vector.extract_strided_slice %add3A_1150 {offsets = [0, 384], sizes = [1, 128], strides = [1, 1]} : vector<1x512xf32> to vector<1x128xf32>
      %logistic3A_1168 = arith.negf %slice3A_1167 : vector<1x128xf32>
      %logistic3A_1169 = math.exp %logistic3A_1168 : vector<1x128xf32>
      %logistic3A_1170 = arith.constant 1.000000e+00 : f32
      %logistic3A_1171 = vector.broadcast %logistic3A_1170 : f32 to vector<1x128xf32>
      %logistic3A_1172 = arith.addf %logistic3A_1171, %logistic3A_1169 : vector<1x128xf32>
      %logistic3A_1173 = arith.divf %logistic3A_1171, %logistic3A_1172 : vector<1x128xf32>
      %mul3A_1174 = arith.mulf %logistic3A_1164, %add3A_1138 : vector<1x128xf32>
      %mul3A_1175 = arith.mulf %logistic3A_1157, %tanh3A_1166 : vector<1x128xf32>
      %add3A_1176 = arith.addf %mul3A_1174, %mul3A_1175 : vector<1x128xf32>
      %tanh3A_1177 = math.tanh %add3A_1176 : vector<1x128xf32>
      %mul3A_1178 = arith.mulf %logistic3A_1173, %tanh3A_1177 : vector<1x128xf32>
      %swap3A_1179 = arith.constant 28 : index
      %swap3A_1180 = arith.constant 0 : index
      %swap3A_1181 = vector.load %arg15[%swap3A_1179, %swap3A_1180] : memref<64x128xf32, #tpu.memory_space<vmem>>, vector<1x128xf32>
      tpu.vector_store %arg15[%swap3A_1179, %swap3A_1180], %mul3A_1178 {strides = array<i32>} : memref<64x128xf32, #tpu.memory_space<vmem>>, vector<1x128xf32>,
      %slice3A_1182 = vector.extract_strided_slice %add3A_78 {offsets = [29, 0], sizes = [1, 512], strides = [1, 1]} : vector<64x512xf32> to vector<1x512xf32>
      %get3A_1183 = arith.constant 0 : index
      %get3A_1184 = arith.constant 0 : index
      %get3A_1185 = vector.load %arg7[%get3A_1183, %get3A_1184] : memref<128x512xf32, #tpu.memory_space<vmem>>, vector<128x512xf32>
      %dot_general3A_1186 = arith.constant dense<0.000000e+00> : vector<1x512xf32>
      %dot_general3A_1187 = tpu.matmul %mul3A_1178, %get3A_1185, %dot_general3A_1186 {dimension_numbers = #tpu.dot_dimension_numbers<[1], [0], [0], [1], [0, 0, 1, 1], [], []>, transpose_lhs_hint = false} : vector<1x128xf32>, vector<128x512xf32>, vector<1x512xf32> -> vector<1x512xf32>
      %add3A_1188 = arith.addf %slice3A_1182, %dot_general3A_1187 : vector<1x512xf32>
      %slice3A_1189 = vector.extract_strided_slice %add3A_1188 {offsets = [0, 0], sizes = [1, 128], strides = [1, 1]} : vector<1x512xf32> to vector<1x128xf32>
      %logistic3A_1190 = arith.negf %slice3A_1189 : vector<1x128xf32>
      %logistic3A_1191 = math.exp %logistic3A_1190 : vector<1x128xf32>
      %logistic3A_1192 = arith.constant 1.000000e+00 : f32
      %logistic3A_1193 = vector.broadcast %logistic3A_1192 : f32 to vector<1x128xf32>
      %logistic3A_1194 = arith.addf %logistic3A_1193, %logistic3A_1191 : vector<1x128xf32>
      %logistic3A_1195 = arith.divf %logistic3A_1193, %logistic3A_1194 : vector<1x128xf32>
      %slice3A_1196 = vector.extract_strided_slice %add3A_1188 {offsets = [0, 128], sizes = [1, 128], strides = [1, 1]} : vector<1x512xf32> to vector<1x128xf32>
      %logistic3A_1197 = arith.negf %slice3A_1196 : vector<1x128xf32>
      %logistic3A_1198 = math.exp %logistic3A_1197 : vector<1x128xf32>
      %logistic3A_1199 = arith.constant 1.000000e+00 : f32
      %logistic3A_1200 = vector.broadcast %logistic3A_1199 : f32 to vector<1x128xf32>
      %logistic3A_1201 = arith.addf %logistic3A_1200, %logistic3A_1198 : vector<1x128xf32>
      %logistic3A_1202 = arith.divf %logistic3A_1200, %logistic3A_1201 : vector<1x128xf32>
      %slice3A_1203 = vector.extract_strided_slice %add3A_1188 {offsets = [0, 256], sizes = [1, 128], strides = [1, 1]} : vector<1x512xf32> to vector<1x128xf32>
      %tanh3A_1204 = math.tanh %slice3A_1203 : vector<1x128xf32>
      %slice3A_1205 = vector.extract_strided_slice %add3A_1188 {offsets = [0, 384], sizes = [1, 128], strides = [1, 1]} : vector<1x512xf32> to vector<1x128xf32>
      %logistic3A_1206 = arith.negf %slice3A_1205 : vector<1x128xf32>
      %logistic3A_1207 = math.exp %logistic3A_1206 : vector<1x128xf32>
      %logistic3A_1208 = arith.constant 1.000000e+00 : f32
      %logistic3A_1209 = vector.broadcast %logistic3A_1208 : f32 to vector<1x128xf32>
      %logistic3A_1210 = arith.addf %logistic3A_1209, %logistic3A_1207 : vector<1x128xf32>
      %logistic3A_1211 = arith.divf %logistic3A_1209, %logistic3A_1210 : vector<1x128xf32>
      %mul3A_1212 = arith.mulf %logistic3A_1202, %add3A_1176 : vector<1x128xf32>
      %mul3A_1213 = arith.mulf %logistic3A_1195, %tanh3A_1204 : vector<1x128xf32>
      %add3A_1214 = arith.addf %mul3A_1212, %mul3A_1213 : vector<1x128xf32>
      %tanh3A_1215 = math.tanh %add3A_1214 : vector<1x128xf32>
      %mul3A_1216 = arith.mulf %logistic3A_1211, %tanh3A_1215 : vector<1x128xf32>
      %swap3A_1217 = arith.constant 29 : index
      %swap3A_1218 = arith.constant 0 : index
      %swap3A_1219 = vector.load %arg15[%swap3A_1217, %swap3A_1218] : memref<64x128xf32, #tpu.memory_space<vmem>>, vector<1x128xf32>
      tpu.vector_store %arg15[%swap3A_1217, %swap3A_1218], %mul3A_1216 {strides = array<i32>} : memref<64x128xf32, #tpu.memory_space<vmem>>, vector<1x128xf32>,
      %slice3A_1220 = vector.extract_strided_slice %add3A_78 {offsets = [30, 0], sizes = [1, 512], strides = [1, 1]} : vector<64x512xf32> to vector<1x512xf32>
      %get3A_1221 = arith.constant 0 : index
      %get3A_1222 = arith.constant 0 : index
      %get3A_1223 = vector.load %arg7[%get3A_1221, %get3A_1222] : memref<128x512xf32, #tpu.memory_space<vmem>>, vector<128x512xf32>
      %dot_general3A_1224 = arith.constant dense<0.000000e+00> : vector<1x512xf32>
      %dot_general3A_1225 = tpu.matmul %mul3A_1216, %get3A_1223, %dot_general3A_1224 {dimension_numbers = #tpu.dot_dimension_numbers<[1], [0], [0], [1], [0, 0, 1, 1], [], []>, transpose_lhs_hint = false} : vector<1x128xf32>, vector<128x512xf32>, vector<1x512xf32> -> vector<1x512xf32>
      %add3A_1226 = arith.addf %slice3A_1220, %dot_general3A_1225 : vector<1x512xf32>
      %slice3A_1227 = vector.extract_strided_slice %add3A_1226 {offsets = [0, 0], sizes = [1, 128], strides = [1, 1]} : vector<1x512xf32> to vector<1x128xf32>
      %logistic3A_1228 = arith.negf %slice3A_1227 : vector<1x128xf32>
      %logistic3A_1229 = math.exp %logistic3A_1228 : vector<1x128xf32>
      %logistic3A_1230 = arith.constant 1.000000e+00 : f32
      %logistic3A_1231 = vector.broadcast %logistic3A_1230 : f32 to vector<1x128xf32>
      %logistic3A_1232 = arith.addf %logistic3A_1231, %logistic3A_1229 : vector<1x128xf32>
      %logistic3A_1233 = arith.divf %logistic3A_1231, %logistic3A_1232 : vector<1x128xf32>
      %slice3A_1234 = vector.extract_strided_slice %add3A_1226 {offsets = [0, 128], sizes = [1, 128], strides = [1, 1]} : vector<1x512xf32> to vector<1x128xf32>
      %logistic3A_1235 = arith.negf %slice3A_1234 : vector<1x128xf32>
      %logistic3A_1236 = math.exp %logistic3A_1235 : vector<1x128xf32>
      %logistic3A_1237 = arith.constant 1.000000e+00 : f32
      %logistic3A_1238 = vector.broadcast %logistic3A_1237 : f32 to vector<1x128xf32>
      %logistic3A_1239 = arith.addf %logistic3A_1238, %logistic3A_1236 : vector<1x128xf32>
      %logistic3A_1240 = arith.divf %logistic3A_1238, %logistic3A_1239 : vector<1x128xf32>
      %slice3A_1241 = vector.extract_strided_slice %add3A_1226 {offsets = [0, 256], sizes = [1, 128], strides = [1, 1]} : vector<1x512xf32> to vector<1x128xf32>
      %tanh3A_1242 = math.tanh %slice3A_1241 : vector<1x128xf32>
      %slice3A_1243 = vector.extract_strided_slice %add3A_1226 {offsets = [0, 384], sizes = [1, 128], strides = [1, 1]} : vector<1x512xf32> to vector<1x128xf32>
      %logistic3A_1244 = arith.negf %slice3A_1243 : vector<1x128xf32>
      %logistic3A_1245 = math.exp %logistic3A_1244 : vector<1x128xf32>
      %logistic3A_1246 = arith.constant 1.000000e+00 : f32
      %logistic3A_1247 = vector.broadcast %logistic3A_1246 : f32 to vector<1x128xf32>
      %logistic3A_1248 = arith.addf %logistic3A_1247, %logistic3A_1245 : vector<1x128xf32>
      %logistic3A_1249 = arith.divf %logistic3A_1247, %logistic3A_1248 : vector<1x128xf32>
      %mul3A_1250 = arith.mulf %logistic3A_1240, %add3A_1214 : vector<1x128xf32>
      %mul3A_1251 = arith.mulf %logistic3A_1233, %tanh3A_1242 : vector<1x128xf32>
      %add3A_1252 = arith.addf %mul3A_1250, %mul3A_1251 : vector<1x128xf32>
      %tanh3A_1253 = math.tanh %add3A_1252 : vector<1x128xf32>
      %mul3A_1254 = arith.mulf %logistic3A_1249, %tanh3A_1253 : vector<1x128xf32>
      %swap3A_1255 = arith.constant 30 : index
      %swap3A_1256 = arith.constant 0 : index
      %swap3A_1257 = vector.load %arg15[%swap3A_1255, %swap3A_1256] : memref<64x128xf32, #tpu.memory_space<vmem>>, vector<1x128xf32>
      tpu.vector_store %arg15[%swap3A_1255, %swap3A_1256], %mul3A_1254 {strides = array<i32>} : memref<64x128xf32, #tpu.memory_space<vmem>>, vector<1x128xf32>,
      %slice3A_1258 = vector.extract_strided_slice %add3A_78 {offsets = [31, 0], sizes = [1, 512], strides = [1, 1]} : vector<64x512xf32> to vector<1x512xf32>
      %get3A_1259 = arith.constant 0 : index
      %get3A_1260 = arith.constant 0 : index
      %get3A_1261 = vector.load %arg7[%get3A_1259, %get3A_1260] : memref<128x512xf32, #tpu.memory_space<vmem>>, vector<128x512xf32>
      %dot_general3A_1262 = arith.constant dense<0.000000e+00> : vector<1x512xf32>
      %dot_general3A_1263 = tpu.matmul %mul3A_1254, %get3A_1261, %dot_general3A_1262 {dimension_numbers = #tpu.dot_dimension_numbers<[1], [0], [0], [1], [0, 0, 1, 1], [], []>, transpose_lhs_hint = false} : vector<1x128xf32>, vector<128x512xf32>, vector<1x512xf32> -> vector<1x512xf32>
      %add3A_1264 = arith.addf %slice3A_1258, %dot_general3A_1263 : vector<1x512xf32>
      %slice3A_1265 = vector.extract_strided_slice %add3A_1264 {offsets = [0, 0], sizes = [1, 128], strides = [1, 1]} : vector<1x512xf32> to vector<1x128xf32>
      %logistic3A_1266 = arith.negf %slice3A_1265 : vector<1x128xf32>
      %logistic3A_1267 = math.exp %logistic3A_1266 : vector<1x128xf32>
      %logistic3A_1268 = arith.constant 1.000000e+00 : f32
      %logistic3A_1269 = vector.broadcast %logistic3A_1268 : f32 to vector<1x128xf32>
      %logistic3A_1270 = arith.addf %logistic3A_1269, %logistic3A_1267 : vector<1x128xf32>
      %logistic3A_1271 = arith.divf %logistic3A_1269, %logistic3A_1270 : vector<1x128xf32>
      %slice3A_1272 = vector.extract_strided_slice %add3A_1264 {offsets = [0, 128], sizes = [1, 128], strides = [1, 1]} : vector<1x512xf32> to vector<1x128xf32>
      %logistic3A_1273 = arith.negf %slice3A_1272 : vector<1x128xf32>
      %logistic3A_1274 = math.exp %logistic3A_1273 : vector<1x128xf32>
      %logistic3A_1275 = arith.constant 1.000000e+00 : f32
      %logistic3A_1276 = vector.broadcast %logistic3A_1275 : f32 to vector<1x128xf32>
      %logistic3A_1277 = arith.addf %logistic3A_1276, %logistic3A_1274 : vector<1x128xf32>
      %logistic3A_1278 = arith.divf %logistic3A_1276, %logistic3A_1277 : vector<1x128xf32>
      %slice3A_1279 = vector.extract_strided_slice %add3A_1264 {offsets = [0, 256], sizes = [1, 128], strides = [1, 1]} : vector<1x512xf32> to vector<1x128xf32>
      %tanh3A_1280 = math.tanh %slice3A_1279 : vector<1x128xf32>
      %slice3A_1281 = vector.extract_strided_slice %add3A_1264 {offsets = [0, 384], sizes = [1, 128], strides = [1, 1]} : vector<1x512xf32> to vector<1x128xf32>
      %logistic3A_1282 = arith.negf %slice3A_1281 : vector<1x128xf32>
      %logistic3A_1283 = math.exp %logistic3A_1282 : vector<1x128xf32>
      %logistic3A_1284 = arith.constant 1.000000e+00 : f32
      %logistic3A_1285 = vector.broadcast %logistic3A_1284 : f32 to vector<1x128xf32>
      %logistic3A_1286 = arith.addf %logistic3A_1285, %logistic3A_1283 : vector<1x128xf32>
      %logistic3A_1287 = arith.divf %logistic3A_1285, %logistic3A_1286 : vector<1x128xf32>
      %mul3A_1288 = arith.mulf %logistic3A_1278, %add3A_1252 : vector<1x128xf32>
      %mul3A_1289 = arith.mulf %logistic3A_1271, %tanh3A_1280 : vector<1x128xf32>
      %add3A_1290 = arith.addf %mul3A_1288, %mul3A_1289 : vector<1x128xf32>
      %tanh3A_1291 = math.tanh %add3A_1290 : vector<1x128xf32>
      %mul3A_1292 = arith.mulf %logistic3A_1287, %tanh3A_1291 : vector<1x128xf32>
      %swap3A_1293 = arith.constant 31 : index
      %swap3A_1294 = arith.constant 0 : index
      %swap3A_1295 = vector.load %arg15[%swap3A_1293, %swap3A_1294] : memref<64x128xf32, #tpu.memory_space<vmem>>, vector<1x128xf32>
      tpu.vector_store %arg15[%swap3A_1293, %swap3A_1294], %mul3A_1292 {strides = array<i32>} : memref<64x128xf32, #tpu.memory_space<vmem>>, vector<1x128xf32>,
      %slice3A_1296 = vector.extract_strided_slice %add3A_78 {offsets = [32, 0], sizes = [1, 512], strides = [1, 1]} : vector<64x512xf32> to vector<1x512xf32>
      %get3A_1297 = arith.constant 0 : index
      %get3A_1298 = arith.constant 0 : index
      %get3A_1299 = vector.load %arg7[%get3A_1297, %get3A_1298] : memref<128x512xf32, #tpu.memory_space<vmem>>, vector<128x512xf32>
      %dot_general3A_1300 = arith.constant dense<0.000000e+00> : vector<1x512xf32>
      %dot_general3A_1301 = tpu.matmul %mul3A_1292, %get3A_1299, %dot_general3A_1300 {dimension_numbers = #tpu.dot_dimension_numbers<[1], [0], [0], [1], [0, 0, 1, 1], [], []>, transpose_lhs_hint = false} : vector<1x128xf32>, vector<128x512xf32>, vector<1x512xf32> -> vector<1x512xf32>
      %add3A_1302 = arith.addf %slice3A_1296, %dot_general3A_1301 : vector<1x512xf32>
      %slice3A_1303 = vector.extract_strided_slice %add3A_1302 {offsets = [0, 0], sizes = [1, 128], strides = [1, 1]} : vector<1x512xf32> to vector<1x128xf32>
      %logistic3A_1304 = arith.negf %slice3A_1303 : vector<1x128xf32>
      %logistic3A_1305 = math.exp %logistic3A_1304 : vector<1x128xf32>
      %logistic3A_1306 = arith.constant 1.000000e+00 : f32
      %logistic3A_1307 = vector.broadcast %logistic3A_1306 : f32 to vector<1x128xf32>
      %logistic3A_1308 = arith.addf %logistic3A_1307, %logistic3A_1305 : vector<1x128xf32>
      %logistic3A_1309 = arith.divf %logistic3A_1307, %logistic3A_1308 : vector<1x128xf32>
      %slice3A_1310 = vector.extract_strided_slice %add3A_1302 {offsets = [0, 128], sizes = [1, 128], strides = [1, 1]} : vector<1x512xf32> to vector<1x128xf32>
      %logistic3A_1311 = arith.negf %slice3A_1310 : vector<1x128xf32>
      %logistic3A_1312 = math.exp %logistic3A_1311 : vector<1x128xf32>
      %logistic3A_1313 = arith.constant 1.000000e+00 : f32
      %logistic3A_1314 = vector.broadcast %logistic3A_1313 : f32 to vector<1x128xf32>
      %logistic3A_1315 = arith.addf %logistic3A_1314, %logistic3A_1312 : vector<1x128xf32>
      %logistic3A_1316 = arith.divf %logistic3A_1314, %logistic3A_1315 : vector<1x128xf32>
      %slice3A_1317 = vector.extract_strided_slice %add3A_1302 {offsets = [0, 256], sizes = [1, 128], strides = [1, 1]} : vector<1x512xf32> to vector<1x128xf32>
      %tanh3A_1318 = math.tanh %slice3A_1317 : vector<1x128xf32>
      %slice3A_1319 = vector.extract_strided_slice %add3A_1302 {offsets = [0, 384], sizes = [1, 128], strides = [1, 1]} : vector<1x512xf32> to vector<1x128xf32>
      %logistic3A_1320 = arith.negf %slice3A_1319 : vector<1x128xf32>
      %logistic3A_1321 = math.exp %logistic3A_1320 : vector<1x128xf32>
      %logistic3A_1322 = arith.constant 1.000000e+00 : f32
      %logistic3A_1323 = vector.broadcast %logistic3A_1322 : f32 to vector<1x128xf32>
      %logistic3A_1324 = arith.addf %logistic3A_1323, %logistic3A_1321 : vector<1x128xf32>
      %logistic3A_1325 = arith.divf %logistic3A_1323, %logistic3A_1324 : vector<1x128xf32>
      %mul3A_1326 = arith.mulf %logistic3A_1316, %add3A_1290 : vector<1x128xf32>
      %mul3A_1327 = arith.mulf %logistic3A_1309, %tanh3A_1318 : vector<1x128xf32>
      %add3A_1328 = arith.addf %mul3A_1326, %mul3A_1327 : vector<1x128xf32>
      %tanh3A_1329 = math.tanh %add3A_1328 : vector<1x128xf32>
      %mul3A_1330 = arith.mulf %logistic3A_1325, %tanh3A_1329 : vector<1x128xf32>
      %swap3A_1331 = arith.constant 32 : index
      %swap3A_1332 = arith.constant 0 : index
      %swap3A_1333 = vector.load %arg15[%swap3A_1331, %swap3A_1332] : memref<64x128xf32, #tpu.memory_space<vmem>>, vector<1x128xf32>
      tpu.vector_store %arg15[%swap3A_1331, %swap3A_1332], %mul3A_1330 {strides = array<i32>} : memref<64x128xf32, #tpu.memory_space<vmem>>, vector<1x128xf32>,
      %slice3A_1334 = vector.extract_strided_slice %add3A_78 {offsets = [33, 0], sizes = [1, 512], strides = [1, 1]} : vector<64x512xf32> to vector<1x512xf32>
      %get3A_1335 = arith.constant 0 : index
      %get3A_1336 = arith.constant 0 : index
      %get3A_1337 = vector.load %arg7[%get3A_1335, %get3A_1336] : memref<128x512xf32, #tpu.memory_space<vmem>>, vector<128x512xf32>
      %dot_general3A_1338 = arith.constant dense<0.000000e+00> : vector<1x512xf32>
      %dot_general3A_1339 = tpu.matmul %mul3A_1330, %get3A_1337, %dot_general3A_1338 {dimension_numbers = #tpu.dot_dimension_numbers<[1], [0], [0], [1], [0, 0, 1, 1], [], []>, transpose_lhs_hint = false} : vector<1x128xf32>, vector<128x512xf32>, vector<1x512xf32> -> vector<1x512xf32>
      %add3A_1340 = arith.addf %slice3A_1334, %dot_general3A_1339 : vector<1x512xf32>
      %slice3A_1341 = vector.extract_strided_slice %add3A_1340 {offsets = [0, 0], sizes = [1, 128], strides = [1, 1]} : vector<1x512xf32> to vector<1x128xf32>
      %logistic3A_1342 = arith.negf %slice3A_1341 : vector<1x128xf32>
      %logistic3A_1343 = math.exp %logistic3A_1342 : vector<1x128xf32>
      %logistic3A_1344 = arith.constant 1.000000e+00 : f32
      %logistic3A_1345 = vector.broadcast %logistic3A_1344 : f32 to vector<1x128xf32>
      %logistic3A_1346 = arith.addf %logistic3A_1345, %logistic3A_1343 : vector<1x128xf32>
      %logistic3A_1347 = arith.divf %logistic3A_1345, %logistic3A_1346 : vector<1x128xf32>
      %slice3A_1348 = vector.extract_strided_slice %add3A_1340 {offsets = [0, 128], sizes = [1, 128], strides = [1, 1]} : vector<1x512xf32> to vector<1x128xf32>
      %logistic3A_1349 = arith.negf %slice3A_1348 : vector<1x128xf32>
      %logistic3A_1350 = math.exp %logistic3A_1349 : vector<1x128xf32>
      %logistic3A_1351 = arith.constant 1.000000e+00 : f32
      %logistic3A_1352 = vector.broadcast %logistic3A_1351 : f32 to vector<1x128xf32>
      %logistic3A_1353 = arith.addf %logistic3A_1352, %logistic3A_1350 : vector<1x128xf32>
      %logistic3A_1354 = arith.divf %logistic3A_1352, %logistic3A_1353 : vector<1x128xf32>
      %slice3A_1355 = vector.extract_strided_slice %add3A_1340 {offsets = [0, 256], sizes = [1, 128], strides = [1, 1]} : vector<1x512xf32> to vector<1x128xf32>
      %tanh3A_1356 = math.tanh %slice3A_1355 : vector<1x128xf32>
      %slice3A_1357 = vector.extract_strided_slice %add3A_1340 {offsets = [0, 384], sizes = [1, 128], strides = [1, 1]} : vector<1x512xf32> to vector<1x128xf32>
      %logistic3A_1358 = arith.negf %slice3A_1357 : vector<1x128xf32>
      %logistic3A_1359 = math.exp %logistic3A_1358 : vector<1x128xf32>
      %logistic3A_1360 = arith.constant 1.000000e+00 : f32
      %logistic3A_1361 = vector.broadcast %logistic3A_1360 : f32 to vector<1x128xf32>
      %logistic3A_1362 = arith.addf %logistic3A_1361, %logistic3A_1359 : vector<1x128xf32>
      %logistic3A_1363 = arith.divf %logistic3A_1361, %logistic3A_1362 : vector<1x128xf32>
      %mul3A_1364 = arith.mulf %logistic3A_1354, %add3A_1328 : vector<1x128xf32>
      %mul3A_1365 = arith.mulf %logistic3A_1347, %tanh3A_1356 : vector<1x128xf32>
      %add3A_1366 = arith.addf %mul3A_1364, %mul3A_1365 : vector<1x128xf32>
      %tanh3A_1367 = math.tanh %add3A_1366 : vector<1x128xf32>
      %mul3A_1368 = arith.mulf %logistic3A_1363, %tanh3A_1367 : vector<1x128xf32>
      %swap3A_1369 = arith.constant 33 : index
      %swap3A_1370 = arith.constant 0 : index
      %swap3A_1371 = vector.load %arg15[%swap3A_1369, %swap3A_1370] : memref<64x128xf32, #tpu.memory_space<vmem>>, vector<1x128xf32>
      tpu.vector_store %arg15[%swap3A_1369, %swap3A_1370], %mul3A_1368 {strides = array<i32>} : memref<64x128xf32, #tpu.memory_space<vmem>>, vector<1x128xf32>,
      %slice3A_1372 = vector.extract_strided_slice %add3A_78 {offsets = [34, 0], sizes = [1, 512], strides = [1, 1]} : vector<64x512xf32> to vector<1x512xf32>
      %get3A_1373 = arith.constant 0 : index
      %get3A_1374 = arith.constant 0 : index
      %get3A_1375 = vector.load %arg7[%get3A_1373, %get3A_1374] : memref<128x512xf32, #tpu.memory_space<vmem>>, vector<128x512xf32>
      %dot_general3A_1376 = arith.constant dense<0.000000e+00> : vector<1x512xf32>
      %dot_general3A_1377 = tpu.matmul %mul3A_1368, %get3A_1375, %dot_general3A_1376 {dimension_numbers = #tpu.dot_dimension_numbers<[1], [0], [0], [1], [0, 0, 1, 1], [], []>, transpose_lhs_hint = false} : vector<1x128xf32>, vector<128x512xf32>, vector<1x512xf32> -> vector<1x512xf32>
      %add3A_1378 = arith.addf %slice3A_1372, %dot_general3A_1377 : vector<1x512xf32>
      %slice3A_1379 = vector.extract_strided_slice %add3A_1378 {offsets = [0, 0], sizes = [1, 128], strides = [1, 1]} : vector<1x512xf32> to vector<1x128xf32>
      %logistic3A_1380 = arith.negf %slice3A_1379 : vector<1x128xf32>
      %logistic3A_1381 = math.exp %logistic3A_1380 : vector<1x128xf32>
      %logistic3A_1382 = arith.constant 1.000000e+00 : f32
      %logistic3A_1383 = vector.broadcast %logistic3A_1382 : f32 to vector<1x128xf32>
      %logistic3A_1384 = arith.addf %logistic3A_1383, %logistic3A_1381 : vector<1x128xf32>
      %logistic3A_1385 = arith.divf %logistic3A_1383, %logistic3A_1384 : vector<1x128xf32>
      %slice3A_1386 = vector.extract_strided_slice %add3A_1378 {offsets = [0, 128], sizes = [1, 128], strides = [1, 1]} : vector<1x512xf32> to vector<1x128xf32>
      %logistic3A_1387 = arith.negf %slice3A_1386 : vector<1x128xf32>
      %logistic3A_1388 = math.exp %logistic3A_1387 : vector<1x128xf32>
      %logistic3A_1389 = arith.constant 1.000000e+00 : f32
      %logistic3A_1390 = vector.broadcast %logistic3A_1389 : f32 to vector<1x128xf32>
      %logistic3A_1391 = arith.addf %logistic3A_1390, %logistic3A_1388 : vector<1x128xf32>
      %logistic3A_1392 = arith.divf %logistic3A_1390, %logistic3A_1391 : vector<1x128xf32>
      %slice3A_1393 = vector.extract_strided_slice %add3A_1378 {offsets = [0, 256], sizes = [1, 128], strides = [1, 1]} : vector<1x512xf32> to vector<1x128xf32>
      %tanh3A_1394 = math.tanh %slice3A_1393 : vector<1x128xf32>
      %slice3A_1395 = vector.extract_strided_slice %add3A_1378 {offsets = [0, 384], sizes = [1, 128], strides = [1, 1]} : vector<1x512xf32> to vector<1x128xf32>
      %logistic3A_1396 = arith.negf %slice3A_1395 : vector<1x128xf32>
      %logistic3A_1397 = math.exp %logistic3A_1396 : vector<1x128xf32>
      %logistic3A_1398 = arith.constant 1.000000e+00 : f32
      %logistic3A_1399 = vector.broadcast %logistic3A_1398 : f32 to vector<1x128xf32>
      %logistic3A_1400 = arith.addf %logistic3A_1399, %logistic3A_1397 : vector<1x128xf32>
      %logistic3A_1401 = arith.divf %logistic3A_1399, %logistic3A_1400 : vector<1x128xf32>
      %mul3A_1402 = arith.mulf %logistic3A_1392, %add3A_1366 : vector<1x128xf32>
      %mul3A_1403 = arith.mulf %logistic3A_1385, %tanh3A_1394 : vector<1x128xf32>
      %add3A_1404 = arith.addf %mul3A_1402, %mul3A_1403 : vector<1x128xf32>
      %tanh3A_1405 = math.tanh %add3A_1404 : vector<1x128xf32>
      %mul3A_1406 = arith.mulf %logistic3A_1401, %tanh3A_1405 : vector<1x128xf32>
      %swap3A_1407 = arith.constant 34 : index
      %swap3A_1408 = arith.constant 0 : index
      %swap3A_1409 = vector.load %arg15[%swap3A_1407, %swap3A_1408] : memref<64x128xf32, #tpu.memory_space<vmem>>, vector<1x128xf32>
      tpu.vector_store %arg15[%swap3A_1407, %swap3A_1408], %mul3A_1406 {strides = array<i32>} : memref<64x128xf32, #tpu.memory_space<vmem>>, vector<1x128xf32>,
      %slice3A_1410 = vector.extract_strided_slice %add3A_78 {offsets = [35, 0], sizes = [1, 512], strides = [1, 1]} : vector<64x512xf32> to vector<1x512xf32>
      %get3A_1411 = arith.constant 0 : index
      %get3A_1412 = arith.constant 0 : index
      %get3A_1413 = vector.load %arg7[%get3A_1411, %get3A_1412] : memref<128x512xf32, #tpu.memory_space<vmem>>, vector<128x512xf32>
      %dot_general3A_1414 = arith.constant dense<0.000000e+00> : vector<1x512xf32>
      %dot_general3A_1415 = tpu.matmul %mul3A_1406, %get3A_1413, %dot_general3A_1414 {dimension_numbers = #tpu.dot_dimension_numbers<[1], [0], [0], [1], [0, 0, 1, 1], [], []>, transpose_lhs_hint = false} : vector<1x128xf32>, vector<128x512xf32>, vector<1x512xf32> -> vector<1x512xf32>
      %add3A_1416 = arith.addf %slice3A_1410, %dot_general3A_1415 : vector<1x512xf32>
      %slice3A_1417 = vector.extract_strided_slice %add3A_1416 {offsets = [0, 0], sizes = [1, 128], strides = [1, 1]} : vector<1x512xf32> to vector<1x128xf32>
      %logistic3A_1418 = arith.negf %slice3A_1417 : vector<1x128xf32>
      %logistic3A_1419 = math.exp %logistic3A_1418 : vector<1x128xf32>
      %logistic3A_1420 = arith.constant 1.000000e+00 : f32
      %logistic3A_1421 = vector.broadcast %logistic3A_1420 : f32 to vector<1x128xf32>
      %logistic3A_1422 = arith.addf %logistic3A_1421, %logistic3A_1419 : vector<1x128xf32>
      %logistic3A_1423 = arith.divf %logistic3A_1421, %logistic3A_1422 : vector<1x128xf32>
      %slice3A_1424 = vector.extract_strided_slice %add3A_1416 {offsets = [0, 128], sizes = [1, 128], strides = [1, 1]} : vector<1x512xf32> to vector<1x128xf32>
      %logistic3A_1425 = arith.negf %slice3A_1424 : vector<1x128xf32>
      %logistic3A_1426 = math.exp %logistic3A_1425 : vector<1x128xf32>
      %logistic3A_1427 = arith.constant 1.000000e+00 : f32
      %logistic3A_1428 = vector.broadcast %logistic3A_1427 : f32 to vector<1x128xf32>
      %logistic3A_1429 = arith.addf %logistic3A_1428, %logistic3A_1426 : vector<1x128xf32>
      %logistic3A_1430 = arith.divf %logistic3A_1428, %logistic3A_1429 : vector<1x128xf32>
      %slice3A_1431 = vector.extract_strided_slice %add3A_1416 {offsets = [0, 256], sizes = [1, 128], strides = [1, 1]} : vector<1x512xf32> to vector<1x128xf32>
      %tanh3A_1432 = math.tanh %slice3A_1431 : vector<1x128xf32>
      %slice3A_1433 = vector.extract_strided_slice %add3A_1416 {offsets = [0, 384], sizes = [1, 128], strides = [1, 1]} : vector<1x512xf32> to vector<1x128xf32>
      %logistic3A_1434 = arith.negf %slice3A_1433 : vector<1x128xf32>
      %logistic3A_1435 = math.exp %logistic3A_1434 : vector<1x128xf32>
      %logistic3A_1436 = arith.constant 1.000000e+00 : f32
      %logistic3A_1437 = vector.broadcast %logistic3A_1436 : f32 to vector<1x128xf32>
      %logistic3A_1438 = arith.addf %logistic3A_1437, %logistic3A_1435 : vector<1x128xf32>
      %logistic3A_1439 = arith.divf %logistic3A_1437, %logistic3A_1438 : vector<1x128xf32>
      %mul3A_1440 = arith.mulf %logistic3A_1430, %add3A_1404 : vector<1x128xf32>
      %mul3A_1441 = arith.mulf %logistic3A_1423, %tanh3A_1432 : vector<1x128xf32>
      %add3A_1442 = arith.addf %mul3A_1440, %mul3A_1441 : vector<1x128xf32>
      %tanh3A_1443 = math.tanh %add3A_1442 : vector<1x128xf32>
      %mul3A_1444 = arith.mulf %logistic3A_1439, %tanh3A_1443 : vector<1x128xf32>
      %swap3A_1445 = arith.constant 35 : index
      %swap3A_1446 = arith.constant 0 : index
      %swap3A_1447 = vector.load %arg15[%swap3A_1445, %swap3A_1446] : memref<64x128xf32, #tpu.memory_space<vmem>>, vector<1x128xf32>
      tpu.vector_store %arg15[%swap3A_1445, %swap3A_1446], %mul3A_1444 {strides = array<i32>} : memref<64x128xf32, #tpu.memory_space<vmem>>, vector<1x128xf32>,
      %slice3A_1448 = vector.extract_strided_slice %add3A_78 {offsets = [36, 0], sizes = [1, 512], strides = [1, 1]} : vector<64x512xf32> to vector<1x512xf32>
      %get3A_1449 = arith.constant 0 : index
      %get3A_1450 = arith.constant 0 : index
      %get3A_1451 = vector.load %arg7[%get3A_1449, %get3A_1450] : memref<128x512xf32, #tpu.memory_space<vmem>>, vector<128x512xf32>
      %dot_general3A_1452 = arith.constant dense<0.000000e+00> : vector<1x512xf32>
      %dot_general3A_1453 = tpu.matmul %mul3A_1444, %get3A_1451, %dot_general3A_1452 {dimension_numbers = #tpu.dot_dimension_numbers<[1], [0], [0], [1], [0, 0, 1, 1], [], []>, transpose_lhs_hint = false} : vector<1x128xf32>, vector<128x512xf32>, vector<1x512xf32> -> vector<1x512xf32>
      %add3A_1454 = arith.addf %slice3A_1448, %dot_general3A_1453 : vector<1x512xf32>
      %slice3A_1455 = vector.extract_strided_slice %add3A_1454 {offsets = [0, 0], sizes = [1, 128], strides = [1, 1]} : vector<1x512xf32> to vector<1x128xf32>
      %logistic3A_1456 = arith.negf %slice3A_1455 : vector<1x128xf32>
      %logistic3A_1457 = math.exp %logistic3A_1456 : vector<1x128xf32>
      %logistic3A_1458 = arith.constant 1.000000e+00 : f32
      %logistic3A_1459 = vector.broadcast %logistic3A_1458 : f32 to vector<1x128xf32>
      %logistic3A_1460 = arith.addf %logistic3A_1459, %logistic3A_1457 : vector<1x128xf32>
      %logistic3A_1461 = arith.divf %logistic3A_1459, %logistic3A_1460 : vector<1x128xf32>
      %slice3A_1462 = vector.extract_strided_slice %add3A_1454 {offsets = [0, 128], sizes = [1, 128], strides = [1, 1]} : vector<1x512xf32> to vector<1x128xf32>
      %logistic3A_1463 = arith.negf %slice3A_1462 : vector<1x128xf32>
      %logistic3A_1464 = math.exp %logistic3A_1463 : vector<1x128xf32>
      %logistic3A_1465 = arith.constant 1.000000e+00 : f32
      %logistic3A_1466 = vector.broadcast %logistic3A_1465 : f32 to vector<1x128xf32>
      %logistic3A_1467 = arith.addf %logistic3A_1466, %logistic3A_1464 : vector<1x128xf32>
      %logistic3A_1468 = arith.divf %logistic3A_1466, %logistic3A_1467 : vector<1x128xf32>
      %slice3A_1469 = vector.extract_strided_slice %add3A_1454 {offsets = [0, 256], sizes = [1, 128], strides = [1, 1]} : vector<1x512xf32> to vector<1x128xf32>
      %tanh3A_1470 = math.tanh %slice3A_1469 : vector<1x128xf32>
      %slice3A_1471 = vector.extract_strided_slice %add3A_1454 {offsets = [0, 384], sizes = [1, 128], strides = [1, 1]} : vector<1x512xf32> to vector<1x128xf32>
      %logistic3A_1472 = arith.negf %slice3A_1471 : vector<1x128xf32>
      %logistic3A_1473 = math.exp %logistic3A_1472 : vector<1x128xf32>
      %logistic3A_1474 = arith.constant 1.000000e+00 : f32
      %logistic3A_1475 = vector.broadcast %logistic3A_1474 : f32 to vector<1x128xf32>
      %logistic3A_1476 = arith.addf %logistic3A_1475, %logistic3A_1473 : vector<1x128xf32>
      %logistic3A_1477 = arith.divf %logistic3A_1475, %logistic3A_1476 : vector<1x128xf32>
      %mul3A_1478 = arith.mulf %logistic3A_1468, %add3A_1442 : vector<1x128xf32>
      %mul3A_1479 = arith.mulf %logistic3A_1461, %tanh3A_1470 : vector<1x128xf32>
      %add3A_1480 = arith.addf %mul3A_1478, %mul3A_1479 : vector<1x128xf32>
      %tanh3A_1481 = math.tanh %add3A_1480 : vector<1x128xf32>
      %mul3A_1482 = arith.mulf %logistic3A_1477, %tanh3A_1481 : vector<1x128xf32>
      %swap3A_1483 = arith.constant 36 : index
      %swap3A_1484 = arith.constant 0 : index
      %swap3A_1485 = vector.load %arg15[%swap3A_1483, %swap3A_1484] : memref<64x128xf32, #tpu.memory_space<vmem>>, vector<1x128xf32>
      tpu.vector_store %arg15[%swap3A_1483, %swap3A_1484], %mul3A_1482 {strides = array<i32>} : memref<64x128xf32, #tpu.memory_space<vmem>>, vector<1x128xf32>,
      %slice3A_1486 = vector.extract_strided_slice %add3A_78 {offsets = [37, 0], sizes = [1, 512], strides = [1, 1]} : vector<64x512xf32> to vector<1x512xf32>
      %get3A_1487 = arith.constant 0 : index
      %get3A_1488 = arith.constant 0 : index
      %get3A_1489 = vector.load %arg7[%get3A_1487, %get3A_1488] : memref<128x512xf32, #tpu.memory_space<vmem>>, vector<128x512xf32>
      %dot_general3A_1490 = arith.constant dense<0.000000e+00> : vector<1x512xf32>
      %dot_general3A_1491 = tpu.matmul %mul3A_1482, %get3A_1489, %dot_general3A_1490 {dimension_numbers = #tpu.dot_dimension_numbers<[1], [0], [0], [1], [0, 0, 1, 1], [], []>, transpose_lhs_hint = false} : vector<1x128xf32>, vector<128x512xf32>, vector<1x512xf32> -> vector<1x512xf32>
      %add3A_1492 = arith.addf %slice3A_1486, %dot_general3A_1491 : vector<1x512xf32>
      %slice3A_1493 = vector.extract_strided_slice %add3A_1492 {offsets = [0, 0], sizes = [1, 128], strides = [1, 1]} : vector<1x512xf32> to vector<1x128xf32>
      %logistic3A_1494 = arith.negf %slice3A_1493 : vector<1x128xf32>
      %logistic3A_1495 = math.exp %logistic3A_1494 : vector<1x128xf32>
      %logistic3A_1496 = arith.constant 1.000000e+00 : f32
      %logistic3A_1497 = vector.broadcast %logistic3A_1496 : f32 to vector<1x128xf32>
      %logistic3A_1498 = arith.addf %logistic3A_1497, %logistic3A_1495 : vector<1x128xf32>
      %logistic3A_1499 = arith.divf %logistic3A_1497, %logistic3A_1498 : vector<1x128xf32>
      %slice3A_1500 = vector.extract_strided_slice %add3A_1492 {offsets = [0, 128], sizes = [1, 128], strides = [1, 1]} : vector<1x512xf32> to vector<1x128xf32>
      %logistic3A_1501 = arith.negf %slice3A_1500 : vector<1x128xf32>
      %logistic3A_1502 = math.exp %logistic3A_1501 : vector<1x128xf32>
      %logistic3A_1503 = arith.constant 1.000000e+00 : f32
      %logistic3A_1504 = vector.broadcast %logistic3A_1503 : f32 to vector<1x128xf32>
      %logistic3A_1505 = arith.addf %logistic3A_1504, %logistic3A_1502 : vector<1x128xf32>
      %logistic3A_1506 = arith.divf %logistic3A_1504, %logistic3A_1505 : vector<1x128xf32>
      %slice3A_1507 = vector.extract_strided_slice %add3A_1492 {offsets = [0, 256], sizes = [1, 128], strides = [1, 1]} : vector<1x512xf32> to vector<1x128xf32>
      %tanh3A_1508 = math.tanh %slice3A_1507 : vector<1x128xf32>
      %slice3A_1509 = vector.extract_strided_slice %add3A_1492 {offsets = [0, 384], sizes = [1, 128], strides = [1, 1]} : vector<1x512xf32> to vector<1x128xf32>
      %logistic3A_1510 = arith.negf %slice3A_1509 : vector<1x128xf32>
      %logistic3A_1511 = math.exp %logistic3A_1510 : vector<1x128xf32>
      %logistic3A_1512 = arith.constant 1.000000e+00 : f32
      %logistic3A_1513 = vector.broadcast %logistic3A_1512 : f32 to vector<1x128xf32>
      %logistic3A_1514 = arith.addf %logistic3A_1513, %logistic3A_1511 : vector<1x128xf32>
      %logistic3A_1515 = arith.divf %logistic3A_1513, %logistic3A_1514 : vector<1x128xf32>
      %mul3A_1516 = arith.mulf %logistic3A_1506, %add3A_1480 : vector<1x128xf32>
      %mul3A_1517 = arith.mulf %logistic3A_1499, %tanh3A_1508 : vector<1x128xf32>
      %add3A_1518 = arith.addf %mul3A_1516, %mul3A_1517 : vector<1x128xf32>
      %tanh3A_1519 = math.tanh %add3A_1518 : vector<1x128xf32>
      %mul3A_1520 = arith.mulf %logistic3A_1515, %tanh3A_1519 : vector<1x128xf32>
      %swap3A_1521 = arith.constant 37 : index
      %swap3A_1522 = arith.constant 0 : index
      %swap3A_1523 = vector.load %arg15[%swap3A_1521, %swap3A_1522] : memref<64x128xf32, #tpu.memory_space<vmem>>, vector<1x128xf32>
      tpu.vector_store %arg15[%swap3A_1521, %swap3A_1522], %mul3A_1520 {strides = array<i32>} : memref<64x128xf32, #tpu.memory_space<vmem>>, vector<1x128xf32>,
      %slice3A_1524 = vector.extract_strided_slice %add3A_78 {offsets = [38, 0], sizes = [1, 512], strides = [1, 1]} : vector<64x512xf32> to vector<1x512xf32>
      %get3A_1525 = arith.constant 0 : index
      %get3A_1526 = arith.constant 0 : index
      %get3A_1527 = vector.load %arg7[%get3A_1525, %get3A_1526] : memref<128x512xf32, #tpu.memory_space<vmem>>, vector<128x512xf32>
      %dot_general3A_1528 = arith.constant dense<0.000000e+00> : vector<1x512xf32>
      %dot_general3A_1529 = tpu.matmul %mul3A_1520, %get3A_1527, %dot_general3A_1528 {dimension_numbers = #tpu.dot_dimension_numbers<[1], [0], [0], [1], [0, 0, 1, 1], [], []>, transpose_lhs_hint = false} : vector<1x128xf32>, vector<128x512xf32>, vector<1x512xf32> -> vector<1x512xf32>
      %add3A_1530 = arith.addf %slice3A_1524, %dot_general3A_1529 : vector<1x512xf32>
      %slice3A_1531 = vector.extract_strided_slice %add3A_1530 {offsets = [0, 0], sizes = [1, 128], strides = [1, 1]} : vector<1x512xf32> to vector<1x128xf32>
      %logistic3A_1532 = arith.negf %slice3A_1531 : vector<1x128xf32>
      %logistic3A_1533 = math.exp %logistic3A_1532 : vector<1x128xf32>
      %logistic3A_1534 = arith.constant 1.000000e+00 : f32
      %logistic3A_1535 = vector.broadcast %logistic3A_1534 : f32 to vector<1x128xf32>
      %logistic3A_1536 = arith.addf %logistic3A_1535, %logistic3A_1533 : vector<1x128xf32>
      %logistic3A_1537 = arith.divf %logistic3A_1535, %logistic3A_1536 : vector<1x128xf32>
      %slice3A_1538 = vector.extract_strided_slice %add3A_1530 {offsets = [0, 128], sizes = [1, 128], strides = [1, 1]} : vector<1x512xf32> to vector<1x128xf32>
      %logistic3A_1539 = arith.negf %slice3A_1538 : vector<1x128xf32>
      %logistic3A_1540 = math.exp %logistic3A_1539 : vector<1x128xf32>
      %logistic3A_1541 = arith.constant 1.000000e+00 : f32
      %logistic3A_1542 = vector.broadcast %logistic3A_1541 : f32 to vector<1x128xf32>
      %logistic3A_1543 = arith.addf %logistic3A_1542, %logistic3A_1540 : vector<1x128xf32>
      %logistic3A_1544 = arith.divf %logistic3A_1542, %logistic3A_1543 : vector<1x128xf32>
      %slice3A_1545 = vector.extract_strided_slice %add3A_1530 {offsets = [0, 256], sizes = [1, 128], strides = [1, 1]} : vector<1x512xf32> to vector<1x128xf32>
      %tanh3A_1546 = math.tanh %slice3A_1545 : vector<1x128xf32>
      %slice3A_1547 = vector.extract_strided_slice %add3A_1530 {offsets = [0, 384], sizes = [1, 128], strides = [1, 1]} : vector<1x512xf32> to vector<1x128xf32>
      %logistic3A_1548 = arith.negf %slice3A_1547 : vector<1x128xf32>
      %logistic3A_1549 = math.exp %logistic3A_1548 : vector<1x128xf32>
      %logistic3A_1550 = arith.constant 1.000000e+00 : f32
      %logistic3A_1551 = vector.broadcast %logistic3A_1550 : f32 to vector<1x128xf32>
      %logistic3A_1552 = arith.addf %logistic3A_1551, %logistic3A_1549 : vector<1x128xf32>
      %logistic3A_1553 = arith.divf %logistic3A_1551, %logistic3A_1552 : vector<1x128xf32>
      %mul3A_1554 = arith.mulf %logistic3A_1544, %add3A_1518 : vector<1x128xf32>
      %mul3A_1555 = arith.mulf %logistic3A_1537, %tanh3A_1546 : vector<1x128xf32>
      %add3A_1556 = arith.addf %mul3A_1554, %mul3A_1555 : vector<1x128xf32>
      %tanh3A_1557 = math.tanh %add3A_1556 : vector<1x128xf32>
      %mul3A_1558 = arith.mulf %logistic3A_1553, %tanh3A_1557 : vector<1x128xf32>
      %swap3A_1559 = arith.constant 38 : index
      %swap3A_1560 = arith.constant 0 : index
      %swap3A_1561 = vector.load %arg15[%swap3A_1559, %swap3A_1560] : memref<64x128xf32, #tpu.memory_space<vmem>>, vector<1x128xf32>
      tpu.vector_store %arg15[%swap3A_1559, %swap3A_1560], %mul3A_1558 {strides = array<i32>} : memref<64x128xf32, #tpu.memory_space<vmem>>, vector<1x128xf32>,
      %slice3A_1562 = vector.extract_strided_slice %add3A_78 {offsets = [39, 0], sizes = [1, 512], strides = [1, 1]} : vector<64x512xf32> to vector<1x512xf32>
      %get3A_1563 = arith.constant 0 : index
      %get3A_1564 = arith.constant 0 : index
      %get3A_1565 = vector.load %arg7[%get3A_1563, %get3A_1564] : memref<128x512xf32, #tpu.memory_space<vmem>>, vector<128x512xf32>
      %dot_general3A_1566 = arith.constant dense<0.000000e+00> : vector<1x512xf32>
      %dot_general3A_1567 = tpu.matmul %mul3A_1558, %get3A_1565, %dot_general3A_1566 {dimension_numbers = #tpu.dot_dimension_numbers<[1], [0], [0], [1], [0, 0, 1, 1], [], []>, transpose_lhs_hint = false} : vector<1x128xf32>, vector<128x512xf32>, vector<1x512xf32> -> vector<1x512xf32>
      %add3A_1568 = arith.addf %slice3A_1562, %dot_general3A_1567 : vector<1x512xf32>
      %slice3A_1569 = vector.extract_strided_slice %add3A_1568 {offsets = [0, 0], sizes = [1, 128], strides = [1, 1]} : vector<1x512xf32> to vector<1x128xf32>
      %logistic3A_1570 = arith.negf %slice3A_1569 : vector<1x128xf32>
      %logistic3A_1571 = math.exp %logistic3A_1570 : vector<1x128xf32>
      %logistic3A_1572 = arith.constant 1.000000e+00 : f32
      %logistic3A_1573 = vector.broadcast %logistic3A_1572 : f32 to vector<1x128xf32>
      %logistic3A_1574 = arith.addf %logistic3A_1573, %logistic3A_1571 : vector<1x128xf32>
      %logistic3A_1575 = arith.divf %logistic3A_1573, %logistic3A_1574 : vector<1x128xf32>
      %slice3A_1576 = vector.extract_strided_slice %add3A_1568 {offsets = [0, 128], sizes = [1, 128], strides = [1, 1]} : vector<1x512xf32> to vector<1x128xf32>
      %logistic3A_1577 = arith.negf %slice3A_1576 : vector<1x128xf32>
      %logistic3A_1578 = math.exp %logistic3A_1577 : vector<1x128xf32>
      %logistic3A_1579 = arith.constant 1.000000e+00 : f32
      %logistic3A_1580 = vector.broadcast %logistic3A_1579 : f32 to vector<1x128xf32>
      %logistic3A_1581 = arith.addf %logistic3A_1580, %logistic3A_1578 : vector<1x128xf32>
      %logistic3A_1582 = arith.divf %logistic3A_1580, %logistic3A_1581 : vector<1x128xf32>
      %slice3A_1583 = vector.extract_strided_slice %add3A_1568 {offsets = [0, 256], sizes = [1, 128], strides = [1, 1]} : vector<1x512xf32> to vector<1x128xf32>
      %tanh3A_1584 = math.tanh %slice3A_1583 : vector<1x128xf32>
      %slice3A_1585 = vector.extract_strided_slice %add3A_1568 {offsets = [0, 384], sizes = [1, 128], strides = [1, 1]} : vector<1x512xf32> to vector<1x128xf32>
      %logistic3A_1586 = arith.negf %slice3A_1585 : vector<1x128xf32>
      %logistic3A_1587 = math.exp %logistic3A_1586 : vector<1x128xf32>
      %logistic3A_1588 = arith.constant 1.000000e+00 : f32
      %logistic3A_1589 = vector.broadcast %logistic3A_1588 : f32 to vector<1x128xf32>
      %logistic3A_1590 = arith.addf %logistic3A_1589, %logistic3A_1587 : vector<1x128xf32>
      %logistic3A_1591 = arith.divf %logistic3A_1589, %logistic3A_1590 : vector<1x128xf32>
      %mul3A_1592 = arith.mulf %logistic3A_1582, %add3A_1556 : vector<1x128xf32>
      %mul3A_1593 = arith.mulf %logistic3A_1575, %tanh3A_1584 : vector<1x128xf32>
      %add3A_1594 = arith.addf %mul3A_1592, %mul3A_1593 : vector<1x128xf32>
      %tanh3A_1595 = math.tanh %add3A_1594 : vector<1x128xf32>
      %mul3A_1596 = arith.mulf %logistic3A_1591, %tanh3A_1595 : vector<1x128xf32>
      %swap3A_1597 = arith.constant 39 : index
      %swap3A_1598 = arith.constant 0 : index
      %swap3A_1599 = vector.load %arg15[%swap3A_1597, %swap3A_1598] : memref<64x128xf32, #tpu.memory_space<vmem>>, vector<1x128xf32>
      tpu.vector_store %arg15[%swap3A_1597, %swap3A_1598], %mul3A_1596 {strides = array<i32>} : memref<64x128xf32, #tpu.memory_space<vmem>>, vector<1x128xf32>,
      %slice3A_1600 = vector.extract_strided_slice %add3A_78 {offsets = [40, 0], sizes = [1, 512], strides = [1, 1]} : vector<64x512xf32> to vector<1x512xf32>
      %get3A_1601 = arith.constant 0 : index
      %get3A_1602 = arith.constant 0 : index
      %get3A_1603 = vector.load %arg7[%get3A_1601, %get3A_1602] : memref<128x512xf32, #tpu.memory_space<vmem>>, vector<128x512xf32>
      %dot_general3A_1604 = arith.constant dense<0.000000e+00> : vector<1x512xf32>
      %dot_general3A_1605 = tpu.matmul %mul3A_1596, %get3A_1603, %dot_general3A_1604 {dimension_numbers = #tpu.dot_dimension_numbers<[1], [0], [0], [1], [0, 0, 1, 1], [], []>, transpose_lhs_hint = false} : vector<1x128xf32>, vector<128x512xf32>, vector<1x512xf32> -> vector<1x512xf32>
      %add3A_1606 = arith.addf %slice3A_1600, %dot_general3A_1605 : vector<1x512xf32>
      %slice3A_1607 = vector.extract_strided_slice %add3A_1606 {offsets = [0, 0], sizes = [1, 128], strides = [1, 1]} : vector<1x512xf32> to vector<1x128xf32>
      %logistic3A_1608 = arith.negf %slice3A_1607 : vector<1x128xf32>
      %logistic3A_1609 = math.exp %logistic3A_1608 : vector<1x128xf32>
      %logistic3A_1610 = arith.constant 1.000000e+00 : f32
      %logistic3A_1611 = vector.broadcast %logistic3A_1610 : f32 to vector<1x128xf32>
      %logistic3A_1612 = arith.addf %logistic3A_1611, %logistic3A_1609 : vector<1x128xf32>
      %logistic3A_1613 = arith.divf %logistic3A_1611, %logistic3A_1612 : vector<1x128xf32>
      %slice3A_1614 = vector.extract_strided_slice %add3A_1606 {offsets = [0, 128], sizes = [1, 128], strides = [1, 1]} : vector<1x512xf32> to vector<1x128xf32>
      %logistic3A_1615 = arith.negf %slice3A_1614 : vector<1x128xf32>
      %logistic3A_1616 = math.exp %logistic3A_1615 : vector<1x128xf32>
      %logistic3A_1617 = arith.constant 1.000000e+00 : f32
      %logistic3A_1618 = vector.broadcast %logistic3A_1617 : f32 to vector<1x128xf32>
      %logistic3A_1619 = arith.addf %logistic3A_1618, %logistic3A_1616 : vector<1x128xf32>
      %logistic3A_1620 = arith.divf %logistic3A_1618, %logistic3A_1619 : vector<1x128xf32>
      %slice3A_1621 = vector.extract_strided_slice %add3A_1606 {offsets = [0, 256], sizes = [1, 128], strides = [1, 1]} : vector<1x512xf32> to vector<1x128xf32>
      %tanh3A_1622 = math.tanh %slice3A_1621 : vector<1x128xf32>
      %slice3A_1623 = vector.extract_strided_slice %add3A_1606 {offsets = [0, 384], sizes = [1, 128], strides = [1, 1]} : vector<1x512xf32> to vector<1x128xf32>
      %logistic3A_1624 = arith.negf %slice3A_1623 : vector<1x128xf32>
      %logistic3A_1625 = math.exp %logistic3A_1624 : vector<1x128xf32>
      %logistic3A_1626 = arith.constant 1.000000e+00 : f32
      %logistic3A_1627 = vector.broadcast %logistic3A_1626 : f32 to vector<1x128xf32>
      %logistic3A_1628 = arith.addf %logistic3A_1627, %logistic3A_1625 : vector<1x128xf32>
      %logistic3A_1629 = arith.divf %logistic3A_1627, %logistic3A_1628 : vector<1x128xf32>
      %mul3A_1630 = arith.mulf %logistic3A_1620, %add3A_1594 : vector<1x128xf32>
      %mul3A_1631 = arith.mulf %logistic3A_1613, %tanh3A_1622 : vector<1x128xf32>
      %add3A_1632 = arith.addf %mul3A_1630, %mul3A_1631 : vector<1x128xf32>
      %tanh3A_1633 = math.tanh %add3A_1632 : vector<1x128xf32>
      %mul3A_1634 = arith.mulf %logistic3A_1629, %tanh3A_1633 : vector<1x128xf32>
      %swap3A_1635 = arith.constant 40 : index
      %swap3A_1636 = arith.constant 0 : index
      %swap3A_1637 = vector.load %arg15[%swap3A_1635, %swap3A_1636] : memref<64x128xf32, #tpu.memory_space<vmem>>, vector<1x128xf32>
      tpu.vector_store %arg15[%swap3A_1635, %swap3A_1636], %mul3A_1634 {strides = array<i32>} : memref<64x128xf32, #tpu.memory_space<vmem>>, vector<1x128xf32>,
      %slice3A_1638 = vector.extract_strided_slice %add3A_78 {offsets = [41, 0], sizes = [1, 512], strides = [1, 1]} : vector<64x512xf32> to vector<1x512xf32>
      %get3A_1639 = arith.constant 0 : index
      %get3A_1640 = arith.constant 0 : index
      %get3A_1641 = vector.load %arg7[%get3A_1639, %get3A_1640] : memref<128x512xf32, #tpu.memory_space<vmem>>, vector<128x512xf32>
      %dot_general3A_1642 = arith.constant dense<0.000000e+00> : vector<1x512xf32>
      %dot_general3A_1643 = tpu.matmul %mul3A_1634, %get3A_1641, %dot_general3A_1642 {dimension_numbers = #tpu.dot_dimension_numbers<[1], [0], [0], [1], [0, 0, 1, 1], [], []>, transpose_lhs_hint = false} : vector<1x128xf32>, vector<128x512xf32>, vector<1x512xf32> -> vector<1x512xf32>
      %add3A_1644 = arith.addf %slice3A_1638, %dot_general3A_1643 : vector<1x512xf32>
      %slice3A_1645 = vector.extract_strided_slice %add3A_1644 {offsets = [0, 0], sizes = [1, 128], strides = [1, 1]} : vector<1x512xf32> to vector<1x128xf32>
      %logistic3A_1646 = arith.negf %slice3A_1645 : vector<1x128xf32>
      %logistic3A_1647 = math.exp %logistic3A_1646 : vector<1x128xf32>
      %logistic3A_1648 = arith.constant 1.000000e+00 : f32
      %logistic3A_1649 = vector.broadcast %logistic3A_1648 : f32 to vector<1x128xf32>
      %logistic3A_1650 = arith.addf %logistic3A_1649, %logistic3A_1647 : vector<1x128xf32>
      %logistic3A_1651 = arith.divf %logistic3A_1649, %logistic3A_1650 : vector<1x128xf32>
      %slice3A_1652 = vector.extract_strided_slice %add3A_1644 {offsets = [0, 128], sizes = [1, 128], strides = [1, 1]} : vector<1x512xf32> to vector<1x128xf32>
      %logistic3A_1653 = arith.negf %slice3A_1652 : vector<1x128xf32>
      %logistic3A_1654 = math.exp %logistic3A_1653 : vector<1x128xf32>
      %logistic3A_1655 = arith.constant 1.000000e+00 : f32
      %logistic3A_1656 = vector.broadcast %logistic3A_1655 : f32 to vector<1x128xf32>
      %logistic3A_1657 = arith.addf %logistic3A_1656, %logistic3A_1654 : vector<1x128xf32>
      %logistic3A_1658 = arith.divf %logistic3A_1656, %logistic3A_1657 : vector<1x128xf32>
      %slice3A_1659 = vector.extract_strided_slice %add3A_1644 {offsets = [0, 256], sizes = [1, 128], strides = [1, 1]} : vector<1x512xf32> to vector<1x128xf32>
      %tanh3A_1660 = math.tanh %slice3A_1659 : vector<1x128xf32>
      %slice3A_1661 = vector.extract_strided_slice %add3A_1644 {offsets = [0, 384], sizes = [1, 128], strides = [1, 1]} : vector<1x512xf32> to vector<1x128xf32>
      %logistic3A_1662 = arith.negf %slice3A_1661 : vector<1x128xf32>
      %logistic3A_1663 = math.exp %logistic3A_1662 : vector<1x128xf32>
      %logistic3A_1664 = arith.constant 1.000000e+00 : f32
      %logistic3A_1665 = vector.broadcast %logistic3A_1664 : f32 to vector<1x128xf32>
      %logistic3A_1666 = arith.addf %logistic3A_1665, %logistic3A_1663 : vector<1x128xf32>
      %logistic3A_1667 = arith.divf %logistic3A_1665, %logistic3A_1666 : vector<1x128xf32>
      %mul3A_1668 = arith.mulf %logistic3A_1658, %add3A_1632 : vector<1x128xf32>
      %mul3A_1669 = arith.mulf %logistic3A_1651, %tanh3A_1660 : vector<1x128xf32>
      %add3A_1670 = arith.addf %mul3A_1668, %mul3A_1669 : vector<1x128xf32>
      %tanh3A_1671 = math.tanh %add3A_1670 : vector<1x128xf32>
      %mul3A_1672 = arith.mulf %logistic3A_1667, %tanh3A_1671 : vector<1x128xf32>
      %swap3A_1673 = arith.constant 41 : index
      %swap3A_1674 = arith.constant 0 : index
      %swap3A_1675 = vector.load %arg15[%swap3A_1673, %swap3A_1674] : memref<64x128xf32, #tpu.memory_space<vmem>>, vector<1x128xf32>
      tpu.vector_store %arg15[%swap3A_1673, %swap3A_1674], %mul3A_1672 {strides = array<i32>} : memref<64x128xf32, #tpu.memory_space<vmem>>, vector<1x128xf32>,
      %slice3A_1676 = vector.extract_strided_slice %add3A_78 {offsets = [42, 0], sizes = [1, 512], strides = [1, 1]} : vector<64x512xf32> to vector<1x512xf32>
      %get3A_1677 = arith.constant 0 : index
      %get3A_1678 = arith.constant 0 : index
      %get3A_1679 = vector.load %arg7[%get3A_1677, %get3A_1678] : memref<128x512xf32, #tpu.memory_space<vmem>>, vector<128x512xf32>
      %dot_general3A_1680 = arith.constant dense<0.000000e+00> : vector<1x512xf32>
      %dot_general3A_1681 = tpu.matmul %mul3A_1672, %get3A_1679, %dot_general3A_1680 {dimension_numbers = #tpu.dot_dimension_numbers<[1], [0], [0], [1], [0, 0, 1, 1], [], []>, transpose_lhs_hint = false} : vector<1x128xf32>, vector<128x512xf32>, vector<1x512xf32> -> vector<1x512xf32>
      %add3A_1682 = arith.addf %slice3A_1676, %dot_general3A_1681 : vector<1x512xf32>
      %slice3A_1683 = vector.extract_strided_slice %add3A_1682 {offsets = [0, 0], sizes = [1, 128], strides = [1, 1]} : vector<1x512xf32> to vector<1x128xf32>
      %logistic3A_1684 = arith.negf %slice3A_1683 : vector<1x128xf32>
      %logistic3A_1685 = math.exp %logistic3A_1684 : vector<1x128xf32>
      %logistic3A_1686 = arith.constant 1.000000e+00 : f32
      %logistic3A_1687 = vector.broadcast %logistic3A_1686 : f32 to vector<1x128xf32>
      %logistic3A_1688 = arith.addf %logistic3A_1687, %logistic3A_1685 : vector<1x128xf32>
      %logistic3A_1689 = arith.divf %logistic3A_1687, %logistic3A_1688 : vector<1x128xf32>
      %slice3A_1690 = vector.extract_strided_slice %add3A_1682 {offsets = [0, 128], sizes = [1, 128], strides = [1, 1]} : vector<1x512xf32> to vector<1x128xf32>
      %logistic3A_1691 = arith.negf %slice3A_1690 : vector<1x128xf32>
      %logistic3A_1692 = math.exp %logistic3A_1691 : vector<1x128xf32>
      %logistic3A_1693 = arith.constant 1.000000e+00 : f32
      %logistic3A_1694 = vector.broadcast %logistic3A_1693 : f32 to vector<1x128xf32>
      %logistic3A_1695 = arith.addf %logistic3A_1694, %logistic3A_1692 : vector<1x128xf32>
      %logistic3A_1696 = arith.divf %logistic3A_1694, %logistic3A_1695 : vector<1x128xf32>
      %slice3A_1697 = vector.extract_strided_slice %add3A_1682 {offsets = [0, 256], sizes = [1, 128], strides = [1, 1]} : vector<1x512xf32> to vector<1x128xf32>
      %tanh3A_1698 = math.tanh %slice3A_1697 : vector<1x128xf32>
      %slice3A_1699 = vector.extract_strided_slice %add3A_1682 {offsets = [0, 384], sizes = [1, 128], strides = [1, 1]} : vector<1x512xf32> to vector<1x128xf32>
      %logistic3A_1700 = arith.negf %slice3A_1699 : vector<1x128xf32>
      %logistic3A_1701 = math.exp %logistic3A_1700 : vector<1x128xf32>
      %logistic3A_1702 = arith.constant 1.000000e+00 : f32
      %logistic3A_1703 = vector.broadcast %logistic3A_1702 : f32 to vector<1x128xf32>
      %logistic3A_1704 = arith.addf %logistic3A_1703, %logistic3A_1701 : vector<1x128xf32>
      %logistic3A_1705 = arith.divf %logistic3A_1703, %logistic3A_1704 : vector<1x128xf32>
      %mul3A_1706 = arith.mulf %logistic3A_1696, %add3A_1670 : vector<1x128xf32>
      %mul3A_1707 = arith.mulf %logistic3A_1689, %tanh3A_1698 : vector<1x128xf32>
      %add3A_1708 = arith.addf %mul3A_1706, %mul3A_1707 : vector<1x128xf32>
      %tanh3A_1709 = math.tanh %add3A_1708 : vector<1x128xf32>
      %mul3A_1710 = arith.mulf %logistic3A_1705, %tanh3A_1709 : vector<1x128xf32>
      %swap3A_1711 = arith.constant 42 : index
      %swap3A_1712 = arith.constant 0 : index
      %swap3A_1713 = vector.load %arg15[%swap3A_1711, %swap3A_1712] : memref<64x128xf32, #tpu.memory_space<vmem>>, vector<1x128xf32>
      tpu.vector_store %arg15[%swap3A_1711, %swap3A_1712], %mul3A_1710 {strides = array<i32>} : memref<64x128xf32, #tpu.memory_space<vmem>>, vector<1x128xf32>,
      %slice3A_1714 = vector.extract_strided_slice %add3A_78 {offsets = [43, 0], sizes = [1, 512], strides = [1, 1]} : vector<64x512xf32> to vector<1x512xf32>
      %get3A_1715 = arith.constant 0 : index
      %get3A_1716 = arith.constant 0 : index
      %get3A_1717 = vector.load %arg7[%get3A_1715, %get3A_1716] : memref<128x512xf32, #tpu.memory_space<vmem>>, vector<128x512xf32>
      %dot_general3A_1718 = arith.constant dense<0.000000e+00> : vector<1x512xf32>
      %dot_general3A_1719 = tpu.matmul %mul3A_1710, %get3A_1717, %dot_general3A_1718 {dimension_numbers = #tpu.dot_dimension_numbers<[1], [0], [0], [1], [0, 0, 1, 1], [], []>, transpose_lhs_hint = false} : vector<1x128xf32>, vector<128x512xf32>, vector<1x512xf32> -> vector<1x512xf32>
      %add3A_1720 = arith.addf %slice3A_1714, %dot_general3A_1719 : vector<1x512xf32>
      %slice3A_1721 = vector.extract_strided_slice %add3A_1720 {offsets = [0, 0], sizes = [1, 128], strides = [1, 1]} : vector<1x512xf32> to vector<1x128xf32>
      %logistic3A_1722 = arith.negf %slice3A_1721 : vector<1x128xf32>
      %logistic3A_1723 = math.exp %logistic3A_1722 : vector<1x128xf32>
      %logistic3A_1724 = arith.constant 1.000000e+00 : f32
      %logistic3A_1725 = vector.broadcast %logistic3A_1724 : f32 to vector<1x128xf32>
      %logistic3A_1726 = arith.addf %logistic3A_1725, %logistic3A_1723 : vector<1x128xf32>
      %logistic3A_1727 = arith.divf %logistic3A_1725, %logistic3A_1726 : vector<1x128xf32>
      %slice3A_1728 = vector.extract_strided_slice %add3A_1720 {offsets = [0, 128], sizes = [1, 128], strides = [1, 1]} : vector<1x512xf32> to vector<1x128xf32>
      %logistic3A_1729 = arith.negf %slice3A_1728 : vector<1x128xf32>
      %logistic3A_1730 = math.exp %logistic3A_1729 : vector<1x128xf32>
      %logistic3A_1731 = arith.constant 1.000000e+00 : f32
      %logistic3A_1732 = vector.broadcast %logistic3A_1731 : f32 to vector<1x128xf32>
      %logistic3A_1733 = arith.addf %logistic3A_1732, %logistic3A_1730 : vector<1x128xf32>
      %logistic3A_1734 = arith.divf %logistic3A_1732, %logistic3A_1733 : vector<1x128xf32>
      %slice3A_1735 = vector.extract_strided_slice %add3A_1720 {offsets = [0, 256], sizes = [1, 128], strides = [1, 1]} : vector<1x512xf32> to vector<1x128xf32>
      %tanh3A_1736 = math.tanh %slice3A_1735 : vector<1x128xf32>
      %slice3A_1737 = vector.extract_strided_slice %add3A_1720 {offsets = [0, 384], sizes = [1, 128], strides = [1, 1]} : vector<1x512xf32> to vector<1x128xf32>
      %logistic3A_1738 = arith.negf %slice3A_1737 : vector<1x128xf32>
      %logistic3A_1739 = math.exp %logistic3A_1738 : vector<1x128xf32>
      %logistic3A_1740 = arith.constant 1.000000e+00 : f32
      %logistic3A_1741 = vector.broadcast %logistic3A_1740 : f32 to vector<1x128xf32>
      %logistic3A_1742 = arith.addf %logistic3A_1741, %logistic3A_1739 : vector<1x128xf32>
      %logistic3A_1743 = arith.divf %logistic3A_1741, %logistic3A_1742 : vector<1x128xf32>
      %mul3A_1744 = arith.mulf %logistic3A_1734, %add3A_1708 : vector<1x128xf32>
      %mul3A_1745 = arith.mulf %logistic3A_1727, %tanh3A_1736 : vector<1x128xf32>
      %add3A_1746 = arith.addf %mul3A_1744, %mul3A_1745 : vector<1x128xf32>
      %tanh3A_1747 = math.tanh %add3A_1746 : vector<1x128xf32>
      %mul3A_1748 = arith.mulf %logistic3A_1743, %tanh3A_1747 : vector<1x128xf32>
      %swap3A_1749 = arith.constant 43 : index
      %swap3A_1750 = arith.constant 0 : index
      %swap3A_1751 = vector.load %arg15[%swap3A_1749, %swap3A_1750] : memref<64x128xf32, #tpu.memory_space<vmem>>, vector<1x128xf32>
      tpu.vector_store %arg15[%swap3A_1749, %swap3A_1750], %mul3A_1748 {strides = array<i32>} : memref<64x128xf32, #tpu.memory_space<vmem>>, vector<1x128xf32>,
      %slice3A_1752 = vector.extract_strided_slice %add3A_78 {offsets = [44, 0], sizes = [1, 512], strides = [1, 1]} : vector<64x512xf32> to vector<1x512xf32>
      %get3A_1753 = arith.constant 0 : index
      %get3A_1754 = arith.constant 0 : index
      %get3A_1755 = vector.load %arg7[%get3A_1753, %get3A_1754] : memref<128x512xf32, #tpu.memory_space<vmem>>, vector<128x512xf32>
      %dot_general3A_1756 = arith.constant dense<0.000000e+00> : vector<1x512xf32>
      %dot_general3A_1757 = tpu.matmul %mul3A_1748, %get3A_1755, %dot_general3A_1756 {dimension_numbers = #tpu.dot_dimension_numbers<[1], [0], [0], [1], [0, 0, 1, 1], [], []>, transpose_lhs_hint = false} : vector<1x128xf32>, vector<128x512xf32>, vector<1x512xf32> -> vector<1x512xf32>
      %add3A_1758 = arith.addf %slice3A_1752, %dot_general3A_1757 : vector<1x512xf32>
      %slice3A_1759 = vector.extract_strided_slice %add3A_1758 {offsets = [0, 0], sizes = [1, 128], strides = [1, 1]} : vector<1x512xf32> to vector<1x128xf32>
      %logistic3A_1760 = arith.negf %slice3A_1759 : vector<1x128xf32>
      %logistic3A_1761 = math.exp %logistic3A_1760 : vector<1x128xf32>
      %logistic3A_1762 = arith.constant 1.000000e+00 : f32
      %logistic3A_1763 = vector.broadcast %logistic3A_1762 : f32 to vector<1x128xf32>
      %logistic3A_1764 = arith.addf %logistic3A_1763, %logistic3A_1761 : vector<1x128xf32>
      %logistic3A_1765 = arith.divf %logistic3A_1763, %logistic3A_1764 : vector<1x128xf32>
      %slice3A_1766 = vector.extract_strided_slice %add3A_1758 {offsets = [0, 128], sizes = [1, 128], strides = [1, 1]} : vector<1x512xf32> to vector<1x128xf32>
      %logistic3A_1767 = arith.negf %slice3A_1766 : vector<1x128xf32>
      %logistic3A_1768 = math.exp %logistic3A_1767 : vector<1x128xf32>
      %logistic3A_1769 = arith.constant 1.000000e+00 : f32
      %logistic3A_1770 = vector.broadcast %logistic3A_1769 : f32 to vector<1x128xf32>
      %logistic3A_1771 = arith.addf %logistic3A_1770, %logistic3A_1768 : vector<1x128xf32>
      %logistic3A_1772 = arith.divf %logistic3A_1770, %logistic3A_1771 : vector<1x128xf32>
      %slice3A_1773 = vector.extract_strided_slice %add3A_1758 {offsets = [0, 256], sizes = [1, 128], strides = [1, 1]} : vector<1x512xf32> to vector<1x128xf32>
      %tanh3A_1774 = math.tanh %slice3A_1773 : vector<1x128xf32>
      %slice3A_1775 = vector.extract_strided_slice %add3A_1758 {offsets = [0, 384], sizes = [1, 128], strides = [1, 1]} : vector<1x512xf32> to vector<1x128xf32>
      %logistic3A_1776 = arith.negf %slice3A_1775 : vector<1x128xf32>
      %logistic3A_1777 = math.exp %logistic3A_1776 : vector<1x128xf32>
      %logistic3A_1778 = arith.constant 1.000000e+00 : f32
      %logistic3A_1779 = vector.broadcast %logistic3A_1778 : f32 to vector<1x128xf32>
      %logistic3A_1780 = arith.addf %logistic3A_1779, %logistic3A_1777 : vector<1x128xf32>
      %logistic3A_1781 = arith.divf %logistic3A_1779, %logistic3A_1780 : vector<1x128xf32>
      %mul3A_1782 = arith.mulf %logistic3A_1772, %add3A_1746 : vector<1x128xf32>
      %mul3A_1783 = arith.mulf %logistic3A_1765, %tanh3A_1774 : vector<1x128xf32>
      %add3A_1784 = arith.addf %mul3A_1782, %mul3A_1783 : vector<1x128xf32>
      %tanh3A_1785 = math.tanh %add3A_1784 : vector<1x128xf32>
      %mul3A_1786 = arith.mulf %logistic3A_1781, %tanh3A_1785 : vector<1x128xf32>
      %swap3A_1787 = arith.constant 44 : index
      %swap3A_1788 = arith.constant 0 : index
      %swap3A_1789 = vector.load %arg15[%swap3A_1787, %swap3A_1788] : memref<64x128xf32, #tpu.memory_space<vmem>>, vector<1x128xf32>
      tpu.vector_store %arg15[%swap3A_1787, %swap3A_1788], %mul3A_1786 {strides = array<i32>} : memref<64x128xf32, #tpu.memory_space<vmem>>, vector<1x128xf32>,
      %slice3A_1790 = vector.extract_strided_slice %add3A_78 {offsets = [45, 0], sizes = [1, 512], strides = [1, 1]} : vector<64x512xf32> to vector<1x512xf32>
      %get3A_1791 = arith.constant 0 : index
      %get3A_1792 = arith.constant 0 : index
      %get3A_1793 = vector.load %arg7[%get3A_1791, %get3A_1792] : memref<128x512xf32, #tpu.memory_space<vmem>>, vector<128x512xf32>
      %dot_general3A_1794 = arith.constant dense<0.000000e+00> : vector<1x512xf32>
      %dot_general3A_1795 = tpu.matmul %mul3A_1786, %get3A_1793, %dot_general3A_1794 {dimension_numbers = #tpu.dot_dimension_numbers<[1], [0], [0], [1], [0, 0, 1, 1], [], []>, transpose_lhs_hint = false} : vector<1x128xf32>, vector<128x512xf32>, vector<1x512xf32> -> vector<1x512xf32>
      %add3A_1796 = arith.addf %slice3A_1790, %dot_general3A_1795 : vector<1x512xf32>
      %slice3A_1797 = vector.extract_strided_slice %add3A_1796 {offsets = [0, 0], sizes = [1, 128], strides = [1, 1]} : vector<1x512xf32> to vector<1x128xf32>
      %logistic3A_1798 = arith.negf %slice3A_1797 : vector<1x128xf32>
      %logistic3A_1799 = math.exp %logistic3A_1798 : vector<1x128xf32>
      %logistic3A_1800 = arith.constant 1.000000e+00 : f32
      %logistic3A_1801 = vector.broadcast %logistic3A_1800 : f32 to vector<1x128xf32>
      %logistic3A_1802 = arith.addf %logistic3A_1801, %logistic3A_1799 : vector<1x128xf32>
      %logistic3A_1803 = arith.divf %logistic3A_1801, %logistic3A_1802 : vector<1x128xf32>
      %slice3A_1804 = vector.extract_strided_slice %add3A_1796 {offsets = [0, 128], sizes = [1, 128], strides = [1, 1]} : vector<1x512xf32> to vector<1x128xf32>
      %logistic3A_1805 = arith.negf %slice3A_1804 : vector<1x128xf32>
      %logistic3A_1806 = math.exp %logistic3A_1805 : vector<1x128xf32>
      %logistic3A_1807 = arith.constant 1.000000e+00 : f32
      %logistic3A_1808 = vector.broadcast %logistic3A_1807 : f32 to vector<1x128xf32>
      %logistic3A_1809 = arith.addf %logistic3A_1808, %logistic3A_1806 : vector<1x128xf32>
      %logistic3A_1810 = arith.divf %logistic3A_1808, %logistic3A_1809 : vector<1x128xf32>
      %slice3A_1811 = vector.extract_strided_slice %add3A_1796 {offsets = [0, 256], sizes = [1, 128], strides = [1, 1]} : vector<1x512xf32> to vector<1x128xf32>
      %tanh3A_1812 = math.tanh %slice3A_1811 : vector<1x128xf32>
      %slice3A_1813 = vector.extract_strided_slice %add3A_1796 {offsets = [0, 384], sizes = [1, 128], strides = [1, 1]} : vector<1x512xf32> to vector<1x128xf32>
      %logistic3A_1814 = arith.negf %slice3A_1813 : vector<1x128xf32>
      %logistic3A_1815 = math.exp %logistic3A_1814 : vector<1x128xf32>
      %logistic3A_1816 = arith.constant 1.000000e+00 : f32
      %logistic3A_1817 = vector.broadcast %logistic3A_1816 : f32 to vector<1x128xf32>
      %logistic3A_1818 = arith.addf %logistic3A_1817, %logistic3A_1815 : vector<1x128xf32>
      %logistic3A_1819 = arith.divf %logistic3A_1817, %logistic3A_1818 : vector<1x128xf32>
      %mul3A_1820 = arith.mulf %logistic3A_1810, %add3A_1784 : vector<1x128xf32>
      %mul3A_1821 = arith.mulf %logistic3A_1803, %tanh3A_1812 : vector<1x128xf32>
      %add3A_1822 = arith.addf %mul3A_1820, %mul3A_1821 : vector<1x128xf32>
      %tanh3A_1823 = math.tanh %add3A_1822 : vector<1x128xf32>
      %mul3A_1824 = arith.mulf %logistic3A_1819, %tanh3A_1823 : vector<1x128xf32>
      %swap3A_1825 = arith.constant 45 : index
      %swap3A_1826 = arith.constant 0 : index
      %swap3A_1827 = vector.load %arg15[%swap3A_1825, %swap3A_1826] : memref<64x128xf32, #tpu.memory_space<vmem>>, vector<1x128xf32>
      tpu.vector_store %arg15[%swap3A_1825, %swap3A_1826], %mul3A_1824 {strides = array<i32>} : memref<64x128xf32, #tpu.memory_space<vmem>>, vector<1x128xf32>,
      %slice3A_1828 = vector.extract_strided_slice %add3A_78 {offsets = [46, 0], sizes = [1, 512], strides = [1, 1]} : vector<64x512xf32> to vector<1x512xf32>
      %get3A_1829 = arith.constant 0 : index
      %get3A_1830 = arith.constant 0 : index
      %get3A_1831 = vector.load %arg7[%get3A_1829, %get3A_1830] : memref<128x512xf32, #tpu.memory_space<vmem>>, vector<128x512xf32>
      %dot_general3A_1832 = arith.constant dense<0.000000e+00> : vector<1x512xf32>
      %dot_general3A_1833 = tpu.matmul %mul3A_1824, %get3A_1831, %dot_general3A_1832 {dimension_numbers = #tpu.dot_dimension_numbers<[1], [0], [0], [1], [0, 0, 1, 1], [], []>, transpose_lhs_hint = false} : vector<1x128xf32>, vector<128x512xf32>, vector<1x512xf32> -> vector<1x512xf32>
      %add3A_1834 = arith.addf %slice3A_1828, %dot_general3A_1833 : vector<1x512xf32>
      %slice3A_1835 = vector.extract_strided_slice %add3A_1834 {offsets = [0, 0], sizes = [1, 128], strides = [1, 1]} : vector<1x512xf32> to vector<1x128xf32>
      %logistic3A_1836 = arith.negf %slice3A_1835 : vector<1x128xf32>
      %logistic3A_1837 = math.exp %logistic3A_1836 : vector<1x128xf32>
      %logistic3A_1838 = arith.constant 1.000000e+00 : f32
      %logistic3A_1839 = vector.broadcast %logistic3A_1838 : f32 to vector<1x128xf32>
      %logistic3A_1840 = arith.addf %logistic3A_1839, %logistic3A_1837 : vector<1x128xf32>
      %logistic3A_1841 = arith.divf %logistic3A_1839, %logistic3A_1840 : vector<1x128xf32>
      %slice3A_1842 = vector.extract_strided_slice %add3A_1834 {offsets = [0, 128], sizes = [1, 128], strides = [1, 1]} : vector<1x512xf32> to vector<1x128xf32>
      %logistic3A_1843 = arith.negf %slice3A_1842 : vector<1x128xf32>
      %logistic3A_1844 = math.exp %logistic3A_1843 : vector<1x128xf32>
      %logistic3A_1845 = arith.constant 1.000000e+00 : f32
      %logistic3A_1846 = vector.broadcast %logistic3A_1845 : f32 to vector<1x128xf32>
      %logistic3A_1847 = arith.addf %logistic3A_1846, %logistic3A_1844 : vector<1x128xf32>
      %logistic3A_1848 = arith.divf %logistic3A_1846, %logistic3A_1847 : vector<1x128xf32>
      %slice3A_1849 = vector.extract_strided_slice %add3A_1834 {offsets = [0, 256], sizes = [1, 128], strides = [1, 1]} : vector<1x512xf32> to vector<1x128xf32>
      %tanh3A_1850 = math.tanh %slice3A_1849 : vector<1x128xf32>
      %slice3A_1851 = vector.extract_strided_slice %add3A_1834 {offsets = [0, 384], sizes = [1, 128], strides = [1, 1]} : vector<1x512xf32> to vector<1x128xf32>
      %logistic3A_1852 = arith.negf %slice3A_1851 : vector<1x128xf32>
      %logistic3A_1853 = math.exp %logistic3A_1852 : vector<1x128xf32>
      %logistic3A_1854 = arith.constant 1.000000e+00 : f32
      %logistic3A_1855 = vector.broadcast %logistic3A_1854 : f32 to vector<1x128xf32>
      %logistic3A_1856 = arith.addf %logistic3A_1855, %logistic3A_1853 : vector<1x128xf32>
      %logistic3A_1857 = arith.divf %logistic3A_1855, %logistic3A_1856 : vector<1x128xf32>
      %mul3A_1858 = arith.mulf %logistic3A_1848, %add3A_1822 : vector<1x128xf32>
      %mul3A_1859 = arith.mulf %logistic3A_1841, %tanh3A_1850 : vector<1x128xf32>
      %add3A_1860 = arith.addf %mul3A_1858, %mul3A_1859 : vector<1x128xf32>
      %tanh3A_1861 = math.tanh %add3A_1860 : vector<1x128xf32>
      %mul3A_1862 = arith.mulf %logistic3A_1857, %tanh3A_1861 : vector<1x128xf32>
      %swap3A_1863 = arith.constant 46 : index
      %swap3A_1864 = arith.constant 0 : index
      %swap3A_1865 = vector.load %arg15[%swap3A_1863, %swap3A_1864] : memref<64x128xf32, #tpu.memory_space<vmem>>, vector<1x128xf32>
      tpu.vector_store %arg15[%swap3A_1863, %swap3A_1864], %mul3A_1862 {strides = array<i32>} : memref<64x128xf32, #tpu.memory_space<vmem>>, vector<1x128xf32>,
      %slice3A_1866 = vector.extract_strided_slice %add3A_78 {offsets = [47, 0], sizes = [1, 512], strides = [1, 1]} : vector<64x512xf32> to vector<1x512xf32>
      %get3A_1867 = arith.constant 0 : index
      %get3A_1868 = arith.constant 0 : index
      %get3A_1869 = vector.load %arg7[%get3A_1867, %get3A_1868] : memref<128x512xf32, #tpu.memory_space<vmem>>, vector<128x512xf32>
      %dot_general3A_1870 = arith.constant dense<0.000000e+00> : vector<1x512xf32>
      %dot_general3A_1871 = tpu.matmul %mul3A_1862, %get3A_1869, %dot_general3A_1870 {dimension_numbers = #tpu.dot_dimension_numbers<[1], [0], [0], [1], [0, 0, 1, 1], [], []>, transpose_lhs_hint = false} : vector<1x128xf32>, vector<128x512xf32>, vector<1x512xf32> -> vector<1x512xf32>
      %add3A_1872 = arith.addf %slice3A_1866, %dot_general3A_1871 : vector<1x512xf32>
      %slice3A_1873 = vector.extract_strided_slice %add3A_1872 {offsets = [0, 0], sizes = [1, 128], strides = [1, 1]} : vector<1x512xf32> to vector<1x128xf32>
      %logistic3A_1874 = arith.negf %slice3A_1873 : vector<1x128xf32>
      %logistic3A_1875 = math.exp %logistic3A_1874 : vector<1x128xf32>
      %logistic3A_1876 = arith.constant 1.000000e+00 : f32
      %logistic3A_1877 = vector.broadcast %logistic3A_1876 : f32 to vector<1x128xf32>
      %logistic3A_1878 = arith.addf %logistic3A_1877, %logistic3A_1875 : vector<1x128xf32>
      %logistic3A_1879 = arith.divf %logistic3A_1877, %logistic3A_1878 : vector<1x128xf32>
      %slice3A_1880 = vector.extract_strided_slice %add3A_1872 {offsets = [0, 128], sizes = [1, 128], strides = [1, 1]} : vector<1x512xf32> to vector<1x128xf32>
      %logistic3A_1881 = arith.negf %slice3A_1880 : vector<1x128xf32>
      %logistic3A_1882 = math.exp %logistic3A_1881 : vector<1x128xf32>
      %logistic3A_1883 = arith.constant 1.000000e+00 : f32
      %logistic3A_1884 = vector.broadcast %logistic3A_1883 : f32 to vector<1x128xf32>
      %logistic3A_1885 = arith.addf %logistic3A_1884, %logistic3A_1882 : vector<1x128xf32>
      %logistic3A_1886 = arith.divf %logistic3A_1884, %logistic3A_1885 : vector<1x128xf32>
      %slice3A_1887 = vector.extract_strided_slice %add3A_1872 {offsets = [0, 256], sizes = [1, 128], strides = [1, 1]} : vector<1x512xf32> to vector<1x128xf32>
      %tanh3A_1888 = math.tanh %slice3A_1887 : vector<1x128xf32>
      %slice3A_1889 = vector.extract_strided_slice %add3A_1872 {offsets = [0, 384], sizes = [1, 128], strides = [1, 1]} : vector<1x512xf32> to vector<1x128xf32>
      %logistic3A_1890 = arith.negf %slice3A_1889 : vector<1x128xf32>
      %logistic3A_1891 = math.exp %logistic3A_1890 : vector<1x128xf32>
      %logistic3A_1892 = arith.constant 1.000000e+00 : f32
      %logistic3A_1893 = vector.broadcast %logistic3A_1892 : f32 to vector<1x128xf32>
      %logistic3A_1894 = arith.addf %logistic3A_1893, %logistic3A_1891 : vector<1x128xf32>
      %logistic3A_1895 = arith.divf %logistic3A_1893, %logistic3A_1894 : vector<1x128xf32>
      %mul3A_1896 = arith.mulf %logistic3A_1886, %add3A_1860 : vector<1x128xf32>
      %mul3A_1897 = arith.mulf %logistic3A_1879, %tanh3A_1888 : vector<1x128xf32>
      %add3A_1898 = arith.addf %mul3A_1896, %mul3A_1897 : vector<1x128xf32>
      %tanh3A_1899 = math.tanh %add3A_1898 : vector<1x128xf32>
      %mul3A_1900 = arith.mulf %logistic3A_1895, %tanh3A_1899 : vector<1x128xf32>
      %swap3A_1901 = arith.constant 47 : index
      %swap3A_1902 = arith.constant 0 : index
      %swap3A_1903 = vector.load %arg15[%swap3A_1901, %swap3A_1902] : memref<64x128xf32, #tpu.memory_space<vmem>>, vector<1x128xf32>
      tpu.vector_store %arg15[%swap3A_1901, %swap3A_1902], %mul3A_1900 {strides = array<i32>} : memref<64x128xf32, #tpu.memory_space<vmem>>, vector<1x128xf32>,
      %slice3A_1904 = vector.extract_strided_slice %add3A_78 {offsets = [48, 0], sizes = [1, 512], strides = [1, 1]} : vector<64x512xf32> to vector<1x512xf32>
      %get3A_1905 = arith.constant 0 : index
      %get3A_1906 = arith.constant 0 : index
      %get3A_1907 = vector.load %arg7[%get3A_1905, %get3A_1906] : memref<128x512xf32, #tpu.memory_space<vmem>>, vector<128x512xf32>
      %dot_general3A_1908 = arith.constant dense<0.000000e+00> : vector<1x512xf32>
      %dot_general3A_1909 = tpu.matmul %mul3A_1900, %get3A_1907, %dot_general3A_1908 {dimension_numbers = #tpu.dot_dimension_numbers<[1], [0], [0], [1], [0, 0, 1, 1], [], []>, transpose_lhs_hint = false} : vector<1x128xf32>, vector<128x512xf32>, vector<1x512xf32> -> vector<1x512xf32>
      %add3A_1910 = arith.addf %slice3A_1904, %dot_general3A_1909 : vector<1x512xf32>
      %slice3A_1911 = vector.extract_strided_slice %add3A_1910 {offsets = [0, 0], sizes = [1, 128], strides = [1, 1]} : vector<1x512xf32> to vector<1x128xf32>
      %logistic3A_1912 = arith.negf %slice3A_1911 : vector<1x128xf32>
      %logistic3A_1913 = math.exp %logistic3A_1912 : vector<1x128xf32>
      %logistic3A_1914 = arith.constant 1.000000e+00 : f32
      %logistic3A_1915 = vector.broadcast %logistic3A_1914 : f32 to vector<1x128xf32>
      %logistic3A_1916 = arith.addf %logistic3A_1915, %logistic3A_1913 : vector<1x128xf32>
      %logistic3A_1917 = arith.divf %logistic3A_1915, %logistic3A_1916 : vector<1x128xf32>
      %slice3A_1918 = vector.extract_strided_slice %add3A_1910 {offsets = [0, 128], sizes = [1, 128], strides = [1, 1]} : vector<1x512xf32> to vector<1x128xf32>
      %logistic3A_1919 = arith.negf %slice3A_1918 : vector<1x128xf32>
      %logistic3A_1920 = math.exp %logistic3A_1919 : vector<1x128xf32>
      %logistic3A_1921 = arith.constant 1.000000e+00 : f32
      %logistic3A_1922 = vector.broadcast %logistic3A_1921 : f32 to vector<1x128xf32>
      %logistic3A_1923 = arith.addf %logistic3A_1922, %logistic3A_1920 : vector<1x128xf32>
      %logistic3A_1924 = arith.divf %logistic3A_1922, %logistic3A_1923 : vector<1x128xf32>
      %slice3A_1925 = vector.extract_strided_slice %add3A_1910 {offsets = [0, 256], sizes = [1, 128], strides = [1, 1]} : vector<1x512xf32> to vector<1x128xf32>
      %tanh3A_1926 = math.tanh %slice3A_1925 : vector<1x128xf32>
      %slice3A_1927 = vector.extract_strided_slice %add3A_1910 {offsets = [0, 384], sizes = [1, 128], strides = [1, 1]} : vector<1x512xf32> to vector<1x128xf32>
      %logistic3A_1928 = arith.negf %slice3A_1927 : vector<1x128xf32>
      %logistic3A_1929 = math.exp %logistic3A_1928 : vector<1x128xf32>
      %logistic3A_1930 = arith.constant 1.000000e+00 : f32
      %logistic3A_1931 = vector.broadcast %logistic3A_1930 : f32 to vector<1x128xf32>
      %logistic3A_1932 = arith.addf %logistic3A_1931, %logistic3A_1929 : vector<1x128xf32>
      %logistic3A_1933 = arith.divf %logistic3A_1931, %logistic3A_1932 : vector<1x128xf32>
      %mul3A_1934 = arith.mulf %logistic3A_1924, %add3A_1898 : vector<1x128xf32>
      %mul3A_1935 = arith.mulf %logistic3A_1917, %tanh3A_1926 : vector<1x128xf32>
      %add3A_1936 = arith.addf %mul3A_1934, %mul3A_1935 : vector<1x128xf32>
      %tanh3A_1937 = math.tanh %add3A_1936 : vector<1x128xf32>
      %mul3A_1938 = arith.mulf %logistic3A_1933, %tanh3A_1937 : vector<1x128xf32>
      %swap3A_1939 = arith.constant 48 : index
      %swap3A_1940 = arith.constant 0 : index
      %swap3A_1941 = vector.load %arg15[%swap3A_1939, %swap3A_1940] : memref<64x128xf32, #tpu.memory_space<vmem>>, vector<1x128xf32>
      tpu.vector_store %arg15[%swap3A_1939, %swap3A_1940], %mul3A_1938 {strides = array<i32>} : memref<64x128xf32, #tpu.memory_space<vmem>>, vector<1x128xf32>,
      %slice3A_1942 = vector.extract_strided_slice %add3A_78 {offsets = [49, 0], sizes = [1, 512], strides = [1, 1]} : vector<64x512xf32> to vector<1x512xf32>
      %get3A_1943 = arith.constant 0 : index
      %get3A_1944 = arith.constant 0 : index
      %get3A_1945 = vector.load %arg7[%get3A_1943, %get3A_1944] : memref<128x512xf32, #tpu.memory_space<vmem>>, vector<128x512xf32>
      %dot_general3A_1946 = arith.constant dense<0.000000e+00> : vector<1x512xf32>
      %dot_general3A_1947 = tpu.matmul %mul3A_1938, %get3A_1945, %dot_general3A_1946 {dimension_numbers = #tpu.dot_dimension_numbers<[1], [0], [0], [1], [0, 0, 1, 1], [], []>, transpose_lhs_hint = false} : vector<1x128xf32>, vector<128x512xf32>, vector<1x512xf32> -> vector<1x512xf32>
      %add3A_1948 = arith.addf %slice3A_1942, %dot_general3A_1947 : vector<1x512xf32>
      %slice3A_1949 = vector.extract_strided_slice %add3A_1948 {offsets = [0, 0], sizes = [1, 128], strides = [1, 1]} : vector<1x512xf32> to vector<1x128xf32>
      %logistic3A_1950 = arith.negf %slice3A_1949 : vector<1x128xf32>
      %logistic3A_1951 = math.exp %logistic3A_1950 : vector<1x128xf32>
      %logistic3A_1952 = arith.constant 1.000000e+00 : f32
      %logistic3A_1953 = vector.broadcast %logistic3A_1952 : f32 to vector<1x128xf32>
      %logistic3A_1954 = arith.addf %logistic3A_1953, %logistic3A_1951 : vector<1x128xf32>
      %logistic3A_1955 = arith.divf %logistic3A_1953, %logistic3A_1954 : vector<1x128xf32>
      %slice3A_1956 = vector.extract_strided_slice %add3A_1948 {offsets = [0, 128], sizes = [1, 128], strides = [1, 1]} : vector<1x512xf32> to vector<1x128xf32>
      %logistic3A_1957 = arith.negf %slice3A_1956 : vector<1x128xf32>
      %logistic3A_1958 = math.exp %logistic3A_1957 : vector<1x128xf32>
      %logistic3A_1959 = arith.constant 1.000000e+00 : f32
      %logistic3A_1960 = vector.broadcast %logistic3A_1959 : f32 to vector<1x128xf32>
      %logistic3A_1961 = arith.addf %logistic3A_1960, %logistic3A_1958 : vector<1x128xf32>
      %logistic3A_1962 = arith.divf %logistic3A_1960, %logistic3A_1961 : vector<1x128xf32>
      %slice3A_1963 = vector.extract_strided_slice %add3A_1948 {offsets = [0, 256], sizes = [1, 128], strides = [1, 1]} : vector<1x512xf32> to vector<1x128xf32>
      %tanh3A_1964 = math.tanh %slice3A_1963 : vector<1x128xf32>
      %slice3A_1965 = vector.extract_strided_slice %add3A_1948 {offsets = [0, 384], sizes = [1, 128], strides = [1, 1]} : vector<1x512xf32> to vector<1x128xf32>
      %logistic3A_1966 = arith.negf %slice3A_1965 : vector<1x128xf32>
      %logistic3A_1967 = math.exp %logistic3A_1966 : vector<1x128xf32>
      %logistic3A_1968 = arith.constant 1.000000e+00 : f32
      %logistic3A_1969 = vector.broadcast %logistic3A_1968 : f32 to vector<1x128xf32>
      %logistic3A_1970 = arith.addf %logistic3A_1969, %logistic3A_1967 : vector<1x128xf32>
      %logistic3A_1971 = arith.divf %logistic3A_1969, %logistic3A_1970 : vector<1x128xf32>
      %mul3A_1972 = arith.mulf %logistic3A_1962, %add3A_1936 : vector<1x128xf32>
      %mul3A_1973 = arith.mulf %logistic3A_1955, %tanh3A_1964 : vector<1x128xf32>
      %add3A_1974 = arith.addf %mul3A_1972, %mul3A_1973 : vector<1x128xf32>
      %tanh3A_1975 = math.tanh %add3A_1974 : vector<1x128xf32>
      %mul3A_1976 = arith.mulf %logistic3A_1971, %tanh3A_1975 : vector<1x128xf32>
      %swap3A_1977 = arith.constant 49 : index
      %swap3A_1978 = arith.constant 0 : index
      %swap3A_1979 = vector.load %arg15[%swap3A_1977, %swap3A_1978] : memref<64x128xf32, #tpu.memory_space<vmem>>, vector<1x128xf32>
      tpu.vector_store %arg15[%swap3A_1977, %swap3A_1978], %mul3A_1976 {strides = array<i32>} : memref<64x128xf32, #tpu.memory_space<vmem>>, vector<1x128xf32>,
      %slice3A_1980 = vector.extract_strided_slice %add3A_78 {offsets = [50, 0], sizes = [1, 512], strides = [1, 1]} : vector<64x512xf32> to vector<1x512xf32>
      %get3A_1981 = arith.constant 0 : index
      %get3A_1982 = arith.constant 0 : index
      %get3A_1983 = vector.load %arg7[%get3A_1981, %get3A_1982] : memref<128x512xf32, #tpu.memory_space<vmem>>, vector<128x512xf32>
      %dot_general3A_1984 = arith.constant dense<0.000000e+00> : vector<1x512xf32>
      %dot_general3A_1985 = tpu.matmul %mul3A_1976, %get3A_1983, %dot_general3A_1984 {dimension_numbers = #tpu.dot_dimension_numbers<[1], [0], [0], [1], [0, 0, 1, 1], [], []>, transpose_lhs_hint = false} : vector<1x128xf32>, vector<128x512xf32>, vector<1x512xf32> -> vector<1x512xf32>
      %add3A_1986 = arith.addf %slice3A_1980, %dot_general3A_1985 : vector<1x512xf32>
      %slice3A_1987 = vector.extract_strided_slice %add3A_1986 {offsets = [0, 0], sizes = [1, 128], strides = [1, 1]} : vector<1x512xf32> to vector<1x128xf32>
      %logistic3A_1988 = arith.negf %slice3A_1987 : vector<1x128xf32>
      %logistic3A_1989 = math.exp %logistic3A_1988 : vector<1x128xf32>
      %logistic3A_1990 = arith.constant 1.000000e+00 : f32
      %logistic3A_1991 = vector.broadcast %logistic3A_1990 : f32 to vector<1x128xf32>
      %logistic3A_1992 = arith.addf %logistic3A_1991, %logistic3A_1989 : vector<1x128xf32>
      %logistic3A_1993 = arith.divf %logistic3A_1991, %logistic3A_1992 : vector<1x128xf32>
      %slice3A_1994 = vector.extract_strided_slice %add3A_1986 {offsets = [0, 128], sizes = [1, 128], strides = [1, 1]} : vector<1x512xf32> to vector<1x128xf32>
      %logistic3A_1995 = arith.negf %slice3A_1994 : vector<1x128xf32>
      %logistic3A_1996 = math.exp %logistic3A_1995 : vector<1x128xf32>
      %logistic3A_1997 = arith.constant 1.000000e+00 : f32
      %logistic3A_1998 = vector.broadcast %logistic3A_1997 : f32 to vector<1x128xf32>
      %logistic3A_1999 = arith.addf %logistic3A_1998, %logistic3A_1996 : vector<1x128xf32>
      %logistic3A_2000 = arith.divf %logistic3A_1998, %logistic3A_1999 : vector<1x128xf32>
      %slice3A_2001 = vector.extract_strided_slice %add3A_1986 {offsets = [0, 256], sizes = [1, 128], strides = [1, 1]} : vector<1x512xf32> to vector<1x128xf32>
      %tanh3A_2002 = math.tanh %slice3A_2001 : vector<1x128xf32>
      %slice3A_2003 = vector.extract_strided_slice %add3A_1986 {offsets = [0, 384], sizes = [1, 128], strides = [1, 1]} : vector<1x512xf32> to vector<1x128xf32>
      %logistic3A_2004 = arith.negf %slice3A_2003 : vector<1x128xf32>
      %logistic3A_2005 = math.exp %logistic3A_2004 : vector<1x128xf32>
      %logistic3A_2006 = arith.constant 1.000000e+00 : f32
      %logistic3A_2007 = vector.broadcast %logistic3A_2006 : f32 to vector<1x128xf32>
      %logistic3A_2008 = arith.addf %logistic3A_2007, %logistic3A_2005 : vector<1x128xf32>
      %logistic3A_2009 = arith.divf %logistic3A_2007, %logistic3A_2008 : vector<1x128xf32>
      %mul3A_2010 = arith.mulf %logistic3A_2000, %add3A_1974 : vector<1x128xf32>
      %mul3A_2011 = arith.mulf %logistic3A_1993, %tanh3A_2002 : vector<1x128xf32>
      %add3A_2012 = arith.addf %mul3A_2010, %mul3A_2011 : vector<1x128xf32>
      %tanh3A_2013 = math.tanh %add3A_2012 : vector<1x128xf32>
      %mul3A_2014 = arith.mulf %logistic3A_2009, %tanh3A_2013 : vector<1x128xf32>
      %swap3A_2015 = arith.constant 50 : index
      %swap3A_2016 = arith.constant 0 : index
      %swap3A_2017 = vector.load %arg15[%swap3A_2015, %swap3A_2016] : memref<64x128xf32, #tpu.memory_space<vmem>>, vector<1x128xf32>
      tpu.vector_store %arg15[%swap3A_2015, %swap3A_2016], %mul3A_2014 {strides = array<i32>} : memref<64x128xf32, #tpu.memory_space<vmem>>, vector<1x128xf32>,
      %slice3A_2018 = vector.extract_strided_slice %add3A_78 {offsets = [51, 0], sizes = [1, 512], strides = [1, 1]} : vector<64x512xf32> to vector<1x512xf32>
      %get3A_2019 = arith.constant 0 : index
      %get3A_2020 = arith.constant 0 : index
      %get3A_2021 = vector.load %arg7[%get3A_2019, %get3A_2020] : memref<128x512xf32, #tpu.memory_space<vmem>>, vector<128x512xf32>
      %dot_general3A_2022 = arith.constant dense<0.000000e+00> : vector<1x512xf32>
      %dot_general3A_2023 = tpu.matmul %mul3A_2014, %get3A_2021, %dot_general3A_2022 {dimension_numbers = #tpu.dot_dimension_numbers<[1], [0], [0], [1], [0, 0, 1, 1], [], []>, transpose_lhs_hint = false} : vector<1x128xf32>, vector<128x512xf32>, vector<1x512xf32> -> vector<1x512xf32>
      %add3A_2024 = arith.addf %slice3A_2018, %dot_general3A_2023 : vector<1x512xf32>
      %slice3A_2025 = vector.extract_strided_slice %add3A_2024 {offsets = [0, 0], sizes = [1, 128], strides = [1, 1]} : vector<1x512xf32> to vector<1x128xf32>
      %logistic3A_2026 = arith.negf %slice3A_2025 : vector<1x128xf32>
      %logistic3A_2027 = math.exp %logistic3A_2026 : vector<1x128xf32>
      %logistic3A_2028 = arith.constant 1.000000e+00 : f32
      %logistic3A_2029 = vector.broadcast %logistic3A_2028 : f32 to vector<1x128xf32>
      %logistic3A_2030 = arith.addf %logistic3A_2029, %logistic3A_2027 : vector<1x128xf32>
      %logistic3A_2031 = arith.divf %logistic3A_2029, %logistic3A_2030 : vector<1x128xf32>
      %slice3A_2032 = vector.extract_strided_slice %add3A_2024 {offsets = [0, 128], sizes = [1, 128], strides = [1, 1]} : vector<1x512xf32> to vector<1x128xf32>
      %logistic3A_2033 = arith.negf %slice3A_2032 : vector<1x128xf32>
      %logistic3A_2034 = math.exp %logistic3A_2033 : vector<1x128xf32>
      %logistic3A_2035 = arith.constant 1.000000e+00 : f32
      %logistic3A_2036 = vector.broadcast %logistic3A_2035 : f32 to vector<1x128xf32>
      %logistic3A_2037 = arith.addf %logistic3A_2036, %logistic3A_2034 : vector<1x128xf32>
      %logistic3A_2038 = arith.divf %logistic3A_2036, %logistic3A_2037 : vector<1x128xf32>
      %slice3A_2039 = vector.extract_strided_slice %add3A_2024 {offsets = [0, 256], sizes = [1, 128], strides = [1, 1]} : vector<1x512xf32> to vector<1x128xf32>
      %tanh3A_2040 = math.tanh %slice3A_2039 : vector<1x128xf32>
      %slice3A_2041 = vector.extract_strided_slice %add3A_2024 {offsets = [0, 384], sizes = [1, 128], strides = [1, 1]} : vector<1x512xf32> to vector<1x128xf32>
      %logistic3A_2042 = arith.negf %slice3A_2041 : vector<1x128xf32>
      %logistic3A_2043 = math.exp %logistic3A_2042 : vector<1x128xf32>
      %logistic3A_2044 = arith.constant 1.000000e+00 : f32
      %logistic3A_2045 = vector.broadcast %logistic3A_2044 : f32 to vector<1x128xf32>
      %logistic3A_2046 = arith.addf %logistic3A_2045, %logistic3A_2043 : vector<1x128xf32>
      %logistic3A_2047 = arith.divf %logistic3A_2045, %logistic3A_2046 : vector<1x128xf32>
      %mul3A_2048 = arith.mulf %logistic3A_2038, %add3A_2012 : vector<1x128xf32>
      %mul3A_2049 = arith.mulf %logistic3A_2031, %tanh3A_2040 : vector<1x128xf32>
      %add3A_2050 = arith.addf %mul3A_2048, %mul3A_2049 : vector<1x128xf32>
      %tanh3A_2051 = math.tanh %add3A_2050 : vector<1x128xf32>
      %mul3A_2052 = arith.mulf %logistic3A_2047, %tanh3A_2051 : vector<1x128xf32>
      %swap3A_2053 = arith.constant 51 : index
      %swap3A_2054 = arith.constant 0 : index
      %swap3A_2055 = vector.load %arg15[%swap3A_2053, %swap3A_2054] : memref<64x128xf32, #tpu.memory_space<vmem>>, vector<1x128xf32>
      tpu.vector_store %arg15[%swap3A_2053, %swap3A_2054], %mul3A_2052 {strides = array<i32>} : memref<64x128xf32, #tpu.memory_space<vmem>>, vector<1x128xf32>,
      %slice3A_2056 = vector.extract_strided_slice %add3A_78 {offsets = [52, 0], sizes = [1, 512], strides = [1, 1]} : vector<64x512xf32> to vector<1x512xf32>
      %get3A_2057 = arith.constant 0 : index
      %get3A_2058 = arith.constant 0 : index
      %get3A_2059 = vector.load %arg7[%get3A_2057, %get3A_2058] : memref<128x512xf32, #tpu.memory_space<vmem>>, vector<128x512xf32>
      %dot_general3A_2060 = arith.constant dense<0.000000e+00> : vector<1x512xf32>
      %dot_general3A_2061 = tpu.matmul %mul3A_2052, %get3A_2059, %dot_general3A_2060 {dimension_numbers = #tpu.dot_dimension_numbers<[1], [0], [0], [1], [0, 0, 1, 1], [], []>, transpose_lhs_hint = false} : vector<1x128xf32>, vector<128x512xf32>, vector<1x512xf32> -> vector<1x512xf32>
      %add3A_2062 = arith.addf %slice3A_2056, %dot_general3A_2061 : vector<1x512xf32>
      %slice3A_2063 = vector.extract_strided_slice %add3A_2062 {offsets = [0, 0], sizes = [1, 128], strides = [1, 1]} : vector<1x512xf32> to vector<1x128xf32>
      %logistic3A_2064 = arith.negf %slice3A_2063 : vector<1x128xf32>
      %logistic3A_2065 = math.exp %logistic3A_2064 : vector<1x128xf32>
      %logistic3A_2066 = arith.constant 1.000000e+00 : f32
      %logistic3A_2067 = vector.broadcast %logistic3A_2066 : f32 to vector<1x128xf32>
      %logistic3A_2068 = arith.addf %logistic3A_2067, %logistic3A_2065 : vector<1x128xf32>
      %logistic3A_2069 = arith.divf %logistic3A_2067, %logistic3A_2068 : vector<1x128xf32>
      %slice3A_2070 = vector.extract_strided_slice %add3A_2062 {offsets = [0, 128], sizes = [1, 128], strides = [1, 1]} : vector<1x512xf32> to vector<1x128xf32>
      %logistic3A_2071 = arith.negf %slice3A_2070 : vector<1x128xf32>
      %logistic3A_2072 = math.exp %logistic3A_2071 : vector<1x128xf32>
      %logistic3A_2073 = arith.constant 1.000000e+00 : f32
      %logistic3A_2074 = vector.broadcast %logistic3A_2073 : f32 to vector<1x128xf32>
      %logistic3A_2075 = arith.addf %logistic3A_2074, %logistic3A_2072 : vector<1x128xf32>
      %logistic3A_2076 = arith.divf %logistic3A_2074, %logistic3A_2075 : vector<1x128xf32>
      %slice3A_2077 = vector.extract_strided_slice %add3A_2062 {offsets = [0, 256], sizes = [1, 128], strides = [1, 1]} : vector<1x512xf32> to vector<1x128xf32>
      %tanh3A_2078 = math.tanh %slice3A_2077 : vector<1x128xf32>
      %slice3A_2079 = vector.extract_strided_slice %add3A_2062 {offsets = [0, 384], sizes = [1, 128], strides = [1, 1]} : vector<1x512xf32> to vector<1x128xf32>
      %logistic3A_2080 = arith.negf %slice3A_2079 : vector<1x128xf32>
      %logistic3A_2081 = math.exp %logistic3A_2080 : vector<1x128xf32>
      %logistic3A_2082 = arith.constant 1.000000e+00 : f32
      %logistic3A_2083 = vector.broadcast %logistic3A_2082 : f32 to vector<1x128xf32>
      %logistic3A_2084 = arith.addf %logistic3A_2083, %logistic3A_2081 : vector<1x128xf32>
      %logistic3A_2085 = arith.divf %logistic3A_2083, %logistic3A_2084 : vector<1x128xf32>
      %mul3A_2086 = arith.mulf %logistic3A_2076, %add3A_2050 : vector<1x128xf32>
      %mul3A_2087 = arith.mulf %logistic3A_2069, %tanh3A_2078 : vector<1x128xf32>
      %add3A_2088 = arith.addf %mul3A_2086, %mul3A_2087 : vector<1x128xf32>
      %tanh3A_2089 = math.tanh %add3A_2088 : vector<1x128xf32>
      %mul3A_2090 = arith.mulf %logistic3A_2085, %tanh3A_2089 : vector<1x128xf32>
      %swap3A_2091 = arith.constant 52 : index
      %swap3A_2092 = arith.constant 0 : index
      %swap3A_2093 = vector.load %arg15[%swap3A_2091, %swap3A_2092] : memref<64x128xf32, #tpu.memory_space<vmem>>, vector<1x128xf32>
      tpu.vector_store %arg15[%swap3A_2091, %swap3A_2092], %mul3A_2090 {strides = array<i32>} : memref<64x128xf32, #tpu.memory_space<vmem>>, vector<1x128xf32>,
      %slice3A_2094 = vector.extract_strided_slice %add3A_78 {offsets = [53, 0], sizes = [1, 512], strides = [1, 1]} : vector<64x512xf32> to vector<1x512xf32>
      %get3A_2095 = arith.constant 0 : index
      %get3A_2096 = arith.constant 0 : index
      %get3A_2097 = vector.load %arg7[%get3A_2095, %get3A_2096] : memref<128x512xf32, #tpu.memory_space<vmem>>, vector<128x512xf32>
      %dot_general3A_2098 = arith.constant dense<0.000000e+00> : vector<1x512xf32>
      %dot_general3A_2099 = tpu.matmul %mul3A_2090, %get3A_2097, %dot_general3A_2098 {dimension_numbers = #tpu.dot_dimension_numbers<[1], [0], [0], [1], [0, 0, 1, 1], [], []>, transpose_lhs_hint = false} : vector<1x128xf32>, vector<128x512xf32>, vector<1x512xf32> -> vector<1x512xf32>
      %add3A_2100 = arith.addf %slice3A_2094, %dot_general3A_2099 : vector<1x512xf32>
      %slice3A_2101 = vector.extract_strided_slice %add3A_2100 {offsets = [0, 0], sizes = [1, 128], strides = [1, 1]} : vector<1x512xf32> to vector<1x128xf32>
      %logistic3A_2102 = arith.negf %slice3A_2101 : vector<1x128xf32>
      %logistic3A_2103 = math.exp %logistic3A_2102 : vector<1x128xf32>
      %logistic3A_2104 = arith.constant 1.000000e+00 : f32
      %logistic3A_2105 = vector.broadcast %logistic3A_2104 : f32 to vector<1x128xf32>
      %logistic3A_2106 = arith.addf %logistic3A_2105, %logistic3A_2103 : vector<1x128xf32>
      %logistic3A_2107 = arith.divf %logistic3A_2105, %logistic3A_2106 : vector<1x128xf32>
      %slice3A_2108 = vector.extract_strided_slice %add3A_2100 {offsets = [0, 128], sizes = [1, 128], strides = [1, 1]} : vector<1x512xf32> to vector<1x128xf32>
      %logistic3A_2109 = arith.negf %slice3A_2108 : vector<1x128xf32>
      %logistic3A_2110 = math.exp %logistic3A_2109 : vector<1x128xf32>
      %logistic3A_2111 = arith.constant 1.000000e+00 : f32
      %logistic3A_2112 = vector.broadcast %logistic3A_2111 : f32 to vector<1x128xf32>
      %logistic3A_2113 = arith.addf %logistic3A_2112, %logistic3A_2110 : vector<1x128xf32>
      %logistic3A_2114 = arith.divf %logistic3A_2112, %logistic3A_2113 : vector<1x128xf32>
      %slice3A_2115 = vector.extract_strided_slice %add3A_2100 {offsets = [0, 256], sizes = [1, 128], strides = [1, 1]} : vector<1x512xf32> to vector<1x128xf32>
      %tanh3A_2116 = math.tanh %slice3A_2115 : vector<1x128xf32>
      %slice3A_2117 = vector.extract_strided_slice %add3A_2100 {offsets = [0, 384], sizes = [1, 128], strides = [1, 1]} : vector<1x512xf32> to vector<1x128xf32>
      %logistic3A_2118 = arith.negf %slice3A_2117 : vector<1x128xf32>
      %logistic3A_2119 = math.exp %logistic3A_2118 : vector<1x128xf32>
      %logistic3A_2120 = arith.constant 1.000000e+00 : f32
      %logistic3A_2121 = vector.broadcast %logistic3A_2120 : f32 to vector<1x128xf32>
      %logistic3A_2122 = arith.addf %logistic3A_2121, %logistic3A_2119 : vector<1x128xf32>
      %logistic3A_2123 = arith.divf %logistic3A_2121, %logistic3A_2122 : vector<1x128xf32>
      %mul3A_2124 = arith.mulf %logistic3A_2114, %add3A_2088 : vector<1x128xf32>
      %mul3A_2125 = arith.mulf %logistic3A_2107, %tanh3A_2116 : vector<1x128xf32>
      %add3A_2126 = arith.addf %mul3A_2124, %mul3A_2125 : vector<1x128xf32>
      %tanh3A_2127 = math.tanh %add3A_2126 : vector<1x128xf32>
      %mul3A_2128 = arith.mulf %logistic3A_2123, %tanh3A_2127 : vector<1x128xf32>
      %swap3A_2129 = arith.constant 53 : index
      %swap3A_2130 = arith.constant 0 : index
      %swap3A_2131 = vector.load %arg15[%swap3A_2129, %swap3A_2130] : memref<64x128xf32, #tpu.memory_space<vmem>>, vector<1x128xf32>
      tpu.vector_store %arg15[%swap3A_2129, %swap3A_2130], %mul3A_2128 {strides = array<i32>} : memref<64x128xf32, #tpu.memory_space<vmem>>, vector<1x128xf32>,
      %slice3A_2132 = vector.extract_strided_slice %add3A_78 {offsets = [54, 0], sizes = [1, 512], strides = [1, 1]} : vector<64x512xf32> to vector<1x512xf32>
      %get3A_2133 = arith.constant 0 : index
      %get3A_2134 = arith.constant 0 : index
      %get3A_2135 = vector.load %arg7[%get3A_2133, %get3A_2134] : memref<128x512xf32, #tpu.memory_space<vmem>>, vector<128x512xf32>
      %dot_general3A_2136 = arith.constant dense<0.000000e+00> : vector<1x512xf32>
      %dot_general3A_2137 = tpu.matmul %mul3A_2128, %get3A_2135, %dot_general3A_2136 {dimension_numbers = #tpu.dot_dimension_numbers<[1], [0], [0], [1], [0, 0, 1, 1], [], []>, transpose_lhs_hint = false} : vector<1x128xf32>, vector<128x512xf32>, vector<1x512xf32> -> vector<1x512xf32>
      %add3A_2138 = arith.addf %slice3A_2132, %dot_general3A_2137 : vector<1x512xf32>
      %slice3A_2139 = vector.extract_strided_slice %add3A_2138 {offsets = [0, 0], sizes = [1, 128], strides = [1, 1]} : vector<1x512xf32> to vector<1x128xf32>
      %logistic3A_2140 = arith.negf %slice3A_2139 : vector<1x128xf32>
      %logistic3A_2141 = math.exp %logistic3A_2140 : vector<1x128xf32>
      %logistic3A_2142 = arith.constant 1.000000e+00 : f32
      %logistic3A_2143 = vector.broadcast %logistic3A_2142 : f32 to vector<1x128xf32>
      %logistic3A_2144 = arith.addf %logistic3A_2143, %logistic3A_2141 : vector<1x128xf32>
      %logistic3A_2145 = arith.divf %logistic3A_2143, %logistic3A_2144 : vector<1x128xf32>
      %slice3A_2146 = vector.extract_strided_slice %add3A_2138 {offsets = [0, 128], sizes = [1, 128], strides = [1, 1]} : vector<1x512xf32> to vector<1x128xf32>
      %logistic3A_2147 = arith.negf %slice3A_2146 : vector<1x128xf32>
      %logistic3A_2148 = math.exp %logistic3A_2147 : vector<1x128xf32>
      %logistic3A_2149 = arith.constant 1.000000e+00 : f32
      %logistic3A_2150 = vector.broadcast %logistic3A_2149 : f32 to vector<1x128xf32>
      %logistic3A_2151 = arith.addf %logistic3A_2150, %logistic3A_2148 : vector<1x128xf32>
      %logistic3A_2152 = arith.divf %logistic3A_2150, %logistic3A_2151 : vector<1x128xf32>
      %slice3A_2153 = vector.extract_strided_slice %add3A_2138 {offsets = [0, 256], sizes = [1, 128], strides = [1, 1]} : vector<1x512xf32> to vector<1x128xf32>
      %tanh3A_2154 = math.tanh %slice3A_2153 : vector<1x128xf32>
      %slice3A_2155 = vector.extract_strided_slice %add3A_2138 {offsets = [0, 384], sizes = [1, 128], strides = [1, 1]} : vector<1x512xf32> to vector<1x128xf32>
      %logistic3A_2156 = arith.negf %slice3A_2155 : vector<1x128xf32>
      %logistic3A_2157 = math.exp %logistic3A_2156 : vector<1x128xf32>
      %logistic3A_2158 = arith.constant 1.000000e+00 : f32
      %logistic3A_2159 = vector.broadcast %logistic3A_2158 : f32 to vector<1x128xf32>
      %logistic3A_2160 = arith.addf %logistic3A_2159, %logistic3A_2157 : vector<1x128xf32>
      %logistic3A_2161 = arith.divf %logistic3A_2159, %logistic3A_2160 : vector<1x128xf32>
      %mul3A_2162 = arith.mulf %logistic3A_2152, %add3A_2126 : vector<1x128xf32>
      %mul3A_2163 = arith.mulf %logistic3A_2145, %tanh3A_2154 : vector<1x128xf32>
      %add3A_2164 = arith.addf %mul3A_2162, %mul3A_2163 : vector<1x128xf32>
      %tanh3A_2165 = math.tanh %add3A_2164 : vector<1x128xf32>
      %mul3A_2166 = arith.mulf %logistic3A_2161, %tanh3A_2165 : vector<1x128xf32>
      %swap3A_2167 = arith.constant 54 : index
      %swap3A_2168 = arith.constant 0 : index
      %swap3A_2169 = vector.load %arg15[%swap3A_2167, %swap3A_2168] : memref<64x128xf32, #tpu.memory_space<vmem>>, vector<1x128xf32>
      tpu.vector_store %arg15[%swap3A_2167, %swap3A_2168], %mul3A_2166 {strides = array<i32>} : memref<64x128xf32, #tpu.memory_space<vmem>>, vector<1x128xf32>,
      %slice3A_2170 = vector.extract_strided_slice %add3A_78 {offsets = [55, 0], sizes = [1, 512], strides = [1, 1]} : vector<64x512xf32> to vector<1x512xf32>
      %get3A_2171 = arith.constant 0 : index
      %get3A_2172 = arith.constant 0 : index
      %get3A_2173 = vector.load %arg7[%get3A_2171, %get3A_2172] : memref<128x512xf32, #tpu.memory_space<vmem>>, vector<128x512xf32>
      %dot_general3A_2174 = arith.constant dense<0.000000e+00> : vector<1x512xf32>
      %dot_general3A_2175 = tpu.matmul %mul3A_2166, %get3A_2173, %dot_general3A_2174 {dimension_numbers = #tpu.dot_dimension_numbers<[1], [0], [0], [1], [0, 0, 1, 1], [], []>, transpose_lhs_hint = false} : vector<1x128xf32>, vector<128x512xf32>, vector<1x512xf32> -> vector<1x512xf32>
      %add3A_2176 = arith.addf %slice3A_2170, %dot_general3A_2175 : vector<1x512xf32>
      %slice3A_2177 = vector.extract_strided_slice %add3A_2176 {offsets = [0, 0], sizes = [1, 128], strides = [1, 1]} : vector<1x512xf32> to vector<1x128xf32>
      %logistic3A_2178 = arith.negf %slice3A_2177 : vector<1x128xf32>
      %logistic3A_2179 = math.exp %logistic3A_2178 : vector<1x128xf32>
      %logistic3A_2180 = arith.constant 1.000000e+00 : f32
      %logistic3A_2181 = vector.broadcast %logistic3A_2180 : f32 to vector<1x128xf32>
      %logistic3A_2182 = arith.addf %logistic3A_2181, %logistic3A_2179 : vector<1x128xf32>
      %logistic3A_2183 = arith.divf %logistic3A_2181, %logistic3A_2182 : vector<1x128xf32>
      %slice3A_2184 = vector.extract_strided_slice %add3A_2176 {offsets = [0, 128], sizes = [1, 128], strides = [1, 1]} : vector<1x512xf32> to vector<1x128xf32>
      %logistic3A_2185 = arith.negf %slice3A_2184 : vector<1x128xf32>
      %logistic3A_2186 = math.exp %logistic3A_2185 : vector<1x128xf32>
      %logistic3A_2187 = arith.constant 1.000000e+00 : f32
      %logistic3A_2188 = vector.broadcast %logistic3A_2187 : f32 to vector<1x128xf32>
      %logistic3A_2189 = arith.addf %logistic3A_2188, %logistic3A_2186 : vector<1x128xf32>
      %logistic3A_2190 = arith.divf %logistic3A_2188, %logistic3A_2189 : vector<1x128xf32>
      %slice3A_2191 = vector.extract_strided_slice %add3A_2176 {offsets = [0, 256], sizes = [1, 128], strides = [1, 1]} : vector<1x512xf32> to vector<1x128xf32>
      %tanh3A_2192 = math.tanh %slice3A_2191 : vector<1x128xf32>
      %slice3A_2193 = vector.extract_strided_slice %add3A_2176 {offsets = [0, 384], sizes = [1, 128], strides = [1, 1]} : vector<1x512xf32> to vector<1x128xf32>
      %logistic3A_2194 = arith.negf %slice3A_2193 : vector<1x128xf32>
      %logistic3A_2195 = math.exp %logistic3A_2194 : vector<1x128xf32>
      %logistic3A_2196 = arith.constant 1.000000e+00 : f32
      %logistic3A_2197 = vector.broadcast %logistic3A_2196 : f32 to vector<1x128xf32>
      %logistic3A_2198 = arith.addf %logistic3A_2197, %logistic3A_2195 : vector<1x128xf32>
      %logistic3A_2199 = arith.divf %logistic3A_2197, %logistic3A_2198 : vector<1x128xf32>
      %mul3A_2200 = arith.mulf %logistic3A_2190, %add3A_2164 : vector<1x128xf32>
      %mul3A_2201 = arith.mulf %logistic3A_2183, %tanh3A_2192 : vector<1x128xf32>
      %add3A_2202 = arith.addf %mul3A_2200, %mul3A_2201 : vector<1x128xf32>
      %tanh3A_2203 = math.tanh %add3A_2202 : vector<1x128xf32>
      %mul3A_2204 = arith.mulf %logistic3A_2199, %tanh3A_2203 : vector<1x128xf32>
      %swap3A_2205 = arith.constant 55 : index
      %swap3A_2206 = arith.constant 0 : index
      %swap3A_2207 = vector.load %arg15[%swap3A_2205, %swap3A_2206] : memref<64x128xf32, #tpu.memory_space<vmem>>, vector<1x128xf32>
      tpu.vector_store %arg15[%swap3A_2205, %swap3A_2206], %mul3A_2204 {strides = array<i32>} : memref<64x128xf32, #tpu.memory_space<vmem>>, vector<1x128xf32>,
      %slice3A_2208 = vector.extract_strided_slice %add3A_78 {offsets = [56, 0], sizes = [1, 512], strides = [1, 1]} : vector<64x512xf32> to vector<1x512xf32>
      %get3A_2209 = arith.constant 0 : index
      %get3A_2210 = arith.constant 0 : index
      %get3A_2211 = vector.load %arg7[%get3A_2209, %get3A_2210] : memref<128x512xf32, #tpu.memory_space<vmem>>, vector<128x512xf32>
      %dot_general3A_2212 = arith.constant dense<0.000000e+00> : vector<1x512xf32>
      %dot_general3A_2213 = tpu.matmul %mul3A_2204, %get3A_2211, %dot_general3A_2212 {dimension_numbers = #tpu.dot_dimension_numbers<[1], [0], [0], [1], [0, 0, 1, 1], [], []>, transpose_lhs_hint = false} : vector<1x128xf32>, vector<128x512xf32>, vector<1x512xf32> -> vector<1x512xf32>
      %add3A_2214 = arith.addf %slice3A_2208, %dot_general3A_2213 : vector<1x512xf32>
      %slice3A_2215 = vector.extract_strided_slice %add3A_2214 {offsets = [0, 0], sizes = [1, 128], strides = [1, 1]} : vector<1x512xf32> to vector<1x128xf32>
      %logistic3A_2216 = arith.negf %slice3A_2215 : vector<1x128xf32>
      %logistic3A_2217 = math.exp %logistic3A_2216 : vector<1x128xf32>
      %logistic3A_2218 = arith.constant 1.000000e+00 : f32
      %logistic3A_2219 = vector.broadcast %logistic3A_2218 : f32 to vector<1x128xf32>
      %logistic3A_2220 = arith.addf %logistic3A_2219, %logistic3A_2217 : vector<1x128xf32>
      %logistic3A_2221 = arith.divf %logistic3A_2219, %logistic3A_2220 : vector<1x128xf32>
      %slice3A_2222 = vector.extract_strided_slice %add3A_2214 {offsets = [0, 128], sizes = [1, 128], strides = [1, 1]} : vector<1x512xf32> to vector<1x128xf32>
      %logistic3A_2223 = arith.negf %slice3A_2222 : vector<1x128xf32>
      %logistic3A_2224 = math.exp %logistic3A_2223 : vector<1x128xf32>
      %logistic3A_2225 = arith.constant 1.000000e+00 : f32
      %logistic3A_2226 = vector.broadcast %logistic3A_2225 : f32 to vector<1x128xf32>
      %logistic3A_2227 = arith.addf %logistic3A_2226, %logistic3A_2224 : vector<1x128xf32>
      %logistic3A_2228 = arith.divf %logistic3A_2226, %logistic3A_2227 : vector<1x128xf32>
      %slice3A_2229 = vector.extract_strided_slice %add3A_2214 {offsets = [0, 256], sizes = [1, 128], strides = [1, 1]} : vector<1x512xf32> to vector<1x128xf32>
      %tanh3A_2230 = math.tanh %slice3A_2229 : vector<1x128xf32>
      %slice3A_2231 = vector.extract_strided_slice %add3A_2214 {offsets = [0, 384], sizes = [1, 128], strides = [1, 1]} : vector<1x512xf32> to vector<1x128xf32>
      %logistic3A_2232 = arith.negf %slice3A_2231 : vector<1x128xf32>
      %logistic3A_2233 = math.exp %logistic3A_2232 : vector<1x128xf32>
      %logistic3A_2234 = arith.constant 1.000000e+00 : f32
      %logistic3A_2235 = vector.broadcast %logistic3A_2234 : f32 to vector<1x128xf32>
      %logistic3A_2236 = arith.addf %logistic3A_2235, %logistic3A_2233 : vector<1x128xf32>
      %logistic3A_2237 = arith.divf %logistic3A_2235, %logistic3A_2236 : vector<1x128xf32>
      %mul3A_2238 = arith.mulf %logistic3A_2228, %add3A_2202 : vector<1x128xf32>
      %mul3A_2239 = arith.mulf %logistic3A_2221, %tanh3A_2230 : vector<1x128xf32>
      %add3A_2240 = arith.addf %mul3A_2238, %mul3A_2239 : vector<1x128xf32>
      %tanh3A_2241 = math.tanh %add3A_2240 : vector<1x128xf32>
      %mul3A_2242 = arith.mulf %logistic3A_2237, %tanh3A_2241 : vector<1x128xf32>
      %swap3A_2243 = arith.constant 56 : index
      %swap3A_2244 = arith.constant 0 : index
      %swap3A_2245 = vector.load %arg15[%swap3A_2243, %swap3A_2244] : memref<64x128xf32, #tpu.memory_space<vmem>>, vector<1x128xf32>
      tpu.vector_store %arg15[%swap3A_2243, %swap3A_2244], %mul3A_2242 {strides = array<i32>} : memref<64x128xf32, #tpu.memory_space<vmem>>, vector<1x128xf32>,
      %slice3A_2246 = vector.extract_strided_slice %add3A_78 {offsets = [57, 0], sizes = [1, 512], strides = [1, 1]} : vector<64x512xf32> to vector<1x512xf32>
      %get3A_2247 = arith.constant 0 : index
      %get3A_2248 = arith.constant 0 : index
      %get3A_2249 = vector.load %arg7[%get3A_2247, %get3A_2248] : memref<128x512xf32, #tpu.memory_space<vmem>>, vector<128x512xf32>
      %dot_general3A_2250 = arith.constant dense<0.000000e+00> : vector<1x512xf32>
      %dot_general3A_2251 = tpu.matmul %mul3A_2242, %get3A_2249, %dot_general3A_2250 {dimension_numbers = #tpu.dot_dimension_numbers<[1], [0], [0], [1], [0, 0, 1, 1], [], []>, transpose_lhs_hint = false} : vector<1x128xf32>, vector<128x512xf32>, vector<1x512xf32> -> vector<1x512xf32>
      %add3A_2252 = arith.addf %slice3A_2246, %dot_general3A_2251 : vector<1x512xf32>
      %slice3A_2253 = vector.extract_strided_slice %add3A_2252 {offsets = [0, 0], sizes = [1, 128], strides = [1, 1]} : vector<1x512xf32> to vector<1x128xf32>
      %logistic3A_2254 = arith.negf %slice3A_2253 : vector<1x128xf32>
      %logistic3A_2255 = math.exp %logistic3A_2254 : vector<1x128xf32>
      %logistic3A_2256 = arith.constant 1.000000e+00 : f32
      %logistic3A_2257 = vector.broadcast %logistic3A_2256 : f32 to vector<1x128xf32>
      %logistic3A_2258 = arith.addf %logistic3A_2257, %logistic3A_2255 : vector<1x128xf32>
      %logistic3A_2259 = arith.divf %logistic3A_2257, %logistic3A_2258 : vector<1x128xf32>
      %slice3A_2260 = vector.extract_strided_slice %add3A_2252 {offsets = [0, 128], sizes = [1, 128], strides = [1, 1]} : vector<1x512xf32> to vector<1x128xf32>
      %logistic3A_2261 = arith.negf %slice3A_2260 : vector<1x128xf32>
      %logistic3A_2262 = math.exp %logistic3A_2261 : vector<1x128xf32>
      %logistic3A_2263 = arith.constant 1.000000e+00 : f32
      %logistic3A_2264 = vector.broadcast %logistic3A_2263 : f32 to vector<1x128xf32>
      %logistic3A_2265 = arith.addf %logistic3A_2264, %logistic3A_2262 : vector<1x128xf32>
      %logistic3A_2266 = arith.divf %logistic3A_2264, %logistic3A_2265 : vector<1x128xf32>
      %slice3A_2267 = vector.extract_strided_slice %add3A_2252 {offsets = [0, 256], sizes = [1, 128], strides = [1, 1]} : vector<1x512xf32> to vector<1x128xf32>
      %tanh3A_2268 = math.tanh %slice3A_2267 : vector<1x128xf32>
      %slice3A_2269 = vector.extract_strided_slice %add3A_2252 {offsets = [0, 384], sizes = [1, 128], strides = [1, 1]} : vector<1x512xf32> to vector<1x128xf32>
      %logistic3A_2270 = arith.negf %slice3A_2269 : vector<1x128xf32>
      %logistic3A_2271 = math.exp %logistic3A_2270 : vector<1x128xf32>
      %logistic3A_2272 = arith.constant 1.000000e+00 : f32
      %logistic3A_2273 = vector.broadcast %logistic3A_2272 : f32 to vector<1x128xf32>
      %logistic3A_2274 = arith.addf %logistic3A_2273, %logistic3A_2271 : vector<1x128xf32>
      %logistic3A_2275 = arith.divf %logistic3A_2273, %logistic3A_2274 : vector<1x128xf32>
      %mul3A_2276 = arith.mulf %logistic3A_2266, %add3A_2240 : vector<1x128xf32>
      %mul3A_2277 = arith.mulf %logistic3A_2259, %tanh3A_2268 : vector<1x128xf32>
      %add3A_2278 = arith.addf %mul3A_2276, %mul3A_2277 : vector<1x128xf32>
      %tanh3A_2279 = math.tanh %add3A_2278 : vector<1x128xf32>
      %mul3A_2280 = arith.mulf %logistic3A_2275, %tanh3A_2279 : vector<1x128xf32>
      %swap3A_2281 = arith.constant 57 : index
      %swap3A_2282 = arith.constant 0 : index
      %swap3A_2283 = vector.load %arg15[%swap3A_2281, %swap3A_2282] : memref<64x128xf32, #tpu.memory_space<vmem>>, vector<1x128xf32>
      tpu.vector_store %arg15[%swap3A_2281, %swap3A_2282], %mul3A_2280 {strides = array<i32>} : memref<64x128xf32, #tpu.memory_space<vmem>>, vector<1x128xf32>,
      %slice3A_2284 = vector.extract_strided_slice %add3A_78 {offsets = [58, 0], sizes = [1, 512], strides = [1, 1]} : vector<64x512xf32> to vector<1x512xf32>
      %get3A_2285 = arith.constant 0 : index
      %get3A_2286 = arith.constant 0 : index
      %get3A_2287 = vector.load %arg7[%get3A_2285, %get3A_2286] : memref<128x512xf32, #tpu.memory_space<vmem>>, vector<128x512xf32>
      %dot_general3A_2288 = arith.constant dense<0.000000e+00> : vector<1x512xf32>
      %dot_general3A_2289 = tpu.matmul %mul3A_2280, %get3A_2287, %dot_general3A_2288 {dimension_numbers = #tpu.dot_dimension_numbers<[1], [0], [0], [1], [0, 0, 1, 1], [], []>, transpose_lhs_hint = false} : vector<1x128xf32>, vector<128x512xf32>, vector<1x512xf32> -> vector<1x512xf32>
      %add3A_2290 = arith.addf %slice3A_2284, %dot_general3A_2289 : vector<1x512xf32>
      %slice3A_2291 = vector.extract_strided_slice %add3A_2290 {offsets = [0, 0], sizes = [1, 128], strides = [1, 1]} : vector<1x512xf32> to vector<1x128xf32>
      %logistic3A_2292 = arith.negf %slice3A_2291 : vector<1x128xf32>
      %logistic3A_2293 = math.exp %logistic3A_2292 : vector<1x128xf32>
      %logistic3A_2294 = arith.constant 1.000000e+00 : f32
      %logistic3A_2295 = vector.broadcast %logistic3A_2294 : f32 to vector<1x128xf32>
      %logistic3A_2296 = arith.addf %logistic3A_2295, %logistic3A_2293 : vector<1x128xf32>
      %logistic3A_2297 = arith.divf %logistic3A_2295, %logistic3A_2296 : vector<1x128xf32>
      %slice3A_2298 = vector.extract_strided_slice %add3A_2290 {offsets = [0, 128], sizes = [1, 128], strides = [1, 1]} : vector<1x512xf32> to vector<1x128xf32>
      %logistic3A_2299 = arith.negf %slice3A_2298 : vector<1x128xf32>
      %logistic3A_2300 = math.exp %logistic3A_2299 : vector<1x128xf32>
      %logistic3A_2301 = arith.constant 1.000000e+00 : f32
      %logistic3A_2302 = vector.broadcast %logistic3A_2301 : f32 to vector<1x128xf32>
      %logistic3A_2303 = arith.addf %logistic3A_2302, %logistic3A_2300 : vector<1x128xf32>
      %logistic3A_2304 = arith.divf %logistic3A_2302, %logistic3A_2303 : vector<1x128xf32>
      %slice3A_2305 = vector.extract_strided_slice %add3A_2290 {offsets = [0, 256], sizes = [1, 128], strides = [1, 1]} : vector<1x512xf32> to vector<1x128xf32>
      %tanh3A_2306 = math.tanh %slice3A_2305 : vector<1x128xf32>
      %slice3A_2307 = vector.extract_strided_slice %add3A_2290 {offsets = [0, 384], sizes = [1, 128], strides = [1, 1]} : vector<1x512xf32> to vector<1x128xf32>
      %logistic3A_2308 = arith.negf %slice3A_2307 : vector<1x128xf32>
      %logistic3A_2309 = math.exp %logistic3A_2308 : vector<1x128xf32>
      %logistic3A_2310 = arith.constant 1.000000e+00 : f32
      %logistic3A_2311 = vector.broadcast %logistic3A_2310 : f32 to vector<1x128xf32>
      %logistic3A_2312 = arith.addf %logistic3A_2311, %logistic3A_2309 : vector<1x128xf32>
      %logistic3A_2313 = arith.divf %logistic3A_2311, %logistic3A_2312 : vector<1x128xf32>
      %mul3A_2314 = arith.mulf %logistic3A_2304, %add3A_2278 : vector<1x128xf32>
      %mul3A_2315 = arith.mulf %logistic3A_2297, %tanh3A_2306 : vector<1x128xf32>
      %add3A_2316 = arith.addf %mul3A_2314, %mul3A_2315 : vector<1x128xf32>
      %tanh3A_2317 = math.tanh %add3A_2316 : vector<1x128xf32>
      %mul3A_2318 = arith.mulf %logistic3A_2313, %tanh3A_2317 : vector<1x128xf32>
      %swap3A_2319 = arith.constant 58 : index
      %swap3A_2320 = arith.constant 0 : index
      %swap3A_2321 = vector.load %arg15[%swap3A_2319, %swap3A_2320] : memref<64x128xf32, #tpu.memory_space<vmem>>, vector<1x128xf32>
      tpu.vector_store %arg15[%swap3A_2319, %swap3A_2320], %mul3A_2318 {strides = array<i32>} : memref<64x128xf32, #tpu.memory_space<vmem>>, vector<1x128xf32>,
      %slice3A_2322 = vector.extract_strided_slice %add3A_78 {offsets = [59, 0], sizes = [1, 512], strides = [1, 1]} : vector<64x512xf32> to vector<1x512xf32>
      %get3A_2323 = arith.constant 0 : index
      %get3A_2324 = arith.constant 0 : index
      %get3A_2325 = vector.load %arg7[%get3A_2323, %get3A_2324] : memref<128x512xf32, #tpu.memory_space<vmem>>, vector<128x512xf32>
      %dot_general3A_2326 = arith.constant dense<0.000000e+00> : vector<1x512xf32>
      %dot_general3A_2327 = tpu.matmul %mul3A_2318, %get3A_2325, %dot_general3A_2326 {dimension_numbers = #tpu.dot_dimension_numbers<[1], [0], [0], [1], [0, 0, 1, 1], [], []>, transpose_lhs_hint = false} : vector<1x128xf32>, vector<128x512xf32>, vector<1x512xf32> -> vector<1x512xf32>
      %add3A_2328 = arith.addf %slice3A_2322, %dot_general3A_2327 : vector<1x512xf32>
      %slice3A_2329 = vector.extract_strided_slice %add3A_2328 {offsets = [0, 0], sizes = [1, 128], strides = [1, 1]} : vector<1x512xf32> to vector<1x128xf32>
      %logistic3A_2330 = arith.negf %slice3A_2329 : vector<1x128xf32>
      %logistic3A_2331 = math.exp %logistic3A_2330 : vector<1x128xf32>
      %logistic3A_2332 = arith.constant 1.000000e+00 : f32
      %logistic3A_2333 = vector.broadcast %logistic3A_2332 : f32 to vector<1x128xf32>
      %logistic3A_2334 = arith.addf %logistic3A_2333, %logistic3A_2331 : vector<1x128xf32>
      %logistic3A_2335 = arith.divf %logistic3A_2333, %logistic3A_2334 : vector<1x128xf32>
      %slice3A_2336 = vector.extract_strided_slice %add3A_2328 {offsets = [0, 128], sizes = [1, 128], strides = [1, 1]} : vector<1x512xf32> to vector<1x128xf32>
      %logistic3A_2337 = arith.negf %slice3A_2336 : vector<1x128xf32>
      %logistic3A_2338 = math.exp %logistic3A_2337 : vector<1x128xf32>
      %logistic3A_2339 = arith.constant 1.000000e+00 : f32
      %logistic3A_2340 = vector.broadcast %logistic3A_2339 : f32 to vector<1x128xf32>
      %logistic3A_2341 = arith.addf %logistic3A_2340, %logistic3A_2338 : vector<1x128xf32>
      %logistic3A_2342 = arith.divf %logistic3A_2340, %logistic3A_2341 : vector<1x128xf32>
      %slice3A_2343 = vector.extract_strided_slice %add3A_2328 {offsets = [0, 256], sizes = [1, 128], strides = [1, 1]} : vector<1x512xf32> to vector<1x128xf32>
      %tanh3A_2344 = math.tanh %slice3A_2343 : vector<1x128xf32>
      %slice3A_2345 = vector.extract_strided_slice %add3A_2328 {offsets = [0, 384], sizes = [1, 128], strides = [1, 1]} : vector<1x512xf32> to vector<1x128xf32>
      %logistic3A_2346 = arith.negf %slice3A_2345 : vector<1x128xf32>
      %logistic3A_2347 = math.exp %logistic3A_2346 : vector<1x128xf32>
      %logistic3A_2348 = arith.constant 1.000000e+00 : f32
      %logistic3A_2349 = vector.broadcast %logistic3A_2348 : f32 to vector<1x128xf32>
      %logistic3A_2350 = arith.addf %logistic3A_2349, %logistic3A_2347 : vector<1x128xf32>
      %logistic3A_2351 = arith.divf %logistic3A_2349, %logistic3A_2350 : vector<1x128xf32>
      %mul3A_2352 = arith.mulf %logistic3A_2342, %add3A_2316 : vector<1x128xf32>
      %mul3A_2353 = arith.mulf %logistic3A_2335, %tanh3A_2344 : vector<1x128xf32>
      %add3A_2354 = arith.addf %mul3A_2352, %mul3A_2353 : vector<1x128xf32>
      %tanh3A_2355 = math.tanh %add3A_2354 : vector<1x128xf32>
      %mul3A_2356 = arith.mulf %logistic3A_2351, %tanh3A_2355 : vector<1x128xf32>
      %swap3A_2357 = arith.constant 59 : index
      %swap3A_2358 = arith.constant 0 : index
      %swap3A_2359 = vector.load %arg15[%swap3A_2357, %swap3A_2358] : memref<64x128xf32, #tpu.memory_space<vmem>>, vector<1x128xf32>
      tpu.vector_store %arg15[%swap3A_2357, %swap3A_2358], %mul3A_2356 {strides = array<i32>} : memref<64x128xf32, #tpu.memory_space<vmem>>, vector<1x128xf32>,
      %slice3A_2360 = vector.extract_strided_slice %add3A_78 {offsets = [60, 0], sizes = [1, 512], strides = [1, 1]} : vector<64x512xf32> to vector<1x512xf32>
      %get3A_2361 = arith.constant 0 : index
      %get3A_2362 = arith.constant 0 : index
      %get3A_2363 = vector.load %arg7[%get3A_2361, %get3A_2362] : memref<128x512xf32, #tpu.memory_space<vmem>>, vector<128x512xf32>
      %dot_general3A_2364 = arith.constant dense<0.000000e+00> : vector<1x512xf32>
      %dot_general3A_2365 = tpu.matmul %mul3A_2356, %get3A_2363, %dot_general3A_2364 {dimension_numbers = #tpu.dot_dimension_numbers<[1], [0], [0], [1], [0, 0, 1, 1], [], []>, transpose_lhs_hint = false} : vector<1x128xf32>, vector<128x512xf32>, vector<1x512xf32> -> vector<1x512xf32>
      %add3A_2366 = arith.addf %slice3A_2360, %dot_general3A_2365 : vector<1x512xf32>
      %slice3A_2367 = vector.extract_strided_slice %add3A_2366 {offsets = [0, 0], sizes = [1, 128], strides = [1, 1]} : vector<1x512xf32> to vector<1x128xf32>
      %logistic3A_2368 = arith.negf %slice3A_2367 : vector<1x128xf32>
      %logistic3A_2369 = math.exp %logistic3A_2368 : vector<1x128xf32>
      %logistic3A_2370 = arith.constant 1.000000e+00 : f32
      %logistic3A_2371 = vector.broadcast %logistic3A_2370 : f32 to vector<1x128xf32>
      %logistic3A_2372 = arith.addf %logistic3A_2371, %logistic3A_2369 : vector<1x128xf32>
      %logistic3A_2373 = arith.divf %logistic3A_2371, %logistic3A_2372 : vector<1x128xf32>
      %slice3A_2374 = vector.extract_strided_slice %add3A_2366 {offsets = [0, 128], sizes = [1, 128], strides = [1, 1]} : vector<1x512xf32> to vector<1x128xf32>
      %logistic3A_2375 = arith.negf %slice3A_2374 : vector<1x128xf32>
      %logistic3A_2376 = math.exp %logistic3A_2375 : vector<1x128xf32>
      %logistic3A_2377 = arith.constant 1.000000e+00 : f32
      %logistic3A_2378 = vector.broadcast %logistic3A_2377 : f32 to vector<1x128xf32>
      %logistic3A_2379 = arith.addf %logistic3A_2378, %logistic3A_2376 : vector<1x128xf32>
      %logistic3A_2380 = arith.divf %logistic3A_2378, %logistic3A_2379 : vector<1x128xf32>
      %slice3A_2381 = vector.extract_strided_slice %add3A_2366 {offsets = [0, 256], sizes = [1, 128], strides = [1, 1]} : vector<1x512xf32> to vector<1x128xf32>
      %tanh3A_2382 = math.tanh %slice3A_2381 : vector<1x128xf32>
      %slice3A_2383 = vector.extract_strided_slice %add3A_2366 {offsets = [0, 384], sizes = [1, 128], strides = [1, 1]} : vector<1x512xf32> to vector<1x128xf32>
      %logistic3A_2384 = arith.negf %slice3A_2383 : vector<1x128xf32>
      %logistic3A_2385 = math.exp %logistic3A_2384 : vector<1x128xf32>
      %logistic3A_2386 = arith.constant 1.000000e+00 : f32
      %logistic3A_2387 = vector.broadcast %logistic3A_2386 : f32 to vector<1x128xf32>
      %logistic3A_2388 = arith.addf %logistic3A_2387, %logistic3A_2385 : vector<1x128xf32>
      %logistic3A_2389 = arith.divf %logistic3A_2387, %logistic3A_2388 : vector<1x128xf32>
      %mul3A_2390 = arith.mulf %logistic3A_2380, %add3A_2354 : vector<1x128xf32>
      %mul3A_2391 = arith.mulf %logistic3A_2373, %tanh3A_2382 : vector<1x128xf32>
      %add3A_2392 = arith.addf %mul3A_2390, %mul3A_2391 : vector<1x128xf32>
      %tanh3A_2393 = math.tanh %add3A_2392 : vector<1x128xf32>
      %mul3A_2394 = arith.mulf %logistic3A_2389, %tanh3A_2393 : vector<1x128xf32>
      %swap3A_2395 = arith.constant 60 : index
      %swap3A_2396 = arith.constant 0 : index
      %swap3A_2397 = vector.load %arg15[%swap3A_2395, %swap3A_2396] : memref<64x128xf32, #tpu.memory_space<vmem>>, vector<1x128xf32>
      tpu.vector_store %arg15[%swap3A_2395, %swap3A_2396], %mul3A_2394 {strides = array<i32>} : memref<64x128xf32, #tpu.memory_space<vmem>>, vector<1x128xf32>,
      %slice3A_2398 = vector.extract_strided_slice %add3A_78 {offsets = [61, 0], sizes = [1, 512], strides = [1, 1]} : vector<64x512xf32> to vector<1x512xf32>
      %get3A_2399 = arith.constant 0 : index
      %get3A_2400 = arith.constant 0 : index
      %get3A_2401 = vector.load %arg7[%get3A_2399, %get3A_2400] : memref<128x512xf32, #tpu.memory_space<vmem>>, vector<128x512xf32>
      %dot_general3A_2402 = arith.constant dense<0.000000e+00> : vector<1x512xf32>
      %dot_general3A_2403 = tpu.matmul %mul3A_2394, %get3A_2401, %dot_general3A_2402 {dimension_numbers = #tpu.dot_dimension_numbers<[1], [0], [0], [1], [0, 0, 1, 1], [], []>, transpose_lhs_hint = false} : vector<1x128xf32>, vector<128x512xf32>, vector<1x512xf32> -> vector<1x512xf32>
      %add3A_2404 = arith.addf %slice3A_2398, %dot_general3A_2403 : vector<1x512xf32>
      %slice3A_2405 = vector.extract_strided_slice %add3A_2404 {offsets = [0, 0], sizes = [1, 128], strides = [1, 1]} : vector<1x512xf32> to vector<1x128xf32>
      %logistic3A_2406 = arith.negf %slice3A_2405 : vector<1x128xf32>
      %logistic3A_2407 = math.exp %logistic3A_2406 : vector<1x128xf32>
      %logistic3A_2408 = arith.constant 1.000000e+00 : f32
      %logistic3A_2409 = vector.broadcast %logistic3A_2408 : f32 to vector<1x128xf32>
      %logistic3A_2410 = arith.addf %logistic3A_2409, %logistic3A_2407 : vector<1x128xf32>
      %logistic3A_2411 = arith.divf %logistic3A_2409, %logistic3A_2410 : vector<1x128xf32>
      %slice3A_2412 = vector.extract_strided_slice %add3A_2404 {offsets = [0, 128], sizes = [1, 128], strides = [1, 1]} : vector<1x512xf32> to vector<1x128xf32>
      %logistic3A_2413 = arith.negf %slice3A_2412 : vector<1x128xf32>
      %logistic3A_2414 = math.exp %logistic3A_2413 : vector<1x128xf32>
      %logistic3A_2415 = arith.constant 1.000000e+00 : f32
      %logistic3A_2416 = vector.broadcast %logistic3A_2415 : f32 to vector<1x128xf32>
      %logistic3A_2417 = arith.addf %logistic3A_2416, %logistic3A_2414 : vector<1x128xf32>
      %logistic3A_2418 = arith.divf %logistic3A_2416, %logistic3A_2417 : vector<1x128xf32>
      %slice3A_2419 = vector.extract_strided_slice %add3A_2404 {offsets = [0, 256], sizes = [1, 128], strides = [1, 1]} : vector<1x512xf32> to vector<1x128xf32>
      %tanh3A_2420 = math.tanh %slice3A_2419 : vector<1x128xf32>
      %slice3A_2421 = vector.extract_strided_slice %add3A_2404 {offsets = [0, 384], sizes = [1, 128], strides = [1, 1]} : vector<1x512xf32> to vector<1x128xf32>
      %logistic3A_2422 = arith.negf %slice3A_2421 : vector<1x128xf32>
      %logistic3A_2423 = math.exp %logistic3A_2422 : vector<1x128xf32>
      %logistic3A_2424 = arith.constant 1.000000e+00 : f32
      %logistic3A_2425 = vector.broadcast %logistic3A_2424 : f32 to vector<1x128xf32>
      %logistic3A_2426 = arith.addf %logistic3A_2425, %logistic3A_2423 : vector<1x128xf32>
      %logistic3A_2427 = arith.divf %logistic3A_2425, %logistic3A_2426 : vector<1x128xf32>
      %mul3A_2428 = arith.mulf %logistic3A_2418, %add3A_2392 : vector<1x128xf32>
      %mul3A_2429 = arith.mulf %logistic3A_2411, %tanh3A_2420 : vector<1x128xf32>
      %add3A_2430 = arith.addf %mul3A_2428, %mul3A_2429 : vector<1x128xf32>
      %tanh3A_2431 = math.tanh %add3A_2430 : vector<1x128xf32>
      %mul3A_2432 = arith.mulf %logistic3A_2427, %tanh3A_2431 : vector<1x128xf32>
      %swap3A_2433 = arith.constant 61 : index
      %swap3A_2434 = arith.constant 0 : index
      %swap3A_2435 = vector.load %arg15[%swap3A_2433, %swap3A_2434] : memref<64x128xf32, #tpu.memory_space<vmem>>, vector<1x128xf32>
      tpu.vector_store %arg15[%swap3A_2433, %swap3A_2434], %mul3A_2432 {strides = array<i32>} : memref<64x128xf32, #tpu.memory_space<vmem>>, vector<1x128xf32>,
      %slice3A_2436 = vector.extract_strided_slice %add3A_78 {offsets = [62, 0], sizes = [1, 512], strides = [1, 1]} : vector<64x512xf32> to vector<1x512xf32>
      %get3A_2437 = arith.constant 0 : index
      %get3A_2438 = arith.constant 0 : index
      %get3A_2439 = vector.load %arg7[%get3A_2437, %get3A_2438] : memref<128x512xf32, #tpu.memory_space<vmem>>, vector<128x512xf32>
      %dot_general3A_2440 = arith.constant dense<0.000000e+00> : vector<1x512xf32>
      %dot_general3A_2441 = tpu.matmul %mul3A_2432, %get3A_2439, %dot_general3A_2440 {dimension_numbers = #tpu.dot_dimension_numbers<[1], [0], [0], [1], [0, 0, 1, 1], [], []>, transpose_lhs_hint = false} : vector<1x128xf32>, vector<128x512xf32>, vector<1x512xf32> -> vector<1x512xf32>
      %add3A_2442 = arith.addf %slice3A_2436, %dot_general3A_2441 : vector<1x512xf32>
      %slice3A_2443 = vector.extract_strided_slice %add3A_2442 {offsets = [0, 0], sizes = [1, 128], strides = [1, 1]} : vector<1x512xf32> to vector<1x128xf32>
      %logistic3A_2444 = arith.negf %slice3A_2443 : vector<1x128xf32>
      %logistic3A_2445 = math.exp %logistic3A_2444 : vector<1x128xf32>
      %logistic3A_2446 = arith.constant 1.000000e+00 : f32
      %logistic3A_2447 = vector.broadcast %logistic3A_2446 : f32 to vector<1x128xf32>
      %logistic3A_2448 = arith.addf %logistic3A_2447, %logistic3A_2445 : vector<1x128xf32>
      %logistic3A_2449 = arith.divf %logistic3A_2447, %logistic3A_2448 : vector<1x128xf32>
      %slice3A_2450 = vector.extract_strided_slice %add3A_2442 {offsets = [0, 128], sizes = [1, 128], strides = [1, 1]} : vector<1x512xf32> to vector<1x128xf32>
      %logistic3A_2451 = arith.negf %slice3A_2450 : vector<1x128xf32>
      %logistic3A_2452 = math.exp %logistic3A_2451 : vector<1x128xf32>
      %logistic3A_2453 = arith.constant 1.000000e+00 : f32
      %logistic3A_2454 = vector.broadcast %logistic3A_2453 : f32 to vector<1x128xf32>
      %logistic3A_2455 = arith.addf %logistic3A_2454, %logistic3A_2452 : vector<1x128xf32>
      %logistic3A_2456 = arith.divf %logistic3A_2454, %logistic3A_2455 : vector<1x128xf32>
      %slice3A_2457 = vector.extract_strided_slice %add3A_2442 {offsets = [0, 256], sizes = [1, 128], strides = [1, 1]} : vector<1x512xf32> to vector<1x128xf32>
      %tanh3A_2458 = math.tanh %slice3A_2457 : vector<1x128xf32>
      %slice3A_2459 = vector.extract_strided_slice %add3A_2442 {offsets = [0, 384], sizes = [1, 128], strides = [1, 1]} : vector<1x512xf32> to vector<1x128xf32>
      %logistic3A_2460 = arith.negf %slice3A_2459 : vector<1x128xf32>
      %logistic3A_2461 = math.exp %logistic3A_2460 : vector<1x128xf32>
      %logistic3A_2462 = arith.constant 1.000000e+00 : f32
      %logistic3A_2463 = vector.broadcast %logistic3A_2462 : f32 to vector<1x128xf32>
      %logistic3A_2464 = arith.addf %logistic3A_2463, %logistic3A_2461 : vector<1x128xf32>
      %logistic3A_2465 = arith.divf %logistic3A_2463, %logistic3A_2464 : vector<1x128xf32>
      %mul3A_2466 = arith.mulf %logistic3A_2456, %add3A_2430 : vector<1x128xf32>
      %mul3A_2467 = arith.mulf %logistic3A_2449, %tanh3A_2458 : vector<1x128xf32>
      %add3A_2468 = arith.addf %mul3A_2466, %mul3A_2467 : vector<1x128xf32>
      %tanh3A_2469 = math.tanh %add3A_2468 : vector<1x128xf32>
      %mul3A_2470 = arith.mulf %logistic3A_2465, %tanh3A_2469 : vector<1x128xf32>
      %swap3A_2471 = arith.constant 62 : index
      %swap3A_2472 = arith.constant 0 : index
      %swap3A_2473 = vector.load %arg15[%swap3A_2471, %swap3A_2472] : memref<64x128xf32, #tpu.memory_space<vmem>>, vector<1x128xf32>
      tpu.vector_store %arg15[%swap3A_2471, %swap3A_2472], %mul3A_2470 {strides = array<i32>} : memref<64x128xf32, #tpu.memory_space<vmem>>, vector<1x128xf32>,
      %slice3A_2474 = vector.extract_strided_slice %add3A_78 {offsets = [63, 0], sizes = [1, 512], strides = [1, 1]} : vector<64x512xf32> to vector<1x512xf32>
      %get3A_2475 = arith.constant 0 : index
      %get3A_2476 = arith.constant 0 : index
      %get3A_2477 = vector.load %arg7[%get3A_2475, %get3A_2476] : memref<128x512xf32, #tpu.memory_space<vmem>>, vector<128x512xf32>
      %dot_general3A_2478 = arith.constant dense<0.000000e+00> : vector<1x512xf32>
      %dot_general3A_2479 = tpu.matmul %mul3A_2470, %get3A_2477, %dot_general3A_2478 {dimension_numbers = #tpu.dot_dimension_numbers<[1], [0], [0], [1], [0, 0, 1, 1], [], []>, transpose_lhs_hint = false} : vector<1x128xf32>, vector<128x512xf32>, vector<1x512xf32> -> vector<1x512xf32>
      %add3A_2480 = arith.addf %slice3A_2474, %dot_general3A_2479 : vector<1x512xf32>
      %slice3A_2481 = vector.extract_strided_slice %add3A_2480 {offsets = [0, 0], sizes = [1, 128], strides = [1, 1]} : vector<1x512xf32> to vector<1x128xf32>
      %logistic3A_2482 = arith.negf %slice3A_2481 : vector<1x128xf32>
      %logistic3A_2483 = math.exp %logistic3A_2482 : vector<1x128xf32>
      %logistic3A_2484 = arith.constant 1.000000e+00 : f32
      %logistic3A_2485 = vector.broadcast %logistic3A_2484 : f32 to vector<1x128xf32>
      %logistic3A_2486 = arith.addf %logistic3A_2485, %logistic3A_2483 : vector<1x128xf32>
      %logistic3A_2487 = arith.divf %logistic3A_2485, %logistic3A_2486 : vector<1x128xf32>
      %slice3A_2488 = vector.extract_strided_slice %add3A_2480 {offsets = [0, 128], sizes = [1, 128], strides = [1, 1]} : vector<1x512xf32> to vector<1x128xf32>
      %logistic3A_2489 = arith.negf %slice3A_2488 : vector<1x128xf32>
      %logistic3A_2490 = math.exp %logistic3A_2489 : vector<1x128xf32>
      %logistic3A_2491 = arith.constant 1.000000e+00 : f32
      %logistic3A_2492 = vector.broadcast %logistic3A_2491 : f32 to vector<1x128xf32>
      %logistic3A_2493 = arith.addf %logistic3A_2492, %logistic3A_2490 : vector<1x128xf32>
      %logistic3A_2494 = arith.divf %logistic3A_2492, %logistic3A_2493 : vector<1x128xf32>
      %slice3A_2495 = vector.extract_strided_slice %add3A_2480 {offsets = [0, 256], sizes = [1, 128], strides = [1, 1]} : vector<1x512xf32> to vector<1x128xf32>
      %tanh3A_2496 = math.tanh %slice3A_2495 : vector<1x128xf32>
      %slice3A_2497 = vector.extract_strided_slice %add3A_2480 {offsets = [0, 384], sizes = [1, 128], strides = [1, 1]} : vector<1x512xf32> to vector<1x128xf32>
      %logistic3A_2498 = arith.negf %slice3A_2497 : vector<1x128xf32>
      %logistic3A_2499 = math.exp %logistic3A_2498 : vector<1x128xf32>
      %logistic3A_2500 = arith.constant 1.000000e+00 : f32
      %logistic3A_2501 = vector.broadcast %logistic3A_2500 : f32 to vector<1x128xf32>
      %logistic3A_2502 = arith.addf %logistic3A_2501, %logistic3A_2499 : vector<1x128xf32>
      %logistic3A_2503 = arith.divf %logistic3A_2501, %logistic3A_2502 : vector<1x128xf32>
      %mul3A_2504 = arith.mulf %logistic3A_2494, %add3A_2468 : vector<1x128xf32>
      %mul3A_2505 = arith.mulf %logistic3A_2487, %tanh3A_2496 : vector<1x128xf32>
      %add3A_2506 = arith.addf %mul3A_2504, %mul3A_2505 : vector<1x128xf32>
      %tanh3A_2507 = math.tanh %add3A_2506 : vector<1x128xf32>
      %mul3A_2508 = arith.mulf %logistic3A_2503, %tanh3A_2507 : vector<1x128xf32>
      %swap3A_2509 = arith.constant 63 : index
      %swap3A_2510 = arith.constant 0 : index
      %swap3A_2511 = vector.load %arg15[%swap3A_2509, %swap3A_2510] : memref<64x128xf32, #tpu.memory_space<vmem>>, vector<1x128xf32>
      tpu.vector_store %arg15[%swap3A_2509, %swap3A_2510], %mul3A_2508 {strides = array<i32>} : memref<64x128xf32, #tpu.memory_space<vmem>>, vector<1x128xf32>,
      %get3A_2512 = arith.constant 0 : index
      %get3A_2513 = arith.constant 0 : index
      %get3A_2514 = vector.load %arg15[%get3A_2512, %get3A_2513] : memref<64x128xf32, #tpu.memory_space<vmem>>, vector<64x128xf32>
      %get3A_2515 = arith.constant 0 : index
      %get3A_2516 = arith.constant 0 : index
      %get3A_2517 = vector.load %arg10[%get3A_2515, %get3A_2516] : memref<128x10xf32, #tpu.memory_space<vmem>>, vector<128x10xf32>
      %dot_general3A_2518 = arith.constant dense<0.000000e+00> : vector<64x10xf32>
      %dot_general3A_2519 = tpu.matmul %get3A_2514, %get3A_2517, %dot_general3A_2518 {dimension_numbers = #tpu.dot_dimension_numbers<[1], [0], [0], [1], [0, 0, 1, 1], [], []>, transpose_lhs_hint = false} : vector<64x128xf32>, vector<128x10xf32>, vector<64x10xf32> -> vector<64x10xf32>
      %get3A_2520 = arith.constant 0 : index
      %get3A_2521 = arith.constant 0 : index
      %get3A_2522 = vector.load %arg11[%get3A_2520, %get3A_2521] : memref<1x10xf32, #tpu.memory_space<vmem>>, vector<1x10xf32>
      %add3A_2523 = vector.broadcast %get3A_2522 : vector<1x10xf32> to vector<64x10xf32>
      %add3A_2524 = arith.addf %dot_general3A_2519, %add3A_2523 : vector<64x10xf32>
      %swap3A_2525 = arith.constant 0 : index
      %swap3A_2526 = arith.constant 0 : index
      %swap3A_2527 = vector.load %arg12[%swap3A_2525, %swap3A_2526] : memref<64x10xf32, #tpu.memory_space<vmem>>, vector<64x10xf32>
      tpu.vector_store %arg12[%swap3A_2525, %swap3A_2526], %add3A_2524 {strides = array<i32>} : memref<64x10xf32, #tpu.memory_space<vmem>>, vector<64x10xf32>,
    } else {
    }
    return
  }
  func.func @transform_0(%arg0: i32) -> (i32, i32, i32) {
    %c0_i32 = arith.constant 0 : i32
    %c0_i32_0 = arith.constant 0 : i32
    %c0_i32_1 = arith.constant 0 : i32
    return %c0_i32, %arg0, %c0_i32_0 : i32, i32, i32
  }
  func.func @transform_1(%arg0: i32) -> (i32, i32) {
    %c0_i32 = arith.constant 0 : i32
    %c0_i32_0 = arith.constant 0 : i32
    return %arg0, %c0_i32 : i32, i32
  }
  func.func @transform_2(%arg0: i32) -> (i32, i32) {
    %c0_i32 = arith.constant 0 : i32
    %c0_i32_0 = arith.constant 0 : i32
    return %arg0, %c0_i32 : i32, i32
  }
  func.func @transform_3(%arg0: i32) -> (i32, i32) {
    %c0_i32 = arith.constant 0 : i32
    %c0_i32_0 = arith.constant 0 : i32
    %c0_i32_1 = arith.constant 0 : i32
    return %c0_i32, %c0_i32_0 : i32, i32
  }
  func.func @transform_4(%arg0: i32) -> (i32, i32, i32) {
    %c0_i32 = arith.constant 0 : i32
    %c0_i32_0 = arith.constant 0 : i32
    %c0_i32_1 = arith.constant 0 : i32
    return %arg0, %c0_i32, %c0_i32_0 : i32, i32, i32
  }
  func.func @transform_5(%arg0: i32) -> (i32, i32) {
    %c0_i32 = arith.constant 0 : i32
    %c0_i32_0 = arith.constant 0 : i32
    %c0_i32_1 = arith.constant 0 : i32
    return %c0_i32, %c0_i32_0 : i32, i32
  }
  func.func @transform_6(%arg0: i32) -> (i32, i32) {
    %c0_i32 = arith.constant 0 : i32
    %c0_i32_0 = arith.constant 0 : i32
    %c0_i32_1 = arith.constant 0 : i32
    return %c0_i32, %c0_i32_0 : i32, i32
  }
  func.func @transform_7(%arg0: i32) -> (i32, i32) {
    %c0_i32 = arith.constant 0 : i32
    %c0_i32_0 = arith.constant 0 : i32
    %c0_i32_1 = arith.constant 0 : i32
    return %c0_i32, %c0_i32_0 : i32, i32
  }
  func.func @transform_8(%arg0: i32) -> (i32, i32) {
    %c0_i32 = arith.constant 0 : i32
    %c0_i32_0 = arith.constant 0 : i32
    %c0_i32_1 = arith.constant 0 : i32
    return %c0_i32, %c0_i32_0 : i32, i32
  }
  func.func @transform_9(%arg0: i32) -> (i32, i32) {
    %c0_i32 = arith.constant 0 : i32
    %c0_i32_0 = arith.constant 0 : i32
    %c0_i32_1 = arith.constant 0 : i32
    return %c0_i32, %c0_i32_0 : i32, i32
  }
  func.func @transform_10(%arg0: i32) -> (i32, i32) {
    %c0_i32 = arith.constant 0 : i32
    %c0_i32_0 = arith.constant 0 : i32
    %c0_i32_1 = arith.constant 0 : i32
    return %c0_i32, %c0_i32_0 : i32, i32
  }
  func.func @transform_11(%arg0: i32) -> (i32, i32) {
    %c0_i32 = arith.constant 0 : i32
    %c0_i32_0 = arith.constant 0 : i32
    %c0_i32_1 = arith.constant 0 : i32
    return %c0_i32, %c0_i32_0 : i32, i32
  }
}

</mosaic_0001>

<sc_bundles>
// kernel: kernel.6.cloned.1.call-start
scs
__scs_entry_jumppad:
0x0: {  	(pc) =	sbr.rel $0x88, $3  }
0x1: {  	(tag) =	ssettag $0x0;
	lr =	simm.s32 $0x1  }
0x2: {  	[smem:$0x3F96] =	sst lr;
	_ =	strace $0xD0000000  }
0x3: {  	_ = 	snop  }
0x4: {  	_ = 	snop  }
0x5: {  	_ = 	snop  }
0x6: {  	_ = 	snop  }
0x7: {  	_ = 	snop  }
__scs_overlays_trampoline_lowered:
0x8: {  	[smem:$0x3FA5] =	sst s0  }
0x9: {  	[smem:$0x3FA6] =	sst s1  }
0xa: {  	[smem:$0x3FA7] =	sst s2  }
0xb: {  	[smem:$0x3FA8] =	sst s3  }
0xc: {  	[smem:$0x3FA9] =	sst s4  }
0xd: {  	[smem:$0x3FAA] =	sst s5  }
0xe: {  	[smem:$0x3FAB] =	sst s6  }
0xf: {  	[smem:$0x3FAC] =	sst s7  }
0x10: {  	[smem:$0x3FAD] =	sst s8  }
0x11: {  	[smem:$0x3FAE] =	sst s9;
	s0 =	simm.s32 @!p0 $0x0  }
0x12: {  	s1 =	sld [smem:$0x3F94];
	s0 =	simm.s32 @p0 $0x1  }
0x13: {  	[smem:$0x3FAF] =	sst s0;
	s0 =	simm.s32 @!p1 $0x0  }
0x14: {  	s2 =	sld [smem:$0x3F93];
	s0 =	simm.s32 @p1 $0x1  }
0x15: {  	[smem:$0x3FB0] =	sst s0;
	s0 =	simm.s32 @!p2 $0x0  }
0x16: {  	s3 =	sld [smem:$0x3FDB];
	s0 =	simm.s32 @p2 $0x1  }
0x17: {  	s4 =	simm.s32 $0x1BF5;
	[smem:$0x3FB2] =	sst s0  }
0x18: {  	s0 =	sld [smem:$0x3F95];
	_ =	swait.ge [sflag:s4], $0x0  }
0x19: {  	s7 =	sld [smem:$0x3F96]  }
0x1a: {  	s8 =	sadd.s32 $0xFFFFE003, lr  }
0x1b: {  	s9 =	sadd.s32 $0xFFFFFEF7, lr;
	s5 =	simm.s32 $0xFFFFFFFF;
	p2 =	slt.u32 s8, $0xFFFFF086  }
0x1c: {  	p1 =	slt.u32 s9, $0xF7A;
	s5 =	simm.s32 @!p2 $0x0  }
0x1d: {  	s5 =	simm.s32 @p1 $0x1;
	p0 =	seq.s32 s7, s2  }
0x1e: {  	s7 =	smul.u32 @!p0 $0xF7A, s2;
	p2 =	seq.s32 @!p0 s5, $0x0  }
0x1f: {  	s9 =	smul.u32 $0xF7A, s1;
	s8 =	simm.s32 @!p0 $0x1BF5;
	p2 =	por !p2, p0  }
0x20: {  	[sflag:s8] =	ssyncset.s32 @!p0 $0xFFFFF086;
	s6 =	sadd.s32 @!p0 s3, s7;
	s7 =	simm.s32 @!p0 $0x108  }
0x21: {  	s3 =	sadd.s32 s3, s9;
	s6 =	sadd.s32 @!p0 $0x88, s6;
	s7 =	simm.s32 @p2 $0x1082  }
0x22: {  	[simem:s7], [sflag:s8] =	dma.local @!p0 [hbm:s6], $0xF7A  }
0x23: {  	s9 =	sor.u32 $0xD0000000, s2;
	s6 =	simm.s32 $0x108;
	_ =	swait.ge @!p0 [sflag:s8], $0x0  }
0x24: {  	s3 =	sadd.s32 $0x88, s3;
	s6 =	simm.s32 @!p1 $0x1082;
	[sflag:s4] =	ssyncset.s32 $0xFFFFF086  }
0x25: {  	[simem:s6], [sflag:s4] =	dma.local [hbm:s3], $0xF7A  }
0x26: {  	[smem:$0x3F96] =	sst s1;
	(tag) =	ssettag s2;
	_ =	strace s9  }
0x27: {  	s1 =	sld [smem:$0x3FA6]  }
0x28: {  	s2 =	sld [smem:$0x3FA7]  }
0x29: {  	s4 =	sld [smem:$0x3FA9]  }
0x2a: {  	p0 =	seq.s32 s5, $0x0;
	s5 =	sld [smem:$0x3FAA]  }
0x2b: {  	s6 =	sld [smem:$0x3FAB]  }
0x2c: {  	s7 =	sld [smem:$0x3FAC]  }
0x2d: {  	s3 =	simm.s32 $0x108;
	s8 =	sld [smem:$0x3FAD]  }
0x2e: {  	s3 =	simm.s32 @!p0 $0x1082;
	s9 =	sld [smem:$0x3FAE]  }
0x2f: {  	lr =	sadd.s32 s0, s3;
	s0 =	sld [smem:$0x3FA5]  }
0x30: {  	s3 =	sld [smem:$0x3FA8]  }
0x31: {  	[smem:$0x3FB1] =	sst s10  }
0x32: {  	s10 =	sld [smem:$0x3FAF];
	_ =	sdelay $0x3  }
0x33: {  	p0 =	seq.s32 s10, $0x1;
	s10 =	sld [smem:$0x3FB1];
	_ =	sdelay $0x3  }
0x34: {  	[smem:$0x3FB1] =	sst s10  }
0x35: {  	s10 =	sld [smem:$0x3FB0];
	_ =	sdelay $0x3  }
0x36: {  	p1 =	seq.s32 s10, $0x1;
	s10 =	sld [smem:$0x3FB1];
	_ =	sdelay $0x3  }
0x37: {  	[smem:$0x3FB1] =	sst s10  }
0x38: {  	s10 =	sld [smem:$0x3FB2]  }
0x39: {  	_ = 	snop;
	(pc) =	sbr.ind lr, $3  }
0x3a: {  	_ = 	snop  }
0x3b: {  	_ = 	snop  }
0x3c: {  	p2 =	seq.s32 s10, $0x1;
	s10 =	sld [smem:$0x3FB1]  }
0x3d: {  	_ =	shalt  }
0x3e: {  	_ =	shalt  }
0x3f: {  	_ =	shalt  }
0x40: {  	_ =	shalt  }
0x41: {  	_ =	shalt  }
0x42: {  	_ =	shalt  }
0x43: {  	_ =	shalt  }
0x44: {  	_ =	shalt  }
0x45: {  	_ =	shalt  }
0x46: {  	_ =	shalt  }
0x47: {  	_ =	shalt  }
0x48: {  	_ =	shalt  }
0x49: {  	_ =	shalt  }
0x4a: {  	_ =	shalt  }
0x4b: {  	_ =	shalt  }
0x4c: {  	_ =	shalt  }
0x4d: {  	_ =	shalt  }
0x4e: {  	_ =	shalt  }
0x4f: {  	_ =	shalt  }
0x50: {  	_ =	shalt  }
0x51: {  	_ =	shalt  }
0x52: {  	_ =	shalt  }
0x53: {  	_ =	shalt  }
0x54: {  	_ =	shalt  }
0x55: {  	_ =	shalt  }
0x56: {  	_ =	shalt  }
0x57: {  	_ =	shalt  }
0x58: {  	_ =	shalt  }
0x59: {  	_ =	shalt  }
0x5a: {  	_ =	shalt  }
0x5b: {  	_ =	shalt  }
0x5c: {  	_ =	shalt  }
0x5d: {  	_ =	shalt  }
0x5e: {  	_ =	shalt  }
0x5f: {  	_ =	shalt  }
0x60: {  	_ =	shalt  }
0x61: {  	_ =	shalt  }
0x62: {  	_ =	shalt  }
0x63: {  	_ =	shalt  }
0x64: {  	_ =	shalt  }
0x65: {  	_ =	shalt  }
0x66: {  	_ =	shalt  }
0x67: {  	_ =	shalt  }
0x68: {  	_ =	shalt  }
0x69: {  	_ =	shalt  }
0x6a: {  	_ =	shalt  }
0x6b: {  	_ =	shalt  }
0x6c: {  	_ =	shalt  }
0x6d: {  	_ =	shalt  }
0x6e: {  	_ =	shalt  }
0x6f: {  	_ =	shalt  }
0x70: {  	_ =	shalt  }
0x71: {  	_ =	shalt  }
0x72: {  	_ =	shalt  }
0x73: {  	_ =	shalt  }
0x74: {  	_ =	shalt  }
0x75: {  	_ =	shalt  }
0x76: {  	_ =	shalt  }
0x77: {  	_ =	shalt  }
0x78: {  	_ =	shalt  }
0x79: {  	_ =	shalt  }
0x7a: {  	_ =	shalt  }
0x7b: {  	_ =	shalt  }
0x7c: {  	_ =	shalt  }
0x7d: {  	_ =	shalt  }
0x7e: {  	_ =	shalt  }
0x7f: {  	_ =	shalt  }
0x80: {  	_ =	shalt  }
0x81: {  	_ =	shalt  }
0x82: {  	_ =	shalt  }
0x83: {  	_ =	shalt  }
0x84: {  	_ =	shalt  }
0x85: {  	_ =	shalt  }
0x86: {  	_ =	shalt  }
0x87: {  	_ =	shalt  }
.Lfunc_end0:
.L_simem_size_0:
called_computation_lowered:
.L_overlay_start_0:
0x88: {  	s2 =	sld [smem:$0x3FD9]  }
0x89: {  	s3 =	sld [smem:$0x3FFE];
	_ =	sdelay $0x1  }
0x8a: {  	s1 =	srdreg.scid  }
0x8b: {  	s0 =	sand.u32 $0x1, s1  }
0x8c: {  	s16 =	sshll.u32 s0, $0xA;
	s2 =	sadd.s32 s3, s2  }
0x8d: {  	s2 =	sadd.s32 s2, s16  }
0x8e: {  	[smem:$0x3FBD] =	sst s2  }
0x8f: {  	_ = 	snop  }
0x90: {  	(tm) =	ssettm $0x1  }
0x91: {  	s17 =	sld [smem:$0x3FFB];
	_ =	sdelay $0x3  }
0x92: {  	_ =	strace s17  }
0x93: {  	s2 =	sld [smem:$0x3FFC];
	_ =	sdelay $0x3  }
0x94: {  	_ =	strace s2  }
0x95: {  	s2 =	sld [smem:$0x3FFD];
	_ =	sdelay $0x3  }
0x96: {  	_ =	strace s2  }
0x97: {  	_ =	strace $0x8FFFFFFF  }
0x98: {  	s18 =	sld [smem:$0x3FDB];
	_ =	sdelay $0x1  }
0x99: {  	s19 =	simm.s32 $_scs_section_size  }
0x9a: {  	s4 =	simm.s32 $_size__tile_overlayer_lowered;
	s5 =	simm.s32 $_tile_overlayer_lowered  }
0x9b: {  	s22 =	simm.s32 $0x1BFF;
	s21 =	sshll.u32 s5, $0x1;
	s2 =	sadd.s32 s19, s18  }
0x9c: {  	s6 =	simm.s32 $0x0;
	s20 =	sshll.u32 s4, $0x1;
	s4 =	sadd.s32 s21, s2  }
0x9d: {  	[timem:s6], [sflag:s22] =	dma.local [hbm:s4], s20  }
0x9e: {  	_ =	swait.ge [sflag:s22], s20  }
0x9f: {  	s3 =	ssub.s32 $0x0, s20;
	[sflag:s22] =	ssyncset.done $0x0  }
0xa0: {  	[sflag:s22] =	ssyncadd.s32 s3;
	_ =	sdelay $0x1  }
0xa1: {  	s23 =	simm.s32 $0x1B8B  }
0xa2: {  	_ =	swait.ge [sflag:s23], $0x1  }
0xa3: {  	[sflag:s23] =	ssyncset.done $0x0  }
0xa4: {  	s25 =	simm.s32 $0x1B8E;
	s24 =	sld [smem:$0x3FFE];
	[sflag:s23] =	ssyncadd.s32 $0xFFFFFFFF  }
0xa5: {  	s26 =	simm.s32 $execute0_lowered;
	[smem:$0x3FD2] =	sst s25  }
0xa6: {  	s4 =	sshll.u32 s26, $0x1;
	_ =	strace $0x80000046;
	[dreg:$0x1] =	wrdreg $0xFFFFFFFF  }
0xa7: {  	s28 =	simm.s32 $_size_execute0_lowered;
	s2 =	sadd.s32 s2, s4;
	[dreg:$0x0] =	wrdreg $0x0  }
0xa8: {  	s4 =	sshll.u32 s28, $0x1;
	[dreg:$0x2] =	wrdreg s2  }
0xa9: {  	[dreg:$0x3] =	wrdreg s4  }
0xaa: {  	[dreg:$0x4] =	wrdreg $0xC0  }
0xab: {  	_ =	task [dreg:s6], $0x5FFFF  }
0xac: {  	[dreg:$0x1] =	wrdreg $0xFFFFFFFF  }
0xad: {  	[dreg:$0x0] =	wrdreg $0x60  }
0xae: {  	[dreg:$0x2] =	wrdreg s24  }
0xaf: {  	[dreg:$0x3] =	wrdreg $0x9  }
0xb0: {  	_ =	task.clear_ibuf [dreg:s6], $0x4FFFF;
	_ =	strace $0x90000046  }
0xb1: {  	s29 =	simm.s32 $0x9;
	_ =	strace $0x80000048  }
0xb2: {  	_ =	swait.ge [sflag:s29], $0x1  }
0xb3: {  	[sflag:s29] =	ssyncadd.s32 $0xFFFFFFFF  }
0xb4: {  	_ =	strace $0x90000048  }
0xb5: {  	_ =	sfence  }
0xb6: {  	s30 =	sld [smem:$0x0];
	_ =	sdelay $0x2  }
0xb7: {  	s31 =	sshll.u32 s1, $0xD;
	s1 =	sshrl.u32 s1, $0x2  }
0xb8: {  	s3 =	sand.u32 $0x4000, s31;
	s1 =	sadd.s32 s1, s30  }
0xb9: {  	s0 =	sor.u32 s3, s0;
	s1 =	sshll.u32 s1, $0x11  }
0xba: {  	s0 =	sor.u32 s1, s0  }
0xbb: {  	s0 =	sadd.s32 $0x8F2B, s0  }
0xbc: {  	[sflag:s0] =	ssyncadd.remote.s32 $0x1  }
0xbd: {  	_ =	sfence.sel $0xFFFF  }
0xbe: {  	[dreg:$0x0] =	wrdreg $0xFFFFFFFF;
	(pc) =	sbr.abs _section_cstart, $3  }
0xbf: {  	[dreg:$0x1] =	wrdreg $0xFFFFFFFF  }
0xc0: {  	_ =	task.clear_ibuf [dreg:s6], $0x2FFFF;
	_ =	strace $0x9FFFFFFF  }
0xc1: {  	(tm) =	ssettm $0x7FFFFFFF  }
tec
execute0_lowered:
.L_overlay_start_1:
0x0: {  	(tag) =	ssettag $0x1  }
0x1: {  	s0 =	srdreg.scid  }
0x2: {  	s5 =	rddreg [dreg:$0x0];
	s3 =	sand.u32 $0x1, s0  }
0x3: {  	s2 =	simm.s32 $0x0;
	s0 =	stileid.u32;
	s1 =	sshll.u32 s3, $0x4  }
0x4: {  	s8 =	simm.s32 $0x80;
	s9 =	simm.s32 $0x400;
	s4 =	sor.u32 s0, s1  }
0x5: {  	s10 =	simm.s32 $0x0;
	[smem:$0x7FF] =	sst s2;
	s1 =	sshrl.u32 s4, $0x3  }
0x6: {  	s7 =	sshll.u32 s0, $0x7;
	s3 =	ssub.s32 $0x2, s3;
	s6 =	smul.u32 $0x14000, s1  }
0x7: {  	s7 =	sand.u32 $0x380, s7;
	s31 =	sshrl.u32 s3, $0x1;
	s4 =	smul.u32 $0x4E2, s4  }
0x8: {  	s1 =	rddreg [dreg:$0x1];
	_ =	strace $0x80000047;
	s6 =	sor.u32 s7, s6  }
0x9: {  	s4 =	sadd.s32 s4, s5;
	s7 =	simm.s32 $0x2780;
	s6 =	sshrl.u32 s6, $0x3  }
0xa: {  	s5 =	sadd.s32 s6, s5;
	s6 =	ssub.s32 s3, s31;
	s3 =	sadd.s32 $0x2A00, s4  }
0xb: {  	v0 =	vimm.f32 $0.0e+00;
	v1 =	vimm.f32 $1.000000000e+00;
	s4 =	sadd.s32 $0x16600, s5;
	s5 =	smax.u32 s6, $0x1;
	s6 =	simm.s32 $0x1  }
.LBB2_1:
0xc: {  	[tilespmem:s2], [sflag:$0x1] =	stream.linear.gather [hbm4b:s3+s2], $0x2710, $0x38;
	[tilespmem:$0x4F80] =	vst v63  }
0xd: {  	_ =	swait.ge [sflag:s6], $0x2710  }
0xe: {  	[sflag:s6] =	ssyncset.done $0x0  }
0xf: {  	s11 =	simm.s32 $0x0;
	[sflag:s6] =	ssyncadd.s32 $0xFFFFD8F0  }
.LBB2_2:
0x10: {  	p0 =	sne.s32 s11, $0x9FC0  }
.Ltmp0:
0x11: {  	_ = 	snop;
	(pc) =	sbr.rel @p0 .LBB2_2-.Ltmp0, $3  }
0x12: {  	_ =	sdelay $0x1  }
0x13: {  	s12 =	sshra.s32 s11, $0x2  }
0x14: {  	s11 =	sadd.s32 $0x40, s11;
	[tilespmem:s12+$0x2780] =	vst v0  }
0x15: {  	s12 =	simm.s32 $0x0;
	s11 =	simm.s32 $0x40  }
.LBB2_4:
0x16: {  	p0 =	sne.s32 s11, $0x9C00;
	v2 =	vld [tilespmem:s12+$0x0];
	_ =	sdelay $0x3  }
.Ltmp1:
0x17: {  	(pc) =	sbr.rel @p0 .LBB2_4-.Ltmp1, $2  }
0x18: {  	_ =	sdelay $0x2  }
0x19: {  	s12 =	sshra.s32 s11, $0x2;
	s11 =	sadd.s32 $0x40, s11;
	[tilespmem:v2+s7+$0x0] =	vst.idx.add.f32.msk $0xffff, v1  }
0x1a: {  	v2 =	vld [tilespmem:s12+$0x0];
	_ =	sdelay $0x5  }
0x1b: {  	s10 =	sadd.s32 $0x1, s10  }
0x1c: {  	p0 =	sne.s32 s10, s5  }
.Ltmp2:
0x1d: {  	[tilespmem:v2+s7+$0x0] =	vst.idx.add.f32.msk $0xffff, v1;
	(pc) =	sbr.rel @p0 .LBB2_1-.Ltmp2, $4  }
0x1e: {  	[hbm4b:s4+s8] =	stream.strided.scatter [tilespmem:s7], [sflag:$0x1], $0x2800, s9, s8, $0x38;
	[tilespmem:$0x4F80] =	vst v63  }
0x1f: {  	_ =	swait.ge [sflag:s6], $0x2800  }
0x20: {  	[sflag:s6] =	ssyncset.done $0x0  }
0x21: {  	[sflag:s6] =	ssyncadd.s32 $0xFFFFD800  }
0x22: {  	_ =	sfence.sel $0x180000  }
0x23: {  	[bflag:$0x0] =	sbarrier.arrive $0xFFFF  }
0x24: {  	p0 =	sne.s32 s0, $0x0;
	_ =	strace $0x90000047  }
0x25: {  	s0 =	sadd.s32 @!p0 $0x100000, s1;
	[bflag:$0x2] =	sbarrier.arrive $0xFFFF  }
0x26: {  	[sflag:s0] =	ssyncadd.tile.s32 @!p0 $0x1;
	_ =	shalt  }
.Lfunc_end2:
_tile_overlayer_lowered:
.L_overlay_start_2:
0x27: {  	(tag) =	ssettag $0x2  }
0x28: {  	s0 =	rddreg [dreg:$0x0];
	s2 =	stileid.u32  }
0x29: {  	s1 =	rddreg [dreg:$0x1];
	p0 =	sne.s32 s2, $0x0  }
0x2a: {  	s3 =	rddreg [dreg:$0x2];
	[bflag:$0x3] =	sbarrier.arrive $0xFFFF;
	s2 =	simm.s32 @!p0 $0x1C01  }
0x2b: {  	[timem:s3], [sflag:s2] =	dma.local @!p0 [hbm:s0], s1  }
0x2c: {  	s0 =	simm.s32 @!p0 $0x1  }
0x2d: {  	_ =	swait.ge @!p0 [sflag:s0], s1  }
0x2e: {  	s1 =	ssub.s32 @!p0 $0x0, s1;
	[sflag:s0] =	ssyncset.done @!p0 $0x0  }
0x2f: {  	[sflag:s0] =	ssyncadd.s32 @!p0 s1  }
0x30: {  	[bflag:$0x3] =	sbarrier.arrive $0xFFFF  }
0x31: {  	_ =	shalt  }

// kernel: kernel.9.cloned.1.call-start
scs
__scs_entry_jumppad:
0x0: {  	(pc) =	sbr.rel $0x88, $3  }
0x1: {  	(tag) =	ssettag $0x0;
	lr =	simm.s32 $0x1  }
0x2: {  	[smem:$0x3F96] =	sst lr;
	_ =	strace $0xD0000000  }
0x3: {  	_ = 	snop  }
0x4: {  	_ = 	snop  }
0x5: {  	_ = 	snop  }
0x6: {  	_ = 	snop  }
0x7: {  	_ = 	snop  }
__scs_overlays_trampoline_lowered:
0x8: {  	[smem:$0x3FA5] =	sst s0  }
0x9: {  	[smem:$0x3FA6] =	sst s1  }
0xa: {  	[smem:$0x3FA7] =	sst s2  }
0xb: {  	[smem:$0x3FA8] =	sst s3  }
0xc: {  	[smem:$0x3FA9] =	sst s4  }
0xd: {  	[smem:$0x3FAA] =	sst s5  }
0xe: {  	[smem:$0x3FAB] =	sst s6  }
0xf: {  	[smem:$0x3FAC] =	sst s7  }
0x10: {  	[smem:$0x3FAD] =	sst s8  }
0x11: {  	[smem:$0x3FAE] =	sst s9;
	s0 =	simm.s32 @!p0 $0x0  }
0x12: {  	s1 =	sld [smem:$0x3F94];
	s0 =	simm.s32 @p0 $0x1  }
0x13: {  	[smem:$0x3FAF] =	sst s0;
	s0 =	simm.s32 @!p1 $0x0  }
0x14: {  	s2 =	sld [smem:$0x3F93];
	s0 =	simm.s32 @p1 $0x1  }
0x15: {  	[smem:$0x3FB0] =	sst s0;
	s0 =	simm.s32 @!p2 $0x0  }
0x16: {  	s3 =	sld [smem:$0x3FDB];
	s0 =	simm.s32 @p2 $0x1  }
0x17: {  	s4 =	simm.s32 $0x1BF5;
	[smem:$0x3FB2] =	sst s0  }
0x18: {  	s0 =	sld [smem:$0x3F95];
	_ =	swait.ge [sflag:s4], $0x0  }
0x19: {  	s7 =	sld [smem:$0x3F96]  }
0x1a: {  	s8 =	sadd.s32 $0xFFFFE003, lr  }
0x1b: {  	s9 =	sadd.s32 $0xFFFFFEF7, lr;
	s5 =	simm.s32 $0xFFFFFFFF;
	p2 =	slt.u32 s8, $0xFFFFF086  }
0x1c: {  	p1 =	slt.u32 s9, $0xF7A;
	s5 =	simm.s32 @!p2 $0x0  }
0x1d: {  	s5 =	simm.s32 @p1 $0x1;
	p0 =	seq.s32 s7, s2  }
0x1e: {  	s7 =	smul.u32 @!p0 $0xF7A, s2;
	p2 =	seq.s32 @!p0 s5, $0x0  }
0x1f: {  	s9 =	smul.u32 $0xF7A, s1;
	s8 =	simm.s32 @!p0 $0x1BF5;
	p2 =	por !p2, p0  }
0x20: {  	[sflag:s8] =	ssyncset.s32 @!p0 $0xFFFFF086;
	s6 =	sadd.s32 @!p0 s3, s7;
	s7 =	simm.s32 @!p0 $0x108  }
0x21: {  	s3 =	sadd.s32 s3, s9;
	s6 =	sadd.s32 @!p0 $0x88, s6;
	s7 =	simm.s32 @p2 $0x1082  }
0x22: {  	[simem:s7], [sflag:s8] =	dma.local @!p0 [hbm:s6], $0xF7A  }
0x23: {  	s9 =	sor.u32 $0xD0000000, s2;
	s6 =	simm.s32 $0x108;
	_ =	swait.ge @!p0 [sflag:s8], $0x0  }
0x24: {  	s3 =	sadd.s32 $0x88, s3;
	s6 =	simm.s32 @!p1 $0x1082;
	[sflag:s4] =	ssyncset.s32 $0xFFFFF086  }
0x25: {  	[simem:s6], [sflag:s4] =	dma.local [hbm:s3], $0xF7A  }
0x26: {  	[smem:$0x3F96] =	sst s1;
	(tag) =	ssettag s2;
	_ =	strace s9  }
0x27: {  	s1 =	sld [smem:$0x3FA6]  }
0x28: {  	s2 =	sld [smem:$0x3FA7]  }
0x29: {  	s4 =	sld [smem:$0x3FA9]  }
0x2a: {  	p0 =	seq.s32 s5, $0x0;
	s5 =	sld [smem:$0x3FAA]  }
0x2b: {  	s6 =	sld [smem:$0x3FAB]  }
0x2c: {  	s7 =	sld [smem:$0x3FAC]  }
0x2d: {  	s3 =	simm.s32 $0x108;
	s8 =	sld [smem:$0x3FAD]  }
0x2e: {  	s3 =	simm.s32 @!p0 $0x1082;
	s9 =	sld [smem:$0x3FAE]  }
0x2f: {  	lr =	sadd.s32 s0, s3;
	s0 =	sld [smem:$0x3FA5]  }
0x30: {  	s3 =	sld [smem:$0x3FA8]  }
0x31: {  	[smem:$0x3FB1] =	sst s10  }
0x32: {  	s10 =	sld [smem:$0x3FAF];
	_ =	sdelay $0x3  }
0x33: {  	p0 =	seq.s32 s10, $0x1;
	s10 =	sld [smem:$0x3FB1];
	_ =	sdelay $0x3  }
0x34: {  	[smem:$0x3FB1] =	sst s10  }
0x35: {  	s10 =	sld [smem:$0x3FB0];
	_ =	sdelay $0x3  }
0x36: {  	p1 =	seq.s32 s10, $0x1;
	s10 =	sld [smem:$0x3FB1];
	_ =	sdelay $0x3  }
0x37: {  	[smem:$0x3FB1] =	sst s10  }
0x38: {  	s10 =	sld [smem:$0x3FB2]  }
0x39: {  	_ = 	snop;
	(pc) =	sbr.ind lr, $3  }
0x3a: {  	_ = 	snop  }
0x3b: {  	_ = 	snop  }
0x3c: {  	p2 =	seq.s32 s10, $0x1;
	s10 =	sld [smem:$0x3FB1]  }
0x3d: {  	_ =	shalt  }
0x3e: {  	_ =	shalt  }
0x3f: {  	_ =	shalt  }
0x40: {  	_ =	shalt  }
0x41: {  	_ =	shalt  }
0x42: {  	_ =	shalt  }
0x43: {  	_ =	shalt  }
0x44: {  	_ =	shalt  }
0x45: {  	_ =	shalt  }
0x46: {  	_ =	shalt  }
0x47: {  	_ =	shalt  }
0x48: {  	_ =	shalt  }
0x49: {  	_ =	shalt  }
0x4a: {  	_ =	shalt  }
0x4b: {  	_ =	shalt  }
0x4c: {  	_ =	shalt  }
0x4d: {  	_ =	shalt  }
0x4e: {  	_ =	shalt  }
0x4f: {  	_ =	shalt  }
0x50: {  	_ =	shalt  }
0x51: {  	_ =	shalt  }
0x52: {  	_ =	shalt  }
0x53: {  	_ =	shalt  }
0x54: {  	_ =	shalt  }
0x55: {  	_ =	shalt  }
0x56: {  	_ =	shalt  }
0x57: {  	_ =	shalt  }
0x58: {  	_ =	shalt  }
0x59: {  	_ =	shalt  }
0x5a: {  	_ =	shalt  }
0x5b: {  	_ =	shalt  }
0x5c: {  	_ =	shalt  }
0x5d: {  	_ =	shalt  }
0x5e: {  	_ =	shalt  }
0x5f: {  	_ =	shalt  }
0x60: {  	_ =	shalt  }
0x61: {  	_ =	shalt  }
0x62: {  	_ =	shalt  }
0x63: {  	_ =	shalt  }
0x64: {  	_ =	shalt  }
0x65: {  	_ =	shalt  }
0x66: {  	_ =	shalt  }
0x67: {  	_ =	shalt  }
0x68: {  	_ =	shalt  }
0x69: {  	_ =	shalt  }
0x6a: {  	_ =	shalt  }
0x6b: {  	_ =	shalt  }
0x6c: {  	_ =	shalt  }
0x6d: {  	_ =	shalt  }
0x6e: {  	_ =	shalt  }
0x6f: {  	_ =	shalt  }
0x70: {  	_ =	shalt  }
0x71: {  	_ =	shalt  }
0x72: {  	_ =	shalt  }
0x73: {  	_ =	shalt  }
0x74: {  	_ =	shalt  }
0x75: {  	_ =	shalt  }
0x76: {  	_ =	shalt  }
0x77: {  	_ =	shalt  }
0x78: {  	_ =	shalt  }
0x79: {  	_ =	shalt  }
0x7a: {  	_ =	shalt  }
0x7b: {  	_ =	shalt  }
0x7c: {  	_ =	shalt  }
0x7d: {  	_ =	shalt  }
0x7e: {  	_ =	shalt  }
0x7f: {  	_ =	shalt  }
0x80: {  	_ =	shalt  }
0x81: {  	_ =	shalt  }
0x82: {  	_ =	shalt  }
0x83: {  	_ =	shalt  }
0x84: {  	_ =	shalt  }
0x85: {  	_ =	shalt  }
0x86: {  	_ =	shalt  }
0x87: {  	_ =	shalt  }
.Lfunc_end0:
.L_simem_size_0:
called_computation.1_lowered:
.L_overlay_start_0:
0x88: {  	s2 =	sld [smem:$0x3FD9]  }
0x89: {  	s3 =	sld [smem:$0x3FFE];
	_ =	sdelay $0x1  }
0x8a: {  	s1 =	srdreg.scid  }
0x8b: {  	s0 =	sand.u32 $0x1, s1  }
0x8c: {  	s16 =	sshll.u32 s0, $0xA;
	s2 =	sadd.s32 s3, s2  }
0x8d: {  	s2 =	sadd.s32 s2, s16  }
0x8e: {  	[smem:$0x3FBD] =	sst s2  }
0x8f: {  	_ = 	snop  }
0x90: {  	(tm) =	ssettm $0x1  }
0x91: {  	s17 =	sld [smem:$0x3FFB];
	_ =	sdelay $0x3  }
0x92: {  	_ =	strace s17  }
0x93: {  	s2 =	sld [smem:$0x3FFC];
	_ =	sdelay $0x3  }
0x94: {  	_ =	strace s2  }
0x95: {  	s2 =	sld [smem:$0x3FFD];
	_ =	sdelay $0x3  }
0x96: {  	_ =	strace s2  }
0x97: {  	_ =	strace $0x8FFFFFFF  }
0x98: {  	s18 =	sld [smem:$0x3FDB];
	_ =	sdelay $0x1  }
0x99: {  	s19 =	simm.s32 $_scs_section_size  }
0x9a: {  	s4 =	simm.s32 $_size__tile_overlayer_lowered;
	s5 =	simm.s32 $_tile_overlayer_lowered  }
0x9b: {  	s22 =	simm.s32 $0x1BFF;
	s21 =	sshll.u32 s5, $0x1;
	s2 =	sadd.s32 s19, s18  }
0x9c: {  	s6 =	simm.s32 $0x0;
	s20 =	sshll.u32 s4, $0x1;
	s4 =	sadd.s32 s21, s2  }
0x9d: {  	[timem:s6], [sflag:s22] =	dma.local [hbm:s4], s20  }
0x9e: {  	_ =	swait.ge [sflag:s22], s20  }
0x9f: {  	s3 =	ssub.s32 $0x0, s20;
	[sflag:s22] =	ssyncset.done $0x0  }
0xa0: {  	[sflag:s22] =	ssyncadd.s32 s3;
	_ =	sdelay $0x1  }
0xa1: {  	s23 =	simm.s32 $0x1B8B  }
0xa2: {  	_ =	swait.ge [sflag:s23], $0x1  }
0xa3: {  	[sflag:s23] =	ssyncset.done $0x0  }
0xa4: {  	s25 =	simm.s32 $0x1B8E;
	s24 =	sld [smem:$0x3FFE];
	[sflag:s23] =	ssyncadd.s32 $0xFFFFFFFF  }
0xa5: {  	s26 =	simm.s32 $execute0_lowered;
	[smem:$0x3FD2] =	sst s25  }
0xa6: {  	s4 =	sshll.u32 s26, $0x1;
	_ =	strace $0x80000049;
	[dreg:$0x1] =	wrdreg $0xFFFFFFFF  }
0xa7: {  	s28 =	simm.s32 $_size_execute0_lowered;
	s2 =	sadd.s32 s2, s4;
	[dreg:$0x0] =	wrdreg $0x0  }
0xa8: {  	s4 =	sshll.u32 s28, $0x1;
	[dreg:$0x2] =	wrdreg s2  }
0xa9: {  	[dreg:$0x3] =	wrdreg s4  }
0xaa: {  	[dreg:$0x4] =	wrdreg $0xC0  }
0xab: {  	_ =	task [dreg:s6], $0x5FFFF  }
0xac: {  	[dreg:$0x1] =	wrdreg $0xFFFFFFFF  }
0xad: {  	[dreg:$0x0] =	wrdreg $0x60  }
0xae: {  	[dreg:$0x2] =	wrdreg s24  }
0xaf: {  	[dreg:$0x3] =	wrdreg $0xB7800  }
0xb0: {  	[dreg:$0x4] =	wrdreg $0x9  }
0xb1: {  	_ =	task.clear_ibuf [dreg:s6], $0x5FFFF;
	_ =	strace $0x90000049  }
0xb2: {  	s29 =	simm.s32 $0x9;
	_ =	strace $0x8000004B  }
0xb3: {  	_ =	swait.ge [sflag:s29], $0x1  }
0xb4: {  	[sflag:s29] =	ssyncadd.s32 $0xFFFFFFFF  }
0xb5: {  	_ =	strace $0x9000004B  }
0xb6: {  	_ =	sfence  }
0xb7: {  	s30 =	sld [smem:$0x0];
	_ =	sdelay $0x2  }
0xb8: {  	s31 =	sshll.u32 s1, $0xD;
	s1 =	sshrl.u32 s1, $0x2  }
0xb9: {  	s3 =	sand.u32 $0x4000, s31;
	s1 =	sadd.s32 s1, s30  }
0xba: {  	s0 =	sor.u32 s3, s0;
	s1 =	sshll.u32 s1, $0x11  }
0xbb: {  	s0 =	sor.u32 s1, s0  }
0xbc: {  	s0 =	sadd.s32 $0x8F2B, s0  }
0xbd: {  	[sflag:s0] =	ssyncadd.remote.s32 $0x1  }
0xbe: {  	_ =	sfence.sel $0xFFFF  }
0xbf: {  	[dreg:$0x0] =	wrdreg $0xFFFFFFFF;
	(pc) =	sbr.abs _section_cstart, $3  }
0xc0: {  	[dreg:$0x1] =	wrdreg $0xFFFFFFFF  }
0xc1: {  	_ =	task.clear_ibuf [dreg:s6], $0x2FFFF;
	_ =	strace $0x9FFFFFFF  }
0xc2: {  	(tm) =	ssettm $0x7FFFFFFF  }
0xc3: {  	_ =	shalt  }
tec
execute0_lowered:
.L_overlay_start_1:
0x0: {  	(tag) =	ssettag $0x1  }
0x1: {  	s1 =	rddreg [dreg:$0x0]  }
0x2: {  	s0 =	srdreg.scid;
	s2 =	rddreg [dreg:$0x1]  }
0x3: {  	s19 =	stileid.u32;
	s3 =	simm.s32 $0x0;
	s22 =	simm.s32 $0x50  }
0x4: {  	s23 =	simm.s32 $0x8F80;
	s24 =	simm.s32 $0x1;
	s29 =	simm.s32 $0x26C0  }
0x5: {  	s30 =	simm.s32 $0x6580;
	s31 =	simm.s32 $0x0;
	s7 =	smul.u32 $0x50000, s19  }
0x6: {  	s0 =	sand.u32 $0x1, s0;
	[smem:$0x7FF] =	sst s3;
	s26 =	smul.u32 $0x2800, s19  }
0x7: {  	s20 =	sadd.s32 $0x133800, s2;
	p0 =	seq.s32 s19, $0xF;
	s21 =	sadd.s32 $0x136000, s2  }
0x8: {  	s4 =	sshll.u32 s0, $0x4;
	_ =	strace $0x8000004A;
	s9 =	smul.u32 $0x27100, s0  }
0x9: {  	s25 =	ssub.s32 $0x2, s0;
	s0 =	smul.u32 $0x138800, s0;
	s5 =	sor.u32 s19, s4  }
0xa: {  	s4 =	sadd.s32 $0x30600, s1;
	s10 =	sshrl.u32 s25, $0x1;
	s7 =	sshrl.u32 s7, $0x2  }
0xb: {  	s19 =	simm.s32 $0x3;
	s6 =	smul.u32 $0x4E2, s5;
	s5 =	sshll.u32 s5, $0xB  }
0xc: {  	s11 =	ssub.s32 s25, s10;
	s0 =	sshrl.u32 s0, $0x3;
	s7 =	sadd.s32 s7, s2  }
0xd: {  	s28 =	sadd.s32 s26, s9;
	s9 =	sadd.s32 $0x12C000, s2;
	s25 =	simm.s32 $0x2  }
0xe: {  	s8 =	sadd.s32 s5, s1;
	s11 =	smax.u32 s11, $0x1;
	s12 =	sadd.s32 $0x2800, s7  }
0xf: {  	s13 =	sadd.s32 $0x5000, s7;
	s14 =	sadd.s32 $0x7800, s7;
	s15 =	sadd.s32 $0xA000, s7  }
0x10: {  	s16 =	sadd.s32 $0xC800, s7;
	s17 =	sadd.s32 $0xF000, s7;
	s18 =	sadd.s32 $0x11800, s7  }
0x11: {  	s6 =	sadd.s32 s6, s1;
	s1 =	sadd.s32 $0x57800, s1;
	s14 =	smov.u32 @p0 s9  }
0x12: {  	s17 =	smov.u32 @p0 s20;
	s18 =	smov.u32 @p0 s21;
	s5 =	sadd.s32 $0xC800, s6  }
0x13: {  	s6 =	sadd.s32 $0x20600, s8;
	s0 =	sadd.s32 s1, s0;
	s8 =	sadd.s32 s1, s28  }
0x14: {  	s1 =	sadd.s32 $0x131000, s2;
	s10 =	sadd.s32 $0x25800, s0;
	s0 =	sadd.s32 $0x12E800, s2  }
0x15: {  	v0 =	vimm.f32 $0.0e+00;
	s21 =	simm.s32 $0x6780;
	s16 =	smov.u32 @p0 s1;
	s15 =	smov.u32 @p0 s0  }
.LBB2_1:
0x16: {  	[tilespmem:s3], [sflag:$0x3] =	stream.linear.gather [hbm4b:s5+s3], $0x2710, $0x38;
	[tilespmem:$0x1F000] =	vst v63  }
0x17: {  	_ =	swait.ge [sflag:s19], $0x2710  }
0x18: {  	[sflag:s19] =	ssyncset.done $0x0  }
0x19: {  	s0 =	simm.s32 $0x2780;
	[sflag:s19] =	ssyncadd.s32 $0xFFFFD8F0  }
0x1a: {  	[tilespmem:s0], [sflag:$0x3] =	stream.linear.gather [hbm4b:s6+s3], $0x3E80, $0x38;
	[tilespmem:$0x1F000] =	vst v63  }
0x1b: {  	_ =	swait.ge [sflag:s19], $0x3E80  }
0x1c: {  	[sflag:s19] =	ssyncset.done $0x0  }
0x1d: {  	s1 =	simm.s32 $0x200;
	s0 =	simm.s32 $0x0;
	[sflag:s19] =	ssyncadd.s32 $0xFFFFC180  }
.LBB2_2:
0x1e: {  	p1 =	sne.s32 s1, $0x9E00;
	[tilespmem:s0+$0x67F0] =	vst v0  }
0x1f: {  	[tilespmem:s0+$0x6780] =	vst v0  }
0x20: {  	[tilespmem:s0+$0x6790] =	vst v0  }
.Ltmp0:
0x21: {  	[tilespmem:s0+$0x67A0] =	vst v0;
	(pc) =	sbr.rel @p1 .LBB2_2-.Ltmp0, $4  }
0x22: {  	[tilespmem:s0+$0x67B0] =	vst v0  }
0x23: {  	[tilespmem:s0+$0x67C0] =	vst v0  }
0x24: {  	[tilespmem:s0+$0x67D0] =	vst v0  }
0x25: {  	[tilespmem:s0+$0x67E0] =	vst v0;
	s0 =	sshra.s32 s1, $0x2;
	s1 =	sadd.s32 $0x200, s1  }
0x26: {  	[tilespmem:s0+$0x67F0] =	vst v0  }
0x27: {  	[tilespmem:s0+$0x6780] =	vst v0  }
0x28: {  	[tilespmem:s0+$0x6790] =	vst v0  }
0x29: {  	[tilespmem:s0+$0x67A0] =	vst v0  }
0x2a: {  	[tilespmem:s0+$0x67B0] =	vst v0  }
0x2b: {  	[tilespmem:s0+$0x67C0] =	vst v0  }
0x2c: {  	[tilespmem:s0+$0x67D0] =	vst v0  }
0x2d: {  	[tilespmem:s0+$0x67E0] =	vst v0;
	s0 =	simm.s32 @!p0 $0x6780;
	s1 =	simm.s32 @!p0 $0x3  }
0x2e: {  	[spmem:s7] =	stream.linear.scatter @!p0 [tilespmem:s0], [sflag:$0x3], $0x2800, $0x38;
	[tilespmem:$0x1F000] =	vst v63  }
0x2f: {  	_ =	swait.ge @!p0 [sflag:s1], $0x2800  }
0x30: {  	[sflag:s1] =	ssyncset.done @!p0 $0x0  }
0x31: {  	[sflag:s1] =	ssyncadd.s32 @!p0 $0xFFFFD800  }
0x32: {  	[spmem:s12] =	stream.linear.scatter @!p0 [tilespmem:s0], [sflag:$0x3], $0x2800, $0x38;
	[tilespmem:$0x1F000] =	vst v63  }
0x33: {  	_ =	swait.ge @!p0 [sflag:s1], $0x2800  }
0x34: {  	[sflag:s1] =	ssyncset.done @!p0 $0x0  }
0x35: {  	[sflag:s1] =	ssyncadd.s32 @!p0 $0xFFFFD800  }
0x36: {  	[spmem:s13] =	stream.linear.scatter @!p0 [tilespmem:s0], [sflag:$0x3], $0x2800, $0x38;
	[tilespmem:$0x1F000] =	vst v63  }
0x37: {  	_ =	swait.ge @!p0 [sflag:s1], $0x2800  }
0x38: {  	[sflag:s1] =	ssyncset.done @!p0 $0x0  }
0x39: {  	[sflag:s1] =	ssyncadd.s32 @!p0 $0xFFFFD800  }
0x3a: {  	[spmem:s14] =	stream.linear.scatter [tilespmem:s21], [sflag:$0x3], $0x2800, $0x38;
	[tilespmem:$0x1F000] =	vst v63  }
0x3b: {  	_ =	swait.ge [sflag:s19], $0x2800  }
0x3c: {  	[sflag:s19] =	ssyncset.done $0x0  }
0x3d: {  	[sflag:s19] =	ssyncadd.s32 $0xFFFFD800  }
0x3e: {  	[spmem:s15] =	stream.linear.scatter [tilespmem:s21], [sflag:$0x3], $0x2800, $0x38;
	[tilespmem:$0x1F000] =	vst v63  }
0x3f: {  	_ =	swait.ge [sflag:s19], $0x2800  }
0x40: {  	[sflag:s19] =	ssyncset.done $0x0  }
0x41: {  	[sflag:s19] =	ssyncadd.s32 $0xFFFFD800  }
0x42: {  	[spmem:s16] =	stream.linear.scatter [tilespmem:s21], [sflag:$0x3], $0x2800, $0x38;
	[tilespmem:$0x1F000] =	vst v63  }
0x43: {  	_ =	swait.ge [sflag:s19], $0x2800  }
0x44: {  	[sflag:s19] =	ssyncset.done $0x0  }
0x45: {  	[sflag:s19] =	ssyncadd.s32 $0xFFFFD800  }
0x46: {  	[spmem:s17] =	stream.linear.scatter [tilespmem:s21], [sflag:$0x3], $0x2800, $0x38;
	[tilespmem:$0x1F000] =	vst v63  }
0x47: {  	_ =	swait.ge [sflag:s19], $0x2800  }
0x48: {  	[sflag:s19] =	ssyncset.done $0x0  }
0x49: {  	[sflag:s19] =	ssyncadd.s32 $0xFFFFD800  }
0x4a: {  	[spmem:s18] =	stream.linear.scatter [tilespmem:s21], [sflag:$0x3], $0x2800, $0x38;
	[tilespmem:$0x1F000] =	vst v63  }
0x4b: {  	_ =	swait.ge [sflag:s19], $0x2800  }
0x4c: {  	[sflag:s19] =	ssyncset.done $0x0  }
0x4d: {  	s1 =	simm.s32 $0x0;
	[sflag:s19] =	ssyncadd.s32 $0xFFFFD800  }
0x4e: {  	[tilespmem:s21], [sflag:$0x1] =	stream.indirect.gather [hbm4b:s4+s22], $0x80, s1, s22, $0xb8;
	[tilespmem:$0x1F000] =	vst v63  }
0x4f: {  	_ = 	snop  }
0x50: {  	[tilespmem:s23], [sflag:$0x2] =	stream.indirect.gather [hbm4b:s4+s22], $0x80, s22, s22, $0xb8;
	[tilespmem:$0x1F000] =	vst v63  }
0x51: {  	[bflag:$0x0] =	sbarrier.arrive $0xFFFF  }
0x52: {  	_ =	swait.ge [sflag:s24], $0x2800  }
0x53: {  	[sflag:s24] =	ssyncset.done $0x0  }
0x54: {  	s20 =	simm.s32 $0x2780;
	[sflag:s24] =	ssyncadd.s32 $0xFFFFD800  }
0x55: {  	[spmem:s2] =	stream.indirect.scatter.add.f32 [tilespmem:s21], [sflag:$0x3], $0x80, s20, s22, $0xb8;
	[tilespmem:$0x1F000] =	vst v63  }
0x56: {  	_ =	swait.ge [sflag:s19], $0x2800  }
0x57: {  	[sflag:s19] =	ssyncset.done $0x0  }
0x58: {  	s26 =	simm.s32 $0xA0;
	[sflag:s19] =	ssyncadd.s32 $0xFFFFD800  }
0x59: {  	[tilespmem:s21], [sflag:$0x1] =	stream.indirect.gather [hbm4b:s4+s22], $0x80, s26, s22, $0xb8;
	[tilespmem:$0x1F000] =	vst v63  }
0x5a: {  	_ =	swait.ge [sflag:s25], $0x2800  }
0x5b: {  	[sflag:s25] =	ssyncset.done $0x0  }
0x5c: {  	s28 =	simm.s32 $0x2800;
	[sflag:s25] =	ssyncadd.s32 $0xFFFFD800  }
0x5d: {  	[spmem:s2] =	stream.indirect.scatter.add.f32 [tilespmem:s23], [sflag:$0x3], $0x80, s28, s22, $0xb8;
	[tilespmem:$0x1F000] =	vst v63  }
0x5e: {  	_ =	swait.ge [sflag:s19], $0x2800  }
0x5f: {  	s0 =	simm.s32 $0xF0;
	[sflag:s19] =	ssyncset.done $0x0  }
0x60: {  	s1 =	simm.s32 $0x400;
	s20 =	simm.s32 $0x190;
	[sflag:s19] =	ssyncadd.s32 $0xFFFFD800  }
.LBB2_4:
0x61: {  	[tilespmem:s23], [sflag:$0x2] =	stream.indirect.gather [hbm4b:s4+s22], $0x80, s0, s22, $0xb8;
	[tilespmem:$0x1F000] =	vst v63  }
0x62: {  	s26 =	smov.u32 s1;
	s0 =	smov.u32 s20  }
0x63: {  	p1 =	sne.s32 s1, $0xF000;
	s1 =	sadd.s32 $0x400, s1;
	_ =	swait.ge [sflag:s24], $0x2800  }
0x64: {  	s26 =	sshra.s32 s26, $0x2;
	[sflag:s24] =	ssyncset.done $0x0  }
0x65: {  	s28 =	sadd.s32 $0x2780, s26;
	[sflag:s24] =	ssyncadd.s32 $0xFFFFD800  }
0x66: {  	[spmem:s2] =	stream.indirect.scatter.add.f32 [tilespmem:s21], [sflag:$0x3], $0x80, s28, s22, $0xb8;
	[tilespmem:$0x1F000] =	vst v63  }
0x67: {  	_ =	swait.ge [sflag:s19], $0x2800  }
0x68: {  	[sflag:s19] =	ssyncset.done $0x0  }
0x69: {  	s28 =	sadd.s32 $0xFFFFFFB0, s20;
	[sflag:s19] =	ssyncadd.s32 $0xFFFFD800  }
0x6a: {  	[tilespmem:s21], [sflag:$0x1] =	stream.indirect.gather [hbm4b:s4+s22], $0x80, s28, s22, $0xb8;
	[tilespmem:$0x1F000] =	vst v63  }
0x6b: {  	_ =	swait.ge [sflag:s25], $0x2800  }
0x6c: {  	[sflag:s25] =	ssyncset.done $0x0  }
.Ltmp1:
0x6d: {  	s26 =	sadd.s32 $0x2800, s26;
	[sflag:s25] =	ssyncadd.s32 $0xFFFFD800;
	(pc) =	sbr.rel @p1 .LBB2_4-.Ltmp1, $4  }
0x6e: {  	[spmem:s2] =	stream.indirect.scatter.add.f32 [tilespmem:s23], [sflag:$0x3], $0x80, s26, s22, $0xb8;
	[tilespmem:$0x1F000] =	vst v63  }
0x6f: {  	_ =	swait.ge [sflag:s19], $0x2800  }
0x70: {  	[sflag:s19] =	ssyncset.done $0x0  }
0x71: {  	s20 =	sadd.s32 $0xA0, s20;
	[sflag:s19] =	ssyncadd.s32 $0xFFFFD800  }
0x72: {  	[tilespmem:s23], [sflag:$0x2] =	stream.indirect.gather [hbm4b:s4+s22], $0x80, s0, s22, $0xb8;
	[tilespmem:$0x1F000] =	vst v63  }
0x73: {  	_ =	swait.ge [sflag:s24], $0x2800  }
0x74: {  	[sflag:s24] =	ssyncset.done $0x0  }
0x75: {  	s26 =	simm.s32 $0x6480;
	[sflag:s24] =	ssyncadd.s32 $0xFFFFD800  }
0x76: {  	[spmem:s2] =	stream.indirect.scatter.add.f32 [tilespmem:s21], [sflag:$0x3], $0x80, s26, s22, $0xb8;
	[tilespmem:$0x1F000] =	vst v63  }
0x77: {  	_ =	swait.ge [sflag:s19], $0x2800  }
0x78: {  	[sflag:s19] =	ssyncset.done $0x0  }
0x79: {  	[sflag:s19] =	ssyncadd.s32 $0xFFFFD800  }
0x7a: {  	_ =	swait.ge [sflag:s25], $0x2800  }
0x7b: {  	[sflag:s25] =	ssyncset.done $0x0  }
0x7c: {  	s28 =	simm.s32 $0x6500;
	[sflag:s25] =	ssyncadd.s32 $0xFFFFD800  }
0x7d: {  	[spmem:s2] =	stream.indirect.scatter.add.f32 [tilespmem:s23], [sflag:$0x3], $0x80, s28, s22, $0xb8;
	[tilespmem:$0x1F000] =	vst v63  }
0x7e: {  	_ =	swait.ge [sflag:s19], $0x2800  }
0x7f: {  	[sflag:s19] =	ssyncset.done $0x0  }
0x80: {  	[sflag:s19] =	ssyncadd.s32 $0xFFFFD800  }
0x81: {  	[tilespmem:s21], [sflag:$0x1] =	stream.indirect.gather [hbm4b:s4+s22], $0x80, s29, s22, $0xb8;
	[tilespmem:$0x1F000] =	vst v63  }
0x82: {  	_ =	swait.ge [sflag:s24], $0x2800  }
0x83: {  	[sflag:s24] =	ssyncset.done $0x0  }
0x84: {  	[sflag:s24] =	ssyncadd.s32 $0xFFFFD800  }
0x85: {  	[spmem:s2] =	stream.indirect.scatter.add.f32 [tilespmem:s21], [sflag:$0x3], $0x80, s30, s22, $0xb8;
	[tilespmem:$0x1F000] =	vst v63  }
0x86: {  	_ =	swait.ge [sflag:s19], $0x2800  }
0x87: {  	[sflag:s19] =	ssyncset.done $0x0  }
0x88: {  	[sflag:s19] =	ssyncadd.s32 $0xFFFFD800  }
0x89: {  	s0 =	sshrl.u32 @p0 s9, $0x3;
	s1 =	simm.s32 @p0 $0x1FC3;
	[bflag:$0x0] =	sbarrier.arrive $0xFFFF  }
0x8a: {  	[hbm:s10], [sflag:s1] =	dma.local @p0 [spmem:s0], $0x1900  }
0x8b: {  	s0 =	simm.s32 @p0 $0x3  }
0x8c: {  	s31 =	sadd.s32 $0x1, s31;
	s1 =	stileid.u32;
	_ =	swait.ge @p0 [sflag:s0], $0x1900  }
0x8d: {  	p1 =	sne.s32 s31, s11;
	s1 =	sshll.u32 @!p0 s1, $0x6;
	[sflag:s0] =	ssyncset.done @p0 $0x0  }
0x8e: {  	[sflag:s0] =	ssyncadd.s32 @p0 $0xFFFFE700;
	s0 =	sor.u32 @!p0 $0x1C03, s1;
	s1 =	sshrl.u32 @!p0 s7, $0x3  }
0x8f: {  	[hbm:s8], [sflag:s0] =	dma.local @!p0 [spmem:s1], $0x2800  }
.Ltmp2:
0x90: {  	_ = 	snop;
	(pc) =	sbr.rel @p1 .LBB2_1-.Ltmp2, $4  }
0x91: {  	s0 =	simm.s32 @!p0 $0x3  }
0x92: {  	_ =	swait.ge @!p0 [sflag:s0], $0x2800  }
0x93: {  	[sflag:s0] =	ssyncset.done @!p0 $0x0  }
0x94: {  	[sflag:s0] =	ssyncadd.s32 @!p0 $0xFFFFD800  }
0x95: {  	_ =	sfence.sel $0x180000  }
0x96: {  	[bflag:$0x0] =	sbarrier.arrive $0xFFFF  }
0x97: {  	_ =	strace $0x9000004A  }
0x98: {  	s0 =	stileid.u32;
	[bflag:$0x2] =	sbarrier.arrive $0xFFFF  }
0x99: {  	p0 =	sne.s32 s0, $0x0;
	s0 =	rddreg [dreg:$0x2]  }
0x9a: {  	s0 =	sadd.s32 @!p0 $0x100000, s0  }
0x9b: {  	[sflag:s0] =	ssyncadd.tile.s32 @!p0 $0x1;
	_ =	shalt  }
.Lfunc_end2:
_tile_overlayer_lowered:
.L_overlay_start_2:
0x9c: {  	(tag) =	ssettag $0x2  }
0x9d: {  	s0 =	rddreg [dreg:$0x0];
	s2 =	stileid.u32  }
0x9e: {  	s1 =	rddreg [dreg:$0x1];
	p0 =	sne.s32 s2, $0x0  }
0x9f: {  	s3 =	rddreg [dreg:$0x2];
	[bflag:$0x3] =	sbarrier.arrive $0xFFFF;
	s2 =	simm.s32 @!p0 $0x1C03  }
0xa0: {  	[timem:s3], [sflag:s2] =	dma.local @!p0 [hbm:s0], s1  }
0xa1: {  	s0 =	simm.s32 @!p0 $0x3  }
0xa2: {  	_ =	swait.ge @!p0 [sflag:s0], s1  }
0xa3: {  	s1 =	ssub.s32 @!p0 $0x0, s1;
	[sflag:s0] =	ssyncset.done @!p0 $0x0  }
0xa4: {  	[sflag:s0] =	ssyncadd.s32 @!p0 s1  }
0xa5: {  	[bflag:$0x3] =	sbarrier.arrive $0xFFFF  }
0xa6: {  	_ =	shalt  }

</sc_bundles>
